<compile_context>
chip_gen: v7x
topology: tpu7x:2x2x1
jax: 0.10.2.dev20260603
libtpu: 0.0.44.dev20260713+nightly
codegen_flags: <defaults>
</compile_context>

<pallas_src>
import functools

import jax
import jax.numpy as jnp
from jax import lax
from jax.experimental import pallas as pl
from jax.experimental.pallas import tpu as pltpu
from jax.experimental.pallas import tpu_sc as plsc

N = 10000
E = 320000
D_IN = 128
D_H = 256

NSC = 2
NT = 16
K = 40
NB = 5
NPAD = 10240
RPT = NPAD // NT
EPT = E // (NSC * NT)


@functools.lru_cache(maxsize=None)
def _get_mesh():
    return plsc.VectorSubcoreMesh(core_axis_name="c", subcore_axis_name="s")


def _deg_body(ei_hbm, ood_hbm, oid_hbm, sidx, didx, od_l, id_l, rbuf,
              obuf, sh):
    c = lax.axis_index("c")
    s = lax.axis_index("s")
    w = c * NT + s
    pltpu.sync_copy(ei_hbm.at[pl.ds(w * EPT, EPT)], sidx)
    pltpu.sync_copy(ei_hbm.at[pl.ds(E + w * EPT, EPT)], didx)

    zeros = jnp.zeros((16,), jnp.float32)
    ones = jnp.ones((16,), jnp.float32)

    def zbody(i, carry):
        for u in range(5):
            od_l[pl.ds((5 * i + u) * 16, 16)] = zeros
            id_l[pl.ds((5 * i + u) * 16, 16)] = zeros
        return carry

    lax.fori_loop(0, NPAD // 80, zbody, 0)

    def hbody(i, carry):
        for u in range(5):
            o = (5 * i + u) * 16
            plsc.addupdate_scatter(od_l, [sidx[pl.ds(o, 16)]], ones)
            plsc.addupdate_scatter(id_l, [didx[pl.ds(o, 16)]], ones)
        return carry

    lax.fori_loop(0, EPT // 80, hbody, 0)

    pltpu.sync_copy(od_l, sh.at[s, 0])
    pltpu.sync_copy(id_l, sh.at[s, 1])
    plsc.subcore_barrier()

    for q, out_hbm in ((0, ood_hbm), (1, oid_hbm)):
        for w in range(NT):
            pltpu.sync_copy(sh.at[w, q, pl.ds(s * RPT, RPT)], rbuf.at[w])

        def rbody(i, carry):
            acc = rbuf[0, pl.ds(i * 16, 16)]
            for w in range(1, NT):
                acc += rbuf[w, pl.ds(i * 16, 16)]
            obuf[pl.ds(i * 16, 16)] = acc
            return carry

        lax.fori_loop(0, RPT // 16, rbody, 0)
        pltpu.sync_copy(obuf, out_hbm.at[c, pl.ds(s * RPT, RPT)])


@functools.lru_cache(maxsize=None)
def _get_deg_call():
    return pl.kernel(
        _deg_body,
        out_type=[jax.ShapeDtypeStruct((NSC, NPAD), jnp.float32),
                  jax.ShapeDtypeStruct((NSC, NPAD), jnp.float32)],
        mesh=_get_mesh(),
        compiler_params=pltpu.CompilerParams(needs_layout_passes=False),
        scratch_types=[
            pltpu.VMEM((EPT,), jnp.int32),
            pltpu.VMEM((EPT,), jnp.int32),
            pltpu.VMEM((NPAD,), jnp.float32),
            pltpu.VMEM((NPAD,), jnp.float32),
            pltpu.VMEM((NT, RPT), jnp.float32),
            pltpu.VMEM((RPT,), jnp.float32),
            pltpu.VMEM_SHARED((NT, 2, NPAD), jnp.float32),
        ],
    )


NCH = 10000 // K


def _mp_body(table_hbm, srcr_hbm, dstr_hbm, zeros_hbm, out_hbm,
             src_v, dst_v, bufs, sems, acc, *, rounds):
    c = lax.axis_index("c")
    s = lax.axis_index("s")
    pltpu.sync_copy(zeros_hbm, acc.at[pl.ds(s * RPT, RPT)])
    plsc.subcore_barrier()

    for r in range(rounds):
        pltpu.sync_copy(srcr_hbm.at[c, s, r], src_v)
        pltpu.sync_copy(dstr_hbm.at[c, s, r], dst_v)
        for t in range(NB):
            pltpu.async_copy(table_hbm.at[src_v.at[t]], bufs[t], sems[t])

        def body(j, carry):
            for t in range(NB):
                ch = NB * j + t
                pltpu.make_async_copy(
                    table_hbm.at[src_v.at[ch]], bufs[t], sems[t]).wait()
                pltpu.sync_copy(bufs[t], acc.at[dst_v.at[ch]], add=True)

                @pl.when(j < NCH // NB - 1)
                def _():
                    pltpu.async_copy(
                        table_hbm.at[src_v.at[ch + NB]], bufs[t], sems[t])

            return carry

        lax.fori_loop(0, NCH // NB, body, 0)

    plsc.subcore_barrier()
    sl = pl.ds(s * RPT, RPT)
    pltpu.sync_copy(acc.at[sl], out_hbm.at[c, sl])


@functools.lru_cache(maxsize=None)
def _get_mp_call(tn, rounds):
    return pl.kernel(
        functools.partial(_mp_body, rounds=rounds),
        out_type=jax.ShapeDtypeStruct((NSC, NPAD, 128), jnp.float32),
        mesh=_get_mesh(),
        compiler_params=pltpu.CompilerParams(use_tc_tiling_on_sc=False),
        scratch_types=[
            pltpu.VMEM((NCH, K), jnp.int32),
            pltpu.VMEM((NCH, K), jnp.int32),
            [pltpu.VMEM((K, 128), jnp.float32) for _ in range(NB)],
            [pltpu.SemaphoreType.DMA for _ in range(NB)],
            pltpu.VMEM_SHARED((NPAD, 128), jnp.float32),
        ],
        name=f"mp_{tn}",
    )


_BLK = 1280
_NBLK = NPAD // _BLK


def _rsqrt_clip(deg):
    return lax.rsqrt(jnp.maximum(deg, 1.0))


def _tc_scale_body(x_ref, od_ref, o_ref):
    od = od_ref[0] + od_ref[1]
    p = _rsqrt_clip(od)[:, None]
    o_ref[...] = x_ref[...] * p


def _tc_scale(x, od):
    return pl.pallas_call(
        _tc_scale_body,
        grid=(_NBLK,),
        in_specs=[
            pl.BlockSpec((_BLK, D_IN), lambda i: (i, 0)),
            pl.BlockSpec((NSC, _BLK), lambda i: (0, i)),
        ],
        out_specs=pl.BlockSpec((_BLK, D_IN), lambda i: (i, 0)),
        out_shape=jax.ShapeDtypeStruct((NPAD, D_IN), jnp.float32),
    )(x, od)


def _tc_layer1_body(acc_ref, od_ref, id_ref, w0_ref, b0_ref, o_ref):
    a = acc_ref[0] + acc_ref[1]
    m = jnp.dot(a, w0_ref[...], preferred_element_type=jnp.float32)
    q = _rsqrt_clip(id_ref[0] + id_ref[1])[:, None]
    h = jnp.maximum(q * m + b0_ref[...], 0.0)
    z = h * _rsqrt_clip(od_ref[0] + od_ref[1])[:, None]
    o_ref[0] = z[:, :128]
    o_ref[1] = z[:, 128:]


def _tc_layer1(acc1, od, idg, w0, b0):
    return pl.pallas_call(
        _tc_layer1_body,
        grid=(_NBLK,),
        in_specs=[
            pl.BlockSpec((NSC, _BLK, D_IN), lambda i: (0, i, 0)),
            pl.BlockSpec((NSC, _BLK), lambda i: (0, i)),
            pl.BlockSpec((NSC, _BLK), lambda i: (0, i)),
            pl.BlockSpec((D_IN, D_H), lambda i: (0, 0)),
            pl.BlockSpec((1, D_H), lambda i: (0, 0)),
        ],
        out_specs=pl.BlockSpec((NSC, _BLK, 128), lambda i: (0, i, 0)),
        out_shape=jax.ShapeDtypeStruct((NSC, NPAD, 128), jnp.float32),
    )(acc1, od, idg, w0, b0)


def _tc_head_body(acc_ref, id_ref, w1_ref, b1_ref, ap_ref, wl_ref,
                  bl_ref, o_ref, accum):
    j = pl.program_id(0)

    @pl.when(j == 0)
    def _():
        accum[...] = jnp.zeros_like(accum)

    m = jnp.dot(acc_ref[0], w1_ref[:128, :], preferred_element_type=jnp.float32)
    m += jnp.dot(acc_ref[1], w1_ref[128:, :], preferred_element_type=jnp.float32)
    q = _rsqrt_clip(id_ref[0] + id_ref[1])[:, None]
    h = jnp.maximum(q * m + b1_ref[...], 0.0)
    rows = jax.lax.broadcasted_iota(jnp.int32, (_BLK, 1), 0) + j * _BLK
    h = jnp.where(rows < N, h, 0.0)
    accum[...] += jnp.sum(h, axis=0, keepdims=True)

    @pl.when(j == _NBLK - 1)
    def _():
        g = accum[...] * (1.0 / N)
        g = jnp.where(g >= 0.0, g, ap_ref[0, 0] * g)
        v = jnp.dot(g, wl_ref[...], preferred_element_type=jnp.float32)
        o_ref[...] = 1.0 / (1.0 + jnp.exp(-(v + bl_ref[...])))


def _tc_head(acc2, idg, w1, b1, ap, wl, bl):
    return pl.pallas_call(
        _tc_head_body,
        grid=(_NBLK,),
        in_specs=[
            pl.BlockSpec((NSC, _BLK, 128), lambda i: (0, i, 0)),
            pl.BlockSpec((NSC, _BLK), lambda i: (0, i)),
            pl.BlockSpec((D_H, D_H), lambda i: (0, 0)),
            pl.BlockSpec((1, D_H), lambda i: (0, 0)),
            pl.BlockSpec((1, 1), lambda i: (0, 0)),
            pl.BlockSpec((D_H, 1), lambda i: (0, 0)),
            pl.BlockSpec((1, 1), lambda i: (0, 0)),
        ],
        out_specs=pl.BlockSpec((1, 1), lambda i: (0, 0)),
        out_shape=jax.ShapeDtypeStruct((1, 1), jnp.float32),
        scratch_shapes=[pltpu.VMEM((1, D_H), jnp.float32)],
    )(acc2, idg, w1, b1, ap, wl, bl)


@jax.jit
def kernel(x, edge_index, W0, b0, W1, b1, a_prelu, Wl, bl):
    src = edge_index[0]
    dst = edge_index[1]

    ei_flat = edge_index.reshape(NSC * E)
    od, idg = _get_deg_call()(ei_flat)

    srcr1 = src.reshape(NSC, NT, 1, NCH, K)
    dstr1 = dst.reshape(NSC, NT, 1, NCH, K)
    sb = src.reshape(NT, 2, NCH, K)
    db = dst.reshape(NT, 2, NCH, K)
    srcr2 = jnp.stack([sb, sb + NPAD])
    dstr2 = jnp.stack([db, db])
    zeros128 = jnp.zeros((RPT, 128), jnp.float32)

    xs = _tc_scale(x, od)
    acc1 = _get_mp_call("l1", 1)(xs, srcr1, dstr1, zeros128)
    z = _tc_layer1(acc1, od, idg, W0, b0.reshape(1, D_H))
    acc2 = _get_mp_call("l2", 2)(z.reshape(NSC * NPAD, 128), srcr2, dstr2,
                                 zeros128)
    out = _tc_head(acc2, idg, W1, b1.reshape(1, D_H),
                   a_prelu.reshape(1, 1), Wl, bl.reshape(1, 1))
    return out

# --- scband reference (transcript-rebuilt; emitter-appended) ---
"""Pipeline reference for scband-discrimator-4612794876145 (READ-ONLY COPY).

The authoritative reference and input builder live on the scoring server;
editing this copy changes nothing except your own understanding.
"""

import jax, jax.numpy as jnp
import numpy as np

N = 10000
E = 320000
D_IN = 128
D_H = 256


def setup_inputs(seed: int = 0) -> dict:
    key = jax.random.key(seed)
    ks = jax.random.split(key, 10)
    x = jax.random.normal(ks[0], (N, D_IN), dtype=jnp.float32)
    edge_index = jax.random.randint(ks[1], (2, E), 0, N, dtype=jnp.int32)
    W0 = jax.random.normal(ks[2], (D_IN, D_H), dtype=jnp.float32) * (1.0 / np.sqrt(D_IN))
    b0 = jnp.zeros((D_H,), dtype=jnp.float32)
    W1 = jax.random.normal(ks[3], (D_H, D_H), dtype=jnp.float32) * (1.0 / np.sqrt(D_H))
    b1 = jnp.zeros((D_H,), dtype=jnp.float32)
    a_prelu = jnp.asarray(0.25, dtype=jnp.float32)
    Wl = jax.random.normal(ks[4], (D_H, 1), dtype=jnp.float32) * (1.0 / np.sqrt(D_H))
    bl = jnp.zeros((1,), dtype=jnp.float32)
    return {"x": x, "edge_index": edge_index, "W0": W0, "b0": b0, "W1": W1, "b1": b1, "a_prelu": a_prelu, "Wl": Wl, "bl": bl}


def _gcn_layer(h, src, dst, coef, W, b):
    # message: gather source features, scale by symmetric norm, scatter-add to dst
    m = h[src] * coef[:, None]
    agg = jax.ops.segment_sum(m, dst, num_segments=N)
    return agg @ W + b


def reference(x, edge_index, W0, b0, W1, b1, a_prelu, Wl, bl):
    src = edge_index[0]
    dst = edge_index[1]
    ones = jnp.ones((E,), dtype=jnp.float32)
    out_deg = jnp.clip(jax.ops.segment_sum(ones, src, num_segments=N), 1.0, None)
    in_deg = jnp.clip(jax.ops.segment_sum(ones, dst, num_segments=N), 1.0, None)
    coef = (1.0 / jnp.sqrt(out_deg))[src] * (1.0 / jnp.sqrt(in_deg))[dst]
    # 2-layer GCN encoder (DGL GraphConv norm='both'), relu activation (encoding mode)
    h = jax.nn.relu(_gcn_layer(x, src, dst, coef, W0, b0))
    h = jax.nn.relu(_gcn_layer(h, src, dst, coef, W1, b1))
    # dgl.mean_nodes over the single graph -> [1, D_H]
    g = jnp.mean(h, axis=0, keepdims=True)
    # PReLU
    g = jnp.where(g >= 0, g, a_prelu * g)
    out = g @ Wl + bl
    return jax.nn.sigmoid(out)

if __name__ == "__main__":
    import jax
    _d = setup_inputs()
    print(jax.jit(kernel)(*tuple(_d.values())))

</pallas_src>

<mosaic_0001>
#map = affine_map<(d0, d1) -> (0)>
#map1 = affine_map<(d0, d1) -> (0, 0)>
module attributes {stable_mosaic.version = 14 : i64} {
  func.func @_deg_body(%arg0: i32, %arg1: i32, %arg2: memref<640000xi32, #tpu.memory_space<hbm>>, %arg3: memref<2x10240xf32, #tpu.memory_space<hbm>>, %arg4: memref<2x10240xf32, #tpu.memory_space<hbm>>, %arg5: memref<10000xi32, #tpu.memory_space<vmem>>, %arg6: memref<10000xi32, #tpu.memory_space<vmem>>, %arg7: memref<10240xf32, #tpu.memory_space<vmem>>, %arg8: memref<10240xf32, #tpu.memory_space<vmem>>, %arg9: memref<16x640xf32, #tpu.memory_space<vmem>>, %arg10: memref<640xf32, #tpu.memory_space<vmem>>, %arg11: memref<16x2x10240xf32, #tpu.memory_space<vmem_shared>>) attributes {dimension_semantics = [#tpu.dimension_semantics<core_parallel>, #tpu.dimension_semantics<subcore_parallel>], iteration_bounds = array<i64: 2, 16>, scalar_prefetch = 0 : i64, scratch_operands = 7 : i64, tpu.core_type = #tpu.core_type<sc_vector_subcore>, window_params = [{transform_indices = #map}, {transform_indices = #map1}, {transform_indices = #map1}]} {
    %mul3A = arith.constant 16 : i32
    %mul3A_0 = arith.muli %arg0, %mul3A : i32
    %add3A = arith.addi %mul3A_0, %arg1 : i32
    %mul3A_1 = arith.constant 10000 : i32
    %mul3A_2 = arith.muli %add3A, %mul3A_1 : i32
    "tpu.region"() ({
      %run_scoped3A_198 = tpu.sem_alloc : memref<!tpu.dma_semaphore, #tpu.memory_space<semaphore_mem>>
      %dma_start3A = tpu.memref_slice %arg2[%mul3A_2] : memref<640000xi32, #tpu.memory_space<hbm>> -> memref<10000xi32, #tpu.memory_space<hbm>>
      %dma_start3A_199 = tpu.memref_slice %arg2[%mul3A_2] : memref<640000xi32, #tpu.memory_space<hbm>> -> memref<10000xi32, #tpu.memory_space<hbm>>
      tpu.enqueue_dma source(%dma_start3A_199 : memref<10000xi32, #tpu.memory_space<hbm>>) target(%arg5 : memref<10000xi32, #tpu.memory_space<vmem>>) target_semaphore(%run_scoped3A_198 : memref<!tpu.dma_semaphore, #tpu.memory_space<semaphore_mem>>)
      %dma_wait3A = tpu.memref_slice %arg2[%mul3A_2] : memref<640000xi32, #tpu.memory_space<hbm>> -> memref<10000xi32, #tpu.memory_space<hbm>>
      %dma_wait3A_200 = tpu.memref_slice %arg2[%mul3A_2] : memref<640000xi32, #tpu.memory_space<hbm>> -> memref<10000xi32, #tpu.memory_space<hbm>>
      tpu.wait_dma2 semaphore(%run_scoped3A_198 : memref<!tpu.dma_semaphore, #tpu.memory_space<semaphore_mem>>) src(%dma_wait3A_200 : memref<10000xi32, #tpu.memory_space<hbm>>) dst(%arg5 : memref<10000xi32, #tpu.memory_space<vmem>>)
      tpu.yield
    }) : () -> ()
    %mul3A_3 = arith.constant 10000 : i32
    %mul3A_4 = arith.muli %add3A, %mul3A_3 : i32
    %add3A_5 = arith.constant 320000 : i32
    %add3A_6 = arith.addi %add3A_5, %mul3A_4 : i32
    "tpu.region"() ({
      %run_scoped3A_198 = tpu.sem_alloc : memref<!tpu.dma_semaphore, #tpu.memory_space<semaphore_mem>>
      %dma_start3A = tpu.memref_slice %arg2[%add3A_6] : memref<640000xi32, #tpu.memory_space<hbm>> -> memref<10000xi32, #tpu.memory_space<hbm>>
      %dma_start3A_199 = tpu.memref_slice %arg2[%add3A_6] : memref<640000xi32, #tpu.memory_space<hbm>> -> memref<10000xi32, #tpu.memory_space<hbm>>
      tpu.enqueue_dma source(%dma_start3A_199 : memref<10000xi32, #tpu.memory_space<hbm>>) target(%arg6 : memref<10000xi32, #tpu.memory_space<vmem>>) target_semaphore(%run_scoped3A_198 : memref<!tpu.dma_semaphore, #tpu.memory_space<semaphore_mem>>)
      %dma_wait3A = tpu.memref_slice %arg2[%add3A_6] : memref<640000xi32, #tpu.memory_space<hbm>> -> memref<10000xi32, #tpu.memory_space<hbm>>
      %dma_wait3A_200 = tpu.memref_slice %arg2[%add3A_6] : memref<640000xi32, #tpu.memory_space<hbm>> -> memref<10000xi32, #tpu.memory_space<hbm>>
      tpu.wait_dma2 semaphore(%run_scoped3A_198 : memref<!tpu.dma_semaphore, #tpu.memory_space<semaphore_mem>>) src(%dma_wait3A_200 : memref<10000xi32, #tpu.memory_space<hbm>>) dst(%arg6 : memref<10000xi32, #tpu.memory_space<vmem>>)
      tpu.yield
    }) : () -> ()
    %broadcast_in_dim3A = arith.constant 0.000000e+00 : f32
    %broadcast_in_dim3A_7 = vector.broadcast %broadcast_in_dim3A : f32 to vector<16xf32>
    %broadcast_in_dim3A_8 = arith.constant 1.000000e+00 : f32
    %broadcast_in_dim3A_9 = vector.broadcast %broadcast_in_dim3A_8 : f32 to vector<16xf32>
    %scan3A = arith.constant 0 : i32
    %scan3A_10 = arith.constant 0 : i32
    %scan3A_11 = arith.constant 128 : i32
    %scan3A_12 = arith.addi %scan3A_10, %scan3A_11 : i32
    %scan3A_13 = arith.constant 1 : i32
    scf.for %scan3A_198 = %scan3A_10 to %scan3A_12 step %scan3A_13  : i32 {
      %mul3A_199 = arith.constant 5 : i32
      %mul3A_200 = arith.muli %mul3A_199, %scan3A_198 : i32
      %add3A_201 = arith.constant 0 : i32
      %add3A_202 = arith.addi %mul3A_200, %add3A_201 : i32
      %mul3A_203 = arith.constant 16 : i32
      %mul3A_204 = arith.muli %add3A_202, %mul3A_203 : i32
      %swap3A = arith.index_cast %mul3A_204 : i32 to index
      %swap3A_205 = tpu.vector_load %arg7[%swap3A] {strides = array<i32>} : memref<10240xf32, #tpu.memory_space<vmem>>, vector<16xf32>,
      tpu.vector_store %arg7[%swap3A], %broadcast_in_dim3A_7 {strides = array<i32>} : memref<10240xf32, #tpu.memory_space<vmem>>, vector<16xf32>,
      %mul3A_206 = arith.constant 5 : i32
      %mul3A_207 = arith.muli %mul3A_206, %scan3A_198 : i32
      %add3A_208 = arith.constant 0 : i32
      %add3A_209 = arith.addi %mul3A_207, %add3A_208 : i32
      %mul3A_210 = arith.constant 16 : i32
      %mul3A_211 = arith.muli %add3A_209, %mul3A_210 : i32
      %swap3A_212 = arith.index_cast %mul3A_211 : i32 to index
      %swap3A_213 = tpu.vector_load %arg8[%swap3A_212] {strides = array<i32>} : memref<10240xf32, #tpu.memory_space<vmem>>, vector<16xf32>,
      tpu.vector_store %arg8[%swap3A_212], %broadcast_in_dim3A_7 {strides = array<i32>} : memref<10240xf32, #tpu.memory_space<vmem>>, vector<16xf32>,
      %mul3A_214 = arith.constant 5 : i32
      %mul3A_215 = arith.muli %mul3A_214, %scan3A_198 : i32
      %add3A_216 = arith.constant 1 : i32
      %add3A_217 = arith.addi %mul3A_215, %add3A_216 : i32
      %mul3A_218 = arith.constant 16 : i32
      %mul3A_219 = arith.muli %add3A_217, %mul3A_218 : i32
      %swap3A_220 = arith.index_cast %mul3A_219 : i32 to index
      %swap3A_221 = tpu.vector_load %arg7[%swap3A_220] {strides = array<i32>} : memref<10240xf32, #tpu.memory_space<vmem>>, vector<16xf32>,
      tpu.vector_store %arg7[%swap3A_220], %broadcast_in_dim3A_7 {strides = array<i32>} : memref<10240xf32, #tpu.memory_space<vmem>>, vector<16xf32>,
      %mul3A_222 = arith.constant 5 : i32
      %mul3A_223 = arith.muli %mul3A_222, %scan3A_198 : i32
      %add3A_224 = arith.constant 1 : i32
      %add3A_225 = arith.addi %mul3A_223, %add3A_224 : i32
      %mul3A_226 = arith.constant 16 : i32
      %mul3A_227 = arith.muli %add3A_225, %mul3A_226 : i32
      %swap3A_228 = arith.index_cast %mul3A_227 : i32 to index
      %swap3A_229 = tpu.vector_load %arg8[%swap3A_228] {strides = array<i32>} : memref<10240xf32, #tpu.memory_space<vmem>>, vector<16xf32>,
      tpu.vector_store %arg8[%swap3A_228], %broadcast_in_dim3A_7 {strides = array<i32>} : memref<10240xf32, #tpu.memory_space<vmem>>, vector<16xf32>,
      %mul3A_230 = arith.constant 5 : i32
      %mul3A_231 = arith.muli %mul3A_230, %scan3A_198 : i32
      %add3A_232 = arith.constant 2 : i32
      %add3A_233 = arith.addi %mul3A_231, %add3A_232 : i32
      %mul3A_234 = arith.constant 16 : i32
      %mul3A_235 = arith.muli %add3A_233, %mul3A_234 : i32
      %swap3A_236 = arith.index_cast %mul3A_235 : i32 to index
      %swap3A_237 = tpu.vector_load %arg7[%swap3A_236] {strides = array<i32>} : memref<10240xf32, #tpu.memory_space<vmem>>, vector<16xf32>,
      tpu.vector_store %arg7[%swap3A_236], %broadcast_in_dim3A_7 {strides = array<i32>} : memref<10240xf32, #tpu.memory_space<vmem>>, vector<16xf32>,
      %mul3A_238 = arith.constant 5 : i32
      %mul3A_239 = arith.muli %mul3A_238, %scan3A_198 : i32
      %add3A_240 = arith.constant 2 : i32
      %add3A_241 = arith.addi %mul3A_239, %add3A_240 : i32
      %mul3A_242 = arith.constant 16 : i32
      %mul3A_243 = arith.muli %add3A_241, %mul3A_242 : i32
      %swap3A_244 = arith.index_cast %mul3A_243 : i32 to index
      %swap3A_245 = tpu.vector_load %arg8[%swap3A_244] {strides = array<i32>} : memref<10240xf32, #tpu.memory_space<vmem>>, vector<16xf32>,
      tpu.vector_store %arg8[%swap3A_244], %broadcast_in_dim3A_7 {strides = array<i32>} : memref<10240xf32, #tpu.memory_space<vmem>>, vector<16xf32>,
      %mul3A_246 = arith.constant 5 : i32
      %mul3A_247 = arith.muli %mul3A_246, %scan3A_198 : i32
      %add3A_248 = arith.constant 3 : i32
      %add3A_249 = arith.addi %mul3A_247, %add3A_248 : i32
      %mul3A_250 = arith.constant 16 : i32
      %mul3A_251 = arith.muli %add3A_249, %mul3A_250 : i32
      %swap3A_252 = arith.index_cast %mul3A_251 : i32 to index
      %swap3A_253 = tpu.vector_load %arg7[%swap3A_252] {strides = array<i32>} : memref<10240xf32, #tpu.memory_space<vmem>>, vector<16xf32>,
      tpu.vector_store %arg7[%swap3A_252], %broadcast_in_dim3A_7 {strides = array<i32>} : memref<10240xf32, #tpu.memory_space<vmem>>, vector<16xf32>,
      %mul3A_254 = arith.constant 5 : i32
      %mul3A_255 = arith.muli %mul3A_254, %scan3A_198 : i32
      %add3A_256 = arith.constant 3 : i32
      %add3A_257 = arith.addi %mul3A_255, %add3A_256 : i32
      %mul3A_258 = arith.constant 16 : i32
      %mul3A_259 = arith.muli %add3A_257, %mul3A_258 : i32
      %swap3A_260 = arith.index_cast %mul3A_259 : i32 to index
      %swap3A_261 = tpu.vector_load %arg8[%swap3A_260] {strides = array<i32>} : memref<10240xf32, #tpu.memory_space<vmem>>, vector<16xf32>,
      tpu.vector_store %arg8[%swap3A_260], %broadcast_in_dim3A_7 {strides = array<i32>} : memref<10240xf32, #tpu.memory_space<vmem>>, vector<16xf32>,
      %mul3A_262 = arith.constant 5 : i32
      %mul3A_263 = arith.muli %mul3A_262, %scan3A_198 : i32
      %add3A_264 = arith.constant 4 : i32
      %add3A_265 = arith.addi %mul3A_263, %add3A_264 : i32
      %mul3A_266 = arith.constant 16 : i32
      %mul3A_267 = arith.muli %add3A_265, %mul3A_266 : i32
      %swap3A_268 = arith.index_cast %mul3A_267 : i32 to index
      %swap3A_269 = tpu.vector_load %arg7[%swap3A_268] {strides = array<i32>} : memref<10240xf32, #tpu.memory_space<vmem>>, vector<16xf32>,
      tpu.vector_store %arg7[%swap3A_268], %broadcast_in_dim3A_7 {strides = array<i32>} : memref<10240xf32, #tpu.memory_space<vmem>>, vector<16xf32>,
      %mul3A_270 = arith.constant 5 : i32
      %mul3A_271 = arith.muli %mul3A_270, %scan3A_198 : i32
      %add3A_272 = arith.constant 4 : i32
      %add3A_273 = arith.addi %mul3A_271, %add3A_272 : i32
      %mul3A_274 = arith.constant 16 : i32
      %mul3A_275 = arith.muli %add3A_273, %mul3A_274 : i32
      %swap3A_276 = arith.index_cast %mul3A_275 : i32 to index
      %swap3A_277 = tpu.vector_load %arg8[%swap3A_276] {strides = array<i32>} : memref<10240xf32, #tpu.memory_space<vmem>>, vector<16xf32>,
      tpu.vector_store %arg8[%swap3A_276], %broadcast_in_dim3A_7 {strides = array<i32>} : memref<10240xf32, #tpu.memory_space<vmem>>, vector<16xf32>,
    }
    %scan3A_14 = arith.constant 128 : i32
    %scan3A_15 = arith.constant 0 : i32
    %scan3A_16 = arith.constant 0 : i32
    %scan3A_17 = arith.constant 125 : i32
    %scan3A_18 = arith.addi %scan3A_16, %scan3A_17 : i32
    %scan3A_19 = arith.constant 1 : i32
    scf.for %scan3A_198 = %scan3A_16 to %scan3A_18 step %scan3A_19  : i32 {
      %mul3A_199 = arith.constant 5 : i32
      %mul3A_200 = arith.muli %mul3A_199, %scan3A_198 : i32
      %add3A_201 = arith.constant 0 : i32
      %add3A_202 = arith.addi %mul3A_200, %add3A_201 : i32
      %mul3A_203 = arith.constant 16 : i32
      %mul3A_204 = arith.muli %add3A_202, %mul3A_203 : i32
      %get3A = arith.index_cast %mul3A_204 : i32 to index
      %get3A_205 = tpu.vector_load %arg5[%get3A] {strides = array<i32>} : memref<10000xi32, #tpu.memory_space<vmem>>, vector<16xi32>,
      tpu.vector_store_idx %arg7[%get3A_205], %broadcast_in_dim3A_9 {add = true} : memref<10240xf32, #tpu.memory_space<vmem>>[vector<16xi32>], vector<16xf32>,
      %get3A_206 = arith.index_cast %mul3A_204 : i32 to index
      %get3A_207 = tpu.vector_load %arg6[%get3A_206] {strides = array<i32>} : memref<10000xi32, #tpu.memory_space<vmem>>, vector<16xi32>,
      tpu.vector_store_idx %arg8[%get3A_207], %broadcast_in_dim3A_9 {add = true} : memref<10240xf32, #tpu.memory_space<vmem>>[vector<16xi32>], vector<16xf32>,
      %mul3A_208 = arith.constant 5 : i32
      %mul3A_209 = arith.muli %mul3A_208, %scan3A_198 : i32
      %add3A_210 = arith.constant 1 : i32
      %add3A_211 = arith.addi %mul3A_209, %add3A_210 : i32
      %mul3A_212 = arith.constant 16 : i32
      %mul3A_213 = arith.muli %add3A_211, %mul3A_212 : i32
      %get3A_214 = arith.index_cast %mul3A_213 : i32 to index
      %get3A_215 = tpu.vector_load %arg5[%get3A_214] {strides = array<i32>} : memref<10000xi32, #tpu.memory_space<vmem>>, vector<16xi32>,
      tpu.vector_store_idx %arg7[%get3A_215], %broadcast_in_dim3A_9 {add = true} : memref<10240xf32, #tpu.memory_space<vmem>>[vector<16xi32>], vector<16xf32>,
      %get3A_216 = arith.index_cast %mul3A_213 : i32 to index
      %get3A_217 = tpu.vector_load %arg6[%get3A_216] {strides = array<i32>} : memref<10000xi32, #tpu.memory_space<vmem>>, vector<16xi32>,
      tpu.vector_store_idx %arg8[%get3A_217], %broadcast_in_dim3A_9 {add = true} : memref<10240xf32, #tpu.memory_space<vmem>>[vector<16xi32>], vector<16xf32>,
      %mul3A_218 = arith.constant 5 : i32
      %mul3A_219 = arith.muli %mul3A_218, %scan3A_198 : i32
      %add3A_220 = arith.constant 2 : i32
      %add3A_221 = arith.addi %mul3A_219, %add3A_220 : i32
      %mul3A_222 = arith.constant 16 : i32
      %mul3A_223 = arith.muli %add3A_221, %mul3A_222 : i32
      %get3A_224 = arith.index_cast %mul3A_223 : i32 to index
      %get3A_225 = tpu.vector_load %arg5[%get3A_224] {strides = array<i32>} : memref<10000xi32, #tpu.memory_space<vmem>>, vector<16xi32>,
      tpu.vector_store_idx %arg7[%get3A_225], %broadcast_in_dim3A_9 {add = true} : memref<10240xf32, #tpu.memory_space<vmem>>[vector<16xi32>], vector<16xf32>,
      %get3A_226 = arith.index_cast %mul3A_223 : i32 to index
      %get3A_227 = tpu.vector_load %arg6[%get3A_226] {strides = array<i32>} : memref<10000xi32, #tpu.memory_space<vmem>>, vector<16xi32>,
      tpu.vector_store_idx %arg8[%get3A_227], %broadcast_in_dim3A_9 {add = true} : memref<10240xf32, #tpu.memory_space<vmem>>[vector<16xi32>], vector<16xf32>,
      %mul3A_228 = arith.constant 5 : i32
      %mul3A_229 = arith.muli %mul3A_228, %scan3A_198 : i32
      %add3A_230 = arith.constant 3 : i32
      %add3A_231 = arith.addi %mul3A_229, %add3A_230 : i32
      %mul3A_232 = arith.constant 16 : i32
      %mul3A_233 = arith.muli %add3A_231, %mul3A_232 : i32
      %get3A_234 = arith.index_cast %mul3A_233 : i32 to index
      %get3A_235 = tpu.vector_load %arg5[%get3A_234] {strides = array<i32>} : memref<10000xi32, #tpu.memory_space<vmem>>, vector<16xi32>,
      tpu.vector_store_idx %arg7[%get3A_235], %broadcast_in_dim3A_9 {add = true} : memref<10240xf32, #tpu.memory_space<vmem>>[vector<16xi32>], vector<16xf32>,
      %get3A_236 = arith.index_cast %mul3A_233 : i32 to index
      %get3A_237 = tpu.vector_load %arg6[%get3A_236] {strides = array<i32>} : memref<10000xi32, #tpu.memory_space<vmem>>, vector<16xi32>,
      tpu.vector_store_idx %arg8[%get3A_237], %broadcast_in_dim3A_9 {add = true} : memref<10240xf32, #tpu.memory_space<vmem>>[vector<16xi32>], vector<16xf32>,
      %mul3A_238 = arith.constant 5 : i32
      %mul3A_239 = arith.muli %mul3A_238, %scan3A_198 : i32
      %add3A_240 = arith.constant 4 : i32
      %add3A_241 = arith.addi %mul3A_239, %add3A_240 : i32
      %mul3A_242 = arith.constant 16 : i32
      %mul3A_243 = arith.muli %add3A_241, %mul3A_242 : i32
      %get3A_244 = arith.index_cast %mul3A_243 : i32 to index
      %get3A_245 = tpu.vector_load %arg5[%get3A_244] {strides = array<i32>} : memref<10000xi32, #tpu.memory_space<vmem>>, vector<16xi32>,
      tpu.vector_store_idx %arg7[%get3A_245], %broadcast_in_dim3A_9 {add = true} : memref<10240xf32, #tpu.memory_space<vmem>>[vector<16xi32>], vector<16xf32>,
      %get3A_246 = arith.index_cast %mul3A_243 : i32 to index
      %get3A_247 = tpu.vector_load %arg6[%get3A_246] {strides = array<i32>} : memref<10000xi32, #tpu.memory_space<vmem>>, vector<16xi32>,
      tpu.vector_store_idx %arg8[%get3A_247], %broadcast_in_dim3A_9 {add = true} : memref<10240xf32, #tpu.memory_space<vmem>>[vector<16xi32>], vector<16xf32>,
    }
    %scan3A_20 = arith.constant 125 : i32
    %run_scoped3A = arith.constant 0 : i32
    "tpu.region"() ({
      %run_scoped3A_198 = tpu.sem_alloc : memref<!tpu.dma_semaphore, #tpu.memory_space<semaphore_mem>>
      %dma_start3A = arith.constant 0 : i32
      %dma_start3A_199 = tpu.memref_slice %arg11[%arg1, %run_scoped3A, %dma_start3A] : memref<16x2x10240xf32, #tpu.memory_space<vmem_shared>> -> memref<1x1x10240xf32, #tpu.memory_space<vmem_shared>>
      %dma_start3A_200 = tpu.memref_squeeze %dma_start3A_199 : memref<1x1x10240xf32, #tpu.memory_space<vmem_shared>> -> memref<10240xf32, #tpu.memory_space<vmem_shared>>
      %dma_start3A_201 = arith.constant 0 : i32
      %dma_start3A_202 = tpu.memref_slice %arg11[%arg1, %run_scoped3A, %dma_start3A_201] : memref<16x2x10240xf32, #tpu.memory_space<vmem_shared>> -> memref<1x1x10240xf32, #tpu.memory_space<vmem_shared>>
      %dma_start3A_203 = tpu.memref_squeeze %dma_start3A_202 : memref<1x1x10240xf32, #tpu.memory_space<vmem_shared>> -> memref<10240xf32, #tpu.memory_space<vmem_shared>>
      tpu.enqueue_dma source(%arg7 : memref<10240xf32, #tpu.memory_space<vmem>>) target(%dma_start3A_203 : memref<10240xf32, #tpu.memory_space<vmem_shared>>) target_semaphore(%run_scoped3A_198 : memref<!tpu.dma_semaphore, #tpu.memory_space<semaphore_mem>>)
      %dma_wait3A = arith.constant 0 : i32
      %dma_wait3A_204 = tpu.memref_slice %arg11[%arg1, %run_scoped3A, %dma_wait3A] : memref<16x2x10240xf32, #tpu.memory_space<vmem_shared>> -> memref<1x1x10240xf32, #tpu.memory_space<vmem_shared>>
      %dma_wait3A_205 = tpu.memref_squeeze %dma_wait3A_204 : memref<1x1x10240xf32, #tpu.memory_space<vmem_shared>> -> memref<10240xf32, #tpu.memory_space<vmem_shared>>
      %dma_wait3A_206 = arith.constant 0 : i32
      %dma_wait3A_207 = tpu.memref_slice %arg11[%arg1, %run_scoped3A, %dma_wait3A_206] : memref<16x2x10240xf32, #tpu.memory_space<vmem_shared>> -> memref<1x1x10240xf32, #tpu.memory_space<vmem_shared>>
      %dma_wait3A_208 = tpu.memref_squeeze %dma_wait3A_207 : memref<1x1x10240xf32, #tpu.memory_space<vmem_shared>> -> memref<10240xf32, #tpu.memory_space<vmem_shared>>
      tpu.wait_dma2 semaphore(%run_scoped3A_198 : memref<!tpu.dma_semaphore, #tpu.memory_space<semaphore_mem>>) src(%arg7 : memref<10240xf32, #tpu.memory_space<vmem>>) dst(%dma_wait3A_208 : memref<10240xf32, #tpu.memory_space<vmem_shared>>)
      tpu.yield
    }) : () -> ()
    %run_scoped3A_21 = arith.constant 1 : i32
    "tpu.region"() ({
      %run_scoped3A_198 = tpu.sem_alloc : memref<!tpu.dma_semaphore, #tpu.memory_space<semaphore_mem>>
      %dma_start3A = arith.constant 0 : i32
      %dma_start3A_199 = tpu.memref_slice %arg11[%arg1, %run_scoped3A_21, %dma_start3A] : memref<16x2x10240xf32, #tpu.memory_space<vmem_shared>> -> memref<1x1x10240xf32, #tpu.memory_space<vmem_shared>>
      %dma_start3A_200 = tpu.memref_squeeze %dma_start3A_199 : memref<1x1x10240xf32, #tpu.memory_space<vmem_shared>> -> memref<10240xf32, #tpu.memory_space<vmem_shared>>
      %dma_start3A_201 = arith.constant 0 : i32
      %dma_start3A_202 = tpu.memref_slice %arg11[%arg1, %run_scoped3A_21, %dma_start3A_201] : memref<16x2x10240xf32, #tpu.memory_space<vmem_shared>> -> memref<1x1x10240xf32, #tpu.memory_space<vmem_shared>>
      %dma_start3A_203 = tpu.memref_squeeze %dma_start3A_202 : memref<1x1x10240xf32, #tpu.memory_space<vmem_shared>> -> memref<10240xf32, #tpu.memory_space<vmem_shared>>
      tpu.enqueue_dma source(%arg8 : memref<10240xf32, #tpu.memory_space<vmem>>) target(%dma_start3A_203 : memref<10240xf32, #tpu.memory_space<vmem_shared>>) target_semaphore(%run_scoped3A_198 : memref<!tpu.dma_semaphore, #tpu.memory_space<semaphore_mem>>)
      %dma_wait3A = arith.constant 0 : i32
      %dma_wait3A_204 = tpu.memref_slice %arg11[%arg1, %run_scoped3A_21, %dma_wait3A] : memref<16x2x10240xf32, #tpu.memory_space<vmem_shared>> -> memref<1x1x10240xf32, #tpu.memory_space<vmem_shared>>
      %dma_wait3A_205 = tpu.memref_squeeze %dma_wait3A_204 : memref<1x1x10240xf32, #tpu.memory_space<vmem_shared>> -> memref<10240xf32, #tpu.memory_space<vmem_shared>>
      %dma_wait3A_206 = arith.constant 0 : i32
      %dma_wait3A_207 = tpu.memref_slice %arg11[%arg1, %run_scoped3A_21, %dma_wait3A_206] : memref<16x2x10240xf32, #tpu.memory_space<vmem_shared>> -> memref<1x1x10240xf32, #tpu.memory_space<vmem_shared>>
      %dma_wait3A_208 = tpu.memref_squeeze %dma_wait3A_207 : memref<1x1x10240xf32, #tpu.memory_space<vmem_shared>> -> memref<10240xf32, #tpu.memory_space<vmem_shared>>
      tpu.wait_dma2 semaphore(%run_scoped3A_198 : memref<!tpu.dma_semaphore, #tpu.memory_space<semaphore_mem>>) src(%arg8 : memref<10240xf32, #tpu.memory_space<vmem>>) dst(%dma_wait3A_208 : memref<10240xf32, #tpu.memory_space<vmem_shared>>)
      tpu.yield
    }) : () -> ()
    %barrier3A = arith.constant 0 : index
    tpu.barrier barrier_id(%barrier3A)
    %mul3A_22 = arith.constant 640 : i32
    %mul3A_23 = arith.muli %arg1, %mul3A_22 : i32
    %run_scoped3A_24 = arith.constant 0 : i32
    %run_scoped3A_25 = arith.constant 0 : i32
    %run_scoped3A_26 = arith.constant 0 : i32
    "tpu.region"() ({
      %run_scoped3A_198 = tpu.sem_alloc : memref<!tpu.dma_semaphore, #tpu.memory_space<semaphore_mem>>
      %dma_start3A = arith.constant 0 : i32
      %dma_start3A_199 = tpu.memref_slice %arg9[%run_scoped3A_26, %dma_start3A] : memref<16x640xf32, #tpu.memory_space<vmem>> -> memref<1x640xf32, #tpu.memory_space<vmem>>
      %dma_start3A_200 = tpu.memref_squeeze %dma_start3A_199 : memref<1x640xf32, #tpu.memory_space<vmem>> -> memref<640xf32, #tpu.memory_space<vmem>>
      %dma_start3A_201 = tpu.memref_slice %arg11[%run_scoped3A_24, %run_scoped3A_25, %mul3A_23] : memref<16x2x10240xf32, #tpu.memory_space<vmem_shared>> -> memref<1x1x640xf32, #tpu.memory_space<vmem_shared>>
      %dma_start3A_202 = tpu.memref_squeeze %dma_start3A_201 : memref<1x1x640xf32, #tpu.memory_space<vmem_shared>> -> memref<640xf32, #tpu.memory_space<vmem_shared>>
      %dma_start3A_203 = arith.constant 0 : i32
      %dma_start3A_204 = tpu.memref_slice %arg9[%run_scoped3A_26, %dma_start3A_203] : memref<16x640xf32, #tpu.memory_space<vmem>> -> memref<1x640xf32, #tpu.memory_space<vmem>>
      %dma_start3A_205 = tpu.memref_squeeze %dma_start3A_204 : memref<1x640xf32, #tpu.memory_space<vmem>> -> memref<640xf32, #tpu.memory_space<vmem>>
      %dma_start3A_206 = tpu.memref_slice %arg11[%run_scoped3A_24, %run_scoped3A_25, %mul3A_23] : memref<16x2x10240xf32, #tpu.memory_space<vmem_shared>> -> memref<1x1x640xf32, #tpu.memory_space<vmem_shared>>
      %dma_start3A_207 = tpu.memref_squeeze %dma_start3A_206 : memref<1x1x640xf32, #tpu.memory_space<vmem_shared>> -> memref<640xf32, #tpu.memory_space<vmem_shared>>
      tpu.enqueue_dma source(%dma_start3A_207 : memref<640xf32, #tpu.memory_space<vmem_shared>>) target(%dma_start3A_205 : memref<640xf32, #tpu.memory_space<vmem>>) target_semaphore(%run_scoped3A_198 : memref<!tpu.dma_semaphore, #tpu.memory_space<semaphore_mem>>)
      %dma_wait3A = arith.constant 0 : i32
      %dma_wait3A_208 = tpu.memref_slice %arg9[%run_scoped3A_26, %dma_wait3A] : memref<16x640xf32, #tpu.memory_space<vmem>> -> memref<1x640xf32, #tpu.memory_space<vmem>>
      %dma_wait3A_209 = tpu.memref_squeeze %dma_wait3A_208 : memref<1x640xf32, #tpu.memory_space<vmem>> -> memref<640xf32, #tpu.memory_space<vmem>>
      %dma_wait3A_210 = tpu.memref_slice %arg11[%run_scoped3A_24, %run_scoped3A_25, %mul3A_23] : memref<16x2x10240xf32, #tpu.memory_space<vmem_shared>> -> memref<1x1x640xf32, #tpu.memory_space<vmem_shared>>
      %dma_wait3A_211 = tpu.memref_squeeze %dma_wait3A_210 : memref<1x1x640xf32, #tpu.memory_space<vmem_shared>> -> memref<640xf32, #tpu.memory_space<vmem_shared>>
      %dma_wait3A_212 = arith.constant 0 : i32
      %dma_wait3A_213 = tpu.memref_slice %arg9[%run_scoped3A_26, %dma_wait3A_212] : memref<16x640xf32, #tpu.memory_space<vmem>> -> memref<1x640xf32, #tpu.memory_space<vmem>>
      %dma_wait3A_214 = tpu.memref_squeeze %dma_wait3A_213 : memref<1x640xf32, #tpu.memory_space<vmem>> -> memref<640xf32, #tpu.memory_space<vmem>>
      %dma_wait3A_215 = tpu.memref_slice %arg11[%run_scoped3A_24, %run_scoped3A_25, %mul3A_23] : memref<16x2x10240xf32, #tpu.memory_space<vmem_shared>> -> memref<1x1x640xf32, #tpu.memory_space<vmem_shared>>
      %dma_wait3A_216 = tpu.memref_squeeze %dma_wait3A_215 : memref<1x1x640xf32, #tpu.memory_space<vmem_shared>> -> memref<640xf32, #tpu.memory_space<vmem_shared>>
      tpu.wait_dma2 semaphore(%run_scoped3A_198 : memref<!tpu.dma_semaphore, #tpu.memory_space<semaphore_mem>>) src(%dma_wait3A_216 : memref<640xf32, #tpu.memory_space<vmem_shared>>) dst(%dma_wait3A_214 : memref<640xf32, #tpu.memory_space<vmem>>)
      tpu.yield
    }) : () -> ()
    %mul3A_27 = arith.constant 640 : i32
    %mul3A_28 = arith.muli %arg1, %mul3A_27 : i32
    %run_scoped3A_29 = arith.constant 1 : i32
    %run_scoped3A_30 = arith.constant 0 : i32
    %run_scoped3A_31 = arith.constant 1 : i32
    "tpu.region"() ({
      %run_scoped3A_198 = tpu.sem_alloc : memref<!tpu.dma_semaphore, #tpu.memory_space<semaphore_mem>>
      %dma_start3A = arith.constant 0 : i32
      %dma_start3A_199 = tpu.memref_slice %arg9[%run_scoped3A_31, %dma_start3A] : memref<16x640xf32, #tpu.memory_space<vmem>> -> memref<1x640xf32, #tpu.memory_space<vmem>>
      %dma_start3A_200 = tpu.memref_squeeze %dma_start3A_199 : memref<1x640xf32, #tpu.memory_space<vmem>> -> memref<640xf32, #tpu.memory_space<vmem>>
      %dma_start3A_201 = tpu.memref_slice %arg11[%run_scoped3A_29, %run_scoped3A_30, %mul3A_28] : memref<16x2x10240xf32, #tpu.memory_space<vmem_shared>> -> memref<1x1x640xf32, #tpu.memory_space<vmem_shared>>
      %dma_start3A_202 = tpu.memref_squeeze %dma_start3A_201 : memref<1x1x640xf32, #tpu.memory_space<vmem_shared>> -> memref<640xf32, #tpu.memory_space<vmem_shared>>
      %dma_start3A_203 = arith.constant 0 : i32
      %dma_start3A_204 = tpu.memref_slice %arg9[%run_scoped3A_31, %dma_start3A_203] : memref<16x640xf32, #tpu.memory_space<vmem>> -> memref<1x640xf32, #tpu.memory_space<vmem>>
      %dma_start3A_205 = tpu.memref_squeeze %dma_start3A_204 : memref<1x640xf32, #tpu.memory_space<vmem>> -> memref<640xf32, #tpu.memory_space<vmem>>
      %dma_start3A_206 = tpu.memref_slice %arg11[%run_scoped3A_29, %run_scoped3A_30, %mul3A_28] : memref<16x2x10240xf32, #tpu.memory_space<vmem_shared>> -> memref<1x1x640xf32, #tpu.memory_space<vmem_shared>>
      %dma_start3A_207 = tpu.memref_squeeze %dma_start3A_206 : memref<1x1x640xf32, #tpu.memory_space<vmem_shared>> -> memref<640xf32, #tpu.memory_space<vmem_shared>>
      tpu.enqueue_dma source(%dma_start3A_207 : memref<640xf32, #tpu.memory_space<vmem_shared>>) target(%dma_start3A_205 : memref<640xf32, #tpu.memory_space<vmem>>) target_semaphore(%run_scoped3A_198 : memref<!tpu.dma_semaphore, #tpu.memory_space<semaphore_mem>>)
      %dma_wait3A = arith.constant 0 : i32
      %dma_wait3A_208 = tpu.memref_slice %arg9[%run_scoped3A_31, %dma_wait3A] : memref<16x640xf32, #tpu.memory_space<vmem>> -> memref<1x640xf32, #tpu.memory_space<vmem>>
      %dma_wait3A_209 = tpu.memref_squeeze %dma_wait3A_208 : memref<1x640xf32, #tpu.memory_space<vmem>> -> memref<640xf32, #tpu.memory_space<vmem>>
      %dma_wait3A_210 = tpu.memref_slice %arg11[%run_scoped3A_29, %run_scoped3A_30, %mul3A_28] : memref<16x2x10240xf32, #tpu.memory_space<vmem_shared>> -> memref<1x1x640xf32, #tpu.memory_space<vmem_shared>>
      %dma_wait3A_211 = tpu.memref_squeeze %dma_wait3A_210 : memref<1x1x640xf32, #tpu.memory_space<vmem_shared>> -> memref<640xf32, #tpu.memory_space<vmem_shared>>
      %dma_wait3A_212 = arith.constant 0 : i32
      %dma_wait3A_213 = tpu.memref_slice %arg9[%run_scoped3A_31, %dma_wait3A_212] : memref<16x640xf32, #tpu.memory_space<vmem>> -> memref<1x640xf32, #tpu.memory_space<vmem>>
      %dma_wait3A_214 = tpu.memref_squeeze %dma_wait3A_213 : memref<1x640xf32, #tpu.memory_space<vmem>> -> memref<640xf32, #tpu.memory_space<vmem>>
      %dma_wait3A_215 = tpu.memref_slice %arg11[%run_scoped3A_29, %run_scoped3A_30, %mul3A_28] : memref<16x2x10240xf32, #tpu.memory_space<vmem_shared>> -> memref<1x1x640xf32, #tpu.memory_space<vmem_shared>>
      %dma_wait3A_216 = tpu.memref_squeeze %dma_wait3A_215 : memref<1x1x640xf32, #tpu.memory_space<vmem_shared>> -> memref<640xf32, #tpu.memory_space<vmem_shared>>
      tpu.wait_dma2 semaphore(%run_scoped3A_198 : memref<!tpu.dma_semaphore, #tpu.memory_space<semaphore_mem>>) src(%dma_wait3A_216 : memref<640xf32, #tpu.memory_space<vmem_shared>>) dst(%dma_wait3A_214 : memref<640xf32, #tpu.memory_space<vmem>>)
      tpu.yield
    }) : () -> ()
    %mul3A_32 = arith.constant 640 : i32
    %mul3A_33 = arith.muli %arg1, %mul3A_32 : i32
    %run_scoped3A_34 = arith.constant 2 : i32
    %run_scoped3A_35 = arith.constant 0 : i32
    %run_scoped3A_36 = arith.constant 2 : i32
    "tpu.region"() ({
      %run_scoped3A_198 = tpu.sem_alloc : memref<!tpu.dma_semaphore, #tpu.memory_space<semaphore_mem>>
      %dma_start3A = arith.constant 0 : i32
      %dma_start3A_199 = tpu.memref_slice %arg9[%run_scoped3A_36, %dma_start3A] : memref<16x640xf32, #tpu.memory_space<vmem>> -> memref<1x640xf32, #tpu.memory_space<vmem>>
      %dma_start3A_200 = tpu.memref_squeeze %dma_start3A_199 : memref<1x640xf32, #tpu.memory_space<vmem>> -> memref<640xf32, #tpu.memory_space<vmem>>
      %dma_start3A_201 = tpu.memref_slice %arg11[%run_scoped3A_34, %run_scoped3A_35, %mul3A_33] : memref<16x2x10240xf32, #tpu.memory_space<vmem_shared>> -> memref<1x1x640xf32, #tpu.memory_space<vmem_shared>>
      %dma_start3A_202 = tpu.memref_squeeze %dma_start3A_201 : memref<1x1x640xf32, #tpu.memory_space<vmem_shared>> -> memref<640xf32, #tpu.memory_space<vmem_shared>>
      %dma_start3A_203 = arith.constant 0 : i32
      %dma_start3A_204 = tpu.memref_slice %arg9[%run_scoped3A_36, %dma_start3A_203] : memref<16x640xf32, #tpu.memory_space<vmem>> -> memref<1x640xf32, #tpu.memory_space<vmem>>
      %dma_start3A_205 = tpu.memref_squeeze %dma_start3A_204 : memref<1x640xf32, #tpu.memory_space<vmem>> -> memref<640xf32, #tpu.memory_space<vmem>>
      %dma_start3A_206 = tpu.memref_slice %arg11[%run_scoped3A_34, %run_scoped3A_35, %mul3A_33] : memref<16x2x10240xf32, #tpu.memory_space<vmem_shared>> -> memref<1x1x640xf32, #tpu.memory_space<vmem_shared>>
      %dma_start3A_207 = tpu.memref_squeeze %dma_start3A_206 : memref<1x1x640xf32, #tpu.memory_space<vmem_shared>> -> memref<640xf32, #tpu.memory_space<vmem_shared>>
      tpu.enqueue_dma source(%dma_start3A_207 : memref<640xf32, #tpu.memory_space<vmem_shared>>) target(%dma_start3A_205 : memref<640xf32, #tpu.memory_space<vmem>>) target_semaphore(%run_scoped3A_198 : memref<!tpu.dma_semaphore, #tpu.memory_space<semaphore_mem>>)
      %dma_wait3A = arith.constant 0 : i32
      %dma_wait3A_208 = tpu.memref_slice %arg9[%run_scoped3A_36, %dma_wait3A] : memref<16x640xf32, #tpu.memory_space<vmem>> -> memref<1x640xf32, #tpu.memory_space<vmem>>
      %dma_wait3A_209 = tpu.memref_squeeze %dma_wait3A_208 : memref<1x640xf32, #tpu.memory_space<vmem>> -> memref<640xf32, #tpu.memory_space<vmem>>
      %dma_wait3A_210 = tpu.memref_slice %arg11[%run_scoped3A_34, %run_scoped3A_35, %mul3A_33] : memref<16x2x10240xf32, #tpu.memory_space<vmem_shared>> -> memref<1x1x640xf32, #tpu.memory_space<vmem_shared>>
      %dma_wait3A_211 = tpu.memref_squeeze %dma_wait3A_210 : memref<1x1x640xf32, #tpu.memory_space<vmem_shared>> -> memref<640xf32, #tpu.memory_space<vmem_shared>>
      %dma_wait3A_212 = arith.constant 0 : i32
      %dma_wait3A_213 = tpu.memref_slice %arg9[%run_scoped3A_36, %dma_wait3A_212] : memref<16x640xf32, #tpu.memory_space<vmem>> -> memref<1x640xf32, #tpu.memory_space<vmem>>
      %dma_wait3A_214 = tpu.memref_squeeze %dma_wait3A_213 : memref<1x640xf32, #tpu.memory_space<vmem>> -> memref<640xf32, #tpu.memory_space<vmem>>
      %dma_wait3A_215 = tpu.memref_slice %arg11[%run_scoped3A_34, %run_scoped3A_35, %mul3A_33] : memref<16x2x10240xf32, #tpu.memory_space<vmem_shared>> -> memref<1x1x640xf32, #tpu.memory_space<vmem_shared>>
      %dma_wait3A_216 = tpu.memref_squeeze %dma_wait3A_215 : memref<1x1x640xf32, #tpu.memory_space<vmem_shared>> -> memref<640xf32, #tpu.memory_space<vmem_shared>>
      tpu.wait_dma2 semaphore(%run_scoped3A_198 : memref<!tpu.dma_semaphore, #tpu.memory_space<semaphore_mem>>) src(%dma_wait3A_216 : memref<640xf32, #tpu.memory_space<vmem_shared>>) dst(%dma_wait3A_214 : memref<640xf32, #tpu.memory_space<vmem>>)
      tpu.yield
    }) : () -> ()
    %mul3A_37 = arith.constant 640 : i32
    %mul3A_38 = arith.muli %arg1, %mul3A_37 : i32
    %run_scoped3A_39 = arith.constant 3 : i32
    %run_scoped3A_40 = arith.constant 0 : i32
    %run_scoped3A_41 = arith.constant 3 : i32
    "tpu.region"() ({
      %run_scoped3A_198 = tpu.sem_alloc : memref<!tpu.dma_semaphore, #tpu.memory_space<semaphore_mem>>
      %dma_start3A = arith.constant 0 : i32
      %dma_start3A_199 = tpu.memref_slice %arg9[%run_scoped3A_41, %dma_start3A] : memref<16x640xf32, #tpu.memory_space<vmem>> -> memref<1x640xf32, #tpu.memory_space<vmem>>
      %dma_start3A_200 = tpu.memref_squeeze %dma_start3A_199 : memref<1x640xf32, #tpu.memory_space<vmem>> -> memref<640xf32, #tpu.memory_space<vmem>>
      %dma_start3A_201 = tpu.memref_slice %arg11[%run_scoped3A_39, %run_scoped3A_40, %mul3A_38] : memref<16x2x10240xf32, #tpu.memory_space<vmem_shared>> -> memref<1x1x640xf32, #tpu.memory_space<vmem_shared>>
      %dma_start3A_202 = tpu.memref_squeeze %dma_start3A_201 : memref<1x1x640xf32, #tpu.memory_space<vmem_shared>> -> memref<640xf32, #tpu.memory_space<vmem_shared>>
      %dma_start3A_203 = arith.constant 0 : i32
      %dma_start3A_204 = tpu.memref_slice %arg9[%run_scoped3A_41, %dma_start3A_203] : memref<16x640xf32, #tpu.memory_space<vmem>> -> memref<1x640xf32, #tpu.memory_space<vmem>>
      %dma_start3A_205 = tpu.memref_squeeze %dma_start3A_204 : memref<1x640xf32, #tpu.memory_space<vmem>> -> memref<640xf32, #tpu.memory_space<vmem>>
      %dma_start3A_206 = tpu.memref_slice %arg11[%run_scoped3A_39, %run_scoped3A_40, %mul3A_38] : memref<16x2x10240xf32, #tpu.memory_space<vmem_shared>> -> memref<1x1x640xf32, #tpu.memory_space<vmem_shared>>
      %dma_start3A_207 = tpu.memref_squeeze %dma_start3A_206 : memref<1x1x640xf32, #tpu.memory_space<vmem_shared>> -> memref<640xf32, #tpu.memory_space<vmem_shared>>
      tpu.enqueue_dma source(%dma_start3A_207 : memref<640xf32, #tpu.memory_space<vmem_shared>>) target(%dma_start3A_205 : memref<640xf32, #tpu.memory_space<vmem>>) target_semaphore(%run_scoped3A_198 : memref<!tpu.dma_semaphore, #tpu.memory_space<semaphore_mem>>)
      %dma_wait3A = arith.constant 0 : i32
      %dma_wait3A_208 = tpu.memref_slice %arg9[%run_scoped3A_41, %dma_wait3A] : memref<16x640xf32, #tpu.memory_space<vmem>> -> memref<1x640xf32, #tpu.memory_space<vmem>>
      %dma_wait3A_209 = tpu.memref_squeeze %dma_wait3A_208 : memref<1x640xf32, #tpu.memory_space<vmem>> -> memref<640xf32, #tpu.memory_space<vmem>>
      %dma_wait3A_210 = tpu.memref_slice %arg11[%run_scoped3A_39, %run_scoped3A_40, %mul3A_38] : memref<16x2x10240xf32, #tpu.memory_space<vmem_shared>> -> memref<1x1x640xf32, #tpu.memory_space<vmem_shared>>
      %dma_wait3A_211 = tpu.memref_squeeze %dma_wait3A_210 : memref<1x1x640xf32, #tpu.memory_space<vmem_shared>> -> memref<640xf32, #tpu.memory_space<vmem_shared>>
      %dma_wait3A_212 = arith.constant 0 : i32
      %dma_wait3A_213 = tpu.memref_slice %arg9[%run_scoped3A_41, %dma_wait3A_212] : memref<16x640xf32, #tpu.memory_space<vmem>> -> memref<1x640xf32, #tpu.memory_space<vmem>>
      %dma_wait3A_214 = tpu.memref_squeeze %dma_wait3A_213 : memref<1x640xf32, #tpu.memory_space<vmem>> -> memref<640xf32, #tpu.memory_space<vmem>>
      %dma_wait3A_215 = tpu.memref_slice %arg11[%run_scoped3A_39, %run_scoped3A_40, %mul3A_38] : memref<16x2x10240xf32, #tpu.memory_space<vmem_shared>> -> memref<1x1x640xf32, #tpu.memory_space<vmem_shared>>
      %dma_wait3A_216 = tpu.memref_squeeze %dma_wait3A_215 : memref<1x1x640xf32, #tpu.memory_space<vmem_shared>> -> memref<640xf32, #tpu.memory_space<vmem_shared>>
      tpu.wait_dma2 semaphore(%run_scoped3A_198 : memref<!tpu.dma_semaphore, #tpu.memory_space<semaphore_mem>>) src(%dma_wait3A_216 : memref<640xf32, #tpu.memory_space<vmem_shared>>) dst(%dma_wait3A_214 : memref<640xf32, #tpu.memory_space<vmem>>)
      tpu.yield
    }) : () -> ()
    %mul3A_42 = arith.constant 640 : i32
    %mul3A_43 = arith.muli %arg1, %mul3A_42 : i32
    %run_scoped3A_44 = arith.constant 4 : i32
    %run_scoped3A_45 = arith.constant 0 : i32
    %run_scoped3A_46 = arith.constant 4 : i32
    "tpu.region"() ({
      %run_scoped3A_198 = tpu.sem_alloc : memref<!tpu.dma_semaphore, #tpu.memory_space<semaphore_mem>>
      %dma_start3A = arith.constant 0 : i32
      %dma_start3A_199 = tpu.memref_slice %arg9[%run_scoped3A_46, %dma_start3A] : memref<16x640xf32, #tpu.memory_space<vmem>> -> memref<1x640xf32, #tpu.memory_space<vmem>>
      %dma_start3A_200 = tpu.memref_squeeze %dma_start3A_199 : memref<1x640xf32, #tpu.memory_space<vmem>> -> memref<640xf32, #tpu.memory_space<vmem>>
      %dma_start3A_201 = tpu.memref_slice %arg11[%run_scoped3A_44, %run_scoped3A_45, %mul3A_43] : memref<16x2x10240xf32, #tpu.memory_space<vmem_shared>> -> memref<1x1x640xf32, #tpu.memory_space<vmem_shared>>
      %dma_start3A_202 = tpu.memref_squeeze %dma_start3A_201 : memref<1x1x640xf32, #tpu.memory_space<vmem_shared>> -> memref<640xf32, #tpu.memory_space<vmem_shared>>
      %dma_start3A_203 = arith.constant 0 : i32
      %dma_start3A_204 = tpu.memref_slice %arg9[%run_scoped3A_46, %dma_start3A_203] : memref<16x640xf32, #tpu.memory_space<vmem>> -> memref<1x640xf32, #tpu.memory_space<vmem>>
      %dma_start3A_205 = tpu.memref_squeeze %dma_start3A_204 : memref<1x640xf32, #tpu.memory_space<vmem>> -> memref<640xf32, #tpu.memory_space<vmem>>
      %dma_start3A_206 = tpu.memref_slice %arg11[%run_scoped3A_44, %run_scoped3A_45, %mul3A_43] : memref<16x2x10240xf32, #tpu.memory_space<vmem_shared>> -> memref<1x1x640xf32, #tpu.memory_space<vmem_shared>>
      %dma_start3A_207 = tpu.memref_squeeze %dma_start3A_206 : memref<1x1x640xf32, #tpu.memory_space<vmem_shared>> -> memref<640xf32, #tpu.memory_space<vmem_shared>>
      tpu.enqueue_dma source(%dma_start3A_207 : memref<640xf32, #tpu.memory_space<vmem_shared>>) target(%dma_start3A_205 : memref<640xf32, #tpu.memory_space<vmem>>) target_semaphore(%run_scoped3A_198 : memref<!tpu.dma_semaphore, #tpu.memory_space<semaphore_mem>>)
      %dma_wait3A = arith.constant 0 : i32
      %dma_wait3A_208 = tpu.memref_slice %arg9[%run_scoped3A_46, %dma_wait3A] : memref<16x640xf32, #tpu.memory_space<vmem>> -> memref<1x640xf32, #tpu.memory_space<vmem>>
      %dma_wait3A_209 = tpu.memref_squeeze %dma_wait3A_208 : memref<1x640xf32, #tpu.memory_space<vmem>> -> memref<640xf32, #tpu.memory_space<vmem>>
      %dma_wait3A_210 = tpu.memref_slice %arg11[%run_scoped3A_44, %run_scoped3A_45, %mul3A_43] : memref<16x2x10240xf32, #tpu.memory_space<vmem_shared>> -> memref<1x1x640xf32, #tpu.memory_space<vmem_shared>>
      %dma_wait3A_211 = tpu.memref_squeeze %dma_wait3A_210 : memref<1x1x640xf32, #tpu.memory_space<vmem_shared>> -> memref<640xf32, #tpu.memory_space<vmem_shared>>
      %dma_wait3A_212 = arith.constant 0 : i32
      %dma_wait3A_213 = tpu.memref_slice %arg9[%run_scoped3A_46, %dma_wait3A_212] : memref<16x640xf32, #tpu.memory_space<vmem>> -> memref<1x640xf32, #tpu.memory_space<vmem>>
      %dma_wait3A_214 = tpu.memref_squeeze %dma_wait3A_213 : memref<1x640xf32, #tpu.memory_space<vmem>> -> memref<640xf32, #tpu.memory_space<vmem>>
      %dma_wait3A_215 = tpu.memref_slice %arg11[%run_scoped3A_44, %run_scoped3A_45, %mul3A_43] : memref<16x2x10240xf32, #tpu.memory_space<vmem_shared>> -> memref<1x1x640xf32, #tpu.memory_space<vmem_shared>>
      %dma_wait3A_216 = tpu.memref_squeeze %dma_wait3A_215 : memref<1x1x640xf32, #tpu.memory_space<vmem_shared>> -> memref<640xf32, #tpu.memory_space<vmem_shared>>
      tpu.wait_dma2 semaphore(%run_scoped3A_198 : memref<!tpu.dma_semaphore, #tpu.memory_space<semaphore_mem>>) src(%dma_wait3A_216 : memref<640xf32, #tpu.memory_space<vmem_shared>>) dst(%dma_wait3A_214 : memref<640xf32, #tpu.memory_space<vmem>>)
      tpu.yield
    }) : () -> ()
    %mul3A_47 = arith.constant 640 : i32
    %mul3A_48 = arith.muli %arg1, %mul3A_47 : i32
    %run_scoped3A_49 = arith.constant 5 : i32
    %run_scoped3A_50 = arith.constant 0 : i32
    %run_scoped3A_51 = arith.constant 5 : i32
    "tpu.region"() ({
      %run_scoped3A_198 = tpu.sem_alloc : memref<!tpu.dma_semaphore, #tpu.memory_space<semaphore_mem>>
      %dma_start3A = arith.constant 0 : i32
      %dma_start3A_199 = tpu.memref_slice %arg9[%run_scoped3A_51, %dma_start3A] : memref<16x640xf32, #tpu.memory_space<vmem>> -> memref<1x640xf32, #tpu.memory_space<vmem>>
      %dma_start3A_200 = tpu.memref_squeeze %dma_start3A_199 : memref<1x640xf32, #tpu.memory_space<vmem>> -> memref<640xf32, #tpu.memory_space<vmem>>
      %dma_start3A_201 = tpu.memref_slice %arg11[%run_scoped3A_49, %run_scoped3A_50, %mul3A_48] : memref<16x2x10240xf32, #tpu.memory_space<vmem_shared>> -> memref<1x1x640xf32, #tpu.memory_space<vmem_shared>>
      %dma_start3A_202 = tpu.memref_squeeze %dma_start3A_201 : memref<1x1x640xf32, #tpu.memory_space<vmem_shared>> -> memref<640xf32, #tpu.memory_space<vmem_shared>>
      %dma_start3A_203 = arith.constant 0 : i32
      %dma_start3A_204 = tpu.memref_slice %arg9[%run_scoped3A_51, %dma_start3A_203] : memref<16x640xf32, #tpu.memory_space<vmem>> -> memref<1x640xf32, #tpu.memory_space<vmem>>
      %dma_start3A_205 = tpu.memref_squeeze %dma_start3A_204 : memref<1x640xf32, #tpu.memory_space<vmem>> -> memref<640xf32, #tpu.memory_space<vmem>>
      %dma_start3A_206 = tpu.memref_slice %arg11[%run_scoped3A_49, %run_scoped3A_50, %mul3A_48] : memref<16x2x10240xf32, #tpu.memory_space<vmem_shared>> -> memref<1x1x640xf32, #tpu.memory_space<vmem_shared>>
      %dma_start3A_207 = tpu.memref_squeeze %dma_start3A_206 : memref<1x1x640xf32, #tpu.memory_space<vmem_shared>> -> memref<640xf32, #tpu.memory_space<vmem_shared>>
      tpu.enqueue_dma source(%dma_start3A_207 : memref<640xf32, #tpu.memory_space<vmem_shared>>) target(%dma_start3A_205 : memref<640xf32, #tpu.memory_space<vmem>>) target_semaphore(%run_scoped3A_198 : memref<!tpu.dma_semaphore, #tpu.memory_space<semaphore_mem>>)
      %dma_wait3A = arith.constant 0 : i32
      %dma_wait3A_208 = tpu.memref_slice %arg9[%run_scoped3A_51, %dma_wait3A] : memref<16x640xf32, #tpu.memory_space<vmem>> -> memref<1x640xf32, #tpu.memory_space<vmem>>
      %dma_wait3A_209 = tpu.memref_squeeze %dma_wait3A_208 : memref<1x640xf32, #tpu.memory_space<vmem>> -> memref<640xf32, #tpu.memory_space<vmem>>
      %dma_wait3A_210 = tpu.memref_slice %arg11[%run_scoped3A_49, %run_scoped3A_50, %mul3A_48] : memref<16x2x10240xf32, #tpu.memory_space<vmem_shared>> -> memref<1x1x640xf32, #tpu.memory_space<vmem_shared>>
      %dma_wait3A_211 = tpu.memref_squeeze %dma_wait3A_210 : memref<1x1x640xf32, #tpu.memory_space<vmem_shared>> -> memref<640xf32, #tpu.memory_space<vmem_shared>>
      %dma_wait3A_212 = arith.constant 0 : i32
      %dma_wait3A_213 = tpu.memref_slice %arg9[%run_scoped3A_51, %dma_wait3A_212] : memref<16x640xf32, #tpu.memory_space<vmem>> -> memref<1x640xf32, #tpu.memory_space<vmem>>
      %dma_wait3A_214 = tpu.memref_squeeze %dma_wait3A_213 : memref<1x640xf32, #tpu.memory_space<vmem>> -> memref<640xf32, #tpu.memory_space<vmem>>
      %dma_wait3A_215 = tpu.memref_slice %arg11[%run_scoped3A_49, %run_scoped3A_50, %mul3A_48] : memref<16x2x10240xf32, #tpu.memory_space<vmem_shared>> -> memref<1x1x640xf32, #tpu.memory_space<vmem_shared>>
      %dma_wait3A_216 = tpu.memref_squeeze %dma_wait3A_215 : memref<1x1x640xf32, #tpu.memory_space<vmem_shared>> -> memref<640xf32, #tpu.memory_space<vmem_shared>>
      tpu.wait_dma2 semaphore(%run_scoped3A_198 : memref<!tpu.dma_semaphore, #tpu.memory_space<semaphore_mem>>) src(%dma_wait3A_216 : memref<640xf32, #tpu.memory_space<vmem_shared>>) dst(%dma_wait3A_214 : memref<640xf32, #tpu.memory_space<vmem>>)
      tpu.yield
    }) : () -> ()
    %mul3A_52 = arith.constant 640 : i32
    %mul3A_53 = arith.muli %arg1, %mul3A_52 : i32
    %run_scoped3A_54 = arith.constant 6 : i32
    %run_scoped3A_55 = arith.constant 0 : i32
    %run_scoped3A_56 = arith.constant 6 : i32
    "tpu.region"() ({
      %run_scoped3A_198 = tpu.sem_alloc : memref<!tpu.dma_semaphore, #tpu.memory_space<semaphore_mem>>
      %dma_start3A = arith.constant 0 : i32
      %dma_start3A_199 = tpu.memref_slice %arg9[%run_scoped3A_56, %dma_start3A] : memref<16x640xf32, #tpu.memory_space<vmem>> -> memref<1x640xf32, #tpu.memory_space<vmem>>
      %dma_start3A_200 = tpu.memref_squeeze %dma_start3A_199 : memref<1x640xf32, #tpu.memory_space<vmem>> -> memref<640xf32, #tpu.memory_space<vmem>>
      %dma_start3A_201 = tpu.memref_slice %arg11[%run_scoped3A_54, %run_scoped3A_55, %mul3A_53] : memref<16x2x10240xf32, #tpu.memory_space<vmem_shared>> -> memref<1x1x640xf32, #tpu.memory_space<vmem_shared>>
      %dma_start3A_202 = tpu.memref_squeeze %dma_start3A_201 : memref<1x1x640xf32, #tpu.memory_space<vmem_shared>> -> memref<640xf32, #tpu.memory_space<vmem_shared>>
      %dma_start3A_203 = arith.constant 0 : i32
      %dma_start3A_204 = tpu.memref_slice %arg9[%run_scoped3A_56, %dma_start3A_203] : memref<16x640xf32, #tpu.memory_space<vmem>> -> memref<1x640xf32, #tpu.memory_space<vmem>>
      %dma_start3A_205 = tpu.memref_squeeze %dma_start3A_204 : memref<1x640xf32, #tpu.memory_space<vmem>> -> memref<640xf32, #tpu.memory_space<vmem>>
      %dma_start3A_206 = tpu.memref_slice %arg11[%run_scoped3A_54, %run_scoped3A_55, %mul3A_53] : memref<16x2x10240xf32, #tpu.memory_space<vmem_shared>> -> memref<1x1x640xf32, #tpu.memory_space<vmem_shared>>
      %dma_start3A_207 = tpu.memref_squeeze %dma_start3A_206 : memref<1x1x640xf32, #tpu.memory_space<vmem_shared>> -> memref<640xf32, #tpu.memory_space<vmem_shared>>
      tpu.enqueue_dma source(%dma_start3A_207 : memref<640xf32, #tpu.memory_space<vmem_shared>>) target(%dma_start3A_205 : memref<640xf32, #tpu.memory_space<vmem>>) target_semaphore(%run_scoped3A_198 : memref<!tpu.dma_semaphore, #tpu.memory_space<semaphore_mem>>)
      %dma_wait3A = arith.constant 0 : i32
      %dma_wait3A_208 = tpu.memref_slice %arg9[%run_scoped3A_56, %dma_wait3A] : memref<16x640xf32, #tpu.memory_space<vmem>> -> memref<1x640xf32, #tpu.memory_space<vmem>>
      %dma_wait3A_209 = tpu.memref_squeeze %dma_wait3A_208 : memref<1x640xf32, #tpu.memory_space<vmem>> -> memref<640xf32, #tpu.memory_space<vmem>>
      %dma_wait3A_210 = tpu.memref_slice %arg11[%run_scoped3A_54, %run_scoped3A_55, %mul3A_53] : memref<16x2x10240xf32, #tpu.memory_space<vmem_shared>> -> memref<1x1x640xf32, #tpu.memory_space<vmem_shared>>
      %dma_wait3A_211 = tpu.memref_squeeze %dma_wait3A_210 : memref<1x1x640xf32, #tpu.memory_space<vmem_shared>> -> memref<640xf32, #tpu.memory_space<vmem_shared>>
      %dma_wait3A_212 = arith.constant 0 : i32
      %dma_wait3A_213 = tpu.memref_slice %arg9[%run_scoped3A_56, %dma_wait3A_212] : memref<16x640xf32, #tpu.memory_space<vmem>> -> memref<1x640xf32, #tpu.memory_space<vmem>>
      %dma_wait3A_214 = tpu.memref_squeeze %dma_wait3A_213 : memref<1x640xf32, #tpu.memory_space<vmem>> -> memref<640xf32, #tpu.memory_space<vmem>>
      %dma_wait3A_215 = tpu.memref_slice %arg11[%run_scoped3A_54, %run_scoped3A_55, %mul3A_53] : memref<16x2x10240xf32, #tpu.memory_space<vmem_shared>> -> memref<1x1x640xf32, #tpu.memory_space<vmem_shared>>
      %dma_wait3A_216 = tpu.memref_squeeze %dma_wait3A_215 : memref<1x1x640xf32, #tpu.memory_space<vmem_shared>> -> memref<640xf32, #tpu.memory_space<vmem_shared>>
      tpu.wait_dma2 semaphore(%run_scoped3A_198 : memref<!tpu.dma_semaphore, #tpu.memory_space<semaphore_mem>>) src(%dma_wait3A_216 : memref<640xf32, #tpu.memory_space<vmem_shared>>) dst(%dma_wait3A_214 : memref<640xf32, #tpu.memory_space<vmem>>)
      tpu.yield
    }) : () -> ()
    %mul3A_57 = arith.constant 640 : i32
    %mul3A_58 = arith.muli %arg1, %mul3A_57 : i32
    %run_scoped3A_59 = arith.constant 7 : i32
    %run_scoped3A_60 = arith.constant 0 : i32
    %run_scoped3A_61 = arith.constant 7 : i32
    "tpu.region"() ({
      %run_scoped3A_198 = tpu.sem_alloc : memref<!tpu.dma_semaphore, #tpu.memory_space<semaphore_mem>>
      %dma_start3A = arith.constant 0 : i32
      %dma_start3A_199 = tpu.memref_slice %arg9[%run_scoped3A_61, %dma_start3A] : memref<16x640xf32, #tpu.memory_space<vmem>> -> memref<1x640xf32, #tpu.memory_space<vmem>>
      %dma_start3A_200 = tpu.memref_squeeze %dma_start3A_199 : memref<1x640xf32, #tpu.memory_space<vmem>> -> memref<640xf32, #tpu.memory_space<vmem>>
      %dma_start3A_201 = tpu.memref_slice %arg11[%run_scoped3A_59, %run_scoped3A_60, %mul3A_58] : memref<16x2x10240xf32, #tpu.memory_space<vmem_shared>> -> memref<1x1x640xf32, #tpu.memory_space<vmem_shared>>
      %dma_start3A_202 = tpu.memref_squeeze %dma_start3A_201 : memref<1x1x640xf32, #tpu.memory_space<vmem_shared>> -> memref<640xf32, #tpu.memory_space<vmem_shared>>
      %dma_start3A_203 = arith.constant 0 : i32
      %dma_start3A_204 = tpu.memref_slice %arg9[%run_scoped3A_61, %dma_start3A_203] : memref<16x640xf32, #tpu.memory_space<vmem>> -> memref<1x640xf32, #tpu.memory_space<vmem>>
      %dma_start3A_205 = tpu.memref_squeeze %dma_start3A_204 : memref<1x640xf32, #tpu.memory_space<vmem>> -> memref<640xf32, #tpu.memory_space<vmem>>
      %dma_start3A_206 = tpu.memref_slice %arg11[%run_scoped3A_59, %run_scoped3A_60, %mul3A_58] : memref<16x2x10240xf32, #tpu.memory_space<vmem_shared>> -> memref<1x1x640xf32, #tpu.memory_space<vmem_shared>>
      %dma_start3A_207 = tpu.memref_squeeze %dma_start3A_206 : memref<1x1x640xf32, #tpu.memory_space<vmem_shared>> -> memref<640xf32, #tpu.memory_space<vmem_shared>>
      tpu.enqueue_dma source(%dma_start3A_207 : memref<640xf32, #tpu.memory_space<vmem_shared>>) target(%dma_start3A_205 : memref<640xf32, #tpu.memory_space<vmem>>) target_semaphore(%run_scoped3A_198 : memref<!tpu.dma_semaphore, #tpu.memory_space<semaphore_mem>>)
      %dma_wait3A = arith.constant 0 : i32
      %dma_wait3A_208 = tpu.memref_slice %arg9[%run_scoped3A_61, %dma_wait3A] : memref<16x640xf32, #tpu.memory_space<vmem>> -> memref<1x640xf32, #tpu.memory_space<vmem>>
      %dma_wait3A_209 = tpu.memref_squeeze %dma_wait3A_208 : memref<1x640xf32, #tpu.memory_space<vmem>> -> memref<640xf32, #tpu.memory_space<vmem>>
      %dma_wait3A_210 = tpu.memref_slice %arg11[%run_scoped3A_59, %run_scoped3A_60, %mul3A_58] : memref<16x2x10240xf32, #tpu.memory_space<vmem_shared>> -> memref<1x1x640xf32, #tpu.memory_space<vmem_shared>>
      %dma_wait3A_211 = tpu.memref_squeeze %dma_wait3A_210 : memref<1x1x640xf32, #tpu.memory_space<vmem_shared>> -> memref<640xf32, #tpu.memory_space<vmem_shared>>
      %dma_wait3A_212 = arith.constant 0 : i32
      %dma_wait3A_213 = tpu.memref_slice %arg9[%run_scoped3A_61, %dma_wait3A_212] : memref<16x640xf32, #tpu.memory_space<vmem>> -> memref<1x640xf32, #tpu.memory_space<vmem>>
      %dma_wait3A_214 = tpu.memref_squeeze %dma_wait3A_213 : memref<1x640xf32, #tpu.memory_space<vmem>> -> memref<640xf32, #tpu.memory_space<vmem>>
      %dma_wait3A_215 = tpu.memref_slice %arg11[%run_scoped3A_59, %run_scoped3A_60, %mul3A_58] : memref<16x2x10240xf32, #tpu.memory_space<vmem_shared>> -> memref<1x1x640xf32, #tpu.memory_space<vmem_shared>>
      %dma_wait3A_216 = tpu.memref_squeeze %dma_wait3A_215 : memref<1x1x640xf32, #tpu.memory_space<vmem_shared>> -> memref<640xf32, #tpu.memory_space<vmem_shared>>
      tpu.wait_dma2 semaphore(%run_scoped3A_198 : memref<!tpu.dma_semaphore, #tpu.memory_space<semaphore_mem>>) src(%dma_wait3A_216 : memref<640xf32, #tpu.memory_space<vmem_shared>>) dst(%dma_wait3A_214 : memref<640xf32, #tpu.memory_space<vmem>>)
      tpu.yield
    }) : () -> ()
    %mul3A_62 = arith.constant 640 : i32
    %mul3A_63 = arith.muli %arg1, %mul3A_62 : i32
    %run_scoped3A_64 = arith.constant 8 : i32
    %run_scoped3A_65 = arith.constant 0 : i32
    %run_scoped3A_66 = arith.constant 8 : i32
    "tpu.region"() ({
      %run_scoped3A_198 = tpu.sem_alloc : memref<!tpu.dma_semaphore, #tpu.memory_space<semaphore_mem>>
      %dma_start3A = arith.constant 0 : i32
      %dma_start3A_199 = tpu.memref_slice %arg9[%run_scoped3A_66, %dma_start3A] : memref<16x640xf32, #tpu.memory_space<vmem>> -> memref<1x640xf32, #tpu.memory_space<vmem>>
      %dma_start3A_200 = tpu.memref_squeeze %dma_start3A_199 : memref<1x640xf32, #tpu.memory_space<vmem>> -> memref<640xf32, #tpu.memory_space<vmem>>
      %dma_start3A_201 = tpu.memref_slice %arg11[%run_scoped3A_64, %run_scoped3A_65, %mul3A_63] : memref<16x2x10240xf32, #tpu.memory_space<vmem_shared>> -> memref<1x1x640xf32, #tpu.memory_space<vmem_shared>>
      %dma_start3A_202 = tpu.memref_squeeze %dma_start3A_201 : memref<1x1x640xf32, #tpu.memory_space<vmem_shared>> -> memref<640xf32, #tpu.memory_space<vmem_shared>>
      %dma_start3A_203 = arith.constant 0 : i32
      %dma_start3A_204 = tpu.memref_slice %arg9[%run_scoped3A_66, %dma_start3A_203] : memref<16x640xf32, #tpu.memory_space<vmem>> -> memref<1x640xf32, #tpu.memory_space<vmem>>
      %dma_start3A_205 = tpu.memref_squeeze %dma_start3A_204 : memref<1x640xf32, #tpu.memory_space<vmem>> -> memref<640xf32, #tpu.memory_space<vmem>>
      %dma_start3A_206 = tpu.memref_slice %arg11[%run_scoped3A_64, %run_scoped3A_65, %mul3A_63] : memref<16x2x10240xf32, #tpu.memory_space<vmem_shared>> -> memref<1x1x640xf32, #tpu.memory_space<vmem_shared>>
      %dma_start3A_207 = tpu.memref_squeeze %dma_start3A_206 : memref<1x1x640xf32, #tpu.memory_space<vmem_shared>> -> memref<640xf32, #tpu.memory_space<vmem_shared>>
      tpu.enqueue_dma source(%dma_start3A_207 : memref<640xf32, #tpu.memory_space<vmem_shared>>) target(%dma_start3A_205 : memref<640xf32, #tpu.memory_space<vmem>>) target_semaphore(%run_scoped3A_198 : memref<!tpu.dma_semaphore, #tpu.memory_space<semaphore_mem>>)
      %dma_wait3A = arith.constant 0 : i32
      %dma_wait3A_208 = tpu.memref_slice %arg9[%run_scoped3A_66, %dma_wait3A] : memref<16x640xf32, #tpu.memory_space<vmem>> -> memref<1x640xf32, #tpu.memory_space<vmem>>
      %dma_wait3A_209 = tpu.memref_squeeze %dma_wait3A_208 : memref<1x640xf32, #tpu.memory_space<vmem>> -> memref<640xf32, #tpu.memory_space<vmem>>
      %dma_wait3A_210 = tpu.memref_slice %arg11[%run_scoped3A_64, %run_scoped3A_65, %mul3A_63] : memref<16x2x10240xf32, #tpu.memory_space<vmem_shared>> -> memref<1x1x640xf32, #tpu.memory_space<vmem_shared>>
      %dma_wait3A_211 = tpu.memref_squeeze %dma_wait3A_210 : memref<1x1x640xf32, #tpu.memory_space<vmem_shared>> -> memref<640xf32, #tpu.memory_space<vmem_shared>>
      %dma_wait3A_212 = arith.constant 0 : i32
      %dma_wait3A_213 = tpu.memref_slice %arg9[%run_scoped3A_66, %dma_wait3A_212] : memref<16x640xf32, #tpu.memory_space<vmem>> -> memref<1x640xf32, #tpu.memory_space<vmem>>
      %dma_wait3A_214 = tpu.memref_squeeze %dma_wait3A_213 : memref<1x640xf32, #tpu.memory_space<vmem>> -> memref<640xf32, #tpu.memory_space<vmem>>
      %dma_wait3A_215 = tpu.memref_slice %arg11[%run_scoped3A_64, %run_scoped3A_65, %mul3A_63] : memref<16x2x10240xf32, #tpu.memory_space<vmem_shared>> -> memref<1x1x640xf32, #tpu.memory_space<vmem_shared>>
      %dma_wait3A_216 = tpu.memref_squeeze %dma_wait3A_215 : memref<1x1x640xf32, #tpu.memory_space<vmem_shared>> -> memref<640xf32, #tpu.memory_space<vmem_shared>>
      tpu.wait_dma2 semaphore(%run_scoped3A_198 : memref<!tpu.dma_semaphore, #tpu.memory_space<semaphore_mem>>) src(%dma_wait3A_216 : memref<640xf32, #tpu.memory_space<vmem_shared>>) dst(%dma_wait3A_214 : memref<640xf32, #tpu.memory_space<vmem>>)
      tpu.yield
    }) : () -> ()
    %mul3A_67 = arith.constant 640 : i32
    %mul3A_68 = arith.muli %arg1, %mul3A_67 : i32
    %run_scoped3A_69 = arith.constant 9 : i32
    %run_scoped3A_70 = arith.constant 0 : i32
    %run_scoped3A_71 = arith.constant 9 : i32
    "tpu.region"() ({
      %run_scoped3A_198 = tpu.sem_alloc : memref<!tpu.dma_semaphore, #tpu.memory_space<semaphore_mem>>
      %dma_start3A = arith.constant 0 : i32
      %dma_start3A_199 = tpu.memref_slice %arg9[%run_scoped3A_71, %dma_start3A] : memref<16x640xf32, #tpu.memory_space<vmem>> -> memref<1x640xf32, #tpu.memory_space<vmem>>
      %dma_start3A_200 = tpu.memref_squeeze %dma_start3A_199 : memref<1x640xf32, #tpu.memory_space<vmem>> -> memref<640xf32, #tpu.memory_space<vmem>>
      %dma_start3A_201 = tpu.memref_slice %arg11[%run_scoped3A_69, %run_scoped3A_70, %mul3A_68] : memref<16x2x10240xf32, #tpu.memory_space<vmem_shared>> -> memref<1x1x640xf32, #tpu.memory_space<vmem_shared>>
      %dma_start3A_202 = tpu.memref_squeeze %dma_start3A_201 : memref<1x1x640xf32, #tpu.memory_space<vmem_shared>> -> memref<640xf32, #tpu.memory_space<vmem_shared>>
      %dma_start3A_203 = arith.constant 0 : i32
      %dma_start3A_204 = tpu.memref_slice %arg9[%run_scoped3A_71, %dma_start3A_203] : memref<16x640xf32, #tpu.memory_space<vmem>> -> memref<1x640xf32, #tpu.memory_space<vmem>>
      %dma_start3A_205 = tpu.memref_squeeze %dma_start3A_204 : memref<1x640xf32, #tpu.memory_space<vmem>> -> memref<640xf32, #tpu.memory_space<vmem>>
      %dma_start3A_206 = tpu.memref_slice %arg11[%run_scoped3A_69, %run_scoped3A_70, %mul3A_68] : memref<16x2x10240xf32, #tpu.memory_space<vmem_shared>> -> memref<1x1x640xf32, #tpu.memory_space<vmem_shared>>
      %dma_start3A_207 = tpu.memref_squeeze %dma_start3A_206 : memref<1x1x640xf32, #tpu.memory_space<vmem_shared>> -> memref<640xf32, #tpu.memory_space<vmem_shared>>
      tpu.enqueue_dma source(%dma_start3A_207 : memref<640xf32, #tpu.memory_space<vmem_shared>>) target(%dma_start3A_205 : memref<640xf32, #tpu.memory_space<vmem>>) target_semaphore(%run_scoped3A_198 : memref<!tpu.dma_semaphore, #tpu.memory_space<semaphore_mem>>)
      %dma_wait3A = arith.constant 0 : i32
      %dma_wait3A_208 = tpu.memref_slice %arg9[%run_scoped3A_71, %dma_wait3A] : memref<16x640xf32, #tpu.memory_space<vmem>> -> memref<1x640xf32, #tpu.memory_space<vmem>>
      %dma_wait3A_209 = tpu.memref_squeeze %dma_wait3A_208 : memref<1x640xf32, #tpu.memory_space<vmem>> -> memref<640xf32, #tpu.memory_space<vmem>>
      %dma_wait3A_210 = tpu.memref_slice %arg11[%run_scoped3A_69, %run_scoped3A_70, %mul3A_68] : memref<16x2x10240xf32, #tpu.memory_space<vmem_shared>> -> memref<1x1x640xf32, #tpu.memory_space<vmem_shared>>
      %dma_wait3A_211 = tpu.memref_squeeze %dma_wait3A_210 : memref<1x1x640xf32, #tpu.memory_space<vmem_shared>> -> memref<640xf32, #tpu.memory_space<vmem_shared>>
      %dma_wait3A_212 = arith.constant 0 : i32
      %dma_wait3A_213 = tpu.memref_slice %arg9[%run_scoped3A_71, %dma_wait3A_212] : memref<16x640xf32, #tpu.memory_space<vmem>> -> memref<1x640xf32, #tpu.memory_space<vmem>>
      %dma_wait3A_214 = tpu.memref_squeeze %dma_wait3A_213 : memref<1x640xf32, #tpu.memory_space<vmem>> -> memref<640xf32, #tpu.memory_space<vmem>>
      %dma_wait3A_215 = tpu.memref_slice %arg11[%run_scoped3A_69, %run_scoped3A_70, %mul3A_68] : memref<16x2x10240xf32, #tpu.memory_space<vmem_shared>> -> memref<1x1x640xf32, #tpu.memory_space<vmem_shared>>
      %dma_wait3A_216 = tpu.memref_squeeze %dma_wait3A_215 : memref<1x1x640xf32, #tpu.memory_space<vmem_shared>> -> memref<640xf32, #tpu.memory_space<vmem_shared>>
      tpu.wait_dma2 semaphore(%run_scoped3A_198 : memref<!tpu.dma_semaphore, #tpu.memory_space<semaphore_mem>>) src(%dma_wait3A_216 : memref<640xf32, #tpu.memory_space<vmem_shared>>) dst(%dma_wait3A_214 : memref<640xf32, #tpu.memory_space<vmem>>)
      tpu.yield
    }) : () -> ()
    %mul3A_72 = arith.constant 640 : i32
    %mul3A_73 = arith.muli %arg1, %mul3A_72 : i32
    %run_scoped3A_74 = arith.constant 10 : i32
    %run_scoped3A_75 = arith.constant 0 : i32
    %run_scoped3A_76 = arith.constant 10 : i32
    "tpu.region"() ({
      %run_scoped3A_198 = tpu.sem_alloc : memref<!tpu.dma_semaphore, #tpu.memory_space<semaphore_mem>>
      %dma_start3A = arith.constant 0 : i32
      %dma_start3A_199 = tpu.memref_slice %arg9[%run_scoped3A_76, %dma_start3A] : memref<16x640xf32, #tpu.memory_space<vmem>> -> memref<1x640xf32, #tpu.memory_space<vmem>>
      %dma_start3A_200 = tpu.memref_squeeze %dma_start3A_199 : memref<1x640xf32, #tpu.memory_space<vmem>> -> memref<640xf32, #tpu.memory_space<vmem>>
      %dma_start3A_201 = tpu.memref_slice %arg11[%run_scoped3A_74, %run_scoped3A_75, %mul3A_73] : memref<16x2x10240xf32, #tpu.memory_space<vmem_shared>> -> memref<1x1x640xf32, #tpu.memory_space<vmem_shared>>
      %dma_start3A_202 = tpu.memref_squeeze %dma_start3A_201 : memref<1x1x640xf32, #tpu.memory_space<vmem_shared>> -> memref<640xf32, #tpu.memory_space<vmem_shared>>
      %dma_start3A_203 = arith.constant 0 : i32
      %dma_start3A_204 = tpu.memref_slice %arg9[%run_scoped3A_76, %dma_start3A_203] : memref<16x640xf32, #tpu.memory_space<vmem>> -> memref<1x640xf32, #tpu.memory_space<vmem>>
      %dma_start3A_205 = tpu.memref_squeeze %dma_start3A_204 : memref<1x640xf32, #tpu.memory_space<vmem>> -> memref<640xf32, #tpu.memory_space<vmem>>
      %dma_start3A_206 = tpu.memref_slice %arg11[%run_scoped3A_74, %run_scoped3A_75, %mul3A_73] : memref<16x2x10240xf32, #tpu.memory_space<vmem_shared>> -> memref<1x1x640xf32, #tpu.memory_space<vmem_shared>>
      %dma_start3A_207 = tpu.memref_squeeze %dma_start3A_206 : memref<1x1x640xf32, #tpu.memory_space<vmem_shared>> -> memref<640xf32, #tpu.memory_space<vmem_shared>>
      tpu.enqueue_dma source(%dma_start3A_207 : memref<640xf32, #tpu.memory_space<vmem_shared>>) target(%dma_start3A_205 : memref<640xf32, #tpu.memory_space<vmem>>) target_semaphore(%run_scoped3A_198 : memref<!tpu.dma_semaphore, #tpu.memory_space<semaphore_mem>>)
      %dma_wait3A = arith.constant 0 : i32
      %dma_wait3A_208 = tpu.memref_slice %arg9[%run_scoped3A_76, %dma_wait3A] : memref<16x640xf32, #tpu.memory_space<vmem>> -> memref<1x640xf32, #tpu.memory_space<vmem>>
      %dma_wait3A_209 = tpu.memref_squeeze %dma_wait3A_208 : memref<1x640xf32, #tpu.memory_space<vmem>> -> memref<640xf32, #tpu.memory_space<vmem>>
      %dma_wait3A_210 = tpu.memref_slice %arg11[%run_scoped3A_74, %run_scoped3A_75, %mul3A_73] : memref<16x2x10240xf32, #tpu.memory_space<vmem_shared>> -> memref<1x1x640xf32, #tpu.memory_space<vmem_shared>>
      %dma_wait3A_211 = tpu.memref_squeeze %dma_wait3A_210 : memref<1x1x640xf32, #tpu.memory_space<vmem_shared>> -> memref<640xf32, #tpu.memory_space<vmem_shared>>
      %dma_wait3A_212 = arith.constant 0 : i32
      %dma_wait3A_213 = tpu.memref_slice %arg9[%run_scoped3A_76, %dma_wait3A_212] : memref<16x640xf32, #tpu.memory_space<vmem>> -> memref<1x640xf32, #tpu.memory_space<vmem>>
      %dma_wait3A_214 = tpu.memref_squeeze %dma_wait3A_213 : memref<1x640xf32, #tpu.memory_space<vmem>> -> memref<640xf32, #tpu.memory_space<vmem>>
      %dma_wait3A_215 = tpu.memref_slice %arg11[%run_scoped3A_74, %run_scoped3A_75, %mul3A_73] : memref<16x2x10240xf32, #tpu.memory_space<vmem_shared>> -> memref<1x1x640xf32, #tpu.memory_space<vmem_shared>>
      %dma_wait3A_216 = tpu.memref_squeeze %dma_wait3A_215 : memref<1x1x640xf32, #tpu.memory_space<vmem_shared>> -> memref<640xf32, #tpu.memory_space<vmem_shared>>
      tpu.wait_dma2 semaphore(%run_scoped3A_198 : memref<!tpu.dma_semaphore, #tpu.memory_space<semaphore_mem>>) src(%dma_wait3A_216 : memref<640xf32, #tpu.memory_space<vmem_shared>>) dst(%dma_wait3A_214 : memref<640xf32, #tpu.memory_space<vmem>>)
      tpu.yield
    }) : () -> ()
    %mul3A_77 = arith.constant 640 : i32
    %mul3A_78 = arith.muli %arg1, %mul3A_77 : i32
    %run_scoped3A_79 = arith.constant 11 : i32
    %run_scoped3A_80 = arith.constant 0 : i32
    %run_scoped3A_81 = arith.constant 11 : i32
    "tpu.region"() ({
      %run_scoped3A_198 = tpu.sem_alloc : memref<!tpu.dma_semaphore, #tpu.memory_space<semaphore_mem>>
      %dma_start3A = arith.constant 0 : i32
      %dma_start3A_199 = tpu.memref_slice %arg9[%run_scoped3A_81, %dma_start3A] : memref<16x640xf32, #tpu.memory_space<vmem>> -> memref<1x640xf32, #tpu.memory_space<vmem>>
      %dma_start3A_200 = tpu.memref_squeeze %dma_start3A_199 : memref<1x640xf32, #tpu.memory_space<vmem>> -> memref<640xf32, #tpu.memory_space<vmem>>
      %dma_start3A_201 = tpu.memref_slice %arg11[%run_scoped3A_79, %run_scoped3A_80, %mul3A_78] : memref<16x2x10240xf32, #tpu.memory_space<vmem_shared>> -> memref<1x1x640xf32, #tpu.memory_space<vmem_shared>>
      %dma_start3A_202 = tpu.memref_squeeze %dma_start3A_201 : memref<1x1x640xf32, #tpu.memory_space<vmem_shared>> -> memref<640xf32, #tpu.memory_space<vmem_shared>>
      %dma_start3A_203 = arith.constant 0 : i32
      %dma_start3A_204 = tpu.memref_slice %arg9[%run_scoped3A_81, %dma_start3A_203] : memref<16x640xf32, #tpu.memory_space<vmem>> -> memref<1x640xf32, #tpu.memory_space<vmem>>
      %dma_start3A_205 = tpu.memref_squeeze %dma_start3A_204 : memref<1x640xf32, #tpu.memory_space<vmem>> -> memref<640xf32, #tpu.memory_space<vmem>>
      %dma_start3A_206 = tpu.memref_slice %arg11[%run_scoped3A_79, %run_scoped3A_80, %mul3A_78] : memref<16x2x10240xf32, #tpu.memory_space<vmem_shared>> -> memref<1x1x640xf32, #tpu.memory_space<vmem_shared>>
      %dma_start3A_207 = tpu.memref_squeeze %dma_start3A_206 : memref<1x1x640xf32, #tpu.memory_space<vmem_shared>> -> memref<640xf32, #tpu.memory_space<vmem_shared>>
      tpu.enqueue_dma source(%dma_start3A_207 : memref<640xf32, #tpu.memory_space<vmem_shared>>) target(%dma_start3A_205 : memref<640xf32, #tpu.memory_space<vmem>>) target_semaphore(%run_scoped3A_198 : memref<!tpu.dma_semaphore, #tpu.memory_space<semaphore_mem>>)
      %dma_wait3A = arith.constant 0 : i32
      %dma_wait3A_208 = tpu.memref_slice %arg9[%run_scoped3A_81, %dma_wait3A] : memref<16x640xf32, #tpu.memory_space<vmem>> -> memref<1x640xf32, #tpu.memory_space<vmem>>
      %dma_wait3A_209 = tpu.memref_squeeze %dma_wait3A_208 : memref<1x640xf32, #tpu.memory_space<vmem>> -> memref<640xf32, #tpu.memory_space<vmem>>
      %dma_wait3A_210 = tpu.memref_slice %arg11[%run_scoped3A_79, %run_scoped3A_80, %mul3A_78] : memref<16x2x10240xf32, #tpu.memory_space<vmem_shared>> -> memref<1x1x640xf32, #tpu.memory_space<vmem_shared>>
      %dma_wait3A_211 = tpu.memref_squeeze %dma_wait3A_210 : memref<1x1x640xf32, #tpu.memory_space<vmem_shared>> -> memref<640xf32, #tpu.memory_space<vmem_shared>>
      %dma_wait3A_212 = arith.constant 0 : i32
      %dma_wait3A_213 = tpu.memref_slice %arg9[%run_scoped3A_81, %dma_wait3A_212] : memref<16x640xf32, #tpu.memory_space<vmem>> -> memref<1x640xf32, #tpu.memory_space<vmem>>
      %dma_wait3A_214 = tpu.memref_squeeze %dma_wait3A_213 : memref<1x640xf32, #tpu.memory_space<vmem>> -> memref<640xf32, #tpu.memory_space<vmem>>
      %dma_wait3A_215 = tpu.memref_slice %arg11[%run_scoped3A_79, %run_scoped3A_80, %mul3A_78] : memref<16x2x10240xf32, #tpu.memory_space<vmem_shared>> -> memref<1x1x640xf32, #tpu.memory_space<vmem_shared>>
      %dma_wait3A_216 = tpu.memref_squeeze %dma_wait3A_215 : memref<1x1x640xf32, #tpu.memory_space<vmem_shared>> -> memref<640xf32, #tpu.memory_space<vmem_shared>>
      tpu.wait_dma2 semaphore(%run_scoped3A_198 : memref<!tpu.dma_semaphore, #tpu.memory_space<semaphore_mem>>) src(%dma_wait3A_216 : memref<640xf32, #tpu.memory_space<vmem_shared>>) dst(%dma_wait3A_214 : memref<640xf32, #tpu.memory_space<vmem>>)
      tpu.yield
    }) : () -> ()
    %mul3A_82 = arith.constant 640 : i32
    %mul3A_83 = arith.muli %arg1, %mul3A_82 : i32
    %run_scoped3A_84 = arith.constant 12 : i32
    %run_scoped3A_85 = arith.constant 0 : i32
    %run_scoped3A_86 = arith.constant 12 : i32
    "tpu.region"() ({
      %run_scoped3A_198 = tpu.sem_alloc : memref<!tpu.dma_semaphore, #tpu.memory_space<semaphore_mem>>
      %dma_start3A = arith.constant 0 : i32
      %dma_start3A_199 = tpu.memref_slice %arg9[%run_scoped3A_86, %dma_start3A] : memref<16x640xf32, #tpu.memory_space<vmem>> -> memref<1x640xf32, #tpu.memory_space<vmem>>
      %dma_start3A_200 = tpu.memref_squeeze %dma_start3A_199 : memref<1x640xf32, #tpu.memory_space<vmem>> -> memref<640xf32, #tpu.memory_space<vmem>>
      %dma_start3A_201 = tpu.memref_slice %arg11[%run_scoped3A_84, %run_scoped3A_85, %mul3A_83] : memref<16x2x10240xf32, #tpu.memory_space<vmem_shared>> -> memref<1x1x640xf32, #tpu.memory_space<vmem_shared>>
      %dma_start3A_202 = tpu.memref_squeeze %dma_start3A_201 : memref<1x1x640xf32, #tpu.memory_space<vmem_shared>> -> memref<640xf32, #tpu.memory_space<vmem_shared>>
      %dma_start3A_203 = arith.constant 0 : i32
      %dma_start3A_204 = tpu.memref_slice %arg9[%run_scoped3A_86, %dma_start3A_203] : memref<16x640xf32, #tpu.memory_space<vmem>> -> memref<1x640xf32, #tpu.memory_space<vmem>>
      %dma_start3A_205 = tpu.memref_squeeze %dma_start3A_204 : memref<1x640xf32, #tpu.memory_space<vmem>> -> memref<640xf32, #tpu.memory_space<vmem>>
      %dma_start3A_206 = tpu.memref_slice %arg11[%run_scoped3A_84, %run_scoped3A_85, %mul3A_83] : memref<16x2x10240xf32, #tpu.memory_space<vmem_shared>> -> memref<1x1x640xf32, #tpu.memory_space<vmem_shared>>
      %dma_start3A_207 = tpu.memref_squeeze %dma_start3A_206 : memref<1x1x640xf32, #tpu.memory_space<vmem_shared>> -> memref<640xf32, #tpu.memory_space<vmem_shared>>
      tpu.enqueue_dma source(%dma_start3A_207 : memref<640xf32, #tpu.memory_space<vmem_shared>>) target(%dma_start3A_205 : memref<640xf32, #tpu.memory_space<vmem>>) target_semaphore(%run_scoped3A_198 : memref<!tpu.dma_semaphore, #tpu.memory_space<semaphore_mem>>)
      %dma_wait3A = arith.constant 0 : i32
      %dma_wait3A_208 = tpu.memref_slice %arg9[%run_scoped3A_86, %dma_wait3A] : memref<16x640xf32, #tpu.memory_space<vmem>> -> memref<1x640xf32, #tpu.memory_space<vmem>>
      %dma_wait3A_209 = tpu.memref_squeeze %dma_wait3A_208 : memref<1x640xf32, #tpu.memory_space<vmem>> -> memref<640xf32, #tpu.memory_space<vmem>>
      %dma_wait3A_210 = tpu.memref_slice %arg11[%run_scoped3A_84, %run_scoped3A_85, %mul3A_83] : memref<16x2x10240xf32, #tpu.memory_space<vmem_shared>> -> memref<1x1x640xf32, #tpu.memory_space<vmem_shared>>
      %dma_wait3A_211 = tpu.memref_squeeze %dma_wait3A_210 : memref<1x1x640xf32, #tpu.memory_space<vmem_shared>> -> memref<640xf32, #tpu.memory_space<vmem_shared>>
      %dma_wait3A_212 = arith.constant 0 : i32
      %dma_wait3A_213 = tpu.memref_slice %arg9[%run_scoped3A_86, %dma_wait3A_212] : memref<16x640xf32, #tpu.memory_space<vmem>> -> memref<1x640xf32, #tpu.memory_space<vmem>>
      %dma_wait3A_214 = tpu.memref_squeeze %dma_wait3A_213 : memref<1x640xf32, #tpu.memory_space<vmem>> -> memref<640xf32, #tpu.memory_space<vmem>>
      %dma_wait3A_215 = tpu.memref_slice %arg11[%run_scoped3A_84, %run_scoped3A_85, %mul3A_83] : memref<16x2x10240xf32, #tpu.memory_space<vmem_shared>> -> memref<1x1x640xf32, #tpu.memory_space<vmem_shared>>
      %dma_wait3A_216 = tpu.memref_squeeze %dma_wait3A_215 : memref<1x1x640xf32, #tpu.memory_space<vmem_shared>> -> memref<640xf32, #tpu.memory_space<vmem_shared>>
      tpu.wait_dma2 semaphore(%run_scoped3A_198 : memref<!tpu.dma_semaphore, #tpu.memory_space<semaphore_mem>>) src(%dma_wait3A_216 : memref<640xf32, #tpu.memory_space<vmem_shared>>) dst(%dma_wait3A_214 : memref<640xf32, #tpu.memory_space<vmem>>)
      tpu.yield
    }) : () -> ()
    %mul3A_87 = arith.constant 640 : i32
    %mul3A_88 = arith.muli %arg1, %mul3A_87 : i32
    %run_scoped3A_89 = arith.constant 13 : i32
    %run_scoped3A_90 = arith.constant 0 : i32
    %run_scoped3A_91 = arith.constant 13 : i32
    "tpu.region"() ({
      %run_scoped3A_198 = tpu.sem_alloc : memref<!tpu.dma_semaphore, #tpu.memory_space<semaphore_mem>>
      %dma_start3A = arith.constant 0 : i32
      %dma_start3A_199 = tpu.memref_slice %arg9[%run_scoped3A_91, %dma_start3A] : memref<16x640xf32, #tpu.memory_space<vmem>> -> memref<1x640xf32, #tpu.memory_space<vmem>>
      %dma_start3A_200 = tpu.memref_squeeze %dma_start3A_199 : memref<1x640xf32, #tpu.memory_space<vmem>> -> memref<640xf32, #tpu.memory_space<vmem>>
      %dma_start3A_201 = tpu.memref_slice %arg11[%run_scoped3A_89, %run_scoped3A_90, %mul3A_88] : memref<16x2x10240xf32, #tpu.memory_space<vmem_shared>> -> memref<1x1x640xf32, #tpu.memory_space<vmem_shared>>
      %dma_start3A_202 = tpu.memref_squeeze %dma_start3A_201 : memref<1x1x640xf32, #tpu.memory_space<vmem_shared>> -> memref<640xf32, #tpu.memory_space<vmem_shared>>
      %dma_start3A_203 = arith.constant 0 : i32
      %dma_start3A_204 = tpu.memref_slice %arg9[%run_scoped3A_91, %dma_start3A_203] : memref<16x640xf32, #tpu.memory_space<vmem>> -> memref<1x640xf32, #tpu.memory_space<vmem>>
      %dma_start3A_205 = tpu.memref_squeeze %dma_start3A_204 : memref<1x640xf32, #tpu.memory_space<vmem>> -> memref<640xf32, #tpu.memory_space<vmem>>
      %dma_start3A_206 = tpu.memref_slice %arg11[%run_scoped3A_89, %run_scoped3A_90, %mul3A_88] : memref<16x2x10240xf32, #tpu.memory_space<vmem_shared>> -> memref<1x1x640xf32, #tpu.memory_space<vmem_shared>>
      %dma_start3A_207 = tpu.memref_squeeze %dma_start3A_206 : memref<1x1x640xf32, #tpu.memory_space<vmem_shared>> -> memref<640xf32, #tpu.memory_space<vmem_shared>>
      tpu.enqueue_dma source(%dma_start3A_207 : memref<640xf32, #tpu.memory_space<vmem_shared>>) target(%dma_start3A_205 : memref<640xf32, #tpu.memory_space<vmem>>) target_semaphore(%run_scoped3A_198 : memref<!tpu.dma_semaphore, #tpu.memory_space<semaphore_mem>>)
      %dma_wait3A = arith.constant 0 : i32
      %dma_wait3A_208 = tpu.memref_slice %arg9[%run_scoped3A_91, %dma_wait3A] : memref<16x640xf32, #tpu.memory_space<vmem>> -> memref<1x640xf32, #tpu.memory_space<vmem>>
      %dma_wait3A_209 = tpu.memref_squeeze %dma_wait3A_208 : memref<1x640xf32, #tpu.memory_space<vmem>> -> memref<640xf32, #tpu.memory_space<vmem>>
      %dma_wait3A_210 = tpu.memref_slice %arg11[%run_scoped3A_89, %run_scoped3A_90, %mul3A_88] : memref<16x2x10240xf32, #tpu.memory_space<vmem_shared>> -> memref<1x1x640xf32, #tpu.memory_space<vmem_shared>>
      %dma_wait3A_211 = tpu.memref_squeeze %dma_wait3A_210 : memref<1x1x640xf32, #tpu.memory_space<vmem_shared>> -> memref<640xf32, #tpu.memory_space<vmem_shared>>
      %dma_wait3A_212 = arith.constant 0 : i32
      %dma_wait3A_213 = tpu.memref_slice %arg9[%run_scoped3A_91, %dma_wait3A_212] : memref<16x640xf32, #tpu.memory_space<vmem>> -> memref<1x640xf32, #tpu.memory_space<vmem>>
      %dma_wait3A_214 = tpu.memref_squeeze %dma_wait3A_213 : memref<1x640xf32, #tpu.memory_space<vmem>> -> memref<640xf32, #tpu.memory_space<vmem>>
      %dma_wait3A_215 = tpu.memref_slice %arg11[%run_scoped3A_89, %run_scoped3A_90, %mul3A_88] : memref<16x2x10240xf32, #tpu.memory_space<vmem_shared>> -> memref<1x1x640xf32, #tpu.memory_space<vmem_shared>>
      %dma_wait3A_216 = tpu.memref_squeeze %dma_wait3A_215 : memref<1x1x640xf32, #tpu.memory_space<vmem_shared>> -> memref<640xf32, #tpu.memory_space<vmem_shared>>
      tpu.wait_dma2 semaphore(%run_scoped3A_198 : memref<!tpu.dma_semaphore, #tpu.memory_space<semaphore_mem>>) src(%dma_wait3A_216 : memref<640xf32, #tpu.memory_space<vmem_shared>>) dst(%dma_wait3A_214 : memref<640xf32, #tpu.memory_space<vmem>>)
      tpu.yield
    }) : () -> ()
    %mul3A_92 = arith.constant 640 : i32
    %mul3A_93 = arith.muli %arg1, %mul3A_92 : i32
    %run_scoped3A_94 = arith.constant 14 : i32
    %run_scoped3A_95 = arith.constant 0 : i32
    %run_scoped3A_96 = arith.constant 14 : i32
    "tpu.region"() ({
      %run_scoped3A_198 = tpu.sem_alloc : memref<!tpu.dma_semaphore, #tpu.memory_space<semaphore_mem>>
      %dma_start3A = arith.constant 0 : i32
      %dma_start3A_199 = tpu.memref_slice %arg9[%run_scoped3A_96, %dma_start3A] : memref<16x640xf32, #tpu.memory_space<vmem>> -> memref<1x640xf32, #tpu.memory_space<vmem>>
      %dma_start3A_200 = tpu.memref_squeeze %dma_start3A_199 : memref<1x640xf32, #tpu.memory_space<vmem>> -> memref<640xf32, #tpu.memory_space<vmem>>
      %dma_start3A_201 = tpu.memref_slice %arg11[%run_scoped3A_94, %run_scoped3A_95, %mul3A_93] : memref<16x2x10240xf32, #tpu.memory_space<vmem_shared>> -> memref<1x1x640xf32, #tpu.memory_space<vmem_shared>>
      %dma_start3A_202 = tpu.memref_squeeze %dma_start3A_201 : memref<1x1x640xf32, #tpu.memory_space<vmem_shared>> -> memref<640xf32, #tpu.memory_space<vmem_shared>>
      %dma_start3A_203 = arith.constant 0 : i32
      %dma_start3A_204 = tpu.memref_slice %arg9[%run_scoped3A_96, %dma_start3A_203] : memref<16x640xf32, #tpu.memory_space<vmem>> -> memref<1x640xf32, #tpu.memory_space<vmem>>
      %dma_start3A_205 = tpu.memref_squeeze %dma_start3A_204 : memref<1x640xf32, #tpu.memory_space<vmem>> -> memref<640xf32, #tpu.memory_space<vmem>>
      %dma_start3A_206 = tpu.memref_slice %arg11[%run_scoped3A_94, %run_scoped3A_95, %mul3A_93] : memref<16x2x10240xf32, #tpu.memory_space<vmem_shared>> -> memref<1x1x640xf32, #tpu.memory_space<vmem_shared>>
      %dma_start3A_207 = tpu.memref_squeeze %dma_start3A_206 : memref<1x1x640xf32, #tpu.memory_space<vmem_shared>> -> memref<640xf32, #tpu.memory_space<vmem_shared>>
      tpu.enqueue_dma source(%dma_start3A_207 : memref<640xf32, #tpu.memory_space<vmem_shared>>) target(%dma_start3A_205 : memref<640xf32, #tpu.memory_space<vmem>>) target_semaphore(%run_scoped3A_198 : memref<!tpu.dma_semaphore, #tpu.memory_space<semaphore_mem>>)
      %dma_wait3A = arith.constant 0 : i32
      %dma_wait3A_208 = tpu.memref_slice %arg9[%run_scoped3A_96, %dma_wait3A] : memref<16x640xf32, #tpu.memory_space<vmem>> -> memref<1x640xf32, #tpu.memory_space<vmem>>
      %dma_wait3A_209 = tpu.memref_squeeze %dma_wait3A_208 : memref<1x640xf32, #tpu.memory_space<vmem>> -> memref<640xf32, #tpu.memory_space<vmem>>
      %dma_wait3A_210 = tpu.memref_slice %arg11[%run_scoped3A_94, %run_scoped3A_95, %mul3A_93] : memref<16x2x10240xf32, #tpu.memory_space<vmem_shared>> -> memref<1x1x640xf32, #tpu.memory_space<vmem_shared>>
      %dma_wait3A_211 = tpu.memref_squeeze %dma_wait3A_210 : memref<1x1x640xf32, #tpu.memory_space<vmem_shared>> -> memref<640xf32, #tpu.memory_space<vmem_shared>>
      %dma_wait3A_212 = arith.constant 0 : i32
      %dma_wait3A_213 = tpu.memref_slice %arg9[%run_scoped3A_96, %dma_wait3A_212] : memref<16x640xf32, #tpu.memory_space<vmem>> -> memref<1x640xf32, #tpu.memory_space<vmem>>
      %dma_wait3A_214 = tpu.memref_squeeze %dma_wait3A_213 : memref<1x640xf32, #tpu.memory_space<vmem>> -> memref<640xf32, #tpu.memory_space<vmem>>
      %dma_wait3A_215 = tpu.memref_slice %arg11[%run_scoped3A_94, %run_scoped3A_95, %mul3A_93] : memref<16x2x10240xf32, #tpu.memory_space<vmem_shared>> -> memref<1x1x640xf32, #tpu.memory_space<vmem_shared>>
      %dma_wait3A_216 = tpu.memref_squeeze %dma_wait3A_215 : memref<1x1x640xf32, #tpu.memory_space<vmem_shared>> -> memref<640xf32, #tpu.memory_space<vmem_shared>>
      tpu.wait_dma2 semaphore(%run_scoped3A_198 : memref<!tpu.dma_semaphore, #tpu.memory_space<semaphore_mem>>) src(%dma_wait3A_216 : memref<640xf32, #tpu.memory_space<vmem_shared>>) dst(%dma_wait3A_214 : memref<640xf32, #tpu.memory_space<vmem>>)
      tpu.yield
    }) : () -> ()
    %mul3A_97 = arith.constant 640 : i32
    %mul3A_98 = arith.muli %arg1, %mul3A_97 : i32
    %run_scoped3A_99 = arith.constant 15 : i32
    %run_scoped3A_100 = arith.constant 0 : i32
    %run_scoped3A_101 = arith.constant 15 : i32
    "tpu.region"() ({
      %run_scoped3A_198 = tpu.sem_alloc : memref<!tpu.dma_semaphore, #tpu.memory_space<semaphore_mem>>
      %dma_start3A = arith.constant 0 : i32
      %dma_start3A_199 = tpu.memref_slice %arg9[%run_scoped3A_101, %dma_start3A] : memref<16x640xf32, #tpu.memory_space<vmem>> -> memref<1x640xf32, #tpu.memory_space<vmem>>
      %dma_start3A_200 = tpu.memref_squeeze %dma_start3A_199 : memref<1x640xf32, #tpu.memory_space<vmem>> -> memref<640xf32, #tpu.memory_space<vmem>>
      %dma_start3A_201 = tpu.memref_slice %arg11[%run_scoped3A_99, %run_scoped3A_100, %mul3A_98] : memref<16x2x10240xf32, #tpu.memory_space<vmem_shared>> -> memref<1x1x640xf32, #tpu.memory_space<vmem_shared>>
      %dma_start3A_202 = tpu.memref_squeeze %dma_start3A_201 : memref<1x1x640xf32, #tpu.memory_space<vmem_shared>> -> memref<640xf32, #tpu.memory_space<vmem_shared>>
      %dma_start3A_203 = arith.constant 0 : i32
      %dma_start3A_204 = tpu.memref_slice %arg9[%run_scoped3A_101, %dma_start3A_203] : memref<16x640xf32, #tpu.memory_space<vmem>> -> memref<1x640xf32, #tpu.memory_space<vmem>>
      %dma_start3A_205 = tpu.memref_squeeze %dma_start3A_204 : memref<1x640xf32, #tpu.memory_space<vmem>> -> memref<640xf32, #tpu.memory_space<vmem>>
      %dma_start3A_206 = tpu.memref_slice %arg11[%run_scoped3A_99, %run_scoped3A_100, %mul3A_98] : memref<16x2x10240xf32, #tpu.memory_space<vmem_shared>> -> memref<1x1x640xf32, #tpu.memory_space<vmem_shared>>
      %dma_start3A_207 = tpu.memref_squeeze %dma_start3A_206 : memref<1x1x640xf32, #tpu.memory_space<vmem_shared>> -> memref<640xf32, #tpu.memory_space<vmem_shared>>
      tpu.enqueue_dma source(%dma_start3A_207 : memref<640xf32, #tpu.memory_space<vmem_shared>>) target(%dma_start3A_205 : memref<640xf32, #tpu.memory_space<vmem>>) target_semaphore(%run_scoped3A_198 : memref<!tpu.dma_semaphore, #tpu.memory_space<semaphore_mem>>)
      %dma_wait3A = arith.constant 0 : i32
      %dma_wait3A_208 = tpu.memref_slice %arg9[%run_scoped3A_101, %dma_wait3A] : memref<16x640xf32, #tpu.memory_space<vmem>> -> memref<1x640xf32, #tpu.memory_space<vmem>>
      %dma_wait3A_209 = tpu.memref_squeeze %dma_wait3A_208 : memref<1x640xf32, #tpu.memory_space<vmem>> -> memref<640xf32, #tpu.memory_space<vmem>>
      %dma_wait3A_210 = tpu.memref_slice %arg11[%run_scoped3A_99, %run_scoped3A_100, %mul3A_98] : memref<16x2x10240xf32, #tpu.memory_space<vmem_shared>> -> memref<1x1x640xf32, #tpu.memory_space<vmem_shared>>
      %dma_wait3A_211 = tpu.memref_squeeze %dma_wait3A_210 : memref<1x1x640xf32, #tpu.memory_space<vmem_shared>> -> memref<640xf32, #tpu.memory_space<vmem_shared>>
      %dma_wait3A_212 = arith.constant 0 : i32
      %dma_wait3A_213 = tpu.memref_slice %arg9[%run_scoped3A_101, %dma_wait3A_212] : memref<16x640xf32, #tpu.memory_space<vmem>> -> memref<1x640xf32, #tpu.memory_space<vmem>>
      %dma_wait3A_214 = tpu.memref_squeeze %dma_wait3A_213 : memref<1x640xf32, #tpu.memory_space<vmem>> -> memref<640xf32, #tpu.memory_space<vmem>>
      %dma_wait3A_215 = tpu.memref_slice %arg11[%run_scoped3A_99, %run_scoped3A_100, %mul3A_98] : memref<16x2x10240xf32, #tpu.memory_space<vmem_shared>> -> memref<1x1x640xf32, #tpu.memory_space<vmem_shared>>
      %dma_wait3A_216 = tpu.memref_squeeze %dma_wait3A_215 : memref<1x1x640xf32, #tpu.memory_space<vmem_shared>> -> memref<640xf32, #tpu.memory_space<vmem_shared>>
      tpu.wait_dma2 semaphore(%run_scoped3A_198 : memref<!tpu.dma_semaphore, #tpu.memory_space<semaphore_mem>>) src(%dma_wait3A_216 : memref<640xf32, #tpu.memory_space<vmem_shared>>) dst(%dma_wait3A_214 : memref<640xf32, #tpu.memory_space<vmem>>)
      tpu.yield
    }) : () -> ()
    %scan3A_102 = arith.constant 0 : i32
    %scan3A_103 = arith.constant 0 : i32
    %scan3A_104 = arith.constant 40 : i32
    %scan3A_105 = arith.addi %scan3A_103, %scan3A_104 : i32
    %scan3A_106 = arith.constant 1 : i32
    scf.for %scan3A_198 = %scan3A_103 to %scan3A_105 step %scan3A_106  : i32 {
      %mul3A_199 = arith.constant 16 : i32
      %mul3A_200 = arith.muli %scan3A_198, %mul3A_199 : i32
      %get3A = arith.constant 0 : i32
      %get3A_201 = arith.index_cast %get3A : i32 to index
      %get3A_202 = arith.index_cast %mul3A_200 : i32 to index
      %get3A_203 = tpu.vector_load %arg9[%get3A_201, %get3A_202] {strides = array<i32>} : memref<16x640xf32, #tpu.memory_space<vmem>>, vector<16xf32>,
      %mul3A_204 = arith.constant 16 : i32
      %mul3A_205 = arith.muli %scan3A_198, %mul3A_204 : i32
      %get3A_206 = arith.constant 1 : i32
      %get3A_207 = arith.index_cast %get3A_206 : i32 to index
      %get3A_208 = arith.index_cast %mul3A_205 : i32 to index
      %get3A_209 = tpu.vector_load %arg9[%get3A_207, %get3A_208] {strides = array<i32>} : memref<16x640xf32, #tpu.memory_space<vmem>>, vector<16xf32>,
      %add3A_210 = arith.addf %get3A_203, %get3A_209 : vector<16xf32>
      %mul3A_211 = arith.constant 16 : i32
      %mul3A_212 = arith.muli %scan3A_198, %mul3A_211 : i32
      %get3A_213 = arith.constant 2 : i32
      %get3A_214 = arith.index_cast %get3A_213 : i32 to index
      %get3A_215 = arith.index_cast %mul3A_212 : i32 to index
      %get3A_216 = tpu.vector_load %arg9[%get3A_214, %get3A_215] {strides = array<i32>} : memref<16x640xf32, #tpu.memory_space<vmem>>, vector<16xf32>,
      %add3A_217 = arith.addf %add3A_210, %get3A_216 : vector<16xf32>
      %mul3A_218 = arith.constant 16 : i32
      %mul3A_219 = arith.muli %scan3A_198, %mul3A_218 : i32
      %get3A_220 = arith.constant 3 : i32
      %get3A_221 = arith.index_cast %get3A_220 : i32 to index
      %get3A_222 = arith.index_cast %mul3A_219 : i32 to index
      %get3A_223 = tpu.vector_load %arg9[%get3A_221, %get3A_222] {strides = array<i32>} : memref<16x640xf32, #tpu.memory_space<vmem>>, vector<16xf32>,
      %add3A_224 = arith.addf %add3A_217, %get3A_223 : vector<16xf32>
      %mul3A_225 = arith.constant 16 : i32
      %mul3A_226 = arith.muli %scan3A_198, %mul3A_225 : i32
      %get3A_227 = arith.constant 4 : i32
      %get3A_228 = arith.index_cast %get3A_227 : i32 to index
      %get3A_229 = arith.index_cast %mul3A_226 : i32 to index
      %get3A_230 = tpu.vector_load %arg9[%get3A_228, %get3A_229] {strides = array<i32>} : memref<16x640xf32, #tpu.memory_space<vmem>>, vector<16xf32>,
      %add3A_231 = arith.addf %add3A_224, %get3A_230 : vector<16xf32>
      %mul3A_232 = arith.constant 16 : i32
      %mul3A_233 = arith.muli %scan3A_198, %mul3A_232 : i32
      %get3A_234 = arith.constant 5 : i32
      %get3A_235 = arith.index_cast %get3A_234 : i32 to index
      %get3A_236 = arith.index_cast %mul3A_233 : i32 to index
      %get3A_237 = tpu.vector_load %arg9[%get3A_235, %get3A_236] {strides = array<i32>} : memref<16x640xf32, #tpu.memory_space<vmem>>, vector<16xf32>,
      %add3A_238 = arith.addf %add3A_231, %get3A_237 : vector<16xf32>
      %mul3A_239 = arith.constant 16 : i32
      %mul3A_240 = arith.muli %scan3A_198, %mul3A_239 : i32
      %get3A_241 = arith.constant 6 : i32
      %get3A_242 = arith.index_cast %get3A_241 : i32 to index
      %get3A_243 = arith.index_cast %mul3A_240 : i32 to index
      %get3A_244 = tpu.vector_load %arg9[%get3A_242, %get3A_243] {strides = array<i32>} : memref<16x640xf32, #tpu.memory_space<vmem>>, vector<16xf32>,
      %add3A_245 = arith.addf %add3A_238, %get3A_244 : vector<16xf32>
      %mul3A_246 = arith.constant 16 : i32
      %mul3A_247 = arith.muli %scan3A_198, %mul3A_246 : i32
      %get3A_248 = arith.constant 7 : i32
      %get3A_249 = arith.index_cast %get3A_248 : i32 to index
      %get3A_250 = arith.index_cast %mul3A_247 : i32 to index
      %get3A_251 = tpu.vector_load %arg9[%get3A_249, %get3A_250] {strides = array<i32>} : memref<16x640xf32, #tpu.memory_space<vmem>>, vector<16xf32>,
      %add3A_252 = arith.addf %add3A_245, %get3A_251 : vector<16xf32>
      %mul3A_253 = arith.constant 16 : i32
      %mul3A_254 = arith.muli %scan3A_198, %mul3A_253 : i32
      %get3A_255 = arith.constant 8 : i32
      %get3A_256 = arith.index_cast %get3A_255 : i32 to index
      %get3A_257 = arith.index_cast %mul3A_254 : i32 to index
      %get3A_258 = tpu.vector_load %arg9[%get3A_256, %get3A_257] {strides = array<i32>} : memref<16x640xf32, #tpu.memory_space<vmem>>, vector<16xf32>,
      %add3A_259 = arith.addf %add3A_252, %get3A_258 : vector<16xf32>
      %mul3A_260 = arith.constant 16 : i32
      %mul3A_261 = arith.muli %scan3A_198, %mul3A_260 : i32
      %get3A_262 = arith.constant 9 : i32
      %get3A_263 = arith.index_cast %get3A_262 : i32 to index
      %get3A_264 = arith.index_cast %mul3A_261 : i32 to index
      %get3A_265 = tpu.vector_load %arg9[%get3A_263, %get3A_264] {strides = array<i32>} : memref<16x640xf32, #tpu.memory_space<vmem>>, vector<16xf32>,
      %add3A_266 = arith.addf %add3A_259, %get3A_265 : vector<16xf32>
      %mul3A_267 = arith.constant 16 : i32
      %mul3A_268 = arith.muli %scan3A_198, %mul3A_267 : i32
      %get3A_269 = arith.constant 10 : i32
      %get3A_270 = arith.index_cast %get3A_269 : i32 to index
      %get3A_271 = arith.index_cast %mul3A_268 : i32 to index
      %get3A_272 = tpu.vector_load %arg9[%get3A_270, %get3A_271] {strides = array<i32>} : memref<16x640xf32, #tpu.memory_space<vmem>>, vector<16xf32>,
      %add3A_273 = arith.addf %add3A_266, %get3A_272 : vector<16xf32>
      %mul3A_274 = arith.constant 16 : i32
      %mul3A_275 = arith.muli %scan3A_198, %mul3A_274 : i32
      %get3A_276 = arith.constant 11 : i32
      %get3A_277 = arith.index_cast %get3A_276 : i32 to index
      %get3A_278 = arith.index_cast %mul3A_275 : i32 to index
      %get3A_279 = tpu.vector_load %arg9[%get3A_277, %get3A_278] {strides = array<i32>} : memref<16x640xf32, #tpu.memory_space<vmem>>, vector<16xf32>,
      %add3A_280 = arith.addf %add3A_273, %get3A_279 : vector<16xf32>
      %mul3A_281 = arith.constant 16 : i32
      %mul3A_282 = arith.muli %scan3A_198, %mul3A_281 : i32
      %get3A_283 = arith.constant 12 : i32
      %get3A_284 = arith.index_cast %get3A_283 : i32 to index
      %get3A_285 = arith.index_cast %mul3A_282 : i32 to index
      %get3A_286 = tpu.vector_load %arg9[%get3A_284, %get3A_285] {strides = array<i32>} : memref<16x640xf32, #tpu.memory_space<vmem>>, vector<16xf32>,
      %add3A_287 = arith.addf %add3A_280, %get3A_286 : vector<16xf32>
      %mul3A_288 = arith.constant 16 : i32
      %mul3A_289 = arith.muli %scan3A_198, %mul3A_288 : i32
      %get3A_290 = arith.constant 13 : i32
      %get3A_291 = arith.index_cast %get3A_290 : i32 to index
      %get3A_292 = arith.index_cast %mul3A_289 : i32 to index
      %get3A_293 = tpu.vector_load %arg9[%get3A_291, %get3A_292] {strides = array<i32>} : memref<16x640xf32, #tpu.memory_space<vmem>>, vector<16xf32>,
      %add3A_294 = arith.addf %add3A_287, %get3A_293 : vector<16xf32>
      %mul3A_295 = arith.constant 16 : i32
      %mul3A_296 = arith.muli %scan3A_198, %mul3A_295 : i32
      %get3A_297 = arith.constant 14 : i32
      %get3A_298 = arith.index_cast %get3A_297 : i32 to index
      %get3A_299 = arith.index_cast %mul3A_296 : i32 to index
      %get3A_300 = tpu.vector_load %arg9[%get3A_298, %get3A_299] {strides = array<i32>} : memref<16x640xf32, #tpu.memory_space<vmem>>, vector<16xf32>,
      %add3A_301 = arith.addf %add3A_294, %get3A_300 : vector<16xf32>
      %mul3A_302 = arith.constant 16 : i32
      %mul3A_303 = arith.muli %scan3A_198, %mul3A_302 : i32
      %get3A_304 = arith.constant 15 : i32
      %get3A_305 = arith.index_cast %get3A_304 : i32 to index
      %get3A_306 = arith.index_cast %mul3A_303 : i32 to index
      %get3A_307 = tpu.vector_load %arg9[%get3A_305, %get3A_306] {strides = array<i32>} : memref<16x640xf32, #tpu.memory_space<vmem>>, vector<16xf32>,
      %add3A_308 = arith.addf %add3A_301, %get3A_307 : vector<16xf32>
      %mul3A_309 = arith.constant 16 : i32
      %mul3A_310 = arith.muli %scan3A_198, %mul3A_309 : i32
      %swap3A = arith.index_cast %mul3A_310 : i32 to index
      %swap3A_311 = tpu.vector_load %arg10[%swap3A] {strides = array<i32>} : memref<640xf32, #tpu.memory_space<vmem>>, vector<16xf32>,
      tpu.vector_store %arg10[%swap3A], %add3A_308 {strides = array<i32>} : memref<640xf32, #tpu.memory_space<vmem>>, vector<16xf32>,
    }
    %scan3A_107 = arith.constant 40 : i32
    %mul3A_108 = arith.constant 640 : i32
    %mul3A_109 = arith.muli %arg1, %mul3A_108 : i32
    "tpu.region"() ({
      %run_scoped3A_198 = tpu.sem_alloc : memref<!tpu.dma_semaphore, #tpu.memory_space<semaphore_mem>>
      %dma_start3A = tpu.memref_slice %arg3[%arg0, %mul3A_109] : memref<2x10240xf32, #tpu.memory_space<hbm>> -> memref<1x640xf32, #tpu.memory_space<hbm>>
      %dma_start3A_199 = tpu.memref_squeeze %dma_start3A : memref<1x640xf32, #tpu.memory_space<hbm>> -> memref<640xf32, #tpu.memory_space<hbm>>
      %dma_start3A_200 = tpu.memref_slice %arg3[%arg0, %mul3A_109] : memref<2x10240xf32, #tpu.memory_space<hbm>> -> memref<1x640xf32, #tpu.memory_space<hbm>>
      %dma_start3A_201 = tpu.memref_squeeze %dma_start3A_200 : memref<1x640xf32, #tpu.memory_space<hbm>> -> memref<640xf32, #tpu.memory_space<hbm>>
      tpu.enqueue_dma source(%arg10 : memref<640xf32, #tpu.memory_space<vmem>>) target(%dma_start3A_201 : memref<640xf32, #tpu.memory_space<hbm>>) target_semaphore(%run_scoped3A_198 : memref<!tpu.dma_semaphore, #tpu.memory_space<semaphore_mem>>)
      %dma_wait3A = tpu.memref_slice %arg3[%arg0, %mul3A_109] : memref<2x10240xf32, #tpu.memory_space<hbm>> -> memref<1x640xf32, #tpu.memory_space<hbm>>
      %dma_wait3A_202 = tpu.memref_squeeze %dma_wait3A : memref<1x640xf32, #tpu.memory_space<hbm>> -> memref<640xf32, #tpu.memory_space<hbm>>
      %dma_wait3A_203 = tpu.memref_slice %arg3[%arg0, %mul3A_109] : memref<2x10240xf32, #tpu.memory_space<hbm>> -> memref<1x640xf32, #tpu.memory_space<hbm>>
      %dma_wait3A_204 = tpu.memref_squeeze %dma_wait3A_203 : memref<1x640xf32, #tpu.memory_space<hbm>> -> memref<640xf32, #tpu.memory_space<hbm>>
      tpu.wait_dma2 semaphore(%run_scoped3A_198 : memref<!tpu.dma_semaphore, #tpu.memory_space<semaphore_mem>>) src(%arg10 : memref<640xf32, #tpu.memory_space<vmem>>) dst(%dma_wait3A_204 : memref<640xf32, #tpu.memory_space<hbm>>)
      tpu.yield
    }) : () -> ()
    %mul3A_110 = arith.constant 640 : i32
    %mul3A_111 = arith.muli %arg1, %mul3A_110 : i32
    %run_scoped3A_112 = arith.constant 0 : i32
    %run_scoped3A_113 = arith.constant 1 : i32
    %run_scoped3A_114 = arith.constant 0 : i32
    "tpu.region"() ({
      %run_scoped3A_198 = tpu.sem_alloc : memref<!tpu.dma_semaphore, #tpu.memory_space<semaphore_mem>>
      %dma_start3A = arith.constant 0 : i32
      %dma_start3A_199 = tpu.memref_slice %arg9[%run_scoped3A_114, %dma_start3A] : memref<16x640xf32, #tpu.memory_space<vmem>> -> memref<1x640xf32, #tpu.memory_space<vmem>>
      %dma_start3A_200 = tpu.memref_squeeze %dma_start3A_199 : memref<1x640xf32, #tpu.memory_space<vmem>> -> memref<640xf32, #tpu.memory_space<vmem>>
      %dma_start3A_201 = tpu.memref_slice %arg11[%run_scoped3A_112, %run_scoped3A_113, %mul3A_111] : memref<16x2x10240xf32, #tpu.memory_space<vmem_shared>> -> memref<1x1x640xf32, #tpu.memory_space<vmem_shared>>
      %dma_start3A_202 = tpu.memref_squeeze %dma_start3A_201 : memref<1x1x640xf32, #tpu.memory_space<vmem_shared>> -> memref<640xf32, #tpu.memory_space<vmem_shared>>
      %dma_start3A_203 = arith.constant 0 : i32
      %dma_start3A_204 = tpu.memref_slice %arg9[%run_scoped3A_114, %dma_start3A_203] : memref<16x640xf32, #tpu.memory_space<vmem>> -> memref<1x640xf32, #tpu.memory_space<vmem>>
      %dma_start3A_205 = tpu.memref_squeeze %dma_start3A_204 : memref<1x640xf32, #tpu.memory_space<vmem>> -> memref<640xf32, #tpu.memory_space<vmem>>
      %dma_start3A_206 = tpu.memref_slice %arg11[%run_scoped3A_112, %run_scoped3A_113, %mul3A_111] : memref<16x2x10240xf32, #tpu.memory_space<vmem_shared>> -> memref<1x1x640xf32, #tpu.memory_space<vmem_shared>>
      %dma_start3A_207 = tpu.memref_squeeze %dma_start3A_206 : memref<1x1x640xf32, #tpu.memory_space<vmem_shared>> -> memref<640xf32, #tpu.memory_space<vmem_shared>>
      tpu.enqueue_dma source(%dma_start3A_207 : memref<640xf32, #tpu.memory_space<vmem_shared>>) target(%dma_start3A_205 : memref<640xf32, #tpu.memory_space<vmem>>) target_semaphore(%run_scoped3A_198 : memref<!tpu.dma_semaphore, #tpu.memory_space<semaphore_mem>>)
      %dma_wait3A = arith.constant 0 : i32
      %dma_wait3A_208 = tpu.memref_slice %arg9[%run_scoped3A_114, %dma_wait3A] : memref<16x640xf32, #tpu.memory_space<vmem>> -> memref<1x640xf32, #tpu.memory_space<vmem>>
      %dma_wait3A_209 = tpu.memref_squeeze %dma_wait3A_208 : memref<1x640xf32, #tpu.memory_space<vmem>> -> memref<640xf32, #tpu.memory_space<vmem>>
      %dma_wait3A_210 = tpu.memref_slice %arg11[%run_scoped3A_112, %run_scoped3A_113, %mul3A_111] : memref<16x2x10240xf32, #tpu.memory_space<vmem_shared>> -> memref<1x1x640xf32, #tpu.memory_space<vmem_shared>>
      %dma_wait3A_211 = tpu.memref_squeeze %dma_wait3A_210 : memref<1x1x640xf32, #tpu.memory_space<vmem_shared>> -> memref<640xf32, #tpu.memory_space<vmem_shared>>
      %dma_wait3A_212 = arith.constant 0 : i32
      %dma_wait3A_213 = tpu.memref_slice %arg9[%run_scoped3A_114, %dma_wait3A_212] : memref<16x640xf32, #tpu.memory_space<vmem>> -> memref<1x640xf32, #tpu.memory_space<vmem>>
      %dma_wait3A_214 = tpu.memref_squeeze %dma_wait3A_213 : memref<1x640xf32, #tpu.memory_space<vmem>> -> memref<640xf32, #tpu.memory_space<vmem>>
      %dma_wait3A_215 = tpu.memref_slice %arg11[%run_scoped3A_112, %run_scoped3A_113, %mul3A_111] : memref<16x2x10240xf32, #tpu.memory_space<vmem_shared>> -> memref<1x1x640xf32, #tpu.memory_space<vmem_shared>>
      %dma_wait3A_216 = tpu.memref_squeeze %dma_wait3A_215 : memref<1x1x640xf32, #tpu.memory_space<vmem_shared>> -> memref<640xf32, #tpu.memory_space<vmem_shared>>
      tpu.wait_dma2 semaphore(%run_scoped3A_198 : memref<!tpu.dma_semaphore, #tpu.memory_space<semaphore_mem>>) src(%dma_wait3A_216 : memref<640xf32, #tpu.memory_space<vmem_shared>>) dst(%dma_wait3A_214 : memref<640xf32, #tpu.memory_space<vmem>>)
      tpu.yield
    }) : () -> ()
    %mul3A_115 = arith.constant 640 : i32
    %mul3A_116 = arith.muli %arg1, %mul3A_115 : i32
    %run_scoped3A_117 = arith.constant 1 : i32
    %run_scoped3A_118 = arith.constant 1 : i32
    %run_scoped3A_119 = arith.constant 1 : i32
    "tpu.region"() ({
      %run_scoped3A_198 = tpu.sem_alloc : memref<!tpu.dma_semaphore, #tpu.memory_space<semaphore_mem>>
      %dma_start3A = arith.constant 0 : i32
      %dma_start3A_199 = tpu.memref_slice %arg9[%run_scoped3A_119, %dma_start3A] : memref<16x640xf32, #tpu.memory_space<vmem>> -> memref<1x640xf32, #tpu.memory_space<vmem>>
      %dma_start3A_200 = tpu.memref_squeeze %dma_start3A_199 : memref<1x640xf32, #tpu.memory_space<vmem>> -> memref<640xf32, #tpu.memory_space<vmem>>
      %dma_start3A_201 = tpu.memref_slice %arg11[%run_scoped3A_117, %run_scoped3A_118, %mul3A_116] : memref<16x2x10240xf32, #tpu.memory_space<vmem_shared>> -> memref<1x1x640xf32, #tpu.memory_space<vmem_shared>>
      %dma_start3A_202 = tpu.memref_squeeze %dma_start3A_201 : memref<1x1x640xf32, #tpu.memory_space<vmem_shared>> -> memref<640xf32, #tpu.memory_space<vmem_shared>>
      %dma_start3A_203 = arith.constant 0 : i32
      %dma_start3A_204 = tpu.memref_slice %arg9[%run_scoped3A_119, %dma_start3A_203] : memref<16x640xf32, #tpu.memory_space<vmem>> -> memref<1x640xf32, #tpu.memory_space<vmem>>
      %dma_start3A_205 = tpu.memref_squeeze %dma_start3A_204 : memref<1x640xf32, #tpu.memory_space<vmem>> -> memref<640xf32, #tpu.memory_space<vmem>>
      %dma_start3A_206 = tpu.memref_slice %arg11[%run_scoped3A_117, %run_scoped3A_118, %mul3A_116] : memref<16x2x10240xf32, #tpu.memory_space<vmem_shared>> -> memref<1x1x640xf32, #tpu.memory_space<vmem_shared>>
      %dma_start3A_207 = tpu.memref_squeeze %dma_start3A_206 : memref<1x1x640xf32, #tpu.memory_space<vmem_shared>> -> memref<640xf32, #tpu.memory_space<vmem_shared>>
      tpu.enqueue_dma source(%dma_start3A_207 : memref<640xf32, #tpu.memory_space<vmem_shared>>) target(%dma_start3A_205 : memref<640xf32, #tpu.memory_space<vmem>>) target_semaphore(%run_scoped3A_198 : memref<!tpu.dma_semaphore, #tpu.memory_space<semaphore_mem>>)
      %dma_wait3A = arith.constant 0 : i32
      %dma_wait3A_208 = tpu.memref_slice %arg9[%run_scoped3A_119, %dma_wait3A] : memref<16x640xf32, #tpu.memory_space<vmem>> -> memref<1x640xf32, #tpu.memory_space<vmem>>
      %dma_wait3A_209 = tpu.memref_squeeze %dma_wait3A_208 : memref<1x640xf32, #tpu.memory_space<vmem>> -> memref<640xf32, #tpu.memory_space<vmem>>
      %dma_wait3A_210 = tpu.memref_slice %arg11[%run_scoped3A_117, %run_scoped3A_118, %mul3A_116] : memref<16x2x10240xf32, #tpu.memory_space<vmem_shared>> -> memref<1x1x640xf32, #tpu.memory_space<vmem_shared>>
      %dma_wait3A_211 = tpu.memref_squeeze %dma_wait3A_210 : memref<1x1x640xf32, #tpu.memory_space<vmem_shared>> -> memref<640xf32, #tpu.memory_space<vmem_shared>>
      %dma_wait3A_212 = arith.constant 0 : i32
      %dma_wait3A_213 = tpu.memref_slice %arg9[%run_scoped3A_119, %dma_wait3A_212] : memref<16x640xf32, #tpu.memory_space<vmem>> -> memref<1x640xf32, #tpu.memory_space<vmem>>
      %dma_wait3A_214 = tpu.memref_squeeze %dma_wait3A_213 : memref<1x640xf32, #tpu.memory_space<vmem>> -> memref<640xf32, #tpu.memory_space<vmem>>
      %dma_wait3A_215 = tpu.memref_slice %arg11[%run_scoped3A_117, %run_scoped3A_118, %mul3A_116] : memref<16x2x10240xf32, #tpu.memory_space<vmem_shared>> -> memref<1x1x640xf32, #tpu.memory_space<vmem_shared>>
      %dma_wait3A_216 = tpu.memref_squeeze %dma_wait3A_215 : memref<1x1x640xf32, #tpu.memory_space<vmem_shared>> -> memref<640xf32, #tpu.memory_space<vmem_shared>>
      tpu.wait_dma2 semaphore(%run_scoped3A_198 : memref<!tpu.dma_semaphore, #tpu.memory_space<semaphore_mem>>) src(%dma_wait3A_216 : memref<640xf32, #tpu.memory_space<vmem_shared>>) dst(%dma_wait3A_214 : memref<640xf32, #tpu.memory_space<vmem>>)
      tpu.yield
    }) : () -> ()
    %mul3A_120 = arith.constant 640 : i32
    %mul3A_121 = arith.muli %arg1, %mul3A_120 : i32
    %run_scoped3A_122 = arith.constant 2 : i32
    %run_scoped3A_123 = arith.constant 1 : i32
    %run_scoped3A_124 = arith.constant 2 : i32
    "tpu.region"() ({
      %run_scoped3A_198 = tpu.sem_alloc : memref<!tpu.dma_semaphore, #tpu.memory_space<semaphore_mem>>
      %dma_start3A = arith.constant 0 : i32
      %dma_start3A_199 = tpu.memref_slice %arg9[%run_scoped3A_124, %dma_start3A] : memref<16x640xf32, #tpu.memory_space<vmem>> -> memref<1x640xf32, #tpu.memory_space<vmem>>
      %dma_start3A_200 = tpu.memref_squeeze %dma_start3A_199 : memref<1x640xf32, #tpu.memory_space<vmem>> -> memref<640xf32, #tpu.memory_space<vmem>>
      %dma_start3A_201 = tpu.memref_slice %arg11[%run_scoped3A_122, %run_scoped3A_123, %mul3A_121] : memref<16x2x10240xf32, #tpu.memory_space<vmem_shared>> -> memref<1x1x640xf32, #tpu.memory_space<vmem_shared>>
      %dma_start3A_202 = tpu.memref_squeeze %dma_start3A_201 : memref<1x1x640xf32, #tpu.memory_space<vmem_shared>> -> memref<640xf32, #tpu.memory_space<vmem_shared>>
      %dma_start3A_203 = arith.constant 0 : i32
      %dma_start3A_204 = tpu.memref_slice %arg9[%run_scoped3A_124, %dma_start3A_203] : memref<16x640xf32, #tpu.memory_space<vmem>> -> memref<1x640xf32, #tpu.memory_space<vmem>>
      %dma_start3A_205 = tpu.memref_squeeze %dma_start3A_204 : memref<1x640xf32, #tpu.memory_space<vmem>> -> memref<640xf32, #tpu.memory_space<vmem>>
      %dma_start3A_206 = tpu.memref_slice %arg11[%run_scoped3A_122, %run_scoped3A_123, %mul3A_121] : memref<16x2x10240xf32, #tpu.memory_space<vmem_shared>> -> memref<1x1x640xf32, #tpu.memory_space<vmem_shared>>
      %dma_start3A_207 = tpu.memref_squeeze %dma_start3A_206 : memref<1x1x640xf32, #tpu.memory_space<vmem_shared>> -> memref<640xf32, #tpu.memory_space<vmem_shared>>
      tpu.enqueue_dma source(%dma_start3A_207 : memref<640xf32, #tpu.memory_space<vmem_shared>>) target(%dma_start3A_205 : memref<640xf32, #tpu.memory_space<vmem>>) target_semaphore(%run_scoped3A_198 : memref<!tpu.dma_semaphore, #tpu.memory_space<semaphore_mem>>)
      %dma_wait3A = arith.constant 0 : i32
      %dma_wait3A_208 = tpu.memref_slice %arg9[%run_scoped3A_124, %dma_wait3A] : memref<16x640xf32, #tpu.memory_space<vmem>> -> memref<1x640xf32, #tpu.memory_space<vmem>>
      %dma_wait3A_209 = tpu.memref_squeeze %dma_wait3A_208 : memref<1x640xf32, #tpu.memory_space<vmem>> -> memref<640xf32, #tpu.memory_space<vmem>>
      %dma_wait3A_210 = tpu.memref_slice %arg11[%run_scoped3A_122, %run_scoped3A_123, %mul3A_121] : memref<16x2x10240xf32, #tpu.memory_space<vmem_shared>> -> memref<1x1x640xf32, #tpu.memory_space<vmem_shared>>
      %dma_wait3A_211 = tpu.memref_squeeze %dma_wait3A_210 : memref<1x1x640xf32, #tpu.memory_space<vmem_shared>> -> memref<640xf32, #tpu.memory_space<vmem_shared>>
      %dma_wait3A_212 = arith.constant 0 : i32
      %dma_wait3A_213 = tpu.memref_slice %arg9[%run_scoped3A_124, %dma_wait3A_212] : memref<16x640xf32, #tpu.memory_space<vmem>> -> memref<1x640xf32, #tpu.memory_space<vmem>>
      %dma_wait3A_214 = tpu.memref_squeeze %dma_wait3A_213 : memref<1x640xf32, #tpu.memory_space<vmem>> -> memref<640xf32, #tpu.memory_space<vmem>>
      %dma_wait3A_215 = tpu.memref_slice %arg11[%run_scoped3A_122, %run_scoped3A_123, %mul3A_121] : memref<16x2x10240xf32, #tpu.memory_space<vmem_shared>> -> memref<1x1x640xf32, #tpu.memory_space<vmem_shared>>
      %dma_wait3A_216 = tpu.memref_squeeze %dma_wait3A_215 : memref<1x1x640xf32, #tpu.memory_space<vmem_shared>> -> memref<640xf32, #tpu.memory_space<vmem_shared>>
      tpu.wait_dma2 semaphore(%run_scoped3A_198 : memref<!tpu.dma_semaphore, #tpu.memory_space<semaphore_mem>>) src(%dma_wait3A_216 : memref<640xf32, #tpu.memory_space<vmem_shared>>) dst(%dma_wait3A_214 : memref<640xf32, #tpu.memory_space<vmem>>)
      tpu.yield
    }) : () -> ()
    %mul3A_125 = arith.constant 640 : i32
    %mul3A_126 = arith.muli %arg1, %mul3A_125 : i32
    %run_scoped3A_127 = arith.constant 3 : i32
    %run_scoped3A_128 = arith.constant 1 : i32
    %run_scoped3A_129 = arith.constant 3 : i32
    "tpu.region"() ({
      %run_scoped3A_198 = tpu.sem_alloc : memref<!tpu.dma_semaphore, #tpu.memory_space<semaphore_mem>>
      %dma_start3A = arith.constant 0 : i32
      %dma_start3A_199 = tpu.memref_slice %arg9[%run_scoped3A_129, %dma_start3A] : memref<16x640xf32, #tpu.memory_space<vmem>> -> memref<1x640xf32, #tpu.memory_space<vmem>>
      %dma_start3A_200 = tpu.memref_squeeze %dma_start3A_199 : memref<1x640xf32, #tpu.memory_space<vmem>> -> memref<640xf32, #tpu.memory_space<vmem>>
      %dma_start3A_201 = tpu.memref_slice %arg11[%run_scoped3A_127, %run_scoped3A_128, %mul3A_126] : memref<16x2x10240xf32, #tpu.memory_space<vmem_shared>> -> memref<1x1x640xf32, #tpu.memory_space<vmem_shared>>
      %dma_start3A_202 = tpu.memref_squeeze %dma_start3A_201 : memref<1x1x640xf32, #tpu.memory_space<vmem_shared>> -> memref<640xf32, #tpu.memory_space<vmem_shared>>
      %dma_start3A_203 = arith.constant 0 : i32
      %dma_start3A_204 = tpu.memref_slice %arg9[%run_scoped3A_129, %dma_start3A_203] : memref<16x640xf32, #tpu.memory_space<vmem>> -> memref<1x640xf32, #tpu.memory_space<vmem>>
      %dma_start3A_205 = tpu.memref_squeeze %dma_start3A_204 : memref<1x640xf32, #tpu.memory_space<vmem>> -> memref<640xf32, #tpu.memory_space<vmem>>
      %dma_start3A_206 = tpu.memref_slice %arg11[%run_scoped3A_127, %run_scoped3A_128, %mul3A_126] : memref<16x2x10240xf32, #tpu.memory_space<vmem_shared>> -> memref<1x1x640xf32, #tpu.memory_space<vmem_shared>>
      %dma_start3A_207 = tpu.memref_squeeze %dma_start3A_206 : memref<1x1x640xf32, #tpu.memory_space<vmem_shared>> -> memref<640xf32, #tpu.memory_space<vmem_shared>>
      tpu.enqueue_dma source(%dma_start3A_207 : memref<640xf32, #tpu.memory_space<vmem_shared>>) target(%dma_start3A_205 : memref<640xf32, #tpu.memory_space<vmem>>) target_semaphore(%run_scoped3A_198 : memref<!tpu.dma_semaphore, #tpu.memory_space<semaphore_mem>>)
      %dma_wait3A = arith.constant 0 : i32
      %dma_wait3A_208 = tpu.memref_slice %arg9[%run_scoped3A_129, %dma_wait3A] : memref<16x640xf32, #tpu.memory_space<vmem>> -> memref<1x640xf32, #tpu.memory_space<vmem>>
      %dma_wait3A_209 = tpu.memref_squeeze %dma_wait3A_208 : memref<1x640xf32, #tpu.memory_space<vmem>> -> memref<640xf32, #tpu.memory_space<vmem>>
      %dma_wait3A_210 = tpu.memref_slice %arg11[%run_scoped3A_127, %run_scoped3A_128, %mul3A_126] : memref<16x2x10240xf32, #tpu.memory_space<vmem_shared>> -> memref<1x1x640xf32, #tpu.memory_space<vmem_shared>>
      %dma_wait3A_211 = tpu.memref_squeeze %dma_wait3A_210 : memref<1x1x640xf32, #tpu.memory_space<vmem_shared>> -> memref<640xf32, #tpu.memory_space<vmem_shared>>
      %dma_wait3A_212 = arith.constant 0 : i32
      %dma_wait3A_213 = tpu.memref_slice %arg9[%run_scoped3A_129, %dma_wait3A_212] : memref<16x640xf32, #tpu.memory_space<vmem>> -> memref<1x640xf32, #tpu.memory_space<vmem>>
      %dma_wait3A_214 = tpu.memref_squeeze %dma_wait3A_213 : memref<1x640xf32, #tpu.memory_space<vmem>> -> memref<640xf32, #tpu.memory_space<vmem>>
      %dma_wait3A_215 = tpu.memref_slice %arg11[%run_scoped3A_127, %run_scoped3A_128, %mul3A_126] : memref<16x2x10240xf32, #tpu.memory_space<vmem_shared>> -> memref<1x1x640xf32, #tpu.memory_space<vmem_shared>>
      %dma_wait3A_216 = tpu.memref_squeeze %dma_wait3A_215 : memref<1x1x640xf32, #tpu.memory_space<vmem_shared>> -> memref<640xf32, #tpu.memory_space<vmem_shared>>
      tpu.wait_dma2 semaphore(%run_scoped3A_198 : memref<!tpu.dma_semaphore, #tpu.memory_space<semaphore_mem>>) src(%dma_wait3A_216 : memref<640xf32, #tpu.memory_space<vmem_shared>>) dst(%dma_wait3A_214 : memref<640xf32, #tpu.memory_space<vmem>>)
      tpu.yield
    }) : () -> ()
    %mul3A_130 = arith.constant 640 : i32
    %mul3A_131 = arith.muli %arg1, %mul3A_130 : i32
    %run_scoped3A_132 = arith.constant 4 : i32
    %run_scoped3A_133 = arith.constant 1 : i32
    %run_scoped3A_134 = arith.constant 4 : i32
    "tpu.region"() ({
      %run_scoped3A_198 = tpu.sem_alloc : memref<!tpu.dma_semaphore, #tpu.memory_space<semaphore_mem>>
      %dma_start3A = arith.constant 0 : i32
      %dma_start3A_199 = tpu.memref_slice %arg9[%run_scoped3A_134, %dma_start3A] : memref<16x640xf32, #tpu.memory_space<vmem>> -> memref<1x640xf32, #tpu.memory_space<vmem>>
      %dma_start3A_200 = tpu.memref_squeeze %dma_start3A_199 : memref<1x640xf32, #tpu.memory_space<vmem>> -> memref<640xf32, #tpu.memory_space<vmem>>
      %dma_start3A_201 = tpu.memref_slice %arg11[%run_scoped3A_132, %run_scoped3A_133, %mul3A_131] : memref<16x2x10240xf32, #tpu.memory_space<vmem_shared>> -> memref<1x1x640xf32, #tpu.memory_space<vmem_shared>>
      %dma_start3A_202 = tpu.memref_squeeze %dma_start3A_201 : memref<1x1x640xf32, #tpu.memory_space<vmem_shared>> -> memref<640xf32, #tpu.memory_space<vmem_shared>>
      %dma_start3A_203 = arith.constant 0 : i32
      %dma_start3A_204 = tpu.memref_slice %arg9[%run_scoped3A_134, %dma_start3A_203] : memref<16x640xf32, #tpu.memory_space<vmem>> -> memref<1x640xf32, #tpu.memory_space<vmem>>
      %dma_start3A_205 = tpu.memref_squeeze %dma_start3A_204 : memref<1x640xf32, #tpu.memory_space<vmem>> -> memref<640xf32, #tpu.memory_space<vmem>>
      %dma_start3A_206 = tpu.memref_slice %arg11[%run_scoped3A_132, %run_scoped3A_133, %mul3A_131] : memref<16x2x10240xf32, #tpu.memory_space<vmem_shared>> -> memref<1x1x640xf32, #tpu.memory_space<vmem_shared>>
      %dma_start3A_207 = tpu.memref_squeeze %dma_start3A_206 : memref<1x1x640xf32, #tpu.memory_space<vmem_shared>> -> memref<640xf32, #tpu.memory_space<vmem_shared>>
      tpu.enqueue_dma source(%dma_start3A_207 : memref<640xf32, #tpu.memory_space<vmem_shared>>) target(%dma_start3A_205 : memref<640xf32, #tpu.memory_space<vmem>>) target_semaphore(%run_scoped3A_198 : memref<!tpu.dma_semaphore, #tpu.memory_space<semaphore_mem>>)
      %dma_wait3A = arith.constant 0 : i32
      %dma_wait3A_208 = tpu.memref_slice %arg9[%run_scoped3A_134, %dma_wait3A] : memref<16x640xf32, #tpu.memory_space<vmem>> -> memref<1x640xf32, #tpu.memory_space<vmem>>
      %dma_wait3A_209 = tpu.memref_squeeze %dma_wait3A_208 : memref<1x640xf32, #tpu.memory_space<vmem>> -> memref<640xf32, #tpu.memory_space<vmem>>
      %dma_wait3A_210 = tpu.memref_slice %arg11[%run_scoped3A_132, %run_scoped3A_133, %mul3A_131] : memref<16x2x10240xf32, #tpu.memory_space<vmem_shared>> -> memref<1x1x640xf32, #tpu.memory_space<vmem_shared>>
      %dma_wait3A_211 = tpu.memref_squeeze %dma_wait3A_210 : memref<1x1x640xf32, #tpu.memory_space<vmem_shared>> -> memref<640xf32, #tpu.memory_space<vmem_shared>>
      %dma_wait3A_212 = arith.constant 0 : i32
      %dma_wait3A_213 = tpu.memref_slice %arg9[%run_scoped3A_134, %dma_wait3A_212] : memref<16x640xf32, #tpu.memory_space<vmem>> -> memref<1x640xf32, #tpu.memory_space<vmem>>
      %dma_wait3A_214 = tpu.memref_squeeze %dma_wait3A_213 : memref<1x640xf32, #tpu.memory_space<vmem>> -> memref<640xf32, #tpu.memory_space<vmem>>
      %dma_wait3A_215 = tpu.memref_slice %arg11[%run_scoped3A_132, %run_scoped3A_133, %mul3A_131] : memref<16x2x10240xf32, #tpu.memory_space<vmem_shared>> -> memref<1x1x640xf32, #tpu.memory_space<vmem_shared>>
      %dma_wait3A_216 = tpu.memref_squeeze %dma_wait3A_215 : memref<1x1x640xf32, #tpu.memory_space<vmem_shared>> -> memref<640xf32, #tpu.memory_space<vmem_shared>>
      tpu.wait_dma2 semaphore(%run_scoped3A_198 : memref<!tpu.dma_semaphore, #tpu.memory_space<semaphore_mem>>) src(%dma_wait3A_216 : memref<640xf32, #tpu.memory_space<vmem_shared>>) dst(%dma_wait3A_214 : memref<640xf32, #tpu.memory_space<vmem>>)
      tpu.yield
    }) : () -> ()
    %mul3A_135 = arith.constant 640 : i32
    %mul3A_136 = arith.muli %arg1, %mul3A_135 : i32
    %run_scoped3A_137 = arith.constant 5 : i32
    %run_scoped3A_138 = arith.constant 1 : i32
    %run_scoped3A_139 = arith.constant 5 : i32
    "tpu.region"() ({
      %run_scoped3A_198 = tpu.sem_alloc : memref<!tpu.dma_semaphore, #tpu.memory_space<semaphore_mem>>
      %dma_start3A = arith.constant 0 : i32
      %dma_start3A_199 = tpu.memref_slice %arg9[%run_scoped3A_139, %dma_start3A] : memref<16x640xf32, #tpu.memory_space<vmem>> -> memref<1x640xf32, #tpu.memory_space<vmem>>
      %dma_start3A_200 = tpu.memref_squeeze %dma_start3A_199 : memref<1x640xf32, #tpu.memory_space<vmem>> -> memref<640xf32, #tpu.memory_space<vmem>>
      %dma_start3A_201 = tpu.memref_slice %arg11[%run_scoped3A_137, %run_scoped3A_138, %mul3A_136] : memref<16x2x10240xf32, #tpu.memory_space<vmem_shared>> -> memref<1x1x640xf32, #tpu.memory_space<vmem_shared>>
      %dma_start3A_202 = tpu.memref_squeeze %dma_start3A_201 : memref<1x1x640xf32, #tpu.memory_space<vmem_shared>> -> memref<640xf32, #tpu.memory_space<vmem_shared>>
      %dma_start3A_203 = arith.constant 0 : i32
      %dma_start3A_204 = tpu.memref_slice %arg9[%run_scoped3A_139, %dma_start3A_203] : memref<16x640xf32, #tpu.memory_space<vmem>> -> memref<1x640xf32, #tpu.memory_space<vmem>>
      %dma_start3A_205 = tpu.memref_squeeze %dma_start3A_204 : memref<1x640xf32, #tpu.memory_space<vmem>> -> memref<640xf32, #tpu.memory_space<vmem>>
      %dma_start3A_206 = tpu.memref_slice %arg11[%run_scoped3A_137, %run_scoped3A_138, %mul3A_136] : memref<16x2x10240xf32, #tpu.memory_space<vmem_shared>> -> memref<1x1x640xf32, #tpu.memory_space<vmem_shared>>
      %dma_start3A_207 = tpu.memref_squeeze %dma_start3A_206 : memref<1x1x640xf32, #tpu.memory_space<vmem_shared>> -> memref<640xf32, #tpu.memory_space<vmem_shared>>
      tpu.enqueue_dma source(%dma_start3A_207 : memref<640xf32, #tpu.memory_space<vmem_shared>>) target(%dma_start3A_205 : memref<640xf32, #tpu.memory_space<vmem>>) target_semaphore(%run_scoped3A_198 : memref<!tpu.dma_semaphore, #tpu.memory_space<semaphore_mem>>)
      %dma_wait3A = arith.constant 0 : i32
      %dma_wait3A_208 = tpu.memref_slice %arg9[%run_scoped3A_139, %dma_wait3A] : memref<16x640xf32, #tpu.memory_space<vmem>> -> memref<1x640xf32, #tpu.memory_space<vmem>>
      %dma_wait3A_209 = tpu.memref_squeeze %dma_wait3A_208 : memref<1x640xf32, #tpu.memory_space<vmem>> -> memref<640xf32, #tpu.memory_space<vmem>>
      %dma_wait3A_210 = tpu.memref_slice %arg11[%run_scoped3A_137, %run_scoped3A_138, %mul3A_136] : memref<16x2x10240xf32, #tpu.memory_space<vmem_shared>> -> memref<1x1x640xf32, #tpu.memory_space<vmem_shared>>
      %dma_wait3A_211 = tpu.memref_squeeze %dma_wait3A_210 : memref<1x1x640xf32, #tpu.memory_space<vmem_shared>> -> memref<640xf32, #tpu.memory_space<vmem_shared>>
      %dma_wait3A_212 = arith.constant 0 : i32
      %dma_wait3A_213 = tpu.memref_slice %arg9[%run_scoped3A_139, %dma_wait3A_212] : memref<16x640xf32, #tpu.memory_space<vmem>> -> memref<1x640xf32, #tpu.memory_space<vmem>>
      %dma_wait3A_214 = tpu.memref_squeeze %dma_wait3A_213 : memref<1x640xf32, #tpu.memory_space<vmem>> -> memref<640xf32, #tpu.memory_space<vmem>>
      %dma_wait3A_215 = tpu.memref_slice %arg11[%run_scoped3A_137, %run_scoped3A_138, %mul3A_136] : memref<16x2x10240xf32, #tpu.memory_space<vmem_shared>> -> memref<1x1x640xf32, #tpu.memory_space<vmem_shared>>
      %dma_wait3A_216 = tpu.memref_squeeze %dma_wait3A_215 : memref<1x1x640xf32, #tpu.memory_space<vmem_shared>> -> memref<640xf32, #tpu.memory_space<vmem_shared>>
      tpu.wait_dma2 semaphore(%run_scoped3A_198 : memref<!tpu.dma_semaphore, #tpu.memory_space<semaphore_mem>>) src(%dma_wait3A_216 : memref<640xf32, #tpu.memory_space<vmem_shared>>) dst(%dma_wait3A_214 : memref<640xf32, #tpu.memory_space<vmem>>)
      tpu.yield
    }) : () -> ()
    %mul3A_140 = arith.constant 640 : i32
    %mul3A_141 = arith.muli %arg1, %mul3A_140 : i32
    %run_scoped3A_142 = arith.constant 6 : i32
    %run_scoped3A_143 = arith.constant 1 : i32
    %run_scoped3A_144 = arith.constant 6 : i32
    "tpu.region"() ({
      %run_scoped3A_198 = tpu.sem_alloc : memref<!tpu.dma_semaphore, #tpu.memory_space<semaphore_mem>>
      %dma_start3A = arith.constant 0 : i32
      %dma_start3A_199 = tpu.memref_slice %arg9[%run_scoped3A_144, %dma_start3A] : memref<16x640xf32, #tpu.memory_space<vmem>> -> memref<1x640xf32, #tpu.memory_space<vmem>>
      %dma_start3A_200 = tpu.memref_squeeze %dma_start3A_199 : memref<1x640xf32, #tpu.memory_space<vmem>> -> memref<640xf32, #tpu.memory_space<vmem>>
      %dma_start3A_201 = tpu.memref_slice %arg11[%run_scoped3A_142, %run_scoped3A_143, %mul3A_141] : memref<16x2x10240xf32, #tpu.memory_space<vmem_shared>> -> memref<1x1x640xf32, #tpu.memory_space<vmem_shared>>
      %dma_start3A_202 = tpu.memref_squeeze %dma_start3A_201 : memref<1x1x640xf32, #tpu.memory_space<vmem_shared>> -> memref<640xf32, #tpu.memory_space<vmem_shared>>
      %dma_start3A_203 = arith.constant 0 : i32
      %dma_start3A_204 = tpu.memref_slice %arg9[%run_scoped3A_144, %dma_start3A_203] : memref<16x640xf32, #tpu.memory_space<vmem>> -> memref<1x640xf32, #tpu.memory_space<vmem>>
      %dma_start3A_205 = tpu.memref_squeeze %dma_start3A_204 : memref<1x640xf32, #tpu.memory_space<vmem>> -> memref<640xf32, #tpu.memory_space<vmem>>
      %dma_start3A_206 = tpu.memref_slice %arg11[%run_scoped3A_142, %run_scoped3A_143, %mul3A_141] : memref<16x2x10240xf32, #tpu.memory_space<vmem_shared>> -> memref<1x1x640xf32, #tpu.memory_space<vmem_shared>>
      %dma_start3A_207 = tpu.memref_squeeze %dma_start3A_206 : memref<1x1x640xf32, #tpu.memory_space<vmem_shared>> -> memref<640xf32, #tpu.memory_space<vmem_shared>>
      tpu.enqueue_dma source(%dma_start3A_207 : memref<640xf32, #tpu.memory_space<vmem_shared>>) target(%dma_start3A_205 : memref<640xf32, #tpu.memory_space<vmem>>) target_semaphore(%run_scoped3A_198 : memref<!tpu.dma_semaphore, #tpu.memory_space<semaphore_mem>>)
      %dma_wait3A = arith.constant 0 : i32
      %dma_wait3A_208 = tpu.memref_slice %arg9[%run_scoped3A_144, %dma_wait3A] : memref<16x640xf32, #tpu.memory_space<vmem>> -> memref<1x640xf32, #tpu.memory_space<vmem>>
      %dma_wait3A_209 = tpu.memref_squeeze %dma_wait3A_208 : memref<1x640xf32, #tpu.memory_space<vmem>> -> memref<640xf32, #tpu.memory_space<vmem>>
      %dma_wait3A_210 = tpu.memref_slice %arg11[%run_scoped3A_142, %run_scoped3A_143, %mul3A_141] : memref<16x2x10240xf32, #tpu.memory_space<vmem_shared>> -> memref<1x1x640xf32, #tpu.memory_space<vmem_shared>>
      %dma_wait3A_211 = tpu.memref_squeeze %dma_wait3A_210 : memref<1x1x640xf32, #tpu.memory_space<vmem_shared>> -> memref<640xf32, #tpu.memory_space<vmem_shared>>
      %dma_wait3A_212 = arith.constant 0 : i32
      %dma_wait3A_213 = tpu.memref_slice %arg9[%run_scoped3A_144, %dma_wait3A_212] : memref<16x640xf32, #tpu.memory_space<vmem>> -> memref<1x640xf32, #tpu.memory_space<vmem>>
      %dma_wait3A_214 = tpu.memref_squeeze %dma_wait3A_213 : memref<1x640xf32, #tpu.memory_space<vmem>> -> memref<640xf32, #tpu.memory_space<vmem>>
      %dma_wait3A_215 = tpu.memref_slice %arg11[%run_scoped3A_142, %run_scoped3A_143, %mul3A_141] : memref<16x2x10240xf32, #tpu.memory_space<vmem_shared>> -> memref<1x1x640xf32, #tpu.memory_space<vmem_shared>>
      %dma_wait3A_216 = tpu.memref_squeeze %dma_wait3A_215 : memref<1x1x640xf32, #tpu.memory_space<vmem_shared>> -> memref<640xf32, #tpu.memory_space<vmem_shared>>
      tpu.wait_dma2 semaphore(%run_scoped3A_198 : memref<!tpu.dma_semaphore, #tpu.memory_space<semaphore_mem>>) src(%dma_wait3A_216 : memref<640xf32, #tpu.memory_space<vmem_shared>>) dst(%dma_wait3A_214 : memref<640xf32, #tpu.memory_space<vmem>>)
      tpu.yield
    }) : () -> ()
    %mul3A_145 = arith.constant 640 : i32
    %mul3A_146 = arith.muli %arg1, %mul3A_145 : i32
    %run_scoped3A_147 = arith.constant 7 : i32
    %run_scoped3A_148 = arith.constant 1 : i32
    %run_scoped3A_149 = arith.constant 7 : i32
    "tpu.region"() ({
      %run_scoped3A_198 = tpu.sem_alloc : memref<!tpu.dma_semaphore, #tpu.memory_space<semaphore_mem>>
      %dma_start3A = arith.constant 0 : i32
      %dma_start3A_199 = tpu.memref_slice %arg9[%run_scoped3A_149, %dma_start3A] : memref<16x640xf32, #tpu.memory_space<vmem>> -> memref<1x640xf32, #tpu.memory_space<vmem>>
      %dma_start3A_200 = tpu.memref_squeeze %dma_start3A_199 : memref<1x640xf32, #tpu.memory_space<vmem>> -> memref<640xf32, #tpu.memory_space<vmem>>
      %dma_start3A_201 = tpu.memref_slice %arg11[%run_scoped3A_147, %run_scoped3A_148, %mul3A_146] : memref<16x2x10240xf32, #tpu.memory_space<vmem_shared>> -> memref<1x1x640xf32, #tpu.memory_space<vmem_shared>>
      %dma_start3A_202 = tpu.memref_squeeze %dma_start3A_201 : memref<1x1x640xf32, #tpu.memory_space<vmem_shared>> -> memref<640xf32, #tpu.memory_space<vmem_shared>>
      %dma_start3A_203 = arith.constant 0 : i32
      %dma_start3A_204 = tpu.memref_slice %arg9[%run_scoped3A_149, %dma_start3A_203] : memref<16x640xf32, #tpu.memory_space<vmem>> -> memref<1x640xf32, #tpu.memory_space<vmem>>
      %dma_start3A_205 = tpu.memref_squeeze %dma_start3A_204 : memref<1x640xf32, #tpu.memory_space<vmem>> -> memref<640xf32, #tpu.memory_space<vmem>>
      %dma_start3A_206 = tpu.memref_slice %arg11[%run_scoped3A_147, %run_scoped3A_148, %mul3A_146] : memref<16x2x10240xf32, #tpu.memory_space<vmem_shared>> -> memref<1x1x640xf32, #tpu.memory_space<vmem_shared>>
      %dma_start3A_207 = tpu.memref_squeeze %dma_start3A_206 : memref<1x1x640xf32, #tpu.memory_space<vmem_shared>> -> memref<640xf32, #tpu.memory_space<vmem_shared>>
      tpu.enqueue_dma source(%dma_start3A_207 : memref<640xf32, #tpu.memory_space<vmem_shared>>) target(%dma_start3A_205 : memref<640xf32, #tpu.memory_space<vmem>>) target_semaphore(%run_scoped3A_198 : memref<!tpu.dma_semaphore, #tpu.memory_space<semaphore_mem>>)
      %dma_wait3A = arith.constant 0 : i32
      %dma_wait3A_208 = tpu.memref_slice %arg9[%run_scoped3A_149, %dma_wait3A] : memref<16x640xf32, #tpu.memory_space<vmem>> -> memref<1x640xf32, #tpu.memory_space<vmem>>
      %dma_wait3A_209 = tpu.memref_squeeze %dma_wait3A_208 : memref<1x640xf32, #tpu.memory_space<vmem>> -> memref<640xf32, #tpu.memory_space<vmem>>
      %dma_wait3A_210 = tpu.memref_slice %arg11[%run_scoped3A_147, %run_scoped3A_148, %mul3A_146] : memref<16x2x10240xf32, #tpu.memory_space<vmem_shared>> -> memref<1x1x640xf32, #tpu.memory_space<vmem_shared>>
      %dma_wait3A_211 = tpu.memref_squeeze %dma_wait3A_210 : memref<1x1x640xf32, #tpu.memory_space<vmem_shared>> -> memref<640xf32, #tpu.memory_space<vmem_shared>>
      %dma_wait3A_212 = arith.constant 0 : i32
      %dma_wait3A_213 = tpu.memref_slice %arg9[%run_scoped3A_149, %dma_wait3A_212] : memref<16x640xf32, #tpu.memory_space<vmem>> -> memref<1x640xf32, #tpu.memory_space<vmem>>
      %dma_wait3A_214 = tpu.memref_squeeze %dma_wait3A_213 : memref<1x640xf32, #tpu.memory_space<vmem>> -> memref<640xf32, #tpu.memory_space<vmem>>
      %dma_wait3A_215 = tpu.memref_slice %arg11[%run_scoped3A_147, %run_scoped3A_148, %mul3A_146] : memref<16x2x10240xf32, #tpu.memory_space<vmem_shared>> -> memref<1x1x640xf32, #tpu.memory_space<vmem_shared>>
      %dma_wait3A_216 = tpu.memref_squeeze %dma_wait3A_215 : memref<1x1x640xf32, #tpu.memory_space<vmem_shared>> -> memref<640xf32, #tpu.memory_space<vmem_shared>>
      tpu.wait_dma2 semaphore(%run_scoped3A_198 : memref<!tpu.dma_semaphore, #tpu.memory_space<semaphore_mem>>) src(%dma_wait3A_216 : memref<640xf32, #tpu.memory_space<vmem_shared>>) dst(%dma_wait3A_214 : memref<640xf32, #tpu.memory_space<vmem>>)
      tpu.yield
    }) : () -> ()
    %mul3A_150 = arith.constant 640 : i32
    %mul3A_151 = arith.muli %arg1, %mul3A_150 : i32
    %run_scoped3A_152 = arith.constant 8 : i32
    %run_scoped3A_153 = arith.constant 1 : i32
    %run_scoped3A_154 = arith.constant 8 : i32
    "tpu.region"() ({
      %run_scoped3A_198 = tpu.sem_alloc : memref<!tpu.dma_semaphore, #tpu.memory_space<semaphore_mem>>
      %dma_start3A = arith.constant 0 : i32
      %dma_start3A_199 = tpu.memref_slice %arg9[%run_scoped3A_154, %dma_start3A] : memref<16x640xf32, #tpu.memory_space<vmem>> -> memref<1x640xf32, #tpu.memory_space<vmem>>
      %dma_start3A_200 = tpu.memref_squeeze %dma_start3A_199 : memref<1x640xf32, #tpu.memory_space<vmem>> -> memref<640xf32, #tpu.memory_space<vmem>>
      %dma_start3A_201 = tpu.memref_slice %arg11[%run_scoped3A_152, %run_scoped3A_153, %mul3A_151] : memref<16x2x10240xf32, #tpu.memory_space<vmem_shared>> -> memref<1x1x640xf32, #tpu.memory_space<vmem_shared>>
      %dma_start3A_202 = tpu.memref_squeeze %dma_start3A_201 : memref<1x1x640xf32, #tpu.memory_space<vmem_shared>> -> memref<640xf32, #tpu.memory_space<vmem_shared>>
      %dma_start3A_203 = arith.constant 0 : i32
      %dma_start3A_204 = tpu.memref_slice %arg9[%run_scoped3A_154, %dma_start3A_203] : memref<16x640xf32, #tpu.memory_space<vmem>> -> memref<1x640xf32, #tpu.memory_space<vmem>>
      %dma_start3A_205 = tpu.memref_squeeze %dma_start3A_204 : memref<1x640xf32, #tpu.memory_space<vmem>> -> memref<640xf32, #tpu.memory_space<vmem>>
      %dma_start3A_206 = tpu.memref_slice %arg11[%run_scoped3A_152, %run_scoped3A_153, %mul3A_151] : memref<16x2x10240xf32, #tpu.memory_space<vmem_shared>> -> memref<1x1x640xf32, #tpu.memory_space<vmem_shared>>
      %dma_start3A_207 = tpu.memref_squeeze %dma_start3A_206 : memref<1x1x640xf32, #tpu.memory_space<vmem_shared>> -> memref<640xf32, #tpu.memory_space<vmem_shared>>
      tpu.enqueue_dma source(%dma_start3A_207 : memref<640xf32, #tpu.memory_space<vmem_shared>>) target(%dma_start3A_205 : memref<640xf32, #tpu.memory_space<vmem>>) target_semaphore(%run_scoped3A_198 : memref<!tpu.dma_semaphore, #tpu.memory_space<semaphore_mem>>)
      %dma_wait3A = arith.constant 0 : i32
      %dma_wait3A_208 = tpu.memref_slice %arg9[%run_scoped3A_154, %dma_wait3A] : memref<16x640xf32, #tpu.memory_space<vmem>> -> memref<1x640xf32, #tpu.memory_space<vmem>>
      %dma_wait3A_209 = tpu.memref_squeeze %dma_wait3A_208 : memref<1x640xf32, #tpu.memory_space<vmem>> -> memref<640xf32, #tpu.memory_space<vmem>>
      %dma_wait3A_210 = tpu.memref_slice %arg11[%run_scoped3A_152, %run_scoped3A_153, %mul3A_151] : memref<16x2x10240xf32, #tpu.memory_space<vmem_shared>> -> memref<1x1x640xf32, #tpu.memory_space<vmem_shared>>
      %dma_wait3A_211 = tpu.memref_squeeze %dma_wait3A_210 : memref<1x1x640xf32, #tpu.memory_space<vmem_shared>> -> memref<640xf32, #tpu.memory_space<vmem_shared>>
      %dma_wait3A_212 = arith.constant 0 : i32
      %dma_wait3A_213 = tpu.memref_slice %arg9[%run_scoped3A_154, %dma_wait3A_212] : memref<16x640xf32, #tpu.memory_space<vmem>> -> memref<1x640xf32, #tpu.memory_space<vmem>>
      %dma_wait3A_214 = tpu.memref_squeeze %dma_wait3A_213 : memref<1x640xf32, #tpu.memory_space<vmem>> -> memref<640xf32, #tpu.memory_space<vmem>>
      %dma_wait3A_215 = tpu.memref_slice %arg11[%run_scoped3A_152, %run_scoped3A_153, %mul3A_151] : memref<16x2x10240xf32, #tpu.memory_space<vmem_shared>> -> memref<1x1x640xf32, #tpu.memory_space<vmem_shared>>
      %dma_wait3A_216 = tpu.memref_squeeze %dma_wait3A_215 : memref<1x1x640xf32, #tpu.memory_space<vmem_shared>> -> memref<640xf32, #tpu.memory_space<vmem_shared>>
      tpu.wait_dma2 semaphore(%run_scoped3A_198 : memref<!tpu.dma_semaphore, #tpu.memory_space<semaphore_mem>>) src(%dma_wait3A_216 : memref<640xf32, #tpu.memory_space<vmem_shared>>) dst(%dma_wait3A_214 : memref<640xf32, #tpu.memory_space<vmem>>)
      tpu.yield
    }) : () -> ()
    %mul3A_155 = arith.constant 640 : i32
    %mul3A_156 = arith.muli %arg1, %mul3A_155 : i32
    %run_scoped3A_157 = arith.constant 9 : i32
    %run_scoped3A_158 = arith.constant 1 : i32
    %run_scoped3A_159 = arith.constant 9 : i32
    "tpu.region"() ({
      %run_scoped3A_198 = tpu.sem_alloc : memref<!tpu.dma_semaphore, #tpu.memory_space<semaphore_mem>>
      %dma_start3A = arith.constant 0 : i32
      %dma_start3A_199 = tpu.memref_slice %arg9[%run_scoped3A_159, %dma_start3A] : memref<16x640xf32, #tpu.memory_space<vmem>> -> memref<1x640xf32, #tpu.memory_space<vmem>>
      %dma_start3A_200 = tpu.memref_squeeze %dma_start3A_199 : memref<1x640xf32, #tpu.memory_space<vmem>> -> memref<640xf32, #tpu.memory_space<vmem>>
      %dma_start3A_201 = tpu.memref_slice %arg11[%run_scoped3A_157, %run_scoped3A_158, %mul3A_156] : memref<16x2x10240xf32, #tpu.memory_space<vmem_shared>> -> memref<1x1x640xf32, #tpu.memory_space<vmem_shared>>
      %dma_start3A_202 = tpu.memref_squeeze %dma_start3A_201 : memref<1x1x640xf32, #tpu.memory_space<vmem_shared>> -> memref<640xf32, #tpu.memory_space<vmem_shared>>
      %dma_start3A_203 = arith.constant 0 : i32
      %dma_start3A_204 = tpu.memref_slice %arg9[%run_scoped3A_159, %dma_start3A_203] : memref<16x640xf32, #tpu.memory_space<vmem>> -> memref<1x640xf32, #tpu.memory_space<vmem>>
      %dma_start3A_205 = tpu.memref_squeeze %dma_start3A_204 : memref<1x640xf32, #tpu.memory_space<vmem>> -> memref<640xf32, #tpu.memory_space<vmem>>
      %dma_start3A_206 = tpu.memref_slice %arg11[%run_scoped3A_157, %run_scoped3A_158, %mul3A_156] : memref<16x2x10240xf32, #tpu.memory_space<vmem_shared>> -> memref<1x1x640xf32, #tpu.memory_space<vmem_shared>>
      %dma_start3A_207 = tpu.memref_squeeze %dma_start3A_206 : memref<1x1x640xf32, #tpu.memory_space<vmem_shared>> -> memref<640xf32, #tpu.memory_space<vmem_shared>>
      tpu.enqueue_dma source(%dma_start3A_207 : memref<640xf32, #tpu.memory_space<vmem_shared>>) target(%dma_start3A_205 : memref<640xf32, #tpu.memory_space<vmem>>) target_semaphore(%run_scoped3A_198 : memref<!tpu.dma_semaphore, #tpu.memory_space<semaphore_mem>>)
      %dma_wait3A = arith.constant 0 : i32
      %dma_wait3A_208 = tpu.memref_slice %arg9[%run_scoped3A_159, %dma_wait3A] : memref<16x640xf32, #tpu.memory_space<vmem>> -> memref<1x640xf32, #tpu.memory_space<vmem>>
      %dma_wait3A_209 = tpu.memref_squeeze %dma_wait3A_208 : memref<1x640xf32, #tpu.memory_space<vmem>> -> memref<640xf32, #tpu.memory_space<vmem>>
      %dma_wait3A_210 = tpu.memref_slice %arg11[%run_scoped3A_157, %run_scoped3A_158, %mul3A_156] : memref<16x2x10240xf32, #tpu.memory_space<vmem_shared>> -> memref<1x1x640xf32, #tpu.memory_space<vmem_shared>>
      %dma_wait3A_211 = tpu.memref_squeeze %dma_wait3A_210 : memref<1x1x640xf32, #tpu.memory_space<vmem_shared>> -> memref<640xf32, #tpu.memory_space<vmem_shared>>
      %dma_wait3A_212 = arith.constant 0 : i32
      %dma_wait3A_213 = tpu.memref_slice %arg9[%run_scoped3A_159, %dma_wait3A_212] : memref<16x640xf32, #tpu.memory_space<vmem>> -> memref<1x640xf32, #tpu.memory_space<vmem>>
      %dma_wait3A_214 = tpu.memref_squeeze %dma_wait3A_213 : memref<1x640xf32, #tpu.memory_space<vmem>> -> memref<640xf32, #tpu.memory_space<vmem>>
      %dma_wait3A_215 = tpu.memref_slice %arg11[%run_scoped3A_157, %run_scoped3A_158, %mul3A_156] : memref<16x2x10240xf32, #tpu.memory_space<vmem_shared>> -> memref<1x1x640xf32, #tpu.memory_space<vmem_shared>>
      %dma_wait3A_216 = tpu.memref_squeeze %dma_wait3A_215 : memref<1x1x640xf32, #tpu.memory_space<vmem_shared>> -> memref<640xf32, #tpu.memory_space<vmem_shared>>
      tpu.wait_dma2 semaphore(%run_scoped3A_198 : memref<!tpu.dma_semaphore, #tpu.memory_space<semaphore_mem>>) src(%dma_wait3A_216 : memref<640xf32, #tpu.memory_space<vmem_shared>>) dst(%dma_wait3A_214 : memref<640xf32, #tpu.memory_space<vmem>>)
      tpu.yield
    }) : () -> ()
    %mul3A_160 = arith.constant 640 : i32
    %mul3A_161 = arith.muli %arg1, %mul3A_160 : i32
    %run_scoped3A_162 = arith.constant 10 : i32
    %run_scoped3A_163 = arith.constant 1 : i32
    %run_scoped3A_164 = arith.constant 10 : i32
    "tpu.region"() ({
      %run_scoped3A_198 = tpu.sem_alloc : memref<!tpu.dma_semaphore, #tpu.memory_space<semaphore_mem>>
      %dma_start3A = arith.constant 0 : i32
      %dma_start3A_199 = tpu.memref_slice %arg9[%run_scoped3A_164, %dma_start3A] : memref<16x640xf32, #tpu.memory_space<vmem>> -> memref<1x640xf32, #tpu.memory_space<vmem>>
      %dma_start3A_200 = tpu.memref_squeeze %dma_start3A_199 : memref<1x640xf32, #tpu.memory_space<vmem>> -> memref<640xf32, #tpu.memory_space<vmem>>
      %dma_start3A_201 = tpu.memref_slice %arg11[%run_scoped3A_162, %run_scoped3A_163, %mul3A_161] : memref<16x2x10240xf32, #tpu.memory_space<vmem_shared>> -> memref<1x1x640xf32, #tpu.memory_space<vmem_shared>>
      %dma_start3A_202 = tpu.memref_squeeze %dma_start3A_201 : memref<1x1x640xf32, #tpu.memory_space<vmem_shared>> -> memref<640xf32, #tpu.memory_space<vmem_shared>>
      %dma_start3A_203 = arith.constant 0 : i32
      %dma_start3A_204 = tpu.memref_slice %arg9[%run_scoped3A_164, %dma_start3A_203] : memref<16x640xf32, #tpu.memory_space<vmem>> -> memref<1x640xf32, #tpu.memory_space<vmem>>
      %dma_start3A_205 = tpu.memref_squeeze %dma_start3A_204 : memref<1x640xf32, #tpu.memory_space<vmem>> -> memref<640xf32, #tpu.memory_space<vmem>>
      %dma_start3A_206 = tpu.memref_slice %arg11[%run_scoped3A_162, %run_scoped3A_163, %mul3A_161] : memref<16x2x10240xf32, #tpu.memory_space<vmem_shared>> -> memref<1x1x640xf32, #tpu.memory_space<vmem_shared>>
      %dma_start3A_207 = tpu.memref_squeeze %dma_start3A_206 : memref<1x1x640xf32, #tpu.memory_space<vmem_shared>> -> memref<640xf32, #tpu.memory_space<vmem_shared>>
      tpu.enqueue_dma source(%dma_start3A_207 : memref<640xf32, #tpu.memory_space<vmem_shared>>) target(%dma_start3A_205 : memref<640xf32, #tpu.memory_space<vmem>>) target_semaphore(%run_scoped3A_198 : memref<!tpu.dma_semaphore, #tpu.memory_space<semaphore_mem>>)
      %dma_wait3A = arith.constant 0 : i32
      %dma_wait3A_208 = tpu.memref_slice %arg9[%run_scoped3A_164, %dma_wait3A] : memref<16x640xf32, #tpu.memory_space<vmem>> -> memref<1x640xf32, #tpu.memory_space<vmem>>
      %dma_wait3A_209 = tpu.memref_squeeze %dma_wait3A_208 : memref<1x640xf32, #tpu.memory_space<vmem>> -> memref<640xf32, #tpu.memory_space<vmem>>
      %dma_wait3A_210 = tpu.memref_slice %arg11[%run_scoped3A_162, %run_scoped3A_163, %mul3A_161] : memref<16x2x10240xf32, #tpu.memory_space<vmem_shared>> -> memref<1x1x640xf32, #tpu.memory_space<vmem_shared>>
      %dma_wait3A_211 = tpu.memref_squeeze %dma_wait3A_210 : memref<1x1x640xf32, #tpu.memory_space<vmem_shared>> -> memref<640xf32, #tpu.memory_space<vmem_shared>>
      %dma_wait3A_212 = arith.constant 0 : i32
      %dma_wait3A_213 = tpu.memref_slice %arg9[%run_scoped3A_164, %dma_wait3A_212] : memref<16x640xf32, #tpu.memory_space<vmem>> -> memref<1x640xf32, #tpu.memory_space<vmem>>
      %dma_wait3A_214 = tpu.memref_squeeze %dma_wait3A_213 : memref<1x640xf32, #tpu.memory_space<vmem>> -> memref<640xf32, #tpu.memory_space<vmem>>
      %dma_wait3A_215 = tpu.memref_slice %arg11[%run_scoped3A_162, %run_scoped3A_163, %mul3A_161] : memref<16x2x10240xf32, #tpu.memory_space<vmem_shared>> -> memref<1x1x640xf32, #tpu.memory_space<vmem_shared>>
      %dma_wait3A_216 = tpu.memref_squeeze %dma_wait3A_215 : memref<1x1x640xf32, #tpu.memory_space<vmem_shared>> -> memref<640xf32, #tpu.memory_space<vmem_shared>>
      tpu.wait_dma2 semaphore(%run_scoped3A_198 : memref<!tpu.dma_semaphore, #tpu.memory_space<semaphore_mem>>) src(%dma_wait3A_216 : memref<640xf32, #tpu.memory_space<vmem_shared>>) dst(%dma_wait3A_214 : memref<640xf32, #tpu.memory_space<vmem>>)
      tpu.yield
    }) : () -> ()
    %mul3A_165 = arith.constant 640 : i32
    %mul3A_166 = arith.muli %arg1, %mul3A_165 : i32
    %run_scoped3A_167 = arith.constant 11 : i32
    %run_scoped3A_168 = arith.constant 1 : i32
    %run_scoped3A_169 = arith.constant 11 : i32
    "tpu.region"() ({
      %run_scoped3A_198 = tpu.sem_alloc : memref<!tpu.dma_semaphore, #tpu.memory_space<semaphore_mem>>
      %dma_start3A = arith.constant 0 : i32
      %dma_start3A_199 = tpu.memref_slice %arg9[%run_scoped3A_169, %dma_start3A] : memref<16x640xf32, #tpu.memory_space<vmem>> -> memref<1x640xf32, #tpu.memory_space<vmem>>
      %dma_start3A_200 = tpu.memref_squeeze %dma_start3A_199 : memref<1x640xf32, #tpu.memory_space<vmem>> -> memref<640xf32, #tpu.memory_space<vmem>>
      %dma_start3A_201 = tpu.memref_slice %arg11[%run_scoped3A_167, %run_scoped3A_168, %mul3A_166] : memref<16x2x10240xf32, #tpu.memory_space<vmem_shared>> -> memref<1x1x640xf32, #tpu.memory_space<vmem_shared>>
      %dma_start3A_202 = tpu.memref_squeeze %dma_start3A_201 : memref<1x1x640xf32, #tpu.memory_space<vmem_shared>> -> memref<640xf32, #tpu.memory_space<vmem_shared>>
      %dma_start3A_203 = arith.constant 0 : i32
      %dma_start3A_204 = tpu.memref_slice %arg9[%run_scoped3A_169, %dma_start3A_203] : memref<16x640xf32, #tpu.memory_space<vmem>> -> memref<1x640xf32, #tpu.memory_space<vmem>>
      %dma_start3A_205 = tpu.memref_squeeze %dma_start3A_204 : memref<1x640xf32, #tpu.memory_space<vmem>> -> memref<640xf32, #tpu.memory_space<vmem>>
      %dma_start3A_206 = tpu.memref_slice %arg11[%run_scoped3A_167, %run_scoped3A_168, %mul3A_166] : memref<16x2x10240xf32, #tpu.memory_space<vmem_shared>> -> memref<1x1x640xf32, #tpu.memory_space<vmem_shared>>
      %dma_start3A_207 = tpu.memref_squeeze %dma_start3A_206 : memref<1x1x640xf32, #tpu.memory_space<vmem_shared>> -> memref<640xf32, #tpu.memory_space<vmem_shared>>
      tpu.enqueue_dma source(%dma_start3A_207 : memref<640xf32, #tpu.memory_space<vmem_shared>>) target(%dma_start3A_205 : memref<640xf32, #tpu.memory_space<vmem>>) target_semaphore(%run_scoped3A_198 : memref<!tpu.dma_semaphore, #tpu.memory_space<semaphore_mem>>)
      %dma_wait3A = arith.constant 0 : i32
      %dma_wait3A_208 = tpu.memref_slice %arg9[%run_scoped3A_169, %dma_wait3A] : memref<16x640xf32, #tpu.memory_space<vmem>> -> memref<1x640xf32, #tpu.memory_space<vmem>>
      %dma_wait3A_209 = tpu.memref_squeeze %dma_wait3A_208 : memref<1x640xf32, #tpu.memory_space<vmem>> -> memref<640xf32, #tpu.memory_space<vmem>>
      %dma_wait3A_210 = tpu.memref_slice %arg11[%run_scoped3A_167, %run_scoped3A_168, %mul3A_166] : memref<16x2x10240xf32, #tpu.memory_space<vmem_shared>> -> memref<1x1x640xf32, #tpu.memory_space<vmem_shared>>
      %dma_wait3A_211 = tpu.memref_squeeze %dma_wait3A_210 : memref<1x1x640xf32, #tpu.memory_space<vmem_shared>> -> memref<640xf32, #tpu.memory_space<vmem_shared>>
      %dma_wait3A_212 = arith.constant 0 : i32
      %dma_wait3A_213 = tpu.memref_slice %arg9[%run_scoped3A_169, %dma_wait3A_212] : memref<16x640xf32, #tpu.memory_space<vmem>> -> memref<1x640xf32, #tpu.memory_space<vmem>>
      %dma_wait3A_214 = tpu.memref_squeeze %dma_wait3A_213 : memref<1x640xf32, #tpu.memory_space<vmem>> -> memref<640xf32, #tpu.memory_space<vmem>>
      %dma_wait3A_215 = tpu.memref_slice %arg11[%run_scoped3A_167, %run_scoped3A_168, %mul3A_166] : memref<16x2x10240xf32, #tpu.memory_space<vmem_shared>> -> memref<1x1x640xf32, #tpu.memory_space<vmem_shared>>
      %dma_wait3A_216 = tpu.memref_squeeze %dma_wait3A_215 : memref<1x1x640xf32, #tpu.memory_space<vmem_shared>> -> memref<640xf32, #tpu.memory_space<vmem_shared>>
      tpu.wait_dma2 semaphore(%run_scoped3A_198 : memref<!tpu.dma_semaphore, #tpu.memory_space<semaphore_mem>>) src(%dma_wait3A_216 : memref<640xf32, #tpu.memory_space<vmem_shared>>) dst(%dma_wait3A_214 : memref<640xf32, #tpu.memory_space<vmem>>)
      tpu.yield
    }) : () -> ()
    %mul3A_170 = arith.constant 640 : i32
    %mul3A_171 = arith.muli %arg1, %mul3A_170 : i32
    %run_scoped3A_172 = arith.constant 12 : i32
    %run_scoped3A_173 = arith.constant 1 : i32
    %run_scoped3A_174 = arith.constant 12 : i32
    "tpu.region"() ({
      %run_scoped3A_198 = tpu.sem_alloc : memref<!tpu.dma_semaphore, #tpu.memory_space<semaphore_mem>>
      %dma_start3A = arith.constant 0 : i32
      %dma_start3A_199 = tpu.memref_slice %arg9[%run_scoped3A_174, %dma_start3A] : memref<16x640xf32, #tpu.memory_space<vmem>> -> memref<1x640xf32, #tpu.memory_space<vmem>>
      %dma_start3A_200 = tpu.memref_squeeze %dma_start3A_199 : memref<1x640xf32, #tpu.memory_space<vmem>> -> memref<640xf32, #tpu.memory_space<vmem>>
      %dma_start3A_201 = tpu.memref_slice %arg11[%run_scoped3A_172, %run_scoped3A_173, %mul3A_171] : memref<16x2x10240xf32, #tpu.memory_space<vmem_shared>> -> memref<1x1x640xf32, #tpu.memory_space<vmem_shared>>
      %dma_start3A_202 = tpu.memref_squeeze %dma_start3A_201 : memref<1x1x640xf32, #tpu.memory_space<vmem_shared>> -> memref<640xf32, #tpu.memory_space<vmem_shared>>
      %dma_start3A_203 = arith.constant 0 : i32
      %dma_start3A_204 = tpu.memref_slice %arg9[%run_scoped3A_174, %dma_start3A_203] : memref<16x640xf32, #tpu.memory_space<vmem>> -> memref<1x640xf32, #tpu.memory_space<vmem>>
      %dma_start3A_205 = tpu.memref_squeeze %dma_start3A_204 : memref<1x640xf32, #tpu.memory_space<vmem>> -> memref<640xf32, #tpu.memory_space<vmem>>
      %dma_start3A_206 = tpu.memref_slice %arg11[%run_scoped3A_172, %run_scoped3A_173, %mul3A_171] : memref<16x2x10240xf32, #tpu.memory_space<vmem_shared>> -> memref<1x1x640xf32, #tpu.memory_space<vmem_shared>>
      %dma_start3A_207 = tpu.memref_squeeze %dma_start3A_206 : memref<1x1x640xf32, #tpu.memory_space<vmem_shared>> -> memref<640xf32, #tpu.memory_space<vmem_shared>>
      tpu.enqueue_dma source(%dma_start3A_207 : memref<640xf32, #tpu.memory_space<vmem_shared>>) target(%dma_start3A_205 : memref<640xf32, #tpu.memory_space<vmem>>) target_semaphore(%run_scoped3A_198 : memref<!tpu.dma_semaphore, #tpu.memory_space<semaphore_mem>>)
      %dma_wait3A = arith.constant 0 : i32
      %dma_wait3A_208 = tpu.memref_slice %arg9[%run_scoped3A_174, %dma_wait3A] : memref<16x640xf32, #tpu.memory_space<vmem>> -> memref<1x640xf32, #tpu.memory_space<vmem>>
      %dma_wait3A_209 = tpu.memref_squeeze %dma_wait3A_208 : memref<1x640xf32, #tpu.memory_space<vmem>> -> memref<640xf32, #tpu.memory_space<vmem>>
      %dma_wait3A_210 = tpu.memref_slice %arg11[%run_scoped3A_172, %run_scoped3A_173, %mul3A_171] : memref<16x2x10240xf32, #tpu.memory_space<vmem_shared>> -> memref<1x1x640xf32, #tpu.memory_space<vmem_shared>>
      %dma_wait3A_211 = tpu.memref_squeeze %dma_wait3A_210 : memref<1x1x640xf32, #tpu.memory_space<vmem_shared>> -> memref<640xf32, #tpu.memory_space<vmem_shared>>
      %dma_wait3A_212 = arith.constant 0 : i32
      %dma_wait3A_213 = tpu.memref_slice %arg9[%run_scoped3A_174, %dma_wait3A_212] : memref<16x640xf32, #tpu.memory_space<vmem>> -> memref<1x640xf32, #tpu.memory_space<vmem>>
      %dma_wait3A_214 = tpu.memref_squeeze %dma_wait3A_213 : memref<1x640xf32, #tpu.memory_space<vmem>> -> memref<640xf32, #tpu.memory_space<vmem>>
      %dma_wait3A_215 = tpu.memref_slice %arg11[%run_scoped3A_172, %run_scoped3A_173, %mul3A_171] : memref<16x2x10240xf32, #tpu.memory_space<vmem_shared>> -> memref<1x1x640xf32, #tpu.memory_space<vmem_shared>>
      %dma_wait3A_216 = tpu.memref_squeeze %dma_wait3A_215 : memref<1x1x640xf32, #tpu.memory_space<vmem_shared>> -> memref<640xf32, #tpu.memory_space<vmem_shared>>
      tpu.wait_dma2 semaphore(%run_scoped3A_198 : memref<!tpu.dma_semaphore, #tpu.memory_space<semaphore_mem>>) src(%dma_wait3A_216 : memref<640xf32, #tpu.memory_space<vmem_shared>>) dst(%dma_wait3A_214 : memref<640xf32, #tpu.memory_space<vmem>>)
      tpu.yield
    }) : () -> ()
    %mul3A_175 = arith.constant 640 : i32
    %mul3A_176 = arith.muli %arg1, %mul3A_175 : i32
    %run_scoped3A_177 = arith.constant 13 : i32
    %run_scoped3A_178 = arith.constant 1 : i32
    %run_scoped3A_179 = arith.constant 13 : i32
    "tpu.region"() ({
      %run_scoped3A_198 = tpu.sem_alloc : memref<!tpu.dma_semaphore, #tpu.memory_space<semaphore_mem>>
      %dma_start3A = arith.constant 0 : i32
      %dma_start3A_199 = tpu.memref_slice %arg9[%run_scoped3A_179, %dma_start3A] : memref<16x640xf32, #tpu.memory_space<vmem>> -> memref<1x640xf32, #tpu.memory_space<vmem>>
      %dma_start3A_200 = tpu.memref_squeeze %dma_start3A_199 : memref<1x640xf32, #tpu.memory_space<vmem>> -> memref<640xf32, #tpu.memory_space<vmem>>
      %dma_start3A_201 = tpu.memref_slice %arg11[%run_scoped3A_177, %run_scoped3A_178, %mul3A_176] : memref<16x2x10240xf32, #tpu.memory_space<vmem_shared>> -> memref<1x1x640xf32, #tpu.memory_space<vmem_shared>>
      %dma_start3A_202 = tpu.memref_squeeze %dma_start3A_201 : memref<1x1x640xf32, #tpu.memory_space<vmem_shared>> -> memref<640xf32, #tpu.memory_space<vmem_shared>>
      %dma_start3A_203 = arith.constant 0 : i32
      %dma_start3A_204 = tpu.memref_slice %arg9[%run_scoped3A_179, %dma_start3A_203] : memref<16x640xf32, #tpu.memory_space<vmem>> -> memref<1x640xf32, #tpu.memory_space<vmem>>
      %dma_start3A_205 = tpu.memref_squeeze %dma_start3A_204 : memref<1x640xf32, #tpu.memory_space<vmem>> -> memref<640xf32, #tpu.memory_space<vmem>>
      %dma_start3A_206 = tpu.memref_slice %arg11[%run_scoped3A_177, %run_scoped3A_178, %mul3A_176] : memref<16x2x10240xf32, #tpu.memory_space<vmem_shared>> -> memref<1x1x640xf32, #tpu.memory_space<vmem_shared>>
      %dma_start3A_207 = tpu.memref_squeeze %dma_start3A_206 : memref<1x1x640xf32, #tpu.memory_space<vmem_shared>> -> memref<640xf32, #tpu.memory_space<vmem_shared>>
      tpu.enqueue_dma source(%dma_start3A_207 : memref<640xf32, #tpu.memory_space<vmem_shared>>) target(%dma_start3A_205 : memref<640xf32, #tpu.memory_space<vmem>>) target_semaphore(%run_scoped3A_198 : memref<!tpu.dma_semaphore, #tpu.memory_space<semaphore_mem>>)
      %dma_wait3A = arith.constant 0 : i32
      %dma_wait3A_208 = tpu.memref_slice %arg9[%run_scoped3A_179, %dma_wait3A] : memref<16x640xf32, #tpu.memory_space<vmem>> -> memref<1x640xf32, #tpu.memory_space<vmem>>
      %dma_wait3A_209 = tpu.memref_squeeze %dma_wait3A_208 : memref<1x640xf32, #tpu.memory_space<vmem>> -> memref<640xf32, #tpu.memory_space<vmem>>
      %dma_wait3A_210 = tpu.memref_slice %arg11[%run_scoped3A_177, %run_scoped3A_178, %mul3A_176] : memref<16x2x10240xf32, #tpu.memory_space<vmem_shared>> -> memref<1x1x640xf32, #tpu.memory_space<vmem_shared>>
      %dma_wait3A_211 = tpu.memref_squeeze %dma_wait3A_210 : memref<1x1x640xf32, #tpu.memory_space<vmem_shared>> -> memref<640xf32, #tpu.memory_space<vmem_shared>>
      %dma_wait3A_212 = arith.constant 0 : i32
      %dma_wait3A_213 = tpu.memref_slice %arg9[%run_scoped3A_179, %dma_wait3A_212] : memref<16x640xf32, #tpu.memory_space<vmem>> -> memref<1x640xf32, #tpu.memory_space<vmem>>
      %dma_wait3A_214 = tpu.memref_squeeze %dma_wait3A_213 : memref<1x640xf32, #tpu.memory_space<vmem>> -> memref<640xf32, #tpu.memory_space<vmem>>
      %dma_wait3A_215 = tpu.memref_slice %arg11[%run_scoped3A_177, %run_scoped3A_178, %mul3A_176] : memref<16x2x10240xf32, #tpu.memory_space<vmem_shared>> -> memref<1x1x640xf32, #tpu.memory_space<vmem_shared>>
      %dma_wait3A_216 = tpu.memref_squeeze %dma_wait3A_215 : memref<1x1x640xf32, #tpu.memory_space<vmem_shared>> -> memref<640xf32, #tpu.memory_space<vmem_shared>>
      tpu.wait_dma2 semaphore(%run_scoped3A_198 : memref<!tpu.dma_semaphore, #tpu.memory_space<semaphore_mem>>) src(%dma_wait3A_216 : memref<640xf32, #tpu.memory_space<vmem_shared>>) dst(%dma_wait3A_214 : memref<640xf32, #tpu.memory_space<vmem>>)
      tpu.yield
    }) : () -> ()
    %mul3A_180 = arith.constant 640 : i32
    %mul3A_181 = arith.muli %arg1, %mul3A_180 : i32
    %run_scoped3A_182 = arith.constant 14 : i32
    %run_scoped3A_183 = arith.constant 1 : i32
    %run_scoped3A_184 = arith.constant 14 : i32
    "tpu.region"() ({
      %run_scoped3A_198 = tpu.sem_alloc : memref<!tpu.dma_semaphore, #tpu.memory_space<semaphore_mem>>
      %dma_start3A = arith.constant 0 : i32
      %dma_start3A_199 = tpu.memref_slice %arg9[%run_scoped3A_184, %dma_start3A] : memref<16x640xf32, #tpu.memory_space<vmem>> -> memref<1x640xf32, #tpu.memory_space<vmem>>
      %dma_start3A_200 = tpu.memref_squeeze %dma_start3A_199 : memref<1x640xf32, #tpu.memory_space<vmem>> -> memref<640xf32, #tpu.memory_space<vmem>>
      %dma_start3A_201 = tpu.memref_slice %arg11[%run_scoped3A_182, %run_scoped3A_183, %mul3A_181] : memref<16x2x10240xf32, #tpu.memory_space<vmem_shared>> -> memref<1x1x640xf32, #tpu.memory_space<vmem_shared>>
      %dma_start3A_202 = tpu.memref_squeeze %dma_start3A_201 : memref<1x1x640xf32, #tpu.memory_space<vmem_shared>> -> memref<640xf32, #tpu.memory_space<vmem_shared>>
      %dma_start3A_203 = arith.constant 0 : i32
      %dma_start3A_204 = tpu.memref_slice %arg9[%run_scoped3A_184, %dma_start3A_203] : memref<16x640xf32, #tpu.memory_space<vmem>> -> memref<1x640xf32, #tpu.memory_space<vmem>>
      %dma_start3A_205 = tpu.memref_squeeze %dma_start3A_204 : memref<1x640xf32, #tpu.memory_space<vmem>> -> memref<640xf32, #tpu.memory_space<vmem>>
      %dma_start3A_206 = tpu.memref_slice %arg11[%run_scoped3A_182, %run_scoped3A_183, %mul3A_181] : memref<16x2x10240xf32, #tpu.memory_space<vmem_shared>> -> memref<1x1x640xf32, #tpu.memory_space<vmem_shared>>
      %dma_start3A_207 = tpu.memref_squeeze %dma_start3A_206 : memref<1x1x640xf32, #tpu.memory_space<vmem_shared>> -> memref<640xf32, #tpu.memory_space<vmem_shared>>
      tpu.enqueue_dma source(%dma_start3A_207 : memref<640xf32, #tpu.memory_space<vmem_shared>>) target(%dma_start3A_205 : memref<640xf32, #tpu.memory_space<vmem>>) target_semaphore(%run_scoped3A_198 : memref<!tpu.dma_semaphore, #tpu.memory_space<semaphore_mem>>)
      %dma_wait3A = arith.constant 0 : i32
      %dma_wait3A_208 = tpu.memref_slice %arg9[%run_scoped3A_184, %dma_wait3A] : memref<16x640xf32, #tpu.memory_space<vmem>> -> memref<1x640xf32, #tpu.memory_space<vmem>>
      %dma_wait3A_209 = tpu.memref_squeeze %dma_wait3A_208 : memref<1x640xf32, #tpu.memory_space<vmem>> -> memref<640xf32, #tpu.memory_space<vmem>>
      %dma_wait3A_210 = tpu.memref_slice %arg11[%run_scoped3A_182, %run_scoped3A_183, %mul3A_181] : memref<16x2x10240xf32, #tpu.memory_space<vmem_shared>> -> memref<1x1x640xf32, #tpu.memory_space<vmem_shared>>
      %dma_wait3A_211 = tpu.memref_squeeze %dma_wait3A_210 : memref<1x1x640xf32, #tpu.memory_space<vmem_shared>> -> memref<640xf32, #tpu.memory_space<vmem_shared>>
      %dma_wait3A_212 = arith.constant 0 : i32
      %dma_wait3A_213 = tpu.memref_slice %arg9[%run_scoped3A_184, %dma_wait3A_212] : memref<16x640xf32, #tpu.memory_space<vmem>> -> memref<1x640xf32, #tpu.memory_space<vmem>>
      %dma_wait3A_214 = tpu.memref_squeeze %dma_wait3A_213 : memref<1x640xf32, #tpu.memory_space<vmem>> -> memref<640xf32, #tpu.memory_space<vmem>>
      %dma_wait3A_215 = tpu.memref_slice %arg11[%run_scoped3A_182, %run_scoped3A_183, %mul3A_181] : memref<16x2x10240xf32, #tpu.memory_space<vmem_shared>> -> memref<1x1x640xf32, #tpu.memory_space<vmem_shared>>
      %dma_wait3A_216 = tpu.memref_squeeze %dma_wait3A_215 : memref<1x1x640xf32, #tpu.memory_space<vmem_shared>> -> memref<640xf32, #tpu.memory_space<vmem_shared>>
      tpu.wait_dma2 semaphore(%run_scoped3A_198 : memref<!tpu.dma_semaphore, #tpu.memory_space<semaphore_mem>>) src(%dma_wait3A_216 : memref<640xf32, #tpu.memory_space<vmem_shared>>) dst(%dma_wait3A_214 : memref<640xf32, #tpu.memory_space<vmem>>)
      tpu.yield
    }) : () -> ()
    %mul3A_185 = arith.constant 640 : i32
    %mul3A_186 = arith.muli %arg1, %mul3A_185 : i32
    %run_scoped3A_187 = arith.constant 15 : i32
    %run_scoped3A_188 = arith.constant 1 : i32
    %run_scoped3A_189 = arith.constant 15 : i32
    "tpu.region"() ({
      %run_scoped3A_198 = tpu.sem_alloc : memref<!tpu.dma_semaphore, #tpu.memory_space<semaphore_mem>>
      %dma_start3A = arith.constant 0 : i32
      %dma_start3A_199 = tpu.memref_slice %arg9[%run_scoped3A_189, %dma_start3A] : memref<16x640xf32, #tpu.memory_space<vmem>> -> memref<1x640xf32, #tpu.memory_space<vmem>>
      %dma_start3A_200 = tpu.memref_squeeze %dma_start3A_199 : memref<1x640xf32, #tpu.memory_space<vmem>> -> memref<640xf32, #tpu.memory_space<vmem>>
      %dma_start3A_201 = tpu.memref_slice %arg11[%run_scoped3A_187, %run_scoped3A_188, %mul3A_186] : memref<16x2x10240xf32, #tpu.memory_space<vmem_shared>> -> memref<1x1x640xf32, #tpu.memory_space<vmem_shared>>
      %dma_start3A_202 = tpu.memref_squeeze %dma_start3A_201 : memref<1x1x640xf32, #tpu.memory_space<vmem_shared>> -> memref<640xf32, #tpu.memory_space<vmem_shared>>
      %dma_start3A_203 = arith.constant 0 : i32
      %dma_start3A_204 = tpu.memref_slice %arg9[%run_scoped3A_189, %dma_start3A_203] : memref<16x640xf32, #tpu.memory_space<vmem>> -> memref<1x640xf32, #tpu.memory_space<vmem>>
      %dma_start3A_205 = tpu.memref_squeeze %dma_start3A_204 : memref<1x640xf32, #tpu.memory_space<vmem>> -> memref<640xf32, #tpu.memory_space<vmem>>
      %dma_start3A_206 = tpu.memref_slice %arg11[%run_scoped3A_187, %run_scoped3A_188, %mul3A_186] : memref<16x2x10240xf32, #tpu.memory_space<vmem_shared>> -> memref<1x1x640xf32, #tpu.memory_space<vmem_shared>>
      %dma_start3A_207 = tpu.memref_squeeze %dma_start3A_206 : memref<1x1x640xf32, #tpu.memory_space<vmem_shared>> -> memref<640xf32, #tpu.memory_space<vmem_shared>>
      tpu.enqueue_dma source(%dma_start3A_207 : memref<640xf32, #tpu.memory_space<vmem_shared>>) target(%dma_start3A_205 : memref<640xf32, #tpu.memory_space<vmem>>) target_semaphore(%run_scoped3A_198 : memref<!tpu.dma_semaphore, #tpu.memory_space<semaphore_mem>>)
      %dma_wait3A = arith.constant 0 : i32
      %dma_wait3A_208 = tpu.memref_slice %arg9[%run_scoped3A_189, %dma_wait3A] : memref<16x640xf32, #tpu.memory_space<vmem>> -> memref<1x640xf32, #tpu.memory_space<vmem>>
      %dma_wait3A_209 = tpu.memref_squeeze %dma_wait3A_208 : memref<1x640xf32, #tpu.memory_space<vmem>> -> memref<640xf32, #tpu.memory_space<vmem>>
      %dma_wait3A_210 = tpu.memref_slice %arg11[%run_scoped3A_187, %run_scoped3A_188, %mul3A_186] : memref<16x2x10240xf32, #tpu.memory_space<vmem_shared>> -> memref<1x1x640xf32, #tpu.memory_space<vmem_shared>>
      %dma_wait3A_211 = tpu.memref_squeeze %dma_wait3A_210 : memref<1x1x640xf32, #tpu.memory_space<vmem_shared>> -> memref<640xf32, #tpu.memory_space<vmem_shared>>
      %dma_wait3A_212 = arith.constant 0 : i32
      %dma_wait3A_213 = tpu.memref_slice %arg9[%run_scoped3A_189, %dma_wait3A_212] : memref<16x640xf32, #tpu.memory_space<vmem>> -> memref<1x640xf32, #tpu.memory_space<vmem>>
      %dma_wait3A_214 = tpu.memref_squeeze %dma_wait3A_213 : memref<1x640xf32, #tpu.memory_space<vmem>> -> memref<640xf32, #tpu.memory_space<vmem>>
      %dma_wait3A_215 = tpu.memref_slice %arg11[%run_scoped3A_187, %run_scoped3A_188, %mul3A_186] : memref<16x2x10240xf32, #tpu.memory_space<vmem_shared>> -> memref<1x1x640xf32, #tpu.memory_space<vmem_shared>>
      %dma_wait3A_216 = tpu.memref_squeeze %dma_wait3A_215 : memref<1x1x640xf32, #tpu.memory_space<vmem_shared>> -> memref<640xf32, #tpu.memory_space<vmem_shared>>
      tpu.wait_dma2 semaphore(%run_scoped3A_198 : memref<!tpu.dma_semaphore, #tpu.memory_space<semaphore_mem>>) src(%dma_wait3A_216 : memref<640xf32, #tpu.memory_space<vmem_shared>>) dst(%dma_wait3A_214 : memref<640xf32, #tpu.memory_space<vmem>>)
      tpu.yield
    }) : () -> ()
    %scan3A_190 = arith.constant 0 : i32
    %scan3A_191 = arith.constant 0 : i32
    %scan3A_192 = arith.constant 40 : i32
    %scan3A_193 = arith.addi %scan3A_191, %scan3A_192 : i32
    %scan3A_194 = arith.constant 1 : i32
    scf.for %scan3A_198 = %scan3A_191 to %scan3A_193 step %scan3A_194  : i32 {
      %mul3A_199 = arith.constant 16 : i32
      %mul3A_200 = arith.muli %scan3A_198, %mul3A_199 : i32
      %get3A = arith.constant 0 : i32
      %get3A_201 = arith.index_cast %get3A : i32 to index
      %get3A_202 = arith.index_cast %mul3A_200 : i32 to index
      %get3A_203 = tpu.vector_load %arg9[%get3A_201, %get3A_202] {strides = array<i32>} : memref<16x640xf32, #tpu.memory_space<vmem>>, vector<16xf32>,
      %mul3A_204 = arith.constant 16 : i32
      %mul3A_205 = arith.muli %scan3A_198, %mul3A_204 : i32
      %get3A_206 = arith.constant 1 : i32
      %get3A_207 = arith.index_cast %get3A_206 : i32 to index
      %get3A_208 = arith.index_cast %mul3A_205 : i32 to index
      %get3A_209 = tpu.vector_load %arg9[%get3A_207, %get3A_208] {strides = array<i32>} : memref<16x640xf32, #tpu.memory_space<vmem>>, vector<16xf32>,
      %add3A_210 = arith.addf %get3A_203, %get3A_209 : vector<16xf32>
      %mul3A_211 = arith.constant 16 : i32
      %mul3A_212 = arith.muli %scan3A_198, %mul3A_211 : i32
      %get3A_213 = arith.constant 2 : i32
      %get3A_214 = arith.index_cast %get3A_213 : i32 to index
      %get3A_215 = arith.index_cast %mul3A_212 : i32 to index
      %get3A_216 = tpu.vector_load %arg9[%get3A_214, %get3A_215] {strides = array<i32>} : memref<16x640xf32, #tpu.memory_space<vmem>>, vector<16xf32>,
      %add3A_217 = arith.addf %add3A_210, %get3A_216 : vector<16xf32>
      %mul3A_218 = arith.constant 16 : i32
      %mul3A_219 = arith.muli %scan3A_198, %mul3A_218 : i32
      %get3A_220 = arith.constant 3 : i32
      %get3A_221 = arith.index_cast %get3A_220 : i32 to index
      %get3A_222 = arith.index_cast %mul3A_219 : i32 to index
      %get3A_223 = tpu.vector_load %arg9[%get3A_221, %get3A_222] {strides = array<i32>} : memref<16x640xf32, #tpu.memory_space<vmem>>, vector<16xf32>,
      %add3A_224 = arith.addf %add3A_217, %get3A_223 : vector<16xf32>
      %mul3A_225 = arith.constant 16 : i32
      %mul3A_226 = arith.muli %scan3A_198, %mul3A_225 : i32
      %get3A_227 = arith.constant 4 : i32
      %get3A_228 = arith.index_cast %get3A_227 : i32 to index
      %get3A_229 = arith.index_cast %mul3A_226 : i32 to index
      %get3A_230 = tpu.vector_load %arg9[%get3A_228, %get3A_229] {strides = array<i32>} : memref<16x640xf32, #tpu.memory_space<vmem>>, vector<16xf32>,
      %add3A_231 = arith.addf %add3A_224, %get3A_230 : vector<16xf32>
      %mul3A_232 = arith.constant 16 : i32
      %mul3A_233 = arith.muli %scan3A_198, %mul3A_232 : i32
      %get3A_234 = arith.constant 5 : i32
      %get3A_235 = arith.index_cast %get3A_234 : i32 to index
      %get3A_236 = arith.index_cast %mul3A_233 : i32 to index
      %get3A_237 = tpu.vector_load %arg9[%get3A_235, %get3A_236] {strides = array<i32>} : memref<16x640xf32, #tpu.memory_space<vmem>>, vector<16xf32>,
      %add3A_238 = arith.addf %add3A_231, %get3A_237 : vector<16xf32>
      %mul3A_239 = arith.constant 16 : i32
      %mul3A_240 = arith.muli %scan3A_198, %mul3A_239 : i32
      %get3A_241 = arith.constant 6 : i32
      %get3A_242 = arith.index_cast %get3A_241 : i32 to index
      %get3A_243 = arith.index_cast %mul3A_240 : i32 to index
      %get3A_244 = tpu.vector_load %arg9[%get3A_242, %get3A_243] {strides = array<i32>} : memref<16x640xf32, #tpu.memory_space<vmem>>, vector<16xf32>,
      %add3A_245 = arith.addf %add3A_238, %get3A_244 : vector<16xf32>
      %mul3A_246 = arith.constant 16 : i32
      %mul3A_247 = arith.muli %scan3A_198, %mul3A_246 : i32
      %get3A_248 = arith.constant 7 : i32
      %get3A_249 = arith.index_cast %get3A_248 : i32 to index
      %get3A_250 = arith.index_cast %mul3A_247 : i32 to index
      %get3A_251 = tpu.vector_load %arg9[%get3A_249, %get3A_250] {strides = array<i32>} : memref<16x640xf32, #tpu.memory_space<vmem>>, vector<16xf32>,
      %add3A_252 = arith.addf %add3A_245, %get3A_251 : vector<16xf32>
      %mul3A_253 = arith.constant 16 : i32
      %mul3A_254 = arith.muli %scan3A_198, %mul3A_253 : i32
      %get3A_255 = arith.constant 8 : i32
      %get3A_256 = arith.index_cast %get3A_255 : i32 to index
      %get3A_257 = arith.index_cast %mul3A_254 : i32 to index
      %get3A_258 = tpu.vector_load %arg9[%get3A_256, %get3A_257] {strides = array<i32>} : memref<16x640xf32, #tpu.memory_space<vmem>>, vector<16xf32>,
      %add3A_259 = arith.addf %add3A_252, %get3A_258 : vector<16xf32>
      %mul3A_260 = arith.constant 16 : i32
      %mul3A_261 = arith.muli %scan3A_198, %mul3A_260 : i32
      %get3A_262 = arith.constant 9 : i32
      %get3A_263 = arith.index_cast %get3A_262 : i32 to index
      %get3A_264 = arith.index_cast %mul3A_261 : i32 to index
      %get3A_265 = tpu.vector_load %arg9[%get3A_263, %get3A_264] {strides = array<i32>} : memref<16x640xf32, #tpu.memory_space<vmem>>, vector<16xf32>,
      %add3A_266 = arith.addf %add3A_259, %get3A_265 : vector<16xf32>
      %mul3A_267 = arith.constant 16 : i32
      %mul3A_268 = arith.muli %scan3A_198, %mul3A_267 : i32
      %get3A_269 = arith.constant 10 : i32
      %get3A_270 = arith.index_cast %get3A_269 : i32 to index
      %get3A_271 = arith.index_cast %mul3A_268 : i32 to index
      %get3A_272 = tpu.vector_load %arg9[%get3A_270, %get3A_271] {strides = array<i32>} : memref<16x640xf32, #tpu.memory_space<vmem>>, vector<16xf32>,
      %add3A_273 = arith.addf %add3A_266, %get3A_272 : vector<16xf32>
      %mul3A_274 = arith.constant 16 : i32
      %mul3A_275 = arith.muli %scan3A_198, %mul3A_274 : i32
      %get3A_276 = arith.constant 11 : i32
      %get3A_277 = arith.index_cast %get3A_276 : i32 to index
      %get3A_278 = arith.index_cast %mul3A_275 : i32 to index
      %get3A_279 = tpu.vector_load %arg9[%get3A_277, %get3A_278] {strides = array<i32>} : memref<16x640xf32, #tpu.memory_space<vmem>>, vector<16xf32>,
      %add3A_280 = arith.addf %add3A_273, %get3A_279 : vector<16xf32>
      %mul3A_281 = arith.constant 16 : i32
      %mul3A_282 = arith.muli %scan3A_198, %mul3A_281 : i32
      %get3A_283 = arith.constant 12 : i32
      %get3A_284 = arith.index_cast %get3A_283 : i32 to index
      %get3A_285 = arith.index_cast %mul3A_282 : i32 to index
      %get3A_286 = tpu.vector_load %arg9[%get3A_284, %get3A_285] {strides = array<i32>} : memref<16x640xf32, #tpu.memory_space<vmem>>, vector<16xf32>,
      %add3A_287 = arith.addf %add3A_280, %get3A_286 : vector<16xf32>
      %mul3A_288 = arith.constant 16 : i32
      %mul3A_289 = arith.muli %scan3A_198, %mul3A_288 : i32
      %get3A_290 = arith.constant 13 : i32
      %get3A_291 = arith.index_cast %get3A_290 : i32 to index
      %get3A_292 = arith.index_cast %mul3A_289 : i32 to index
      %get3A_293 = tpu.vector_load %arg9[%get3A_291, %get3A_292] {strides = array<i32>} : memref<16x640xf32, #tpu.memory_space<vmem>>, vector<16xf32>,
      %add3A_294 = arith.addf %add3A_287, %get3A_293 : vector<16xf32>
      %mul3A_295 = arith.constant 16 : i32
      %mul3A_296 = arith.muli %scan3A_198, %mul3A_295 : i32
      %get3A_297 = arith.constant 14 : i32
      %get3A_298 = arith.index_cast %get3A_297 : i32 to index
      %get3A_299 = arith.index_cast %mul3A_296 : i32 to index
      %get3A_300 = tpu.vector_load %arg9[%get3A_298, %get3A_299] {strides = array<i32>} : memref<16x640xf32, #tpu.memory_space<vmem>>, vector<16xf32>,
      %add3A_301 = arith.addf %add3A_294, %get3A_300 : vector<16xf32>
      %mul3A_302 = arith.constant 16 : i32
      %mul3A_303 = arith.muli %scan3A_198, %mul3A_302 : i32
      %get3A_304 = arith.constant 15 : i32
      %get3A_305 = arith.index_cast %get3A_304 : i32 to index
      %get3A_306 = arith.index_cast %mul3A_303 : i32 to index
      %get3A_307 = tpu.vector_load %arg9[%get3A_305, %get3A_306] {strides = array<i32>} : memref<16x640xf32, #tpu.memory_space<vmem>>, vector<16xf32>,
      %add3A_308 = arith.addf %add3A_301, %get3A_307 : vector<16xf32>
      %mul3A_309 = arith.constant 16 : i32
      %mul3A_310 = arith.muli %scan3A_198, %mul3A_309 : i32
      %swap3A = arith.index_cast %mul3A_310 : i32 to index
      %swap3A_311 = tpu.vector_load %arg10[%swap3A] {strides = array<i32>} : memref<640xf32, #tpu.memory_space<vmem>>, vector<16xf32>,
      tpu.vector_store %arg10[%swap3A], %add3A_308 {strides = array<i32>} : memref<640xf32, #tpu.memory_space<vmem>>, vector<16xf32>,
    }
    %scan3A_195 = arith.constant 40 : i32
    %mul3A_196 = arith.constant 640 : i32
    %mul3A_197 = arith.muli %arg1, %mul3A_196 : i32
    "tpu.region"() ({
      %run_scoped3A_198 = tpu.sem_alloc : memref<!tpu.dma_semaphore, #tpu.memory_space<semaphore_mem>>
      %dma_start3A = tpu.memref_slice %arg4[%arg0, %mul3A_197] : memref<2x10240xf32, #tpu.memory_space<hbm>> -> memref<1x640xf32, #tpu.memory_space<hbm>>
      %dma_start3A_199 = tpu.memref_squeeze %dma_start3A : memref<1x640xf32, #tpu.memory_space<hbm>> -> memref<640xf32, #tpu.memory_space<hbm>>
      %dma_start3A_200 = tpu.memref_slice %arg4[%arg0, %mul3A_197] : memref<2x10240xf32, #tpu.memory_space<hbm>> -> memref<1x640xf32, #tpu.memory_space<hbm>>
      %dma_start3A_201 = tpu.memref_squeeze %dma_start3A_200 : memref<1x640xf32, #tpu.memory_space<hbm>> -> memref<640xf32, #tpu.memory_space<hbm>>
      tpu.enqueue_dma source(%arg10 : memref<640xf32, #tpu.memory_space<vmem>>) target(%dma_start3A_201 : memref<640xf32, #tpu.memory_space<hbm>>) target_semaphore(%run_scoped3A_198 : memref<!tpu.dma_semaphore, #tpu.memory_space<semaphore_mem>>)
      %dma_wait3A = tpu.memref_slice %arg4[%arg0, %mul3A_197] : memref<2x10240xf32, #tpu.memory_space<hbm>> -> memref<1x640xf32, #tpu.memory_space<hbm>>
      %dma_wait3A_202 = tpu.memref_squeeze %dma_wait3A : memref<1x640xf32, #tpu.memory_space<hbm>> -> memref<640xf32, #tpu.memory_space<hbm>>
      %dma_wait3A_203 = tpu.memref_slice %arg4[%arg0, %mul3A_197] : memref<2x10240xf32, #tpu.memory_space<hbm>> -> memref<1x640xf32, #tpu.memory_space<hbm>>
      %dma_wait3A_204 = tpu.memref_squeeze %dma_wait3A_203 : memref<1x640xf32, #tpu.memory_space<hbm>> -> memref<640xf32, #tpu.memory_space<hbm>>
      tpu.wait_dma2 semaphore(%run_scoped3A_198 : memref<!tpu.dma_semaphore, #tpu.memory_space<semaphore_mem>>) src(%arg10 : memref<640xf32, #tpu.memory_space<vmem>>) dst(%dma_wait3A_204 : memref<640xf32, #tpu.memory_space<hbm>>)
      tpu.yield
    }) : () -> ()
    return
  }
}

#map = affine_map<(d0, d1) -> (0, 0)>
#map1 = affine_map<(d0, d1) -> (0, 0, 0, 0, 0)>
#map2 = affine_map<(d0, d1) -> (0, 0, 0)>
module attributes {stable_mosaic.version = 14 : i64} {
  func.func @mp_l2(%arg0: i32, %arg1: i32, %arg2: memref<20480x128xf32, #tpu.memory_space<hbm>>, %arg3: memref<2x16x2x250x40xi32, #tpu.memory_space<hbm>>, %arg4: memref<2x16x2x250x40xi32, #tpu.memory_space<hbm>>, %arg5: memref<640x128xf32, #tpu.memory_space<hbm>>, %arg6: memref<2x10240x128xf32, #tpu.memory_space<hbm>>, %arg7: memref<250x40xi32, #tpu.memory_space<vmem>>, %arg8: memref<250x40xi32, #tpu.memory_space<vmem>>, %arg9: memref<40x128xf32, #tpu.memory_space<vmem>>, %arg10: memref<40x128xf32, #tpu.memory_space<vmem>>, %arg11: memref<40x128xf32, #tpu.memory_space<vmem>>, %arg12: memref<40x128xf32, #tpu.memory_space<vmem>>, %arg13: memref<40x128xf32, #tpu.memory_space<vmem>>, %arg14: memref<!tpu.dma_semaphore, #tpu.memory_space<semaphore_mem>>, %arg15: memref<!tpu.dma_semaphore, #tpu.memory_space<semaphore_mem>>, %arg16: memref<!tpu.dma_semaphore, #tpu.memory_space<semaphore_mem>>, %arg17: memref<!tpu.dma_semaphore, #tpu.memory_space<semaphore_mem>>, %arg18: memref<!tpu.dma_semaphore, #tpu.memory_space<semaphore_mem>>, %arg19: memref<10240x128xf32, #tpu.memory_space<vmem_shared>>) attributes {dimension_semantics = [#tpu.dimension_semantics<core_parallel>, #tpu.dimension_semantics<subcore_parallel>], iteration_bounds = array<i64: 2, 16>, scalar_prefetch = 0 : i64, scratch_operands = 13 : i64, tpu.core_type = #tpu.core_type<sc_vector_subcore>, window_params = [{transform_indices = #map}, {transform_indices = #map1}, {transform_indices = #map1}, {transform_indices = #map}, {transform_indices = #map2}]} {
    %mul3A = arith.constant 640 : i32
    %mul3A_0 = arith.muli %arg1, %mul3A : i32
    "tpu.region"() ({
      %run_scoped3A_87 = tpu.sem_alloc : memref<!tpu.dma_semaphore, #tpu.memory_space<semaphore_mem>>
      %dma_start3A_88 = arith.constant 0 : i32
      %dma_start3A_89 = tpu.memref_slice %arg19[%mul3A_0, %dma_start3A_88] : memref<10240x128xf32, #tpu.memory_space<vmem_shared>> -> memref<640x128xf32, #tpu.memory_space<vmem_shared>>
      tpu.enqueue_dma source(%arg5 : memref<640x128xf32, #tpu.memory_space<hbm>>) target(%dma_start3A_89 : memref<640x128xf32, #tpu.memory_space<vmem_shared>>) target_semaphore(%run_scoped3A_87 : memref<!tpu.dma_semaphore, #tpu.memory_space<semaphore_mem>>)
      %dma_wait3A = arith.constant 0 : i32
      %dma_wait3A_90 = tpu.memref_slice %arg19[%mul3A_0, %dma_wait3A] : memref<10240x128xf32, #tpu.memory_space<vmem_shared>> -> memref<640x128xf32, #tpu.memory_space<vmem_shared>>
      tpu.wait_dma2 semaphore(%run_scoped3A_87 : memref<!tpu.dma_semaphore, #tpu.memory_space<semaphore_mem>>) src(%arg5 : memref<640x128xf32, #tpu.memory_space<hbm>>) dst(%dma_wait3A_90 : memref<640x128xf32, #tpu.memory_space<vmem_shared>>)
      tpu.yield
    }) : () -> ()
    %barrier3A = arith.constant 0 : index
    tpu.barrier barrier_id(%barrier3A)
    %run_scoped3A = arith.constant 0 : i32
    "tpu.region"() ({
      %run_scoped3A_87 = tpu.sem_alloc : memref<!tpu.dma_semaphore, #tpu.memory_space<semaphore_mem>>
      %dma_start3A_88 = arith.constant 0 : i32
      %dma_start3A_89 = arith.constant 0 : i32
      %dma_start3A_90 = tpu.memref_slice %arg3[%arg0, %arg1, %run_scoped3A, %dma_start3A_88, %dma_start3A_89] : memref<2x16x2x250x40xi32, #tpu.memory_space<hbm>> -> memref<1x1x1x250x40xi32, #tpu.memory_space<hbm>>
      %dma_start3A_91 = tpu.memref_squeeze %dma_start3A_90 : memref<1x1x1x250x40xi32, #tpu.memory_space<hbm>> -> memref<250x40xi32, #tpu.memory_space<hbm>>
      %dma_start3A_92 = arith.constant 0 : i32
      %dma_start3A_93 = arith.constant 0 : i32
      %dma_start3A_94 = tpu.memref_slice %arg3[%arg0, %arg1, %run_scoped3A, %dma_start3A_92, %dma_start3A_93] : memref<2x16x2x250x40xi32, #tpu.memory_space<hbm>> -> memref<1x1x1x250x40xi32, #tpu.memory_space<hbm>>
      %dma_start3A_95 = tpu.memref_squeeze %dma_start3A_94 : memref<1x1x1x250x40xi32, #tpu.memory_space<hbm>> -> memref<250x40xi32, #tpu.memory_space<hbm>>
      tpu.enqueue_dma source(%dma_start3A_95 : memref<250x40xi32, #tpu.memory_space<hbm>>) target(%arg7 : memref<250x40xi32, #tpu.memory_space<vmem>>) target_semaphore(%run_scoped3A_87 : memref<!tpu.dma_semaphore, #tpu.memory_space<semaphore_mem>>)
      %dma_wait3A = arith.constant 0 : i32
      %dma_wait3A_96 = arith.constant 0 : i32
      %dma_wait3A_97 = tpu.memref_slice %arg3[%arg0, %arg1, %run_scoped3A, %dma_wait3A, %dma_wait3A_96] : memref<2x16x2x250x40xi32, #tpu.memory_space<hbm>> -> memref<1x1x1x250x40xi32, #tpu.memory_space<hbm>>
      %dma_wait3A_98 = tpu.memref_squeeze %dma_wait3A_97 : memref<1x1x1x250x40xi32, #tpu.memory_space<hbm>> -> memref<250x40xi32, #tpu.memory_space<hbm>>
      %dma_wait3A_99 = arith.constant 0 : i32
      %dma_wait3A_100 = arith.constant 0 : i32
      %dma_wait3A_101 = tpu.memref_slice %arg3[%arg0, %arg1, %run_scoped3A, %dma_wait3A_99, %dma_wait3A_100] : memref<2x16x2x250x40xi32, #tpu.memory_space<hbm>> -> memref<1x1x1x250x40xi32, #tpu.memory_space<hbm>>
      %dma_wait3A_102 = tpu.memref_squeeze %dma_wait3A_101 : memref<1x1x1x250x40xi32, #tpu.memory_space<hbm>> -> memref<250x40xi32, #tpu.memory_space<hbm>>
      tpu.wait_dma2 semaphore(%run_scoped3A_87 : memref<!tpu.dma_semaphore, #tpu.memory_space<semaphore_mem>>) src(%dma_wait3A_102 : memref<250x40xi32, #tpu.memory_space<hbm>>) dst(%arg7 : memref<250x40xi32, #tpu.memory_space<vmem>>)
      tpu.yield
    }) : () -> ()
    %run_scoped3A_1 = arith.constant 0 : i32
    "tpu.region"() ({
      %run_scoped3A_87 = tpu.sem_alloc : memref<!tpu.dma_semaphore, #tpu.memory_space<semaphore_mem>>
      %dma_start3A_88 = arith.constant 0 : i32
      %dma_start3A_89 = arith.constant 0 : i32
      %dma_start3A_90 = tpu.memref_slice %arg4[%arg0, %arg1, %run_scoped3A_1, %dma_start3A_88, %dma_start3A_89] : memref<2x16x2x250x40xi32, #tpu.memory_space<hbm>> -> memref<1x1x1x250x40xi32, #tpu.memory_space<hbm>>
      %dma_start3A_91 = tpu.memref_squeeze %dma_start3A_90 : memref<1x1x1x250x40xi32, #tpu.memory_space<hbm>> -> memref<250x40xi32, #tpu.memory_space<hbm>>
      %dma_start3A_92 = arith.constant 0 : i32
      %dma_start3A_93 = arith.constant 0 : i32
      %dma_start3A_94 = tpu.memref_slice %arg4[%arg0, %arg1, %run_scoped3A_1, %dma_start3A_92, %dma_start3A_93] : memref<2x16x2x250x40xi32, #tpu.memory_space<hbm>> -> memref<1x1x1x250x40xi32, #tpu.memory_space<hbm>>
      %dma_start3A_95 = tpu.memref_squeeze %dma_start3A_94 : memref<1x1x1x250x40xi32, #tpu.memory_space<hbm>> -> memref<250x40xi32, #tpu.memory_space<hbm>>
      tpu.enqueue_dma source(%dma_start3A_95 : memref<250x40xi32, #tpu.memory_space<hbm>>) target(%arg8 : memref<250x40xi32, #tpu.memory_space<vmem>>) target_semaphore(%run_scoped3A_87 : memref<!tpu.dma_semaphore, #tpu.memory_space<semaphore_mem>>)
      %dma_wait3A = arith.constant 0 : i32
      %dma_wait3A_96 = arith.constant 0 : i32
      %dma_wait3A_97 = tpu.memref_slice %arg4[%arg0, %arg1, %run_scoped3A_1, %dma_wait3A, %dma_wait3A_96] : memref<2x16x2x250x40xi32, #tpu.memory_space<hbm>> -> memref<1x1x1x250x40xi32, #tpu.memory_space<hbm>>
      %dma_wait3A_98 = tpu.memref_squeeze %dma_wait3A_97 : memref<1x1x1x250x40xi32, #tpu.memory_space<hbm>> -> memref<250x40xi32, #tpu.memory_space<hbm>>
      %dma_wait3A_99 = arith.constant 0 : i32
      %dma_wait3A_100 = arith.constant 0 : i32
      %dma_wait3A_101 = tpu.memref_slice %arg4[%arg0, %arg1, %run_scoped3A_1, %dma_wait3A_99, %dma_wait3A_100] : memref<2x16x2x250x40xi32, #tpu.memory_space<hbm>> -> memref<1x1x1x250x40xi32, #tpu.memory_space<hbm>>
      %dma_wait3A_102 = tpu.memref_squeeze %dma_wait3A_101 : memref<1x1x1x250x40xi32, #tpu.memory_space<hbm>> -> memref<250x40xi32, #tpu.memory_space<hbm>>
      tpu.wait_dma2 semaphore(%run_scoped3A_87 : memref<!tpu.dma_semaphore, #tpu.memory_space<semaphore_mem>>) src(%dma_wait3A_102 : memref<250x40xi32, #tpu.memory_space<hbm>>) dst(%arg8 : memref<250x40xi32, #tpu.memory_space<vmem>>)
      tpu.yield
    }) : () -> ()
    %dma_start3A = arith.constant 0 : i32
    %dma_start3A_2 = arith.constant 0 : i32
    %dma_start3A_3 = tpu.memref_slice %arg7[%dma_start3A, %dma_start3A_2] : memref<250x40xi32, #tpu.memory_space<vmem>> -> memref<1x40xi32, #tpu.memory_space<vmem>>
    %dma_start3A_4 = tpu.memref_squeeze %dma_start3A_3 : memref<1x40xi32, #tpu.memory_space<vmem>> -> memref<40xi32, #tpu.memory_space<vmem>>
    %dma_start3A_5 = arith.constant 0 : i32
    %dma_start3A_6 = arith.constant 0 : i32
    %dma_start3A_7 = tpu.memref_slice %arg2[%dma_start3A_5, %dma_start3A_6] : memref<20480x128xf32, #tpu.memory_space<hbm>> -> memref<20480x128xf32, #tpu.memory_space<hbm>>
    tpu.enqueue_indirect_dma source(%dma_start3A_7 : memref<20480x128xf32, #tpu.memory_space<hbm>>) target(%arg9 : memref<40x128xf32, #tpu.memory_space<vmem>>) offsets(%dma_start3A_4 : memref<40xi32, #tpu.memory_space<vmem>>) semaphore(%arg14 : memref<!tpu.dma_semaphore, #tpu.memory_space<semaphore_mem>>)
    %dma_start3A_8 = arith.constant 1 : i32
    %dma_start3A_9 = arith.constant 0 : i32
    %dma_start3A_10 = tpu.memref_slice %arg7[%dma_start3A_8, %dma_start3A_9] : memref<250x40xi32, #tpu.memory_space<vmem>> -> memref<1x40xi32, #tpu.memory_space<vmem>>
    %dma_start3A_11 = tpu.memref_squeeze %dma_start3A_10 : memref<1x40xi32, #tpu.memory_space<vmem>> -> memref<40xi32, #tpu.memory_space<vmem>>
    %dma_start3A_12 = arith.constant 0 : i32
    %dma_start3A_13 = arith.constant 0 : i32
    %dma_start3A_14 = tpu.memref_slice %arg2[%dma_start3A_12, %dma_start3A_13] : memref<20480x128xf32, #tpu.memory_space<hbm>> -> memref<20480x128xf32, #tpu.memory_space<hbm>>
    tpu.enqueue_indirect_dma source(%dma_start3A_14 : memref<20480x128xf32, #tpu.memory_space<hbm>>) target(%arg10 : memref<40x128xf32, #tpu.memory_space<vmem>>) offsets(%dma_start3A_11 : memref<40xi32, #tpu.memory_space<vmem>>) semaphore(%arg15 : memref<!tpu.dma_semaphore, #tpu.memory_space<semaphore_mem>>)
    %dma_start3A_15 = arith.constant 2 : i32
    %dma_start3A_16 = arith.constant 0 : i32
    %dma_start3A_17 = tpu.memref_slice %arg7[%dma_start3A_15, %dma_start3A_16] : memref<250x40xi32, #tpu.memory_space<vmem>> -> memref<1x40xi32, #tpu.memory_space<vmem>>
    %dma_start3A_18 = tpu.memref_squeeze %dma_start3A_17 : memref<1x40xi32, #tpu.memory_space<vmem>> -> memref<40xi32, #tpu.memory_space<vmem>>
    %dma_start3A_19 = arith.constant 0 : i32
    %dma_start3A_20 = arith.constant 0 : i32
    %dma_start3A_21 = tpu.memref_slice %arg2[%dma_start3A_19, %dma_start3A_20] : memref<20480x128xf32, #tpu.memory_space<hbm>> -> memref<20480x128xf32, #tpu.memory_space<hbm>>
    tpu.enqueue_indirect_dma source(%dma_start3A_21 : memref<20480x128xf32, #tpu.memory_space<hbm>>) target(%arg11 : memref<40x128xf32, #tpu.memory_space<vmem>>) offsets(%dma_start3A_18 : memref<40xi32, #tpu.memory_space<vmem>>) semaphore(%arg16 : memref<!tpu.dma_semaphore, #tpu.memory_space<semaphore_mem>>)
    %dma_start3A_22 = arith.constant 3 : i32
    %dma_start3A_23 = arith.constant 0 : i32
    %dma_start3A_24 = tpu.memref_slice %arg7[%dma_start3A_22, %dma_start3A_23] : memref<250x40xi32, #tpu.memory_space<vmem>> -> memref<1x40xi32, #tpu.memory_space<vmem>>
    %dma_start3A_25 = tpu.memref_squeeze %dma_start3A_24 : memref<1x40xi32, #tpu.memory_space<vmem>> -> memref<40xi32, #tpu.memory_space<vmem>>
    %dma_start3A_26 = arith.constant 0 : i32
    %dma_start3A_27 = arith.constant 0 : i32
    %dma_start3A_28 = tpu.memref_slice %arg2[%dma_start3A_26, %dma_start3A_27] : memref<20480x128xf32, #tpu.memory_space<hbm>> -> memref<20480x128xf32, #tpu.memory_space<hbm>>
    tpu.enqueue_indirect_dma source(%dma_start3A_28 : memref<20480x128xf32, #tpu.memory_space<hbm>>) target(%arg12 : memref<40x128xf32, #tpu.memory_space<vmem>>) offsets(%dma_start3A_25 : memref<40xi32, #tpu.memory_space<vmem>>) semaphore(%arg17 : memref<!tpu.dma_semaphore, #tpu.memory_space<semaphore_mem>>)
    %dma_start3A_29 = arith.constant 4 : i32
    %dma_start3A_30 = arith.constant 0 : i32
    %dma_start3A_31 = tpu.memref_slice %arg7[%dma_start3A_29, %dma_start3A_30] : memref<250x40xi32, #tpu.memory_space<vmem>> -> memref<1x40xi32, #tpu.memory_space<vmem>>
    %dma_start3A_32 = tpu.memref_squeeze %dma_start3A_31 : memref<1x40xi32, #tpu.memory_space<vmem>> -> memref<40xi32, #tpu.memory_space<vmem>>
    %dma_start3A_33 = arith.constant 0 : i32
    %dma_start3A_34 = arith.constant 0 : i32
    %dma_start3A_35 = tpu.memref_slice %arg2[%dma_start3A_33, %dma_start3A_34] : memref<20480x128xf32, #tpu.memory_space<hbm>> -> memref<20480x128xf32, #tpu.memory_space<hbm>>
    tpu.enqueue_indirect_dma source(%dma_start3A_35 : memref<20480x128xf32, #tpu.memory_space<hbm>>) target(%arg13 : memref<40x128xf32, #tpu.memory_space<vmem>>) offsets(%dma_start3A_32 : memref<40xi32, #tpu.memory_space<vmem>>) semaphore(%arg18 : memref<!tpu.dma_semaphore, #tpu.memory_space<semaphore_mem>>)
    %scan3A = arith.constant 0 : i32
    %scan3A_36 = arith.constant 0 : i32
    %scan3A_37 = arith.constant 50 : i32
    %scan3A_38 = arith.addi %scan3A_36, %scan3A_37 : i32
    %scan3A_39 = arith.constant 1 : i32
    scf.for %scan3A_87 = %scan3A_36 to %scan3A_38 step %scan3A_39  : i32 {
      %mul3A_88 = arith.constant 5 : i32
      %mul3A_89 = arith.muli %mul3A_88, %scan3A_87 : i32
      %add3A = arith.constant 0 : i32
      %add3A_90 = arith.addi %mul3A_89, %add3A : i32
      %dma_wait3A = arith.constant 0 : i32
      %dma_wait3A_91 = tpu.memref_slice %arg7[%add3A_90, %dma_wait3A] : memref<250x40xi32, #tpu.memory_space<vmem>> -> memref<1x40xi32, #tpu.memory_space<vmem>>
      %dma_wait3A_92 = tpu.memref_squeeze %dma_wait3A_91 : memref<1x40xi32, #tpu.memory_space<vmem>> -> memref<40xi32, #tpu.memory_space<vmem>>
      %dma_wait3A_93 = arith.constant 0 : i32
      %dma_wait3A_94 = arith.constant 0 : i32
      %dma_wait3A_95 = tpu.memref_slice %arg2[%dma_wait3A_93, %dma_wait3A_94] : memref<20480x128xf32, #tpu.memory_space<hbm>> -> memref<20480x128xf32, #tpu.memory_space<hbm>>
      tpu.wait_indirect_dma semaphore(%arg14 : memref<!tpu.dma_semaphore, #tpu.memory_space<semaphore_mem>>) src(%dma_wait3A_95 : memref<20480x128xf32, #tpu.memory_space<hbm>>) dst(%arg9 : memref<40x128xf32, #tpu.memory_space<vmem>>)
      "tpu.region"() ({
        %run_scoped3A_158 = tpu.sem_alloc : memref<!tpu.dma_semaphore, #tpu.memory_space<semaphore_mem>>
        %dma_start3A_159 = arith.constant 0 : i32
        %dma_start3A_160 = tpu.memref_slice %arg8[%add3A_90, %dma_start3A_159] : memref<250x40xi32, #tpu.memory_space<vmem>> -> memref<1x40xi32, #tpu.memory_space<vmem>>
        %dma_start3A_161 = tpu.memref_squeeze %dma_start3A_160 : memref<1x40xi32, #tpu.memory_space<vmem>> -> memref<40xi32, #tpu.memory_space<vmem>>
        %dma_start3A_162 = arith.constant 0 : i32
        %dma_start3A_163 = arith.constant 0 : i32
        %dma_start3A_164 = tpu.memref_slice %arg19[%dma_start3A_162, %dma_start3A_163] : memref<10240x128xf32, #tpu.memory_space<vmem_shared>> -> memref<10240x128xf32, #tpu.memory_space<vmem_shared>>
        tpu.enqueue_indirect_dma source(%arg9 : memref<40x128xf32, #tpu.memory_space<vmem>>) target(%dma_start3A_164 : memref<10240x128xf32, #tpu.memory_space<vmem_shared>>) offsets(%dma_start3A_161 : memref<40xi32, #tpu.memory_space<vmem>>) semaphore(%run_scoped3A_158 : memref<!tpu.dma_semaphore, #tpu.memory_space<semaphore_mem>>) {add = true}
        %dma_wait3A_165 = arith.constant 0 : i32
        %dma_wait3A_166 = tpu.memref_slice %arg8[%add3A_90, %dma_wait3A_165] : memref<250x40xi32, #tpu.memory_space<vmem>> -> memref<1x40xi32, #tpu.memory_space<vmem>>
        %dma_wait3A_167 = tpu.memref_squeeze %dma_wait3A_166 : memref<1x40xi32, #tpu.memory_space<vmem>> -> memref<40xi32, #tpu.memory_space<vmem>>
        %dma_wait3A_168 = arith.constant 0 : i32
        %dma_wait3A_169 = arith.constant 0 : i32
        %dma_wait3A_170 = tpu.memref_slice %arg19[%dma_wait3A_168, %dma_wait3A_169] : memref<10240x128xf32, #tpu.memory_space<vmem_shared>> -> memref<10240x128xf32, #tpu.memory_space<vmem_shared>>
        tpu.wait_indirect_dma semaphore(%run_scoped3A_158 : memref<!tpu.dma_semaphore, #tpu.memory_space<semaphore_mem>>) src(%arg9 : memref<40x128xf32, #tpu.memory_space<vmem>>) dst(%dma_wait3A_170 : memref<10240x128xf32, #tpu.memory_space<vmem_shared>>)
        tpu.yield
      }) : () -> ()
      %lt3A = arith.constant 49 : i32
      %lt3A_96 = arith.cmpi slt, %scan3A_87, %lt3A : i32
      %convert_element_type3A = arith.extui %lt3A_96 : i1 to i32
      %cond3A = arith.constant 0 : i32
      %cond3A_97 = arith.cmpi ne, %convert_element_type3A, %cond3A : i32
      scf.if %cond3A_97 {
        %add3A_158 = arith.constant 5 : i32
        %add3A_159 = arith.addi %add3A_90, %add3A_158 : i32
        %dma_start3A_160 = arith.constant 0 : i32
        %dma_start3A_161 = tpu.memref_slice %arg7[%add3A_159, %dma_start3A_160] : memref<250x40xi32, #tpu.memory_space<vmem>> -> memref<1x40xi32, #tpu.memory_space<vmem>>
        %dma_start3A_162 = tpu.memref_squeeze %dma_start3A_161 : memref<1x40xi32, #tpu.memory_space<vmem>> -> memref<40xi32, #tpu.memory_space<vmem>>
        %dma_start3A_163 = arith.constant 0 : i32
        %dma_start3A_164 = arith.constant 0 : i32
        %dma_start3A_165 = tpu.memref_slice %arg2[%dma_start3A_163, %dma_start3A_164] : memref<20480x128xf32, #tpu.memory_space<hbm>> -> memref<20480x128xf32, #tpu.memory_space<hbm>>
        tpu.enqueue_indirect_dma source(%dma_start3A_165 : memref<20480x128xf32, #tpu.memory_space<hbm>>) target(%arg9 : memref<40x128xf32, #tpu.memory_space<vmem>>) offsets(%dma_start3A_162 : memref<40xi32, #tpu.memory_space<vmem>>) semaphore(%arg14 : memref<!tpu.dma_semaphore, #tpu.memory_space<semaphore_mem>>)
      } else {
      }
      %mul3A_98 = arith.constant 5 : i32
      %mul3A_99 = arith.muli %mul3A_98, %scan3A_87 : i32
      %add3A_100 = arith.constant 1 : i32
      %add3A_101 = arith.addi %mul3A_99, %add3A_100 : i32
      %dma_wait3A_102 = arith.constant 0 : i32
      %dma_wait3A_103 = tpu.memref_slice %arg7[%add3A_101, %dma_wait3A_102] : memref<250x40xi32, #tpu.memory_space<vmem>> -> memref<1x40xi32, #tpu.memory_space<vmem>>
      %dma_wait3A_104 = tpu.memref_squeeze %dma_wait3A_103 : memref<1x40xi32, #tpu.memory_space<vmem>> -> memref<40xi32, #tpu.memory_space<vmem>>
      %dma_wait3A_105 = arith.constant 0 : i32
      %dma_wait3A_106 = arith.constant 0 : i32
      %dma_wait3A_107 = tpu.memref_slice %arg2[%dma_wait3A_105, %dma_wait3A_106] : memref<20480x128xf32, #tpu.memory_space<hbm>> -> memref<20480x128xf32, #tpu.memory_space<hbm>>
      tpu.wait_indirect_dma semaphore(%arg15 : memref<!tpu.dma_semaphore, #tpu.memory_space<semaphore_mem>>) src(%dma_wait3A_107 : memref<20480x128xf32, #tpu.memory_space<hbm>>) dst(%arg10 : memref<40x128xf32, #tpu.memory_space<vmem>>)
      "tpu.region"() ({
        %run_scoped3A_158 = tpu.sem_alloc : memref<!tpu.dma_semaphore, #tpu.memory_space<semaphore_mem>>
        %dma_start3A_159 = arith.constant 0 : i32
        %dma_start3A_160 = tpu.memref_slice %arg8[%add3A_101, %dma_start3A_159] : memref<250x40xi32, #tpu.memory_space<vmem>> -> memref<1x40xi32, #tpu.memory_space<vmem>>
        %dma_start3A_161 = tpu.memref_squeeze %dma_start3A_160 : memref<1x40xi32, #tpu.memory_space<vmem>> -> memref<40xi32, #tpu.memory_space<vmem>>
        %dma_start3A_162 = arith.constant 0 : i32
        %dma_start3A_163 = arith.constant 0 : i32
        %dma_start3A_164 = tpu.memref_slice %arg19[%dma_start3A_162, %dma_start3A_163] : memref<10240x128xf32, #tpu.memory_space<vmem_shared>> -> memref<10240x128xf32, #tpu.memory_space<vmem_shared>>
        tpu.enqueue_indirect_dma source(%arg10 : memref<40x128xf32, #tpu.memory_space<vmem>>) target(%dma_start3A_164 : memref<10240x128xf32, #tpu.memory_space<vmem_shared>>) offsets(%dma_start3A_161 : memref<40xi32, #tpu.memory_space<vmem>>) semaphore(%run_scoped3A_158 : memref<!tpu.dma_semaphore, #tpu.memory_space<semaphore_mem>>) {add = true}
        %dma_wait3A_165 = arith.constant 0 : i32
        %dma_wait3A_166 = tpu.memref_slice %arg8[%add3A_101, %dma_wait3A_165] : memref<250x40xi32, #tpu.memory_space<vmem>> -> memref<1x40xi32, #tpu.memory_space<vmem>>
        %dma_wait3A_167 = tpu.memref_squeeze %dma_wait3A_166 : memref<1x40xi32, #tpu.memory_space<vmem>> -> memref<40xi32, #tpu.memory_space<vmem>>
        %dma_wait3A_168 = arith.constant 0 : i32
        %dma_wait3A_169 = arith.constant 0 : i32
        %dma_wait3A_170 = tpu.memref_slice %arg19[%dma_wait3A_168, %dma_wait3A_169] : memref<10240x128xf32, #tpu.memory_space<vmem_shared>> -> memref<10240x128xf32, #tpu.memory_space<vmem_shared>>
        tpu.wait_indirect_dma semaphore(%run_scoped3A_158 : memref<!tpu.dma_semaphore, #tpu.memory_space<semaphore_mem>>) src(%arg10 : memref<40x128xf32, #tpu.memory_space<vmem>>) dst(%dma_wait3A_170 : memref<10240x128xf32, #tpu.memory_space<vmem_shared>>)
        tpu.yield
      }) : () -> ()
      %lt3A_108 = arith.constant 49 : i32
      %lt3A_109 = arith.cmpi slt, %scan3A_87, %lt3A_108 : i32
      %convert_element_type3A_110 = arith.extui %lt3A_109 : i1 to i32
      %cond3A_111 = arith.constant 0 : i32
      %cond3A_112 = arith.cmpi ne, %convert_element_type3A_110, %cond3A_111 : i32
      scf.if %cond3A_112 {
        %add3A_158 = arith.constant 5 : i32
        %add3A_159 = arith.addi %add3A_101, %add3A_158 : i32
        %dma_start3A_160 = arith.constant 0 : i32
        %dma_start3A_161 = tpu.memref_slice %arg7[%add3A_159, %dma_start3A_160] : memref<250x40xi32, #tpu.memory_space<vmem>> -> memref<1x40xi32, #tpu.memory_space<vmem>>
        %dma_start3A_162 = tpu.memref_squeeze %dma_start3A_161 : memref<1x40xi32, #tpu.memory_space<vmem>> -> memref<40xi32, #tpu.memory_space<vmem>>
        %dma_start3A_163 = arith.constant 0 : i32
        %dma_start3A_164 = arith.constant 0 : i32
        %dma_start3A_165 = tpu.memref_slice %arg2[%dma_start3A_163, %dma_start3A_164] : memref<20480x128xf32, #tpu.memory_space<hbm>> -> memref<20480x128xf32, #tpu.memory_space<hbm>>
        tpu.enqueue_indirect_dma source(%dma_start3A_165 : memref<20480x128xf32, #tpu.memory_space<hbm>>) target(%arg10 : memref<40x128xf32, #tpu.memory_space<vmem>>) offsets(%dma_start3A_162 : memref<40xi32, #tpu.memory_space<vmem>>) semaphore(%arg15 : memref<!tpu.dma_semaphore, #tpu.memory_space<semaphore_mem>>)
      } else {
      }
      %mul3A_113 = arith.constant 5 : i32
      %mul3A_114 = arith.muli %mul3A_113, %scan3A_87 : i32
      %add3A_115 = arith.constant 2 : i32
      %add3A_116 = arith.addi %mul3A_114, %add3A_115 : i32
      %dma_wait3A_117 = arith.constant 0 : i32
      %dma_wait3A_118 = tpu.memref_slice %arg7[%add3A_116, %dma_wait3A_117] : memref<250x40xi32, #tpu.memory_space<vmem>> -> memref<1x40xi32, #tpu.memory_space<vmem>>
      %dma_wait3A_119 = tpu.memref_squeeze %dma_wait3A_118 : memref<1x40xi32, #tpu.memory_space<vmem>> -> memref<40xi32, #tpu.memory_space<vmem>>
      %dma_wait3A_120 = arith.constant 0 : i32
      %dma_wait3A_121 = arith.constant 0 : i32
      %dma_wait3A_122 = tpu.memref_slice %arg2[%dma_wait3A_120, %dma_wait3A_121] : memref<20480x128xf32, #tpu.memory_space<hbm>> -> memref<20480x128xf32, #tpu.memory_space<hbm>>
      tpu.wait_indirect_dma semaphore(%arg16 : memref<!tpu.dma_semaphore, #tpu.memory_space<semaphore_mem>>) src(%dma_wait3A_122 : memref<20480x128xf32, #tpu.memory_space<hbm>>) dst(%arg11 : memref<40x128xf32, #tpu.memory_space<vmem>>)
      "tpu.region"() ({
        %run_scoped3A_158 = tpu.sem_alloc : memref<!tpu.dma_semaphore, #tpu.memory_space<semaphore_mem>>
        %dma_start3A_159 = arith.constant 0 : i32
        %dma_start3A_160 = tpu.memref_slice %arg8[%add3A_116, %dma_start3A_159] : memref<250x40xi32, #tpu.memory_space<vmem>> -> memref<1x40xi32, #tpu.memory_space<vmem>>
        %dma_start3A_161 = tpu.memref_squeeze %dma_start3A_160 : memref<1x40xi32, #tpu.memory_space<vmem>> -> memref<40xi32, #tpu.memory_space<vmem>>
        %dma_start3A_162 = arith.constant 0 : i32
        %dma_start3A_163 = arith.constant 0 : i32
        %dma_start3A_164 = tpu.memref_slice %arg19[%dma_start3A_162, %dma_start3A_163] : memref<10240x128xf32, #tpu.memory_space<vmem_shared>> -> memref<10240x128xf32, #tpu.memory_space<vmem_shared>>
        tpu.enqueue_indirect_dma source(%arg11 : memref<40x128xf32, #tpu.memory_space<vmem>>) target(%dma_start3A_164 : memref<10240x128xf32, #tpu.memory_space<vmem_shared>>) offsets(%dma_start3A_161 : memref<40xi32, #tpu.memory_space<vmem>>) semaphore(%run_scoped3A_158 : memref<!tpu.dma_semaphore, #tpu.memory_space<semaphore_mem>>) {add = true}
        %dma_wait3A_165 = arith.constant 0 : i32
        %dma_wait3A_166 = tpu.memref_slice %arg8[%add3A_116, %dma_wait3A_165] : memref<250x40xi32, #tpu.memory_space<vmem>> -> memref<1x40xi32, #tpu.memory_space<vmem>>
        %dma_wait3A_167 = tpu.memref_squeeze %dma_wait3A_166 : memref<1x40xi32, #tpu.memory_space<vmem>> -> memref<40xi32, #tpu.memory_space<vmem>>
        %dma_wait3A_168 = arith.constant 0 : i32
        %dma_wait3A_169 = arith.constant 0 : i32
        %dma_wait3A_170 = tpu.memref_slice %arg19[%dma_wait3A_168, %dma_wait3A_169] : memref<10240x128xf32, #tpu.memory_space<vmem_shared>> -> memref<10240x128xf32, #tpu.memory_space<vmem_shared>>
        tpu.wait_indirect_dma semaphore(%run_scoped3A_158 : memref<!tpu.dma_semaphore, #tpu.memory_space<semaphore_mem>>) src(%arg11 : memref<40x128xf32, #tpu.memory_space<vmem>>) dst(%dma_wait3A_170 : memref<10240x128xf32, #tpu.memory_space<vmem_shared>>)
        tpu.yield
      }) : () -> ()
      %lt3A_123 = arith.constant 49 : i32
      %lt3A_124 = arith.cmpi slt, %scan3A_87, %lt3A_123 : i32
      %convert_element_type3A_125 = arith.extui %lt3A_124 : i1 to i32
      %cond3A_126 = arith.constant 0 : i32
      %cond3A_127 = arith.cmpi ne, %convert_element_type3A_125, %cond3A_126 : i32
      scf.if %cond3A_127 {
        %add3A_158 = arith.constant 5 : i32
        %add3A_159 = arith.addi %add3A_116, %add3A_158 : i32
        %dma_start3A_160 = arith.constant 0 : i32
        %dma_start3A_161 = tpu.memref_slice %arg7[%add3A_159, %dma_start3A_160] : memref<250x40xi32, #tpu.memory_space<vmem>> -> memref<1x40xi32, #tpu.memory_space<vmem>>
        %dma_start3A_162 = tpu.memref_squeeze %dma_start3A_161 : memref<1x40xi32, #tpu.memory_space<vmem>> -> memref<40xi32, #tpu.memory_space<vmem>>
        %dma_start3A_163 = arith.constant 0 : i32
        %dma_start3A_164 = arith.constant 0 : i32
        %dma_start3A_165 = tpu.memref_slice %arg2[%dma_start3A_163, %dma_start3A_164] : memref<20480x128xf32, #tpu.memory_space<hbm>> -> memref<20480x128xf32, #tpu.memory_space<hbm>>
        tpu.enqueue_indirect_dma source(%dma_start3A_165 : memref<20480x128xf32, #tpu.memory_space<hbm>>) target(%arg11 : memref<40x128xf32, #tpu.memory_space<vmem>>) offsets(%dma_start3A_162 : memref<40xi32, #tpu.memory_space<vmem>>) semaphore(%arg16 : memref<!tpu.dma_semaphore, #tpu.memory_space<semaphore_mem>>)
      } else {
      }
      %mul3A_128 = arith.constant 5 : i32
      %mul3A_129 = arith.muli %mul3A_128, %scan3A_87 : i32
      %add3A_130 = arith.constant 3 : i32
      %add3A_131 = arith.addi %mul3A_129, %add3A_130 : i32
      %dma_wait3A_132 = arith.constant 0 : i32
      %dma_wait3A_133 = tpu.memref_slice %arg7[%add3A_131, %dma_wait3A_132] : memref<250x40xi32, #tpu.memory_space<vmem>> -> memref<1x40xi32, #tpu.memory_space<vmem>>
      %dma_wait3A_134 = tpu.memref_squeeze %dma_wait3A_133 : memref<1x40xi32, #tpu.memory_space<vmem>> -> memref<40xi32, #tpu.memory_space<vmem>>
      %dma_wait3A_135 = arith.constant 0 : i32
      %dma_wait3A_136 = arith.constant 0 : i32
      %dma_wait3A_137 = tpu.memref_slice %arg2[%dma_wait3A_135, %dma_wait3A_136] : memref<20480x128xf32, #tpu.memory_space<hbm>> -> memref<20480x128xf32, #tpu.memory_space<hbm>>
      tpu.wait_indirect_dma semaphore(%arg17 : memref<!tpu.dma_semaphore, #tpu.memory_space<semaphore_mem>>) src(%dma_wait3A_137 : memref<20480x128xf32, #tpu.memory_space<hbm>>) dst(%arg12 : memref<40x128xf32, #tpu.memory_space<vmem>>)
      "tpu.region"() ({
        %run_scoped3A_158 = tpu.sem_alloc : memref<!tpu.dma_semaphore, #tpu.memory_space<semaphore_mem>>
        %dma_start3A_159 = arith.constant 0 : i32
        %dma_start3A_160 = tpu.memref_slice %arg8[%add3A_131, %dma_start3A_159] : memref<250x40xi32, #tpu.memory_space<vmem>> -> memref<1x40xi32, #tpu.memory_space<vmem>>
        %dma_start3A_161 = tpu.memref_squeeze %dma_start3A_160 : memref<1x40xi32, #tpu.memory_space<vmem>> -> memref<40xi32, #tpu.memory_space<vmem>>
        %dma_start3A_162 = arith.constant 0 : i32
        %dma_start3A_163 = arith.constant 0 : i32
        %dma_start3A_164 = tpu.memref_slice %arg19[%dma_start3A_162, %dma_start3A_163] : memref<10240x128xf32, #tpu.memory_space<vmem_shared>> -> memref<10240x128xf32, #tpu.memory_space<vmem_shared>>
        tpu.enqueue_indirect_dma source(%arg12 : memref<40x128xf32, #tpu.memory_space<vmem>>) target(%dma_start3A_164 : memref<10240x128xf32, #tpu.memory_space<vmem_shared>>) offsets(%dma_start3A_161 : memref<40xi32, #tpu.memory_space<vmem>>) semaphore(%run_scoped3A_158 : memref<!tpu.dma_semaphore, #tpu.memory_space<semaphore_mem>>) {add = true}
        %dma_wait3A_165 = arith.constant 0 : i32
        %dma_wait3A_166 = tpu.memref_slice %arg8[%add3A_131, %dma_wait3A_165] : memref<250x40xi32, #tpu.memory_space<vmem>> -> memref<1x40xi32, #tpu.memory_space<vmem>>
        %dma_wait3A_167 = tpu.memref_squeeze %dma_wait3A_166 : memref<1x40xi32, #tpu.memory_space<vmem>> -> memref<40xi32, #tpu.memory_space<vmem>>
        %dma_wait3A_168 = arith.constant 0 : i32
        %dma_wait3A_169 = arith.constant 0 : i32
        %dma_wait3A_170 = tpu.memref_slice %arg19[%dma_wait3A_168, %dma_wait3A_169] : memref<10240x128xf32, #tpu.memory_space<vmem_shared>> -> memref<10240x128xf32, #tpu.memory_space<vmem_shared>>
        tpu.wait_indirect_dma semaphore(%run_scoped3A_158 : memref<!tpu.dma_semaphore, #tpu.memory_space<semaphore_mem>>) src(%arg12 : memref<40x128xf32, #tpu.memory_space<vmem>>) dst(%dma_wait3A_170 : memref<10240x128xf32, #tpu.memory_space<vmem_shared>>)
        tpu.yield
      }) : () -> ()
      %lt3A_138 = arith.constant 49 : i32
      %lt3A_139 = arith.cmpi slt, %scan3A_87, %lt3A_138 : i32
      %convert_element_type3A_140 = arith.extui %lt3A_139 : i1 to i32
      %cond3A_141 = arith.constant 0 : i32
      %cond3A_142 = arith.cmpi ne, %convert_element_type3A_140, %cond3A_141 : i32
      scf.if %cond3A_142 {
        %add3A_158 = arith.constant 5 : i32
        %add3A_159 = arith.addi %add3A_131, %add3A_158 : i32
        %dma_start3A_160 = arith.constant 0 : i32
        %dma_start3A_161 = tpu.memref_slice %arg7[%add3A_159, %dma_start3A_160] : memref<250x40xi32, #tpu.memory_space<vmem>> -> memref<1x40xi32, #tpu.memory_space<vmem>>
        %dma_start3A_162 = tpu.memref_squeeze %dma_start3A_161 : memref<1x40xi32, #tpu.memory_space<vmem>> -> memref<40xi32, #tpu.memory_space<vmem>>
        %dma_start3A_163 = arith.constant 0 : i32
        %dma_start3A_164 = arith.constant 0 : i32
        %dma_start3A_165 = tpu.memref_slice %arg2[%dma_start3A_163, %dma_start3A_164] : memref<20480x128xf32, #tpu.memory_space<hbm>> -> memref<20480x128xf32, #tpu.memory_space<hbm>>
        tpu.enqueue_indirect_dma source(%dma_start3A_165 : memref<20480x128xf32, #tpu.memory_space<hbm>>) target(%arg12 : memref<40x128xf32, #tpu.memory_space<vmem>>) offsets(%dma_start3A_162 : memref<40xi32, #tpu.memory_space<vmem>>) semaphore(%arg17 : memref<!tpu.dma_semaphore, #tpu.memory_space<semaphore_mem>>)
      } else {
      }
      %mul3A_143 = arith.constant 5 : i32
      %mul3A_144 = arith.muli %mul3A_143, %scan3A_87 : i32
      %add3A_145 = arith.constant 4 : i32
      %add3A_146 = arith.addi %mul3A_144, %add3A_145 : i32
      %dma_wait3A_147 = arith.constant 0 : i32
      %dma_wait3A_148 = tpu.memref_slice %arg7[%add3A_146, %dma_wait3A_147] : memref<250x40xi32, #tpu.memory_space<vmem>> -> memref<1x40xi32, #tpu.memory_space<vmem>>
      %dma_wait3A_149 = tpu.memref_squeeze %dma_wait3A_148 : memref<1x40xi32, #tpu.memory_space<vmem>> -> memref<40xi32, #tpu.memory_space<vmem>>
      %dma_wait3A_150 = arith.constant 0 : i32
      %dma_wait3A_151 = arith.constant 0 : i32
      %dma_wait3A_152 = tpu.memref_slice %arg2[%dma_wait3A_150, %dma_wait3A_151] : memref<20480x128xf32, #tpu.memory_space<hbm>> -> memref<20480x128xf32, #tpu.memory_space<hbm>>
      tpu.wait_indirect_dma semaphore(%arg18 : memref<!tpu.dma_semaphore, #tpu.memory_space<semaphore_mem>>) src(%dma_wait3A_152 : memref<20480x128xf32, #tpu.memory_space<hbm>>) dst(%arg13 : memref<40x128xf32, #tpu.memory_space<vmem>>)
      "tpu.region"() ({
        %run_scoped3A_158 = tpu.sem_alloc : memref<!tpu.dma_semaphore, #tpu.memory_space<semaphore_mem>>
        %dma_start3A_159 = arith.constant 0 : i32
        %dma_start3A_160 = tpu.memref_slice %arg8[%add3A_146, %dma_start3A_159] : memref<250x40xi32, #tpu.memory_space<vmem>> -> memref<1x40xi32, #tpu.memory_space<vmem>>
        %dma_start3A_161 = tpu.memref_squeeze %dma_start3A_160 : memref<1x40xi32, #tpu.memory_space<vmem>> -> memref<40xi32, #tpu.memory_space<vmem>>
        %dma_start3A_162 = arith.constant 0 : i32
        %dma_start3A_163 = arith.constant 0 : i32
        %dma_start3A_164 = tpu.memref_slice %arg19[%dma_start3A_162, %dma_start3A_163] : memref<10240x128xf32, #tpu.memory_space<vmem_shared>> -> memref<10240x128xf32, #tpu.memory_space<vmem_shared>>
        tpu.enqueue_indirect_dma source(%arg13 : memref<40x128xf32, #tpu.memory_space<vmem>>) target(%dma_start3A_164 : memref<10240x128xf32, #tpu.memory_space<vmem_shared>>) offsets(%dma_start3A_161 : memref<40xi32, #tpu.memory_space<vmem>>) semaphore(%run_scoped3A_158 : memref<!tpu.dma_semaphore, #tpu.memory_space<semaphore_mem>>) {add = true}
        %dma_wait3A_165 = arith.constant 0 : i32
        %dma_wait3A_166 = tpu.memref_slice %arg8[%add3A_146, %dma_wait3A_165] : memref<250x40xi32, #tpu.memory_space<vmem>> -> memref<1x40xi32, #tpu.memory_space<vmem>>
        %dma_wait3A_167 = tpu.memref_squeeze %dma_wait3A_166 : memref<1x40xi32, #tpu.memory_space<vmem>> -> memref<40xi32, #tpu.memory_space<vmem>>
        %dma_wait3A_168 = arith.constant 0 : i32
        %dma_wait3A_169 = arith.constant 0 : i32
        %dma_wait3A_170 = tpu.memref_slice %arg19[%dma_wait3A_168, %dma_wait3A_169] : memref<10240x128xf32, #tpu.memory_space<vmem_shared>> -> memref<10240x128xf32, #tpu.memory_space<vmem_shared>>
        tpu.wait_indirect_dma semaphore(%run_scoped3A_158 : memref<!tpu.dma_semaphore, #tpu.memory_space<semaphore_mem>>) src(%arg13 : memref<40x128xf32, #tpu.memory_space<vmem>>) dst(%dma_wait3A_170 : memref<10240x128xf32, #tpu.memory_space<vmem_shared>>)
        tpu.yield
      }) : () -> ()
      %lt3A_153 = arith.constant 49 : i32
      %lt3A_154 = arith.cmpi slt, %scan3A_87, %lt3A_153 : i32
      %convert_element_type3A_155 = arith.extui %lt3A_154 : i1 to i32
      %cond3A_156 = arith.constant 0 : i32
      %cond3A_157 = arith.cmpi ne, %convert_element_type3A_155, %cond3A_156 : i32
      scf.if %cond3A_157 {
        %add3A_158 = arith.constant 5 : i32
        %add3A_159 = arith.addi %add3A_146, %add3A_158 : i32
        %dma_start3A_160 = arith.constant 0 : i32
        %dma_start3A_161 = tpu.memref_slice %arg7[%add3A_159, %dma_start3A_160] : memref<250x40xi32, #tpu.memory_space<vmem>> -> memref<1x40xi32, #tpu.memory_space<vmem>>
        %dma_start3A_162 = tpu.memref_squeeze %dma_start3A_161 : memref<1x40xi32, #tpu.memory_space<vmem>> -> memref<40xi32, #tpu.memory_space<vmem>>
        %dma_start3A_163 = arith.constant 0 : i32
        %dma_start3A_164 = arith.constant 0 : i32
        %dma_start3A_165 = tpu.memref_slice %arg2[%dma_start3A_163, %dma_start3A_164] : memref<20480x128xf32, #tpu.memory_space<hbm>> -> memref<20480x128xf32, #tpu.memory_space<hbm>>
        tpu.enqueue_indirect_dma source(%dma_start3A_165 : memref<20480x128xf32, #tpu.memory_space<hbm>>) target(%arg13 : memref<40x128xf32, #tpu.memory_space<vmem>>) offsets(%dma_start3A_162 : memref<40xi32, #tpu.memory_space<vmem>>) semaphore(%arg18 : memref<!tpu.dma_semaphore, #tpu.memory_space<semaphore_mem>>)
      } else {
      }
    }
    %scan3A_40 = arith.constant 50 : i32
    %run_scoped3A_41 = arith.constant 1 : i32
    "tpu.region"() ({
      %run_scoped3A_87 = tpu.sem_alloc : memref<!tpu.dma_semaphore, #tpu.memory_space<semaphore_mem>>
      %dma_start3A_88 = arith.constant 0 : i32
      %dma_start3A_89 = arith.constant 0 : i32
      %dma_start3A_90 = tpu.memref_slice %arg3[%arg0, %arg1, %run_scoped3A_41, %dma_start3A_88, %dma_start3A_89] : memref<2x16x2x250x40xi32, #tpu.memory_space<hbm>> -> memref<1x1x1x250x40xi32, #tpu.memory_space<hbm>>
      %dma_start3A_91 = tpu.memref_squeeze %dma_start3A_90 : memref<1x1x1x250x40xi32, #tpu.memory_space<hbm>> -> memref<250x40xi32, #tpu.memory_space<hbm>>
      %dma_start3A_92 = arith.constant 0 : i32
      %dma_start3A_93 = arith.constant 0 : i32
      %dma_start3A_94 = tpu.memref_slice %arg3[%arg0, %arg1, %run_scoped3A_41, %dma_start3A_92, %dma_start3A_93] : memref<2x16x2x250x40xi32, #tpu.memory_space<hbm>> -> memref<1x1x1x250x40xi32, #tpu.memory_space<hbm>>
      %dma_start3A_95 = tpu.memref_squeeze %dma_start3A_94 : memref<1x1x1x250x40xi32, #tpu.memory_space<hbm>> -> memref<250x40xi32, #tpu.memory_space<hbm>>
      tpu.enqueue_dma source(%dma_start3A_95 : memref<250x40xi32, #tpu.memory_space<hbm>>) target(%arg7 : memref<250x40xi32, #tpu.memory_space<vmem>>) target_semaphore(%run_scoped3A_87 : memref<!tpu.dma_semaphore, #tpu.memory_space<semaphore_mem>>)
      %dma_wait3A = arith.constant 0 : i32
      %dma_wait3A_96 = arith.constant 0 : i32
      %dma_wait3A_97 = tpu.memref_slice %arg3[%arg0, %arg1, %run_scoped3A_41, %dma_wait3A, %dma_wait3A_96] : memref<2x16x2x250x40xi32, #tpu.memory_space<hbm>> -> memref<1x1x1x250x40xi32, #tpu.memory_space<hbm>>
      %dma_wait3A_98 = tpu.memref_squeeze %dma_wait3A_97 : memref<1x1x1x250x40xi32, #tpu.memory_space<hbm>> -> memref<250x40xi32, #tpu.memory_space<hbm>>
      %dma_wait3A_99 = arith.constant 0 : i32
      %dma_wait3A_100 = arith.constant 0 : i32
      %dma_wait3A_101 = tpu.memref_slice %arg3[%arg0, %arg1, %run_scoped3A_41, %dma_wait3A_99, %dma_wait3A_100] : memref<2x16x2x250x40xi32, #tpu.memory_space<hbm>> -> memref<1x1x1x250x40xi32, #tpu.memory_space<hbm>>
      %dma_wait3A_102 = tpu.memref_squeeze %dma_wait3A_101 : memref<1x1x1x250x40xi32, #tpu.memory_space<hbm>> -> memref<250x40xi32, #tpu.memory_space<hbm>>
      tpu.wait_dma2 semaphore(%run_scoped3A_87 : memref<!tpu.dma_semaphore, #tpu.memory_space<semaphore_mem>>) src(%dma_wait3A_102 : memref<250x40xi32, #tpu.memory_space<hbm>>) dst(%arg7 : memref<250x40xi32, #tpu.memory_space<vmem>>)
      tpu.yield
    }) : () -> ()
    %run_scoped3A_42 = arith.constant 1 : i32
    "tpu.region"() ({
      %run_scoped3A_87 = tpu.sem_alloc : memref<!tpu.dma_semaphore, #tpu.memory_space<semaphore_mem>>
      %dma_start3A_88 = arith.constant 0 : i32
      %dma_start3A_89 = arith.constant 0 : i32
      %dma_start3A_90 = tpu.memref_slice %arg4[%arg0, %arg1, %run_scoped3A_42, %dma_start3A_88, %dma_start3A_89] : memref<2x16x2x250x40xi32, #tpu.memory_space<hbm>> -> memref<1x1x1x250x40xi32, #tpu.memory_space<hbm>>
      %dma_start3A_91 = tpu.memref_squeeze %dma_start3A_90 : memref<1x1x1x250x40xi32, #tpu.memory_space<hbm>> -> memref<250x40xi32, #tpu.memory_space<hbm>>
      %dma_start3A_92 = arith.constant 0 : i32
      %dma_start3A_93 = arith.constant 0 : i32
      %dma_start3A_94 = tpu.memref_slice %arg4[%arg0, %arg1, %run_scoped3A_42, %dma_start3A_92, %dma_start3A_93] : memref<2x16x2x250x40xi32, #tpu.memory_space<hbm>> -> memref<1x1x1x250x40xi32, #tpu.memory_space<hbm>>
      %dma_start3A_95 = tpu.memref_squeeze %dma_start3A_94 : memref<1x1x1x250x40xi32, #tpu.memory_space<hbm>> -> memref<250x40xi32, #tpu.memory_space<hbm>>
      tpu.enqueue_dma source(%dma_start3A_95 : memref<250x40xi32, #tpu.memory_space<hbm>>) target(%arg8 : memref<250x40xi32, #tpu.memory_space<vmem>>) target_semaphore(%run_scoped3A_87 : memref<!tpu.dma_semaphore, #tpu.memory_space<semaphore_mem>>)
      %dma_wait3A = arith.constant 0 : i32
      %dma_wait3A_96 = arith.constant 0 : i32
      %dma_wait3A_97 = tpu.memref_slice %arg4[%arg0, %arg1, %run_scoped3A_42, %dma_wait3A, %dma_wait3A_96] : memref<2x16x2x250x40xi32, #tpu.memory_space<hbm>> -> memref<1x1x1x250x40xi32, #tpu.memory_space<hbm>>
      %dma_wait3A_98 = tpu.memref_squeeze %dma_wait3A_97 : memref<1x1x1x250x40xi32, #tpu.memory_space<hbm>> -> memref<250x40xi32, #tpu.memory_space<hbm>>
      %dma_wait3A_99 = arith.constant 0 : i32
      %dma_wait3A_100 = arith.constant 0 : i32
      %dma_wait3A_101 = tpu.memref_slice %arg4[%arg0, %arg1, %run_scoped3A_42, %dma_wait3A_99, %dma_wait3A_100] : memref<2x16x2x250x40xi32, #tpu.memory_space<hbm>> -> memref<1x1x1x250x40xi32, #tpu.memory_space<hbm>>
      %dma_wait3A_102 = tpu.memref_squeeze %dma_wait3A_101 : memref<1x1x1x250x40xi32, #tpu.memory_space<hbm>> -> memref<250x40xi32, #tpu.memory_space<hbm>>
      tpu.wait_dma2 semaphore(%run_scoped3A_87 : memref<!tpu.dma_semaphore, #tpu.memory_space<semaphore_mem>>) src(%dma_wait3A_102 : memref<250x40xi32, #tpu.memory_space<hbm>>) dst(%arg8 : memref<250x40xi32, #tpu.memory_space<vmem>>)
      tpu.yield
    }) : () -> ()
    %dma_start3A_43 = arith.constant 0 : i32
    %dma_start3A_44 = arith.constant 0 : i32
    %dma_start3A_45 = tpu.memref_slice %arg7[%dma_start3A_43, %dma_start3A_44] : memref<250x40xi32, #tpu.memory_space<vmem>> -> memref<1x40xi32, #tpu.memory_space<vmem>>
    %dma_start3A_46 = tpu.memref_squeeze %dma_start3A_45 : memref<1x40xi32, #tpu.memory_space<vmem>> -> memref<40xi32, #tpu.memory_space<vmem>>
    %dma_start3A_47 = arith.constant 0 : i32
    %dma_start3A_48 = arith.constant 0 : i32
    %dma_start3A_49 = tpu.memref_slice %arg2[%dma_start3A_47, %dma_start3A_48] : memref<20480x128xf32, #tpu.memory_space<hbm>> -> memref<20480x128xf32, #tpu.memory_space<hbm>>
    tpu.enqueue_indirect_dma source(%dma_start3A_49 : memref<20480x128xf32, #tpu.memory_space<hbm>>) target(%arg9 : memref<40x128xf32, #tpu.memory_space<vmem>>) offsets(%dma_start3A_46 : memref<40xi32, #tpu.memory_space<vmem>>) semaphore(%arg14 : memref<!tpu.dma_semaphore, #tpu.memory_space<semaphore_mem>>)
    %dma_start3A_50 = arith.constant 1 : i32
    %dma_start3A_51 = arith.constant 0 : i32
    %dma_start3A_52 = tpu.memref_slice %arg7[%dma_start3A_50, %dma_start3A_51] : memref<250x40xi32, #tpu.memory_space<vmem>> -> memref<1x40xi32, #tpu.memory_space<vmem>>
    %dma_start3A_53 = tpu.memref_squeeze %dma_start3A_52 : memref<1x40xi32, #tpu.memory_space<vmem>> -> memref<40xi32, #tpu.memory_space<vmem>>
    %dma_start3A_54 = arith.constant 0 : i32
    %dma_start3A_55 = arith.constant 0 : i32
    %dma_start3A_56 = tpu.memref_slice %arg2[%dma_start3A_54, %dma_start3A_55] : memref<20480x128xf32, #tpu.memory_space<hbm>> -> memref<20480x128xf32, #tpu.memory_space<hbm>>
    tpu.enqueue_indirect_dma source(%dma_start3A_56 : memref<20480x128xf32, #tpu.memory_space<hbm>>) target(%arg10 : memref<40x128xf32, #tpu.memory_space<vmem>>) offsets(%dma_start3A_53 : memref<40xi32, #tpu.memory_space<vmem>>) semaphore(%arg15 : memref<!tpu.dma_semaphore, #tpu.memory_space<semaphore_mem>>)
    %dma_start3A_57 = arith.constant 2 : i32
    %dma_start3A_58 = arith.constant 0 : i32
    %dma_start3A_59 = tpu.memref_slice %arg7[%dma_start3A_57, %dma_start3A_58] : memref<250x40xi32, #tpu.memory_space<vmem>> -> memref<1x40xi32, #tpu.memory_space<vmem>>
    %dma_start3A_60 = tpu.memref_squeeze %dma_start3A_59 : memref<1x40xi32, #tpu.memory_space<vmem>> -> memref<40xi32, #tpu.memory_space<vmem>>
    %dma_start3A_61 = arith.constant 0 : i32
    %dma_start3A_62 = arith.constant 0 : i32
    %dma_start3A_63 = tpu.memref_slice %arg2[%dma_start3A_61, %dma_start3A_62] : memref<20480x128xf32, #tpu.memory_space<hbm>> -> memref<20480x128xf32, #tpu.memory_space<hbm>>
    tpu.enqueue_indirect_dma source(%dma_start3A_63 : memref<20480x128xf32, #tpu.memory_space<hbm>>) target(%arg11 : memref<40x128xf32, #tpu.memory_space<vmem>>) offsets(%dma_start3A_60 : memref<40xi32, #tpu.memory_space<vmem>>) semaphore(%arg16 : memref<!tpu.dma_semaphore, #tpu.memory_space<semaphore_mem>>)
    %dma_start3A_64 = arith.constant 3 : i32
    %dma_start3A_65 = arith.constant 0 : i32
    %dma_start3A_66 = tpu.memref_slice %arg7[%dma_start3A_64, %dma_start3A_65] : memref<250x40xi32, #tpu.memory_space<vmem>> -> memref<1x40xi32, #tpu.memory_space<vmem>>
    %dma_start3A_67 = tpu.memref_squeeze %dma_start3A_66 : memref<1x40xi32, #tpu.memory_space<vmem>> -> memref<40xi32, #tpu.memory_space<vmem>>
    %dma_start3A_68 = arith.constant 0 : i32
    %dma_start3A_69 = arith.constant 0 : i32
    %dma_start3A_70 = tpu.memref_slice %arg2[%dma_start3A_68, %dma_start3A_69] : memref<20480x128xf32, #tpu.memory_space<hbm>> -> memref<20480x128xf32, #tpu.memory_space<hbm>>
    tpu.enqueue_indirect_dma source(%dma_start3A_70 : memref<20480x128xf32, #tpu.memory_space<hbm>>) target(%arg12 : memref<40x128xf32, #tpu.memory_space<vmem>>) offsets(%dma_start3A_67 : memref<40xi32, #tpu.memory_space<vmem>>) semaphore(%arg17 : memref<!tpu.dma_semaphore, #tpu.memory_space<semaphore_mem>>)
    %dma_start3A_71 = arith.constant 4 : i32
    %dma_start3A_72 = arith.constant 0 : i32
    %dma_start3A_73 = tpu.memref_slice %arg7[%dma_start3A_71, %dma_start3A_72] : memref<250x40xi32, #tpu.memory_space<vmem>> -> memref<1x40xi32, #tpu.memory_space<vmem>>
    %dma_start3A_74 = tpu.memref_squeeze %dma_start3A_73 : memref<1x40xi32, #tpu.memory_space<vmem>> -> memref<40xi32, #tpu.memory_space<vmem>>
    %dma_start3A_75 = arith.constant 0 : i32
    %dma_start3A_76 = arith.constant 0 : i32
    %dma_start3A_77 = tpu.memref_slice %arg2[%dma_start3A_75, %dma_start3A_76] : memref<20480x128xf32, #tpu.memory_space<hbm>> -> memref<20480x128xf32, #tpu.memory_space<hbm>>
    tpu.enqueue_indirect_dma source(%dma_start3A_77 : memref<20480x128xf32, #tpu.memory_space<hbm>>) target(%arg13 : memref<40x128xf32, #tpu.memory_space<vmem>>) offsets(%dma_start3A_74 : memref<40xi32, #tpu.memory_space<vmem>>) semaphore(%arg18 : memref<!tpu.dma_semaphore, #tpu.memory_space<semaphore_mem>>)
    %scan3A_78 = arith.constant 0 : i32
    %scan3A_79 = arith.constant 0 : i32
    %scan3A_80 = arith.constant 50 : i32
    %scan3A_81 = arith.addi %scan3A_79, %scan3A_80 : i32
    %scan3A_82 = arith.constant 1 : i32
    scf.for %scan3A_87 = %scan3A_79 to %scan3A_81 step %scan3A_82  : i32 {
      %mul3A_88 = arith.constant 5 : i32
      %mul3A_89 = arith.muli %mul3A_88, %scan3A_87 : i32
      %add3A = arith.constant 0 : i32
      %add3A_90 = arith.addi %mul3A_89, %add3A : i32
      %dma_wait3A = arith.constant 0 : i32
      %dma_wait3A_91 = tpu.memref_slice %arg7[%add3A_90, %dma_wait3A] : memref<250x40xi32, #tpu.memory_space<vmem>> -> memref<1x40xi32, #tpu.memory_space<vmem>>
      %dma_wait3A_92 = tpu.memref_squeeze %dma_wait3A_91 : memref<1x40xi32, #tpu.memory_space<vmem>> -> memref<40xi32, #tpu.memory_space<vmem>>
      %dma_wait3A_93 = arith.constant 0 : i32
      %dma_wait3A_94 = arith.constant 0 : i32
      %dma_wait3A_95 = tpu.memref_slice %arg2[%dma_wait3A_93, %dma_wait3A_94] : memref<20480x128xf32, #tpu.memory_space<hbm>> -> memref<20480x128xf32, #tpu.memory_space<hbm>>
      tpu.wait_indirect_dma semaphore(%arg14 : memref<!tpu.dma_semaphore, #tpu.memory_space<semaphore_mem>>) src(%dma_wait3A_95 : memref<20480x128xf32, #tpu.memory_space<hbm>>) dst(%arg9 : memref<40x128xf32, #tpu.memory_space<vmem>>)
      "tpu.region"() ({
        %run_scoped3A_158 = tpu.sem_alloc : memref<!tpu.dma_semaphore, #tpu.memory_space<semaphore_mem>>
        %dma_start3A_159 = arith.constant 0 : i32
        %dma_start3A_160 = tpu.memref_slice %arg8[%add3A_90, %dma_start3A_159] : memref<250x40xi32, #tpu.memory_space<vmem>> -> memref<1x40xi32, #tpu.memory_space<vmem>>
        %dma_start3A_161 = tpu.memref_squeeze %dma_start3A_160 : memref<1x40xi32, #tpu.memory_space<vmem>> -> memref<40xi32, #tpu.memory_space<vmem>>
        %dma_start3A_162 = arith.constant 0 : i32
        %dma_start3A_163 = arith.constant 0 : i32
        %dma_start3A_164 = tpu.memref_slice %arg19[%dma_start3A_162, %dma_start3A_163] : memref<10240x128xf32, #tpu.memory_space<vmem_shared>> -> memref<10240x128xf32, #tpu.memory_space<vmem_shared>>
        tpu.enqueue_indirect_dma source(%arg9 : memref<40x128xf32, #tpu.memory_space<vmem>>) target(%dma_start3A_164 : memref<10240x128xf32, #tpu.memory_space<vmem_shared>>) offsets(%dma_start3A_161 : memref<40xi32, #tpu.memory_space<vmem>>) semaphore(%run_scoped3A_158 : memref<!tpu.dma_semaphore, #tpu.memory_space<semaphore_mem>>) {add = true}
        %dma_wait3A_165 = arith.constant 0 : i32
        %dma_wait3A_166 = tpu.memref_slice %arg8[%add3A_90, %dma_wait3A_165] : memref<250x40xi32, #tpu.memory_space<vmem>> -> memref<1x40xi32, #tpu.memory_space<vmem>>
        %dma_wait3A_167 = tpu.memref_squeeze %dma_wait3A_166 : memref<1x40xi32, #tpu.memory_space<vmem>> -> memref<40xi32, #tpu.memory_space<vmem>>
        %dma_wait3A_168 = arith.constant 0 : i32
        %dma_wait3A_169 = arith.constant 0 : i32
        %dma_wait3A_170 = tpu.memref_slice %arg19[%dma_wait3A_168, %dma_wait3A_169] : memref<10240x128xf32, #tpu.memory_space<vmem_shared>> -> memref<10240x128xf32, #tpu.memory_space<vmem_shared>>
        tpu.wait_indirect_dma semaphore(%run_scoped3A_158 : memref<!tpu.dma_semaphore, #tpu.memory_space<semaphore_mem>>) src(%arg9 : memref<40x128xf32, #tpu.memory_space<vmem>>) dst(%dma_wait3A_170 : memref<10240x128xf32, #tpu.memory_space<vmem_shared>>)
        tpu.yield
      }) : () -> ()
      %lt3A = arith.constant 49 : i32
      %lt3A_96 = arith.cmpi slt, %scan3A_87, %lt3A : i32
      %convert_element_type3A = arith.extui %lt3A_96 : i1 to i32
      %cond3A = arith.constant 0 : i32
      %cond3A_97 = arith.cmpi ne, %convert_element_type3A, %cond3A : i32
      scf.if %cond3A_97 {
        %add3A_158 = arith.constant 5 : i32
        %add3A_159 = arith.addi %add3A_90, %add3A_158 : i32
        %dma_start3A_160 = arith.constant 0 : i32
        %dma_start3A_161 = tpu.memref_slice %arg7[%add3A_159, %dma_start3A_160] : memref<250x40xi32, #tpu.memory_space<vmem>> -> memref<1x40xi32, #tpu.memory_space<vmem>>
        %dma_start3A_162 = tpu.memref_squeeze %dma_start3A_161 : memref<1x40xi32, #tpu.memory_space<vmem>> -> memref<40xi32, #tpu.memory_space<vmem>>
        %dma_start3A_163 = arith.constant 0 : i32
        %dma_start3A_164 = arith.constant 0 : i32
        %dma_start3A_165 = tpu.memref_slice %arg2[%dma_start3A_163, %dma_start3A_164] : memref<20480x128xf32, #tpu.memory_space<hbm>> -> memref<20480x128xf32, #tpu.memory_space<hbm>>
        tpu.enqueue_indirect_dma source(%dma_start3A_165 : memref<20480x128xf32, #tpu.memory_space<hbm>>) target(%arg9 : memref<40x128xf32, #tpu.memory_space<vmem>>) offsets(%dma_start3A_162 : memref<40xi32, #tpu.memory_space<vmem>>) semaphore(%arg14 : memref<!tpu.dma_semaphore, #tpu.memory_space<semaphore_mem>>)
      } else {
      }
      %mul3A_98 = arith.constant 5 : i32
      %mul3A_99 = arith.muli %mul3A_98, %scan3A_87 : i32
      %add3A_100 = arith.constant 1 : i32
      %add3A_101 = arith.addi %mul3A_99, %add3A_100 : i32
      %dma_wait3A_102 = arith.constant 0 : i32
      %dma_wait3A_103 = tpu.memref_slice %arg7[%add3A_101, %dma_wait3A_102] : memref<250x40xi32, #tpu.memory_space<vmem>> -> memref<1x40xi32, #tpu.memory_space<vmem>>
      %dma_wait3A_104 = tpu.memref_squeeze %dma_wait3A_103 : memref<1x40xi32, #tpu.memory_space<vmem>> -> memref<40xi32, #tpu.memory_space<vmem>>
      %dma_wait3A_105 = arith.constant 0 : i32
      %dma_wait3A_106 = arith.constant 0 : i32
      %dma_wait3A_107 = tpu.memref_slice %arg2[%dma_wait3A_105, %dma_wait3A_106] : memref<20480x128xf32, #tpu.memory_space<hbm>> -> memref<20480x128xf32, #tpu.memory_space<hbm>>
      tpu.wait_indirect_dma semaphore(%arg15 : memref<!tpu.dma_semaphore, #tpu.memory_space<semaphore_mem>>) src(%dma_wait3A_107 : memref<20480x128xf32, #tpu.memory_space<hbm>>) dst(%arg10 : memref<40x128xf32, #tpu.memory_space<vmem>>)
      "tpu.region"() ({
        %run_scoped3A_158 = tpu.sem_alloc : memref<!tpu.dma_semaphore, #tpu.memory_space<semaphore_mem>>
        %dma_start3A_159 = arith.constant 0 : i32
        %dma_start3A_160 = tpu.memref_slice %arg8[%add3A_101, %dma_start3A_159] : memref<250x40xi32, #tpu.memory_space<vmem>> -> memref<1x40xi32, #tpu.memory_space<vmem>>
        %dma_start3A_161 = tpu.memref_squeeze %dma_start3A_160 : memref<1x40xi32, #tpu.memory_space<vmem>> -> memref<40xi32, #tpu.memory_space<vmem>>
        %dma_start3A_162 = arith.constant 0 : i32
        %dma_start3A_163 = arith.constant 0 : i32
        %dma_start3A_164 = tpu.memref_slice %arg19[%dma_start3A_162, %dma_start3A_163] : memref<10240x128xf32, #tpu.memory_space<vmem_shared>> -> memref<10240x128xf32, #tpu.memory_space<vmem_shared>>
        tpu.enqueue_indirect_dma source(%arg10 : memref<40x128xf32, #tpu.memory_space<vmem>>) target(%dma_start3A_164 : memref<10240x128xf32, #tpu.memory_space<vmem_shared>>) offsets(%dma_start3A_161 : memref<40xi32, #tpu.memory_space<vmem>>) semaphore(%run_scoped3A_158 : memref<!tpu.dma_semaphore, #tpu.memory_space<semaphore_mem>>) {add = true}
        %dma_wait3A_165 = arith.constant 0 : i32
        %dma_wait3A_166 = tpu.memref_slice %arg8[%add3A_101, %dma_wait3A_165] : memref<250x40xi32, #tpu.memory_space<vmem>> -> memref<1x40xi32, #tpu.memory_space<vmem>>
        %dma_wait3A_167 = tpu.memref_squeeze %dma_wait3A_166 : memref<1x40xi32, #tpu.memory_space<vmem>> -> memref<40xi32, #tpu.memory_space<vmem>>
        %dma_wait3A_168 = arith.constant 0 : i32
        %dma_wait3A_169 = arith.constant 0 : i32
        %dma_wait3A_170 = tpu.memref_slice %arg19[%dma_wait3A_168, %dma_wait3A_169] : memref<10240x128xf32, #tpu.memory_space<vmem_shared>> -> memref<10240x128xf32, #tpu.memory_space<vmem_shared>>
        tpu.wait_indirect_dma semaphore(%run_scoped3A_158 : memref<!tpu.dma_semaphore, #tpu.memory_space<semaphore_mem>>) src(%arg10 : memref<40x128xf32, #tpu.memory_space<vmem>>) dst(%dma_wait3A_170 : memref<10240x128xf32, #tpu.memory_space<vmem_shared>>)
        tpu.yield
      }) : () -> ()
      %lt3A_108 = arith.constant 49 : i32
      %lt3A_109 = arith.cmpi slt, %scan3A_87, %lt3A_108 : i32
      %convert_element_type3A_110 = arith.extui %lt3A_109 : i1 to i32
      %cond3A_111 = arith.constant 0 : i32
      %cond3A_112 = arith.cmpi ne, %convert_element_type3A_110, %cond3A_111 : i32
      scf.if %cond3A_112 {
        %add3A_158 = arith.constant 5 : i32
        %add3A_159 = arith.addi %add3A_101, %add3A_158 : i32
        %dma_start3A_160 = arith.constant 0 : i32
        %dma_start3A_161 = tpu.memref_slice %arg7[%add3A_159, %dma_start3A_160] : memref<250x40xi32, #tpu.memory_space<vmem>> -> memref<1x40xi32, #tpu.memory_space<vmem>>
        %dma_start3A_162 = tpu.memref_squeeze %dma_start3A_161 : memref<1x40xi32, #tpu.memory_space<vmem>> -> memref<40xi32, #tpu.memory_space<vmem>>
        %dma_start3A_163 = arith.constant 0 : i32
        %dma_start3A_164 = arith.constant 0 : i32
        %dma_start3A_165 = tpu.memref_slice %arg2[%dma_start3A_163, %dma_start3A_164] : memref<20480x128xf32, #tpu.memory_space<hbm>> -> memref<20480x128xf32, #tpu.memory_space<hbm>>
        tpu.enqueue_indirect_dma source(%dma_start3A_165 : memref<20480x128xf32, #tpu.memory_space<hbm>>) target(%arg10 : memref<40x128xf32, #tpu.memory_space<vmem>>) offsets(%dma_start3A_162 : memref<40xi32, #tpu.memory_space<vmem>>) semaphore(%arg15 : memref<!tpu.dma_semaphore, #tpu.memory_space<semaphore_mem>>)
      } else {
      }
      %mul3A_113 = arith.constant 5 : i32
      %mul3A_114 = arith.muli %mul3A_113, %scan3A_87 : i32
      %add3A_115 = arith.constant 2 : i32
      %add3A_116 = arith.addi %mul3A_114, %add3A_115 : i32
      %dma_wait3A_117 = arith.constant 0 : i32
      %dma_wait3A_118 = tpu.memref_slice %arg7[%add3A_116, %dma_wait3A_117] : memref<250x40xi32, #tpu.memory_space<vmem>> -> memref<1x40xi32, #tpu.memory_space<vmem>>
      %dma_wait3A_119 = tpu.memref_squeeze %dma_wait3A_118 : memref<1x40xi32, #tpu.memory_space<vmem>> -> memref<40xi32, #tpu.memory_space<vmem>>
      %dma_wait3A_120 = arith.constant 0 : i32
      %dma_wait3A_121 = arith.constant 0 : i32
      %dma_wait3A_122 = tpu.memref_slice %arg2[%dma_wait3A_120, %dma_wait3A_121] : memref<20480x128xf32, #tpu.memory_space<hbm>> -> memref<20480x128xf32, #tpu.memory_space<hbm>>
      tpu.wait_indirect_dma semaphore(%arg16 : memref<!tpu.dma_semaphore, #tpu.memory_space<semaphore_mem>>) src(%dma_wait3A_122 : memref<20480x128xf32, #tpu.memory_space<hbm>>) dst(%arg11 : memref<40x128xf32, #tpu.memory_space<vmem>>)
      "tpu.region"() ({
        %run_scoped3A_158 = tpu.sem_alloc : memref<!tpu.dma_semaphore, #tpu.memory_space<semaphore_mem>>
        %dma_start3A_159 = arith.constant 0 : i32
        %dma_start3A_160 = tpu.memref_slice %arg8[%add3A_116, %dma_start3A_159] : memref<250x40xi32, #tpu.memory_space<vmem>> -> memref<1x40xi32, #tpu.memory_space<vmem>>
        %dma_start3A_161 = tpu.memref_squeeze %dma_start3A_160 : memref<1x40xi32, #tpu.memory_space<vmem>> -> memref<40xi32, #tpu.memory_space<vmem>>
        %dma_start3A_162 = arith.constant 0 : i32
        %dma_start3A_163 = arith.constant 0 : i32
        %dma_start3A_164 = tpu.memref_slice %arg19[%dma_start3A_162, %dma_start3A_163] : memref<10240x128xf32, #tpu.memory_space<vmem_shared>> -> memref<10240x128xf32, #tpu.memory_space<vmem_shared>>
        tpu.enqueue_indirect_dma source(%arg11 : memref<40x128xf32, #tpu.memory_space<vmem>>) target(%dma_start3A_164 : memref<10240x128xf32, #tpu.memory_space<vmem_shared>>) offsets(%dma_start3A_161 : memref<40xi32, #tpu.memory_space<vmem>>) semaphore(%run_scoped3A_158 : memref<!tpu.dma_semaphore, #tpu.memory_space<semaphore_mem>>) {add = true}
        %dma_wait3A_165 = arith.constant 0 : i32
        %dma_wait3A_166 = tpu.memref_slice %arg8[%add3A_116, %dma_wait3A_165] : memref<250x40xi32, #tpu.memory_space<vmem>> -> memref<1x40xi32, #tpu.memory_space<vmem>>
        %dma_wait3A_167 = tpu.memref_squeeze %dma_wait3A_166 : memref<1x40xi32, #tpu.memory_space<vmem>> -> memref<40xi32, #tpu.memory_space<vmem>>
        %dma_wait3A_168 = arith.constant 0 : i32
        %dma_wait3A_169 = arith.constant 0 : i32
        %dma_wait3A_170 = tpu.memref_slice %arg19[%dma_wait3A_168, %dma_wait3A_169] : memref<10240x128xf32, #tpu.memory_space<vmem_shared>> -> memref<10240x128xf32, #tpu.memory_space<vmem_shared>>
        tpu.wait_indirect_dma semaphore(%run_scoped3A_158 : memref<!tpu.dma_semaphore, #tpu.memory_space<semaphore_mem>>) src(%arg11 : memref<40x128xf32, #tpu.memory_space<vmem>>) dst(%dma_wait3A_170 : memref<10240x128xf32, #tpu.memory_space<vmem_shared>>)
        tpu.yield
      }) : () -> ()
      %lt3A_123 = arith.constant 49 : i32
      %lt3A_124 = arith.cmpi slt, %scan3A_87, %lt3A_123 : i32
      %convert_element_type3A_125 = arith.extui %lt3A_124 : i1 to i32
      %cond3A_126 = arith.constant 0 : i32
      %cond3A_127 = arith.cmpi ne, %convert_element_type3A_125, %cond3A_126 : i32
      scf.if %cond3A_127 {
        %add3A_158 = arith.constant 5 : i32
        %add3A_159 = arith.addi %add3A_116, %add3A_158 : i32
        %dma_start3A_160 = arith.constant 0 : i32
        %dma_start3A_161 = tpu.memref_slice %arg7[%add3A_159, %dma_start3A_160] : memref<250x40xi32, #tpu.memory_space<vmem>> -> memref<1x40xi32, #tpu.memory_space<vmem>>
        %dma_start3A_162 = tpu.memref_squeeze %dma_start3A_161 : memref<1x40xi32, #tpu.memory_space<vmem>> -> memref<40xi32, #tpu.memory_space<vmem>>
        %dma_start3A_163 = arith.constant 0 : i32
        %dma_start3A_164 = arith.constant 0 : i32
        %dma_start3A_165 = tpu.memref_slice %arg2[%dma_start3A_163, %dma_start3A_164] : memref<20480x128xf32, #tpu.memory_space<hbm>> -> memref<20480x128xf32, #tpu.memory_space<hbm>>
        tpu.enqueue_indirect_dma source(%dma_start3A_165 : memref<20480x128xf32, #tpu.memory_space<hbm>>) target(%arg11 : memref<40x128xf32, #tpu.memory_space<vmem>>) offsets(%dma_start3A_162 : memref<40xi32, #tpu.memory_space<vmem>>) semaphore(%arg16 : memref<!tpu.dma_semaphore, #tpu.memory_space<semaphore_mem>>)
      } else {
      }
      %mul3A_128 = arith.constant 5 : i32
      %mul3A_129 = arith.muli %mul3A_128, %scan3A_87 : i32
      %add3A_130 = arith.constant 3 : i32
      %add3A_131 = arith.addi %mul3A_129, %add3A_130 : i32
      %dma_wait3A_132 = arith.constant 0 : i32
      %dma_wait3A_133 = tpu.memref_slice %arg7[%add3A_131, %dma_wait3A_132] : memref<250x40xi32, #tpu.memory_space<vmem>> -> memref<1x40xi32, #tpu.memory_space<vmem>>
      %dma_wait3A_134 = tpu.memref_squeeze %dma_wait3A_133 : memref<1x40xi32, #tpu.memory_space<vmem>> -> memref<40xi32, #tpu.memory_space<vmem>>
      %dma_wait3A_135 = arith.constant 0 : i32
      %dma_wait3A_136 = arith.constant 0 : i32
      %dma_wait3A_137 = tpu.memref_slice %arg2[%dma_wait3A_135, %dma_wait3A_136] : memref<20480x128xf32, #tpu.memory_space<hbm>> -> memref<20480x128xf32, #tpu.memory_space<hbm>>
      tpu.wait_indirect_dma semaphore(%arg17 : memref<!tpu.dma_semaphore, #tpu.memory_space<semaphore_mem>>) src(%dma_wait3A_137 : memref<20480x128xf32, #tpu.memory_space<hbm>>) dst(%arg12 : memref<40x128xf32, #tpu.memory_space<vmem>>)
      "tpu.region"() ({
        %run_scoped3A_158 = tpu.sem_alloc : memref<!tpu.dma_semaphore, #tpu.memory_space<semaphore_mem>>
        %dma_start3A_159 = arith.constant 0 : i32
        %dma_start3A_160 = tpu.memref_slice %arg8[%add3A_131, %dma_start3A_159] : memref<250x40xi32, #tpu.memory_space<vmem>> -> memref<1x40xi32, #tpu.memory_space<vmem>>
        %dma_start3A_161 = tpu.memref_squeeze %dma_start3A_160 : memref<1x40xi32, #tpu.memory_space<vmem>> -> memref<40xi32, #tpu.memory_space<vmem>>
        %dma_start3A_162 = arith.constant 0 : i32
        %dma_start3A_163 = arith.constant 0 : i32
        %dma_start3A_164 = tpu.memref_slice %arg19[%dma_start3A_162, %dma_start3A_163] : memref<10240x128xf32, #tpu.memory_space<vmem_shared>> -> memref<10240x128xf32, #tpu.memory_space<vmem_shared>>
        tpu.enqueue_indirect_dma source(%arg12 : memref<40x128xf32, #tpu.memory_space<vmem>>) target(%dma_start3A_164 : memref<10240x128xf32, #tpu.memory_space<vmem_shared>>) offsets(%dma_start3A_161 : memref<40xi32, #tpu.memory_space<vmem>>) semaphore(%run_scoped3A_158 : memref<!tpu.dma_semaphore, #tpu.memory_space<semaphore_mem>>) {add = true}
        %dma_wait3A_165 = arith.constant 0 : i32
        %dma_wait3A_166 = tpu.memref_slice %arg8[%add3A_131, %dma_wait3A_165] : memref<250x40xi32, #tpu.memory_space<vmem>> -> memref<1x40xi32, #tpu.memory_space<vmem>>
        %dma_wait3A_167 = tpu.memref_squeeze %dma_wait3A_166 : memref<1x40xi32, #tpu.memory_space<vmem>> -> memref<40xi32, #tpu.memory_space<vmem>>
        %dma_wait3A_168 = arith.constant 0 : i32
        %dma_wait3A_169 = arith.constant 0 : i32
        %dma_wait3A_170 = tpu.memref_slice %arg19[%dma_wait3A_168, %dma_wait3A_169] : memref<10240x128xf32, #tpu.memory_space<vmem_shared>> -> memref<10240x128xf32, #tpu.memory_space<vmem_shared>>
        tpu.wait_indirect_dma semaphore(%run_scoped3A_158 : memref<!tpu.dma_semaphore, #tpu.memory_space<semaphore_mem>>) src(%arg12 : memref<40x128xf32, #tpu.memory_space<vmem>>) dst(%dma_wait3A_170 : memref<10240x128xf32, #tpu.memory_space<vmem_shared>>)
        tpu.yield
      }) : () -> ()
      %lt3A_138 = arith.constant 49 : i32
      %lt3A_139 = arith.cmpi slt, %scan3A_87, %lt3A_138 : i32
      %convert_element_type3A_140 = arith.extui %lt3A_139 : i1 to i32
      %cond3A_141 = arith.constant 0 : i32
      %cond3A_142 = arith.cmpi ne, %convert_element_type3A_140, %cond3A_141 : i32
      scf.if %cond3A_142 {
        %add3A_158 = arith.constant 5 : i32
        %add3A_159 = arith.addi %add3A_131, %add3A_158 : i32
        %dma_start3A_160 = arith.constant 0 : i32
        %dma_start3A_161 = tpu.memref_slice %arg7[%add3A_159, %dma_start3A_160] : memref<250x40xi32, #tpu.memory_space<vmem>> -> memref<1x40xi32, #tpu.memory_space<vmem>>
        %dma_start3A_162 = tpu.memref_squeeze %dma_start3A_161 : memref<1x40xi32, #tpu.memory_space<vmem>> -> memref<40xi32, #tpu.memory_space<vmem>>
        %dma_start3A_163 = arith.constant 0 : i32
        %dma_start3A_164 = arith.constant 0 : i32
        %dma_start3A_165 = tpu.memref_slice %arg2[%dma_start3A_163, %dma_start3A_164] : memref<20480x128xf32, #tpu.memory_space<hbm>> -> memref<20480x128xf32, #tpu.memory_space<hbm>>
        tpu.enqueue_indirect_dma source(%dma_start3A_165 : memref<20480x128xf32, #tpu.memory_space<hbm>>) target(%arg12 : memref<40x128xf32, #tpu.memory_space<vmem>>) offsets(%dma_start3A_162 : memref<40xi32, #tpu.memory_space<vmem>>) semaphore(%arg17 : memref<!tpu.dma_semaphore, #tpu.memory_space<semaphore_mem>>)
      } else {
      }
      %mul3A_143 = arith.constant 5 : i32
      %mul3A_144 = arith.muli %mul3A_143, %scan3A_87 : i32
      %add3A_145 = arith.constant 4 : i32
      %add3A_146 = arith.addi %mul3A_144, %add3A_145 : i32
      %dma_wait3A_147 = arith.constant 0 : i32
      %dma_wait3A_148 = tpu.memref_slice %arg7[%add3A_146, %dma_wait3A_147] : memref<250x40xi32, #tpu.memory_space<vmem>> -> memref<1x40xi32, #tpu.memory_space<vmem>>
      %dma_wait3A_149 = tpu.memref_squeeze %dma_wait3A_148 : memref<1x40xi32, #tpu.memory_space<vmem>> -> memref<40xi32, #tpu.memory_space<vmem>>
      %dma_wait3A_150 = arith.constant 0 : i32
      %dma_wait3A_151 = arith.constant 0 : i32
      %dma_wait3A_152 = tpu.memref_slice %arg2[%dma_wait3A_150, %dma_wait3A_151] : memref<20480x128xf32, #tpu.memory_space<hbm>> -> memref<20480x128xf32, #tpu.memory_space<hbm>>
      tpu.wait_indirect_dma semaphore(%arg18 : memref<!tpu.dma_semaphore, #tpu.memory_space<semaphore_mem>>) src(%dma_wait3A_152 : memref<20480x128xf32, #tpu.memory_space<hbm>>) dst(%arg13 : memref<40x128xf32, #tpu.memory_space<vmem>>)
      "tpu.region"() ({
        %run_scoped3A_158 = tpu.sem_alloc : memref<!tpu.dma_semaphore, #tpu.memory_space<semaphore_mem>>
        %dma_start3A_159 = arith.constant 0 : i32
        %dma_start3A_160 = tpu.memref_slice %arg8[%add3A_146, %dma_start3A_159] : memref<250x40xi32, #tpu.memory_space<vmem>> -> memref<1x40xi32, #tpu.memory_space<vmem>>
        %dma_start3A_161 = tpu.memref_squeeze %dma_start3A_160 : memref<1x40xi32, #tpu.memory_space<vmem>> -> memref<40xi32, #tpu.memory_space<vmem>>
        %dma_start3A_162 = arith.constant 0 : i32
        %dma_start3A_163 = arith.constant 0 : i32
        %dma_start3A_164 = tpu.memref_slice %arg19[%dma_start3A_162, %dma_start3A_163] : memref<10240x128xf32, #tpu.memory_space<vmem_shared>> -> memref<10240x128xf32, #tpu.memory_space<vmem_shared>>
        tpu.enqueue_indirect_dma source(%arg13 : memref<40x128xf32, #tpu.memory_space<vmem>>) target(%dma_start3A_164 : memref<10240x128xf32, #tpu.memory_space<vmem_shared>>) offsets(%dma_start3A_161 : memref<40xi32, #tpu.memory_space<vmem>>) semaphore(%run_scoped3A_158 : memref<!tpu.dma_semaphore, #tpu.memory_space<semaphore_mem>>) {add = true}
        %dma_wait3A_165 = arith.constant 0 : i32
        %dma_wait3A_166 = tpu.memref_slice %arg8[%add3A_146, %dma_wait3A_165] : memref<250x40xi32, #tpu.memory_space<vmem>> -> memref<1x40xi32, #tpu.memory_space<vmem>>
        %dma_wait3A_167 = tpu.memref_squeeze %dma_wait3A_166 : memref<1x40xi32, #tpu.memory_space<vmem>> -> memref<40xi32, #tpu.memory_space<vmem>>
        %dma_wait3A_168 = arith.constant 0 : i32
        %dma_wait3A_169 = arith.constant 0 : i32
        %dma_wait3A_170 = tpu.memref_slice %arg19[%dma_wait3A_168, %dma_wait3A_169] : memref<10240x128xf32, #tpu.memory_space<vmem_shared>> -> memref<10240x128xf32, #tpu.memory_space<vmem_shared>>
        tpu.wait_indirect_dma semaphore(%run_scoped3A_158 : memref<!tpu.dma_semaphore, #tpu.memory_space<semaphore_mem>>) src(%arg13 : memref<40x128xf32, #tpu.memory_space<vmem>>) dst(%dma_wait3A_170 : memref<10240x128xf32, #tpu.memory_space<vmem_shared>>)
        tpu.yield
      }) : () -> ()
      %lt3A_153 = arith.constant 49 : i32
      %lt3A_154 = arith.cmpi slt, %scan3A_87, %lt3A_153 : i32
      %convert_element_type3A_155 = arith.extui %lt3A_154 : i1 to i32
      %cond3A_156 = arith.constant 0 : i32
      %cond3A_157 = arith.cmpi ne, %convert_element_type3A_155, %cond3A_156 : i32
      scf.if %cond3A_157 {
        %add3A_158 = arith.constant 5 : i32
        %add3A_159 = arith.addi %add3A_146, %add3A_158 : i32
        %dma_start3A_160 = arith.constant 0 : i32
        %dma_start3A_161 = tpu.memref_slice %arg7[%add3A_159, %dma_start3A_160] : memref<250x40xi32, #tpu.memory_space<vmem>> -> memref<1x40xi32, #tpu.memory_space<vmem>>
        %dma_start3A_162 = tpu.memref_squeeze %dma_start3A_161 : memref<1x40xi32, #tpu.memory_space<vmem>> -> memref<40xi32, #tpu.memory_space<vmem>>
        %dma_start3A_163 = arith.constant 0 : i32
        %dma_start3A_164 = arith.constant 0 : i32
        %dma_start3A_165 = tpu.memref_slice %arg2[%dma_start3A_163, %dma_start3A_164] : memref<20480x128xf32, #tpu.memory_space<hbm>> -> memref<20480x128xf32, #tpu.memory_space<hbm>>
        tpu.enqueue_indirect_dma source(%dma_start3A_165 : memref<20480x128xf32, #tpu.memory_space<hbm>>) target(%arg13 : memref<40x128xf32, #tpu.memory_space<vmem>>) offsets(%dma_start3A_162 : memref<40xi32, #tpu.memory_space<vmem>>) semaphore(%arg18 : memref<!tpu.dma_semaphore, #tpu.memory_space<semaphore_mem>>)
      } else {
      }
    }
    %scan3A_83 = arith.constant 50 : i32
    %barrier3A_84 = arith.constant 0 : index
    tpu.barrier barrier_id(%barrier3A_84)
    %mul3A_85 = arith.constant 640 : i32
    %mul3A_86 = arith.muli %arg1, %mul3A_85 : i32
    "tpu.region"() ({
      %run_scoped3A_87 = tpu.sem_alloc : memref<!tpu.dma_semaphore, #tpu.memory_space<semaphore_mem>>
      %dma_start3A_88 = arith.constant 0 : i32
      %dma_start3A_89 = tpu.memref_slice %arg6[%arg0, %mul3A_86, %dma_start3A_88] : memref<2x10240x128xf32, #tpu.memory_space<hbm>> -> memref<1x640x128xf32, #tpu.memory_space<hbm>>
      %dma_start3A_90 = tpu.memref_squeeze %dma_start3A_89 : memref<1x640x128xf32, #tpu.memory_space<hbm>> -> memref<640x128xf32, #tpu.memory_space<hbm>>
      %dma_start3A_91 = arith.constant 0 : i32
      %dma_start3A_92 = tpu.memref_slice %arg19[%mul3A_86, %dma_start3A_91] : memref<10240x128xf32, #tpu.memory_space<vmem_shared>> -> memref<640x128xf32, #tpu.memory_space<vmem_shared>>
      tpu.enqueue_dma source(%dma_start3A_92 : memref<640x128xf32, #tpu.memory_space<vmem_shared>>) target(%dma_start3A_90 : memref<640x128xf32, #tpu.memory_space<hbm>>) target_semaphore(%run_scoped3A_87 : memref<!tpu.dma_semaphore, #tpu.memory_space<semaphore_mem>>)
      %dma_wait3A = arith.constant 0 : i32
      %dma_wait3A_93 = tpu.memref_slice %arg6[%arg0, %mul3A_86, %dma_wait3A] : memref<2x10240x128xf32, #tpu.memory_space<hbm>> -> memref<1x640x128xf32, #tpu.memory_space<hbm>>
      %dma_wait3A_94 = tpu.memref_squeeze %dma_wait3A_93 : memref<1x640x128xf32, #tpu.memory_space<hbm>> -> memref<640x128xf32, #tpu.memory_space<hbm>>
      %dma_wait3A_95 = arith.constant 0 : i32
      %dma_wait3A_96 = tpu.memref_slice %arg19[%mul3A_86, %dma_wait3A_95] : memref<10240x128xf32, #tpu.memory_space<vmem_shared>> -> memref<640x128xf32, #tpu.memory_space<vmem_shared>>
      tpu.wait_dma2 semaphore(%run_scoped3A_87 : memref<!tpu.dma_semaphore, #tpu.memory_space<semaphore_mem>>) src(%dma_wait3A_96 : memref<640x128xf32, #tpu.memory_space<vmem_shared>>) dst(%dma_wait3A_94 : memref<640x128xf32, #tpu.memory_space<hbm>>)
      tpu.yield
    }) : () -> ()
    return
  }
}

#map = affine_map<(d0, d1) -> (0, 0)>
#map1 = affine_map<(d0, d1) -> (0, 0, 0, 0, 0)>
#map2 = affine_map<(d0, d1) -> (0, 0, 0)>
module attributes {stable_mosaic.version = 14 : i64} {
  func.func @mp_l1(%arg0: i32, %arg1: i32, %arg2: memref<10240x128xf32, #tpu.memory_space<hbm>>, %arg3: memref<2x16x1x250x40xi32, #tpu.memory_space<hbm>>, %arg4: memref<2x16x1x250x40xi32, #tpu.memory_space<hbm>>, %arg5: memref<640x128xf32, #tpu.memory_space<hbm>>, %arg6: memref<2x10240x128xf32, #tpu.memory_space<hbm>>, %arg7: memref<250x40xi32, #tpu.memory_space<vmem>>, %arg8: memref<250x40xi32, #tpu.memory_space<vmem>>, %arg9: memref<40x128xf32, #tpu.memory_space<vmem>>, %arg10: memref<40x128xf32, #tpu.memory_space<vmem>>, %arg11: memref<40x128xf32, #tpu.memory_space<vmem>>, %arg12: memref<40x128xf32, #tpu.memory_space<vmem>>, %arg13: memref<40x128xf32, #tpu.memory_space<vmem>>, %arg14: memref<!tpu.dma_semaphore, #tpu.memory_space<semaphore_mem>>, %arg15: memref<!tpu.dma_semaphore, #tpu.memory_space<semaphore_mem>>, %arg16: memref<!tpu.dma_semaphore, #tpu.memory_space<semaphore_mem>>, %arg17: memref<!tpu.dma_semaphore, #tpu.memory_space<semaphore_mem>>, %arg18: memref<!tpu.dma_semaphore, #tpu.memory_space<semaphore_mem>>, %arg19: memref<10240x128xf32, #tpu.memory_space<vmem_shared>>) attributes {dimension_semantics = [#tpu.dimension_semantics<core_parallel>, #tpu.dimension_semantics<subcore_parallel>], iteration_bounds = array<i64: 2, 16>, scalar_prefetch = 0 : i64, scratch_operands = 13 : i64, tpu.core_type = #tpu.core_type<sc_vector_subcore>, window_params = [{transform_indices = #map}, {transform_indices = #map1}, {transform_indices = #map1}, {transform_indices = #map}, {transform_indices = #map2}]} {
    %mul3A = arith.constant 640 : i32
    %mul3A_0 = arith.muli %arg1, %mul3A : i32
    "tpu.region"() ({
      %run_scoped3A_44 = tpu.sem_alloc : memref<!tpu.dma_semaphore, #tpu.memory_space<semaphore_mem>>
      %dma_start3A_45 = arith.constant 0 : i32
      %dma_start3A_46 = tpu.memref_slice %arg19[%mul3A_0, %dma_start3A_45] : memref<10240x128xf32, #tpu.memory_space<vmem_shared>> -> memref<640x128xf32, #tpu.memory_space<vmem_shared>>
      tpu.enqueue_dma source(%arg5 : memref<640x128xf32, #tpu.memory_space<hbm>>) target(%dma_start3A_46 : memref<640x128xf32, #tpu.memory_space<vmem_shared>>) target_semaphore(%run_scoped3A_44 : memref<!tpu.dma_semaphore, #tpu.memory_space<semaphore_mem>>)
      %dma_wait3A = arith.constant 0 : i32
      %dma_wait3A_47 = tpu.memref_slice %arg19[%mul3A_0, %dma_wait3A] : memref<10240x128xf32, #tpu.memory_space<vmem_shared>> -> memref<640x128xf32, #tpu.memory_space<vmem_shared>>
      tpu.wait_dma2 semaphore(%run_scoped3A_44 : memref<!tpu.dma_semaphore, #tpu.memory_space<semaphore_mem>>) src(%arg5 : memref<640x128xf32, #tpu.memory_space<hbm>>) dst(%dma_wait3A_47 : memref<640x128xf32, #tpu.memory_space<vmem_shared>>)
      tpu.yield
    }) : () -> ()
    %barrier3A = arith.constant 0 : index
    tpu.barrier barrier_id(%barrier3A)
    %run_scoped3A = arith.constant 0 : i32
    "tpu.region"() ({
      %run_scoped3A_44 = tpu.sem_alloc : memref<!tpu.dma_semaphore, #tpu.memory_space<semaphore_mem>>
      %dma_start3A_45 = arith.constant 0 : i32
      %dma_start3A_46 = arith.constant 0 : i32
      %dma_start3A_47 = tpu.memref_slice %arg3[%arg0, %arg1, %run_scoped3A, %dma_start3A_45, %dma_start3A_46] : memref<2x16x1x250x40xi32, #tpu.memory_space<hbm>> -> memref<1x1x1x250x40xi32, #tpu.memory_space<hbm>>
      %dma_start3A_48 = tpu.memref_squeeze %dma_start3A_47 : memref<1x1x1x250x40xi32, #tpu.memory_space<hbm>> -> memref<250x40xi32, #tpu.memory_space<hbm>>
      %dma_start3A_49 = arith.constant 0 : i32
      %dma_start3A_50 = arith.constant 0 : i32
      %dma_start3A_51 = tpu.memref_slice %arg3[%arg0, %arg1, %run_scoped3A, %dma_start3A_49, %dma_start3A_50] : memref<2x16x1x250x40xi32, #tpu.memory_space<hbm>> -> memref<1x1x1x250x40xi32, #tpu.memory_space<hbm>>
      %dma_start3A_52 = tpu.memref_squeeze %dma_start3A_51 : memref<1x1x1x250x40xi32, #tpu.memory_space<hbm>> -> memref<250x40xi32, #tpu.memory_space<hbm>>
      tpu.enqueue_dma source(%dma_start3A_52 : memref<250x40xi32, #tpu.memory_space<hbm>>) target(%arg7 : memref<250x40xi32, #tpu.memory_space<vmem>>) target_semaphore(%run_scoped3A_44 : memref<!tpu.dma_semaphore, #tpu.memory_space<semaphore_mem>>)
      %dma_wait3A = arith.constant 0 : i32
      %dma_wait3A_53 = arith.constant 0 : i32
      %dma_wait3A_54 = tpu.memref_slice %arg3[%arg0, %arg1, %run_scoped3A, %dma_wait3A, %dma_wait3A_53] : memref<2x16x1x250x40xi32, #tpu.memory_space<hbm>> -> memref<1x1x1x250x40xi32, #tpu.memory_space<hbm>>
      %dma_wait3A_55 = tpu.memref_squeeze %dma_wait3A_54 : memref<1x1x1x250x40xi32, #tpu.memory_space<hbm>> -> memref<250x40xi32, #tpu.memory_space<hbm>>
      %dma_wait3A_56 = arith.constant 0 : i32
      %dma_wait3A_57 = arith.constant 0 : i32
      %dma_wait3A_58 = tpu.memref_slice %arg3[%arg0, %arg1, %run_scoped3A, %dma_wait3A_56, %dma_wait3A_57] : memref<2x16x1x250x40xi32, #tpu.memory_space<hbm>> -> memref<1x1x1x250x40xi32, #tpu.memory_space<hbm>>
      %dma_wait3A_59 = tpu.memref_squeeze %dma_wait3A_58 : memref<1x1x1x250x40xi32, #tpu.memory_space<hbm>> -> memref<250x40xi32, #tpu.memory_space<hbm>>
      tpu.wait_dma2 semaphore(%run_scoped3A_44 : memref<!tpu.dma_semaphore, #tpu.memory_space<semaphore_mem>>) src(%dma_wait3A_59 : memref<250x40xi32, #tpu.memory_space<hbm>>) dst(%arg7 : memref<250x40xi32, #tpu.memory_space<vmem>>)
      tpu.yield
    }) : () -> ()
    %run_scoped3A_1 = arith.constant 0 : i32
    "tpu.region"() ({
      %run_scoped3A_44 = tpu.sem_alloc : memref<!tpu.dma_semaphore, #tpu.memory_space<semaphore_mem>>
      %dma_start3A_45 = arith.constant 0 : i32
      %dma_start3A_46 = arith.constant 0 : i32
      %dma_start3A_47 = tpu.memref_slice %arg4[%arg0, %arg1, %run_scoped3A_1, %dma_start3A_45, %dma_start3A_46] : memref<2x16x1x250x40xi32, #tpu.memory_space<hbm>> -> memref<1x1x1x250x40xi32, #tpu.memory_space<hbm>>
      %dma_start3A_48 = tpu.memref_squeeze %dma_start3A_47 : memref<1x1x1x250x40xi32, #tpu.memory_space<hbm>> -> memref<250x40xi32, #tpu.memory_space<hbm>>
      %dma_start3A_49 = arith.constant 0 : i32
      %dma_start3A_50 = arith.constant 0 : i32
      %dma_start3A_51 = tpu.memref_slice %arg4[%arg0, %arg1, %run_scoped3A_1, %dma_start3A_49, %dma_start3A_50] : memref<2x16x1x250x40xi32, #tpu.memory_space<hbm>> -> memref<1x1x1x250x40xi32, #tpu.memory_space<hbm>>
      %dma_start3A_52 = tpu.memref_squeeze %dma_start3A_51 : memref<1x1x1x250x40xi32, #tpu.memory_space<hbm>> -> memref<250x40xi32, #tpu.memory_space<hbm>>
      tpu.enqueue_dma source(%dma_start3A_52 : memref<250x40xi32, #tpu.memory_space<hbm>>) target(%arg8 : memref<250x40xi32, #tpu.memory_space<vmem>>) target_semaphore(%run_scoped3A_44 : memref<!tpu.dma_semaphore, #tpu.memory_space<semaphore_mem>>)
      %dma_wait3A = arith.constant 0 : i32
      %dma_wait3A_53 = arith.constant 0 : i32
      %dma_wait3A_54 = tpu.memref_slice %arg4[%arg0, %arg1, %run_scoped3A_1, %dma_wait3A, %dma_wait3A_53] : memref<2x16x1x250x40xi32, #tpu.memory_space<hbm>> -> memref<1x1x1x250x40xi32, #tpu.memory_space<hbm>>
      %dma_wait3A_55 = tpu.memref_squeeze %dma_wait3A_54 : memref<1x1x1x250x40xi32, #tpu.memory_space<hbm>> -> memref<250x40xi32, #tpu.memory_space<hbm>>
      %dma_wait3A_56 = arith.constant 0 : i32
      %dma_wait3A_57 = arith.constant 0 : i32
      %dma_wait3A_58 = tpu.memref_slice %arg4[%arg0, %arg1, %run_scoped3A_1, %dma_wait3A_56, %dma_wait3A_57] : memref<2x16x1x250x40xi32, #tpu.memory_space<hbm>> -> memref<1x1x1x250x40xi32, #tpu.memory_space<hbm>>
      %dma_wait3A_59 = tpu.memref_squeeze %dma_wait3A_58 : memref<1x1x1x250x40xi32, #tpu.memory_space<hbm>> -> memref<250x40xi32, #tpu.memory_space<hbm>>
      tpu.wait_dma2 semaphore(%run_scoped3A_44 : memref<!tpu.dma_semaphore, #tpu.memory_space<semaphore_mem>>) src(%dma_wait3A_59 : memref<250x40xi32, #tpu.memory_space<hbm>>) dst(%arg8 : memref<250x40xi32, #tpu.memory_space<vmem>>)
      tpu.yield
    }) : () -> ()
    %dma_start3A = arith.constant 0 : i32
    %dma_start3A_2 = arith.constant 0 : i32
    %dma_start3A_3 = tpu.memref_slice %arg7[%dma_start3A, %dma_start3A_2] : memref<250x40xi32, #tpu.memory_space<vmem>> -> memref<1x40xi32, #tpu.memory_space<vmem>>
    %dma_start3A_4 = tpu.memref_squeeze %dma_start3A_3 : memref<1x40xi32, #tpu.memory_space<vmem>> -> memref<40xi32, #tpu.memory_space<vmem>>
    %dma_start3A_5 = arith.constant 0 : i32
    %dma_start3A_6 = arith.constant 0 : i32
    %dma_start3A_7 = tpu.memref_slice %arg2[%dma_start3A_5, %dma_start3A_6] : memref<10240x128xf32, #tpu.memory_space<hbm>> -> memref<10240x128xf32, #tpu.memory_space<hbm>>
    tpu.enqueue_indirect_dma source(%dma_start3A_7 : memref<10240x128xf32, #tpu.memory_space<hbm>>) target(%arg9 : memref<40x128xf32, #tpu.memory_space<vmem>>) offsets(%dma_start3A_4 : memref<40xi32, #tpu.memory_space<vmem>>) semaphore(%arg14 : memref<!tpu.dma_semaphore, #tpu.memory_space<semaphore_mem>>)
    %dma_start3A_8 = arith.constant 1 : i32
    %dma_start3A_9 = arith.constant 0 : i32
    %dma_start3A_10 = tpu.memref_slice %arg7[%dma_start3A_8, %dma_start3A_9] : memref<250x40xi32, #tpu.memory_space<vmem>> -> memref<1x40xi32, #tpu.memory_space<vmem>>
    %dma_start3A_11 = tpu.memref_squeeze %dma_start3A_10 : memref<1x40xi32, #tpu.memory_space<vmem>> -> memref<40xi32, #tpu.memory_space<vmem>>
    %dma_start3A_12 = arith.constant 0 : i32
    %dma_start3A_13 = arith.constant 0 : i32
    %dma_start3A_14 = tpu.memref_slice %arg2[%dma_start3A_12, %dma_start3A_13] : memref<10240x128xf32, #tpu.memory_space<hbm>> -> memref<10240x128xf32, #tpu.memory_space<hbm>>
    tpu.enqueue_indirect_dma source(%dma_start3A_14 : memref<10240x128xf32, #tpu.memory_space<hbm>>) target(%arg10 : memref<40x128xf32, #tpu.memory_space<vmem>>) offsets(%dma_start3A_11 : memref<40xi32, #tpu.memory_space<vmem>>) semaphore(%arg15 : memref<!tpu.dma_semaphore, #tpu.memory_space<semaphore_mem>>)
    %dma_start3A_15 = arith.constant 2 : i32
    %dma_start3A_16 = arith.constant 0 : i32
    %dma_start3A_17 = tpu.memref_slice %arg7[%dma_start3A_15, %dma_start3A_16] : memref<250x40xi32, #tpu.memory_space<vmem>> -> memref<1x40xi32, #tpu.memory_space<vmem>>
    %dma_start3A_18 = tpu.memref_squeeze %dma_start3A_17 : memref<1x40xi32, #tpu.memory_space<vmem>> -> memref<40xi32, #tpu.memory_space<vmem>>
    %dma_start3A_19 = arith.constant 0 : i32
    %dma_start3A_20 = arith.constant 0 : i32
    %dma_start3A_21 = tpu.memref_slice %arg2[%dma_start3A_19, %dma_start3A_20] : memref<10240x128xf32, #tpu.memory_space<hbm>> -> memref<10240x128xf32, #tpu.memory_space<hbm>>
    tpu.enqueue_indirect_dma source(%dma_start3A_21 : memref<10240x128xf32, #tpu.memory_space<hbm>>) target(%arg11 : memref<40x128xf32, #tpu.memory_space<vmem>>) offsets(%dma_start3A_18 : memref<40xi32, #tpu.memory_space<vmem>>) semaphore(%arg16 : memref<!tpu.dma_semaphore, #tpu.memory_space<semaphore_mem>>)
    %dma_start3A_22 = arith.constant 3 : i32
    %dma_start3A_23 = arith.constant 0 : i32
    %dma_start3A_24 = tpu.memref_slice %arg7[%dma_start3A_22, %dma_start3A_23] : memref<250x40xi32, #tpu.memory_space<vmem>> -> memref<1x40xi32, #tpu.memory_space<vmem>>
    %dma_start3A_25 = tpu.memref_squeeze %dma_start3A_24 : memref<1x40xi32, #tpu.memory_space<vmem>> -> memref<40xi32, #tpu.memory_space<vmem>>
    %dma_start3A_26 = arith.constant 0 : i32
    %dma_start3A_27 = arith.constant 0 : i32
    %dma_start3A_28 = tpu.memref_slice %arg2[%dma_start3A_26, %dma_start3A_27] : memref<10240x128xf32, #tpu.memory_space<hbm>> -> memref<10240x128xf32, #tpu.memory_space<hbm>>
    tpu.enqueue_indirect_dma source(%dma_start3A_28 : memref<10240x128xf32, #tpu.memory_space<hbm>>) target(%arg12 : memref<40x128xf32, #tpu.memory_space<vmem>>) offsets(%dma_start3A_25 : memref<40xi32, #tpu.memory_space<vmem>>) semaphore(%arg17 : memref<!tpu.dma_semaphore, #tpu.memory_space<semaphore_mem>>)
    %dma_start3A_29 = arith.constant 4 : i32
    %dma_start3A_30 = arith.constant 0 : i32
    %dma_start3A_31 = tpu.memref_slice %arg7[%dma_start3A_29, %dma_start3A_30] : memref<250x40xi32, #tpu.memory_space<vmem>> -> memref<1x40xi32, #tpu.memory_space<vmem>>
    %dma_start3A_32 = tpu.memref_squeeze %dma_start3A_31 : memref<1x40xi32, #tpu.memory_space<vmem>> -> memref<40xi32, #tpu.memory_space<vmem>>
    %dma_start3A_33 = arith.constant 0 : i32
    %dma_start3A_34 = arith.constant 0 : i32
    %dma_start3A_35 = tpu.memref_slice %arg2[%dma_start3A_33, %dma_start3A_34] : memref<10240x128xf32, #tpu.memory_space<hbm>> -> memref<10240x128xf32, #tpu.memory_space<hbm>>
    tpu.enqueue_indirect_dma source(%dma_start3A_35 : memref<10240x128xf32, #tpu.memory_space<hbm>>) target(%arg13 : memref<40x128xf32, #tpu.memory_space<vmem>>) offsets(%dma_start3A_32 : memref<40xi32, #tpu.memory_space<vmem>>) semaphore(%arg18 : memref<!tpu.dma_semaphore, #tpu.memory_space<semaphore_mem>>)
    %scan3A = arith.constant 0 : i32
    %scan3A_36 = arith.constant 0 : i32
    %scan3A_37 = arith.constant 50 : i32
    %scan3A_38 = arith.addi %scan3A_36, %scan3A_37 : i32
    %scan3A_39 = arith.constant 1 : i32
    scf.for %scan3A_44 = %scan3A_36 to %scan3A_38 step %scan3A_39  : i32 {
      %mul3A_45 = arith.constant 5 : i32
      %mul3A_46 = arith.muli %mul3A_45, %scan3A_44 : i32
      %add3A = arith.constant 0 : i32
      %add3A_47 = arith.addi %mul3A_46, %add3A : i32
      %dma_wait3A = arith.constant 0 : i32
      %dma_wait3A_48 = tpu.memref_slice %arg7[%add3A_47, %dma_wait3A] : memref<250x40xi32, #tpu.memory_space<vmem>> -> memref<1x40xi32, #tpu.memory_space<vmem>>
      %dma_wait3A_49 = tpu.memref_squeeze %dma_wait3A_48 : memref<1x40xi32, #tpu.memory_space<vmem>> -> memref<40xi32, #tpu.memory_space<vmem>>
      %dma_wait3A_50 = arith.constant 0 : i32
      %dma_wait3A_51 = arith.constant 0 : i32
      %dma_wait3A_52 = tpu.memref_slice %arg2[%dma_wait3A_50, %dma_wait3A_51] : memref<10240x128xf32, #tpu.memory_space<hbm>> -> memref<10240x128xf32, #tpu.memory_space<hbm>>
      tpu.wait_indirect_dma semaphore(%arg14 : memref<!tpu.dma_semaphore, #tpu.memory_space<semaphore_mem>>) src(%dma_wait3A_52 : memref<10240x128xf32, #tpu.memory_space<hbm>>) dst(%arg9 : memref<40x128xf32, #tpu.memory_space<vmem>>)
      "tpu.region"() ({
        %run_scoped3A_115 = tpu.sem_alloc : memref<!tpu.dma_semaphore, #tpu.memory_space<semaphore_mem>>
        %dma_start3A_116 = arith.constant 0 : i32
        %dma_start3A_117 = tpu.memref_slice %arg8[%add3A_47, %dma_start3A_116] : memref<250x40xi32, #tpu.memory_space<vmem>> -> memref<1x40xi32, #tpu.memory_space<vmem>>
        %dma_start3A_118 = tpu.memref_squeeze %dma_start3A_117 : memref<1x40xi32, #tpu.memory_space<vmem>> -> memref<40xi32, #tpu.memory_space<vmem>>
        %dma_start3A_119 = arith.constant 0 : i32
        %dma_start3A_120 = arith.constant 0 : i32
        %dma_start3A_121 = tpu.memref_slice %arg19[%dma_start3A_119, %dma_start3A_120] : memref<10240x128xf32, #tpu.memory_space<vmem_shared>> -> memref<10240x128xf32, #tpu.memory_space<vmem_shared>>
        tpu.enqueue_indirect_dma source(%arg9 : memref<40x128xf32, #tpu.memory_space<vmem>>) target(%dma_start3A_121 : memref<10240x128xf32, #tpu.memory_space<vmem_shared>>) offsets(%dma_start3A_118 : memref<40xi32, #tpu.memory_space<vmem>>) semaphore(%run_scoped3A_115 : memref<!tpu.dma_semaphore, #tpu.memory_space<semaphore_mem>>) {add = true}
        %dma_wait3A_122 = arith.constant 0 : i32
        %dma_wait3A_123 = tpu.memref_slice %arg8[%add3A_47, %dma_wait3A_122] : memref<250x40xi32, #tpu.memory_space<vmem>> -> memref<1x40xi32, #tpu.memory_space<vmem>>
        %dma_wait3A_124 = tpu.memref_squeeze %dma_wait3A_123 : memref<1x40xi32, #tpu.memory_space<vmem>> -> memref<40xi32, #tpu.memory_space<vmem>>
        %dma_wait3A_125 = arith.constant 0 : i32
        %dma_wait3A_126 = arith.constant 0 : i32
        %dma_wait3A_127 = tpu.memref_slice %arg19[%dma_wait3A_125, %dma_wait3A_126] : memref<10240x128xf32, #tpu.memory_space<vmem_shared>> -> memref<10240x128xf32, #tpu.memory_space<vmem_shared>>
        tpu.wait_indirect_dma semaphore(%run_scoped3A_115 : memref<!tpu.dma_semaphore, #tpu.memory_space<semaphore_mem>>) src(%arg9 : memref<40x128xf32, #tpu.memory_space<vmem>>) dst(%dma_wait3A_127 : memref<10240x128xf32, #tpu.memory_space<vmem_shared>>)
        tpu.yield
      }) : () -> ()
      %lt3A = arith.constant 49 : i32
      %lt3A_53 = arith.cmpi slt, %scan3A_44, %lt3A : i32
      %convert_element_type3A = arith.extui %lt3A_53 : i1 to i32
      %cond3A = arith.constant 0 : i32
      %cond3A_54 = arith.cmpi ne, %convert_element_type3A, %cond3A : i32
      scf.if %cond3A_54 {
        %add3A_115 = arith.constant 5 : i32
        %add3A_116 = arith.addi %add3A_47, %add3A_115 : i32
        %dma_start3A_117 = arith.constant 0 : i32
        %dma_start3A_118 = tpu.memref_slice %arg7[%add3A_116, %dma_start3A_117] : memref<250x40xi32, #tpu.memory_space<vmem>> -> memref<1x40xi32, #tpu.memory_space<vmem>>
        %dma_start3A_119 = tpu.memref_squeeze %dma_start3A_118 : memref<1x40xi32, #tpu.memory_space<vmem>> -> memref<40xi32, #tpu.memory_space<vmem>>
        %dma_start3A_120 = arith.constant 0 : i32
        %dma_start3A_121 = arith.constant 0 : i32
        %dma_start3A_122 = tpu.memref_slice %arg2[%dma_start3A_120, %dma_start3A_121] : memref<10240x128xf32, #tpu.memory_space<hbm>> -> memref<10240x128xf32, #tpu.memory_space<hbm>>
        tpu.enqueue_indirect_dma source(%dma_start3A_122 : memref<10240x128xf32, #tpu.memory_space<hbm>>) target(%arg9 : memref<40x128xf32, #tpu.memory_space<vmem>>) offsets(%dma_start3A_119 : memref<40xi32, #tpu.memory_space<vmem>>) semaphore(%arg14 : memref<!tpu.dma_semaphore, #tpu.memory_space<semaphore_mem>>)
      } else {
      }
      %mul3A_55 = arith.constant 5 : i32
      %mul3A_56 = arith.muli %mul3A_55, %scan3A_44 : i32
      %add3A_57 = arith.constant 1 : i32
      %add3A_58 = arith.addi %mul3A_56, %add3A_57 : i32
      %dma_wait3A_59 = arith.constant 0 : i32
      %dma_wait3A_60 = tpu.memref_slice %arg7[%add3A_58, %dma_wait3A_59] : memref<250x40xi32, #tpu.memory_space<vmem>> -> memref<1x40xi32, #tpu.memory_space<vmem>>
      %dma_wait3A_61 = tpu.memref_squeeze %dma_wait3A_60 : memref<1x40xi32, #tpu.memory_space<vmem>> -> memref<40xi32, #tpu.memory_space<vmem>>
      %dma_wait3A_62 = arith.constant 0 : i32
      %dma_wait3A_63 = arith.constant 0 : i32
      %dma_wait3A_64 = tpu.memref_slice %arg2[%dma_wait3A_62, %dma_wait3A_63] : memref<10240x128xf32, #tpu.memory_space<hbm>> -> memref<10240x128xf32, #tpu.memory_space<hbm>>
      tpu.wait_indirect_dma semaphore(%arg15 : memref<!tpu.dma_semaphore, #tpu.memory_space<semaphore_mem>>) src(%dma_wait3A_64 : memref<10240x128xf32, #tpu.memory_space<hbm>>) dst(%arg10 : memref<40x128xf32, #tpu.memory_space<vmem>>)
      "tpu.region"() ({
        %run_scoped3A_115 = tpu.sem_alloc : memref<!tpu.dma_semaphore, #tpu.memory_space<semaphore_mem>>
        %dma_start3A_116 = arith.constant 0 : i32
        %dma_start3A_117 = tpu.memref_slice %arg8[%add3A_58, %dma_start3A_116] : memref<250x40xi32, #tpu.memory_space<vmem>> -> memref<1x40xi32, #tpu.memory_space<vmem>>
        %dma_start3A_118 = tpu.memref_squeeze %dma_start3A_117 : memref<1x40xi32, #tpu.memory_space<vmem>> -> memref<40xi32, #tpu.memory_space<vmem>>
        %dma_start3A_119 = arith.constant 0 : i32
        %dma_start3A_120 = arith.constant 0 : i32
        %dma_start3A_121 = tpu.memref_slice %arg19[%dma_start3A_119, %dma_start3A_120] : memref<10240x128xf32, #tpu.memory_space<vmem_shared>> -> memref<10240x128xf32, #tpu.memory_space<vmem_shared>>
        tpu.enqueue_indirect_dma source(%arg10 : memref<40x128xf32, #tpu.memory_space<vmem>>) target(%dma_start3A_121 : memref<10240x128xf32, #tpu.memory_space<vmem_shared>>) offsets(%dma_start3A_118 : memref<40xi32, #tpu.memory_space<vmem>>) semaphore(%run_scoped3A_115 : memref<!tpu.dma_semaphore, #tpu.memory_space<semaphore_mem>>) {add = true}
        %dma_wait3A_122 = arith.constant 0 : i32
        %dma_wait3A_123 = tpu.memref_slice %arg8[%add3A_58, %dma_wait3A_122] : memref<250x40xi32, #tpu.memory_space<vmem>> -> memref<1x40xi32, #tpu.memory_space<vmem>>
        %dma_wait3A_124 = tpu.memref_squeeze %dma_wait3A_123 : memref<1x40xi32, #tpu.memory_space<vmem>> -> memref<40xi32, #tpu.memory_space<vmem>>
        %dma_wait3A_125 = arith.constant 0 : i32
        %dma_wait3A_126 = arith.constant 0 : i32
        %dma_wait3A_127 = tpu.memref_slice %arg19[%dma_wait3A_125, %dma_wait3A_126] : memref<10240x128xf32, #tpu.memory_space<vmem_shared>> -> memref<10240x128xf32, #tpu.memory_space<vmem_shared>>
        tpu.wait_indirect_dma semaphore(%run_scoped3A_115 : memref<!tpu.dma_semaphore, #tpu.memory_space<semaphore_mem>>) src(%arg10 : memref<40x128xf32, #tpu.memory_space<vmem>>) dst(%dma_wait3A_127 : memref<10240x128xf32, #tpu.memory_space<vmem_shared>>)
        tpu.yield
      }) : () -> ()
      %lt3A_65 = arith.constant 49 : i32
      %lt3A_66 = arith.cmpi slt, %scan3A_44, %lt3A_65 : i32
      %convert_element_type3A_67 = arith.extui %lt3A_66 : i1 to i32
      %cond3A_68 = arith.constant 0 : i32
      %cond3A_69 = arith.cmpi ne, %convert_element_type3A_67, %cond3A_68 : i32
      scf.if %cond3A_69 {
        %add3A_115 = arith.constant 5 : i32
        %add3A_116 = arith.addi %add3A_58, %add3A_115 : i32
        %dma_start3A_117 = arith.constant 0 : i32
        %dma_start3A_118 = tpu.memref_slice %arg7[%add3A_116, %dma_start3A_117] : memref<250x40xi32, #tpu.memory_space<vmem>> -> memref<1x40xi32, #tpu.memory_space<vmem>>
        %dma_start3A_119 = tpu.memref_squeeze %dma_start3A_118 : memref<1x40xi32, #tpu.memory_space<vmem>> -> memref<40xi32, #tpu.memory_space<vmem>>
        %dma_start3A_120 = arith.constant 0 : i32
        %dma_start3A_121 = arith.constant 0 : i32
        %dma_start3A_122 = tpu.memref_slice %arg2[%dma_start3A_120, %dma_start3A_121] : memref<10240x128xf32, #tpu.memory_space<hbm>> -> memref<10240x128xf32, #tpu.memory_space<hbm>>
        tpu.enqueue_indirect_dma source(%dma_start3A_122 : memref<10240x128xf32, #tpu.memory_space<hbm>>) target(%arg10 : memref<40x128xf32, #tpu.memory_space<vmem>>) offsets(%dma_start3A_119 : memref<40xi32, #tpu.memory_space<vmem>>) semaphore(%arg15 : memref<!tpu.dma_semaphore, #tpu.memory_space<semaphore_mem>>)
      } else {
      }
      %mul3A_70 = arith.constant 5 : i32
      %mul3A_71 = arith.muli %mul3A_70, %scan3A_44 : i32
      %add3A_72 = arith.constant 2 : i32
      %add3A_73 = arith.addi %mul3A_71, %add3A_72 : i32
      %dma_wait3A_74 = arith.constant 0 : i32
      %dma_wait3A_75 = tpu.memref_slice %arg7[%add3A_73, %dma_wait3A_74] : memref<250x40xi32, #tpu.memory_space<vmem>> -> memref<1x40xi32, #tpu.memory_space<vmem>>
      %dma_wait3A_76 = tpu.memref_squeeze %dma_wait3A_75 : memref<1x40xi32, #tpu.memory_space<vmem>> -> memref<40xi32, #tpu.memory_space<vmem>>
      %dma_wait3A_77 = arith.constant 0 : i32
      %dma_wait3A_78 = arith.constant 0 : i32
      %dma_wait3A_79 = tpu.memref_slice %arg2[%dma_wait3A_77, %dma_wait3A_78] : memref<10240x128xf32, #tpu.memory_space<hbm>> -> memref<10240x128xf32, #tpu.memory_space<hbm>>
      tpu.wait_indirect_dma semaphore(%arg16 : memref<!tpu.dma_semaphore, #tpu.memory_space<semaphore_mem>>) src(%dma_wait3A_79 : memref<10240x128xf32, #tpu.memory_space<hbm>>) dst(%arg11 : memref<40x128xf32, #tpu.memory_space<vmem>>)
      "tpu.region"() ({
        %run_scoped3A_115 = tpu.sem_alloc : memref<!tpu.dma_semaphore, #tpu.memory_space<semaphore_mem>>
        %dma_start3A_116 = arith.constant 0 : i32
        %dma_start3A_117 = tpu.memref_slice %arg8[%add3A_73, %dma_start3A_116] : memref<250x40xi32, #tpu.memory_space<vmem>> -> memref<1x40xi32, #tpu.memory_space<vmem>>
        %dma_start3A_118 = tpu.memref_squeeze %dma_start3A_117 : memref<1x40xi32, #tpu.memory_space<vmem>> -> memref<40xi32, #tpu.memory_space<vmem>>
        %dma_start3A_119 = arith.constant 0 : i32
        %dma_start3A_120 = arith.constant 0 : i32
        %dma_start3A_121 = tpu.memref_slice %arg19[%dma_start3A_119, %dma_start3A_120] : memref<10240x128xf32, #tpu.memory_space<vmem_shared>> -> memref<10240x128xf32, #tpu.memory_space<vmem_shared>>
        tpu.enqueue_indirect_dma source(%arg11 : memref<40x128xf32, #tpu.memory_space<vmem>>) target(%dma_start3A_121 : memref<10240x128xf32, #tpu.memory_space<vmem_shared>>) offsets(%dma_start3A_118 : memref<40xi32, #tpu.memory_space<vmem>>) semaphore(%run_scoped3A_115 : memref<!tpu.dma_semaphore, #tpu.memory_space<semaphore_mem>>) {add = true}
        %dma_wait3A_122 = arith.constant 0 : i32
        %dma_wait3A_123 = tpu.memref_slice %arg8[%add3A_73, %dma_wait3A_122] : memref<250x40xi32, #tpu.memory_space<vmem>> -> memref<1x40xi32, #tpu.memory_space<vmem>>
        %dma_wait3A_124 = tpu.memref_squeeze %dma_wait3A_123 : memref<1x40xi32, #tpu.memory_space<vmem>> -> memref<40xi32, #tpu.memory_space<vmem>>
        %dma_wait3A_125 = arith.constant 0 : i32
        %dma_wait3A_126 = arith.constant 0 : i32
        %dma_wait3A_127 = tpu.memref_slice %arg19[%dma_wait3A_125, %dma_wait3A_126] : memref<10240x128xf32, #tpu.memory_space<vmem_shared>> -> memref<10240x128xf32, #tpu.memory_space<vmem_shared>>
        tpu.wait_indirect_dma semaphore(%run_scoped3A_115 : memref<!tpu.dma_semaphore, #tpu.memory_space<semaphore_mem>>) src(%arg11 : memref<40x128xf32, #tpu.memory_space<vmem>>) dst(%dma_wait3A_127 : memref<10240x128xf32, #tpu.memory_space<vmem_shared>>)
        tpu.yield
      }) : () -> ()
      %lt3A_80 = arith.constant 49 : i32
      %lt3A_81 = arith.cmpi slt, %scan3A_44, %lt3A_80 : i32
      %convert_element_type3A_82 = arith.extui %lt3A_81 : i1 to i32
      %cond3A_83 = arith.constant 0 : i32
      %cond3A_84 = arith.cmpi ne, %convert_element_type3A_82, %cond3A_83 : i32
      scf.if %cond3A_84 {
        %add3A_115 = arith.constant 5 : i32
        %add3A_116 = arith.addi %add3A_73, %add3A_115 : i32
        %dma_start3A_117 = arith.constant 0 : i32
        %dma_start3A_118 = tpu.memref_slice %arg7[%add3A_116, %dma_start3A_117] : memref<250x40xi32, #tpu.memory_space<vmem>> -> memref<1x40xi32, #tpu.memory_space<vmem>>
        %dma_start3A_119 = tpu.memref_squeeze %dma_start3A_118 : memref<1x40xi32, #tpu.memory_space<vmem>> -> memref<40xi32, #tpu.memory_space<vmem>>
        %dma_start3A_120 = arith.constant 0 : i32
        %dma_start3A_121 = arith.constant 0 : i32
        %dma_start3A_122 = tpu.memref_slice %arg2[%dma_start3A_120, %dma_start3A_121] : memref<10240x128xf32, #tpu.memory_space<hbm>> -> memref<10240x128xf32, #tpu.memory_space<hbm>>
        tpu.enqueue_indirect_dma source(%dma_start3A_122 : memref<10240x128xf32, #tpu.memory_space<hbm>>) target(%arg11 : memref<40x128xf32, #tpu.memory_space<vmem>>) offsets(%dma_start3A_119 : memref<40xi32, #tpu.memory_space<vmem>>) semaphore(%arg16 : memref<!tpu.dma_semaphore, #tpu.memory_space<semaphore_mem>>)
      } else {
      }
      %mul3A_85 = arith.constant 5 : i32
      %mul3A_86 = arith.muli %mul3A_85, %scan3A_44 : i32
      %add3A_87 = arith.constant 3 : i32
      %add3A_88 = arith.addi %mul3A_86, %add3A_87 : i32
      %dma_wait3A_89 = arith.constant 0 : i32
      %dma_wait3A_90 = tpu.memref_slice %arg7[%add3A_88, %dma_wait3A_89] : memref<250x40xi32, #tpu.memory_space<vmem>> -> memref<1x40xi32, #tpu.memory_space<vmem>>
      %dma_wait3A_91 = tpu.memref_squeeze %dma_wait3A_90 : memref<1x40xi32, #tpu.memory_space<vmem>> -> memref<40xi32, #tpu.memory_space<vmem>>
      %dma_wait3A_92 = arith.constant 0 : i32
      %dma_wait3A_93 = arith.constant 0 : i32
      %dma_wait3A_94 = tpu.memref_slice %arg2[%dma_wait3A_92, %dma_wait3A_93] : memref<10240x128xf32, #tpu.memory_space<hbm>> -> memref<10240x128xf32, #tpu.memory_space<hbm>>
      tpu.wait_indirect_dma semaphore(%arg17 : memref<!tpu.dma_semaphore, #tpu.memory_space<semaphore_mem>>) src(%dma_wait3A_94 : memref<10240x128xf32, #tpu.memory_space<hbm>>) dst(%arg12 : memref<40x128xf32, #tpu.memory_space<vmem>>)
      "tpu.region"() ({
        %run_scoped3A_115 = tpu.sem_alloc : memref<!tpu.dma_semaphore, #tpu.memory_space<semaphore_mem>>
        %dma_start3A_116 = arith.constant 0 : i32
        %dma_start3A_117 = tpu.memref_slice %arg8[%add3A_88, %dma_start3A_116] : memref<250x40xi32, #tpu.memory_space<vmem>> -> memref<1x40xi32, #tpu.memory_space<vmem>>
        %dma_start3A_118 = tpu.memref_squeeze %dma_start3A_117 : memref<1x40xi32, #tpu.memory_space<vmem>> -> memref<40xi32, #tpu.memory_space<vmem>>
        %dma_start3A_119 = arith.constant 0 : i32
        %dma_start3A_120 = arith.constant 0 : i32
        %dma_start3A_121 = tpu.memref_slice %arg19[%dma_start3A_119, %dma_start3A_120] : memref<10240x128xf32, #tpu.memory_space<vmem_shared>> -> memref<10240x128xf32, #tpu.memory_space<vmem_shared>>
        tpu.enqueue_indirect_dma source(%arg12 : memref<40x128xf32, #tpu.memory_space<vmem>>) target(%dma_start3A_121 : memref<10240x128xf32, #tpu.memory_space<vmem_shared>>) offsets(%dma_start3A_118 : memref<40xi32, #tpu.memory_space<vmem>>) semaphore(%run_scoped3A_115 : memref<!tpu.dma_semaphore, #tpu.memory_space<semaphore_mem>>) {add = true}
        %dma_wait3A_122 = arith.constant 0 : i32
        %dma_wait3A_123 = tpu.memref_slice %arg8[%add3A_88, %dma_wait3A_122] : memref<250x40xi32, #tpu.memory_space<vmem>> -> memref<1x40xi32, #tpu.memory_space<vmem>>
        %dma_wait3A_124 = tpu.memref_squeeze %dma_wait3A_123 : memref<1x40xi32, #tpu.memory_space<vmem>> -> memref<40xi32, #tpu.memory_space<vmem>>
        %dma_wait3A_125 = arith.constant 0 : i32
        %dma_wait3A_126 = arith.constant 0 : i32
        %dma_wait3A_127 = tpu.memref_slice %arg19[%dma_wait3A_125, %dma_wait3A_126] : memref<10240x128xf32, #tpu.memory_space<vmem_shared>> -> memref<10240x128xf32, #tpu.memory_space<vmem_shared>>
        tpu.wait_indirect_dma semaphore(%run_scoped3A_115 : memref<!tpu.dma_semaphore, #tpu.memory_space<semaphore_mem>>) src(%arg12 : memref<40x128xf32, #tpu.memory_space<vmem>>) dst(%dma_wait3A_127 : memref<10240x128xf32, #tpu.memory_space<vmem_shared>>)
        tpu.yield
      }) : () -> ()
      %lt3A_95 = arith.constant 49 : i32
      %lt3A_96 = arith.cmpi slt, %scan3A_44, %lt3A_95 : i32
      %convert_element_type3A_97 = arith.extui %lt3A_96 : i1 to i32
      %cond3A_98 = arith.constant 0 : i32
      %cond3A_99 = arith.cmpi ne, %convert_element_type3A_97, %cond3A_98 : i32
      scf.if %cond3A_99 {
        %add3A_115 = arith.constant 5 : i32
        %add3A_116 = arith.addi %add3A_88, %add3A_115 : i32
        %dma_start3A_117 = arith.constant 0 : i32
        %dma_start3A_118 = tpu.memref_slice %arg7[%add3A_116, %dma_start3A_117] : memref<250x40xi32, #tpu.memory_space<vmem>> -> memref<1x40xi32, #tpu.memory_space<vmem>>
        %dma_start3A_119 = tpu.memref_squeeze %dma_start3A_118 : memref<1x40xi32, #tpu.memory_space<vmem>> -> memref<40xi32, #tpu.memory_space<vmem>>
        %dma_start3A_120 = arith.constant 0 : i32
        %dma_start3A_121 = arith.constant 0 : i32
        %dma_start3A_122 = tpu.memref_slice %arg2[%dma_start3A_120, %dma_start3A_121] : memref<10240x128xf32, #tpu.memory_space<hbm>> -> memref<10240x128xf32, #tpu.memory_space<hbm>>
        tpu.enqueue_indirect_dma source(%dma_start3A_122 : memref<10240x128xf32, #tpu.memory_space<hbm>>) target(%arg12 : memref<40x128xf32, #tpu.memory_space<vmem>>) offsets(%dma_start3A_119 : memref<40xi32, #tpu.memory_space<vmem>>) semaphore(%arg17 : memref<!tpu.dma_semaphore, #tpu.memory_space<semaphore_mem>>)
      } else {
      }
      %mul3A_100 = arith.constant 5 : i32
      %mul3A_101 = arith.muli %mul3A_100, %scan3A_44 : i32
      %add3A_102 = arith.constant 4 : i32
      %add3A_103 = arith.addi %mul3A_101, %add3A_102 : i32
      %dma_wait3A_104 = arith.constant 0 : i32
      %dma_wait3A_105 = tpu.memref_slice %arg7[%add3A_103, %dma_wait3A_104] : memref<250x40xi32, #tpu.memory_space<vmem>> -> memref<1x40xi32, #tpu.memory_space<vmem>>
      %dma_wait3A_106 = tpu.memref_squeeze %dma_wait3A_105 : memref<1x40xi32, #tpu.memory_space<vmem>> -> memref<40xi32, #tpu.memory_space<vmem>>
      %dma_wait3A_107 = arith.constant 0 : i32
      %dma_wait3A_108 = arith.constant 0 : i32
      %dma_wait3A_109 = tpu.memref_slice %arg2[%dma_wait3A_107, %dma_wait3A_108] : memref<10240x128xf32, #tpu.memory_space<hbm>> -> memref<10240x128xf32, #tpu.memory_space<hbm>>
      tpu.wait_indirect_dma semaphore(%arg18 : memref<!tpu.dma_semaphore, #tpu.memory_space<semaphore_mem>>) src(%dma_wait3A_109 : memref<10240x128xf32, #tpu.memory_space<hbm>>) dst(%arg13 : memref<40x128xf32, #tpu.memory_space<vmem>>)
      "tpu.region"() ({
        %run_scoped3A_115 = tpu.sem_alloc : memref<!tpu.dma_semaphore, #tpu.memory_space<semaphore_mem>>
        %dma_start3A_116 = arith.constant 0 : i32
        %dma_start3A_117 = tpu.memref_slice %arg8[%add3A_103, %dma_start3A_116] : memref<250x40xi32, #tpu.memory_space<vmem>> -> memref<1x40xi32, #tpu.memory_space<vmem>>
        %dma_start3A_118 = tpu.memref_squeeze %dma_start3A_117 : memref<1x40xi32, #tpu.memory_space<vmem>> -> memref<40xi32, #tpu.memory_space<vmem>>
        %dma_start3A_119 = arith.constant 0 : i32
        %dma_start3A_120 = arith.constant 0 : i32
        %dma_start3A_121 = tpu.memref_slice %arg19[%dma_start3A_119, %dma_start3A_120] : memref<10240x128xf32, #tpu.memory_space<vmem_shared>> -> memref<10240x128xf32, #tpu.memory_space<vmem_shared>>
        tpu.enqueue_indirect_dma source(%arg13 : memref<40x128xf32, #tpu.memory_space<vmem>>) target(%dma_start3A_121 : memref<10240x128xf32, #tpu.memory_space<vmem_shared>>) offsets(%dma_start3A_118 : memref<40xi32, #tpu.memory_space<vmem>>) semaphore(%run_scoped3A_115 : memref<!tpu.dma_semaphore, #tpu.memory_space<semaphore_mem>>) {add = true}
        %dma_wait3A_122 = arith.constant 0 : i32
        %dma_wait3A_123 = tpu.memref_slice %arg8[%add3A_103, %dma_wait3A_122] : memref<250x40xi32, #tpu.memory_space<vmem>> -> memref<1x40xi32, #tpu.memory_space<vmem>>
        %dma_wait3A_124 = tpu.memref_squeeze %dma_wait3A_123 : memref<1x40xi32, #tpu.memory_space<vmem>> -> memref<40xi32, #tpu.memory_space<vmem>>
        %dma_wait3A_125 = arith.constant 0 : i32
        %dma_wait3A_126 = arith.constant 0 : i32
        %dma_wait3A_127 = tpu.memref_slice %arg19[%dma_wait3A_125, %dma_wait3A_126] : memref<10240x128xf32, #tpu.memory_space<vmem_shared>> -> memref<10240x128xf32, #tpu.memory_space<vmem_shared>>
        tpu.wait_indirect_dma semaphore(%run_scoped3A_115 : memref<!tpu.dma_semaphore, #tpu.memory_space<semaphore_mem>>) src(%arg13 : memref<40x128xf32, #tpu.memory_space<vmem>>) dst(%dma_wait3A_127 : memref<10240x128xf32, #tpu.memory_space<vmem_shared>>)
        tpu.yield
      }) : () -> ()
      %lt3A_110 = arith.constant 49 : i32
      %lt3A_111 = arith.cmpi slt, %scan3A_44, %lt3A_110 : i32
      %convert_element_type3A_112 = arith.extui %lt3A_111 : i1 to i32
      %cond3A_113 = arith.constant 0 : i32
      %cond3A_114 = arith.cmpi ne, %convert_element_type3A_112, %cond3A_113 : i32
      scf.if %cond3A_114 {
        %add3A_115 = arith.constant 5 : i32
        %add3A_116 = arith.addi %add3A_103, %add3A_115 : i32
        %dma_start3A_117 = arith.constant 0 : i32
        %dma_start3A_118 = tpu.memref_slice %arg7[%add3A_116, %dma_start3A_117] : memref<250x40xi32, #tpu.memory_space<vmem>> -> memref<1x40xi32, #tpu.memory_space<vmem>>
        %dma_start3A_119 = tpu.memref_squeeze %dma_start3A_118 : memref<1x40xi32, #tpu.memory_space<vmem>> -> memref<40xi32, #tpu.memory_space<vmem>>
        %dma_start3A_120 = arith.constant 0 : i32
        %dma_start3A_121 = arith.constant 0 : i32
        %dma_start3A_122 = tpu.memref_slice %arg2[%dma_start3A_120, %dma_start3A_121] : memref<10240x128xf32, #tpu.memory_space<hbm>> -> memref<10240x128xf32, #tpu.memory_space<hbm>>
        tpu.enqueue_indirect_dma source(%dma_start3A_122 : memref<10240x128xf32, #tpu.memory_space<hbm>>) target(%arg13 : memref<40x128xf32, #tpu.memory_space<vmem>>) offsets(%dma_start3A_119 : memref<40xi32, #tpu.memory_space<vmem>>) semaphore(%arg18 : memref<!tpu.dma_semaphore, #tpu.memory_space<semaphore_mem>>)
      } else {
      }
    }
    %scan3A_40 = arith.constant 50 : i32
    %barrier3A_41 = arith.constant 0 : index
    tpu.barrier barrier_id(%barrier3A_41)
    %mul3A_42 = arith.constant 640 : i32
    %mul3A_43 = arith.muli %arg1, %mul3A_42 : i32
    "tpu.region"() ({
      %run_scoped3A_44 = tpu.sem_alloc : memref<!tpu.dma_semaphore, #tpu.memory_space<semaphore_mem>>
      %dma_start3A_45 = arith.constant 0 : i32
      %dma_start3A_46 = tpu.memref_slice %arg6[%arg0, %mul3A_43, %dma_start3A_45] : memref<2x10240x128xf32, #tpu.memory_space<hbm>> -> memref<1x640x128xf32, #tpu.memory_space<hbm>>
      %dma_start3A_47 = tpu.memref_squeeze %dma_start3A_46 : memref<1x640x128xf32, #tpu.memory_space<hbm>> -> memref<640x128xf32, #tpu.memory_space<hbm>>
      %dma_start3A_48 = arith.constant 0 : i32
      %dma_start3A_49 = tpu.memref_slice %arg19[%mul3A_43, %dma_start3A_48] : memref<10240x128xf32, #tpu.memory_space<vmem_shared>> -> memref<640x128xf32, #tpu.memory_space<vmem_shared>>
      tpu.enqueue_dma source(%dma_start3A_49 : memref<640x128xf32, #tpu.memory_space<vmem_shared>>) target(%dma_start3A_47 : memref<640x128xf32, #tpu.memory_space<hbm>>) target_semaphore(%run_scoped3A_44 : memref<!tpu.dma_semaphore, #tpu.memory_space<semaphore_mem>>)
      %dma_wait3A = arith.constant 0 : i32
      %dma_wait3A_50 = tpu.memref_slice %arg6[%arg0, %mul3A_43, %dma_wait3A] : memref<2x10240x128xf32, #tpu.memory_space<hbm>> -> memref<1x640x128xf32, #tpu.memory_space<hbm>>
      %dma_wait3A_51 = tpu.memref_squeeze %dma_wait3A_50 : memref<1x640x128xf32, #tpu.memory_space<hbm>> -> memref<640x128xf32, #tpu.memory_space<hbm>>
      %dma_wait3A_52 = arith.constant 0 : i32
      %dma_wait3A_53 = tpu.memref_slice %arg19[%mul3A_43, %dma_wait3A_52] : memref<10240x128xf32, #tpu.memory_space<vmem_shared>> -> memref<640x128xf32, #tpu.memory_space<vmem_shared>>
      tpu.wait_dma2 semaphore(%run_scoped3A_44 : memref<!tpu.dma_semaphore, #tpu.memory_space<semaphore_mem>>) src(%dma_wait3A_53 : memref<640x128xf32, #tpu.memory_space<vmem_shared>>) dst(%dma_wait3A_51 : memref<640x128xf32, #tpu.memory_space<hbm>>)
      tpu.yield
    }) : () -> ()
    return
  }
}

module attributes {stable_mosaic.version = 14 : i64} {
  func.func @_tc_scale_body(%arg0: i32, %arg1: memref<1280x128xf32, #tpu.memory_space<vmem>>, %arg2: memref<2x1280xf32, #tpu.memory_space<vmem>>, %arg3: memref<1280x128xf32, #tpu.memory_space<vmem>>) attributes {dimension_semantics = [#tpu.dimension_semantics<arbitrary>], iteration_bounds = array<i64: 8>, scalar_prefetch = 0 : i64, scratch_operands = 0 : i64, tpu.core_type = #tpu.core_type<tc>, window_params = [{transform_indices = @transform_0, window_bounds = array<i64: 1280, 128>}, {transform_indices = @transform_1, window_bounds = array<i64: 2, 1280>}, {transform_indices = @transform_2, window_bounds = array<i64: 1280, 128>}]} {
    %get3A = arith.constant 0 : index
    %get3A_0 = arith.constant 0 : index
    %get3A_1 = vector.load %arg2[%get3A, %get3A_0] : memref<2x1280xf32, #tpu.memory_space<vmem>>, vector<1x1280xf32>
    %get3A_2 = vector.shape_cast %get3A_1 : vector<1x1280xf32> to vector<1280xf32>
    %get3A_3 = arith.constant 1 : index
    %get3A_4 = arith.constant 0 : index
    %get3A_5 = vector.load %arg2[%get3A_3, %get3A_4] : memref<2x1280xf32, #tpu.memory_space<vmem>>, vector<1x1280xf32>
    %get3A_6 = vector.shape_cast %get3A_5 : vector<1x1280xf32> to vector<1280xf32>
    %add3A = arith.addf %get3A_2, %get3A_6 : vector<1280xf32>
    %max3A = arith.constant 1.000000e+00 : f32
    %max3A_7 = vector.broadcast %max3A : f32 to vector<1280xf32>
    %max3A_8 = arith.maximumf %add3A, %max3A_7 : vector<1280xf32>
    %rsqrt3A = math.rsqrt %max3A_8 : vector<1280xf32>
    %broadcast_in_dim3A = vector.shape_cast %rsqrt3A : vector<1280xf32> to vector<1280x1xf32>
    %get3A_9 = arith.constant 0 : index
    %get3A_10 = arith.constant 0 : index
    %get3A_11 = vector.load %arg1[%get3A_9, %get3A_10] : memref<1280x128xf32, #tpu.memory_space<vmem>>, vector<1280x128xf32>
    %mul3A = vector.broadcast %broadcast_in_dim3A : vector<1280x1xf32> to vector<1280x128xf32>
    %mul3A_12 = arith.mulf %get3A_11, %mul3A : vector<1280x128xf32>
    %swap3A = arith.constant 0 : index
    %swap3A_13 = arith.constant 0 : index
    %swap3A_14 = vector.load %arg3[%swap3A, %swap3A_13] : memref<1280x128xf32, #tpu.memory_space<vmem>>, vector<1280x128xf32>
    tpu.vector_store %arg3[%swap3A, %swap3A_13], %mul3A_12 {strides = array<i32>} : memref<1280x128xf32, #tpu.memory_space<vmem>>, vector<1280x128xf32>,
    return
  }
  func.func @transform_0(%arg0: i32) -> (i32, i32) {
    %c0_i32 = arith.constant 0 : i32
    %c0_i32_0 = arith.constant 0 : i32
    return %arg0, %c0_i32 : i32, i32
  }
  func.func @transform_1(%arg0: i32) -> (i32, i32) {
    %c0_i32 = arith.constant 0 : i32
    %c0_i32_0 = arith.constant 0 : i32
    return %c0_i32, %arg0 : i32, i32
  }
  func.func @transform_2(%arg0: i32) -> (i32, i32) {
    %c0_i32 = arith.constant 0 : i32
    %c0_i32_0 = arith.constant 0 : i32
    return %arg0, %c0_i32 : i32, i32
  }
}

module attributes {stable_mosaic.version = 14 : i64} {
  func.func @_tc_layer1_body(%arg0: i32, %arg1: memref<2x1280x128xf32, #tpu.memory_space<vmem>>, %arg2: memref<2x1280xf32, #tpu.memory_space<vmem>>, %arg3: memref<2x1280xf32, #tpu.memory_space<vmem>>, %arg4: memref<128x256xf32, #tpu.memory_space<vmem>>, %arg5: memref<1x256xf32, #tpu.memory_space<vmem>>, %arg6: memref<2x1280x128xf32, #tpu.memory_space<vmem>>) attributes {dimension_semantics = [#tpu.dimension_semantics<arbitrary>], iteration_bounds = array<i64: 8>, scalar_prefetch = 0 : i64, scratch_operands = 0 : i64, tpu.core_type = #tpu.core_type<tc>, window_params = [{transform_indices = @transform_0, window_bounds = array<i64: 2, 1280, 128>}, {transform_indices = @transform_1, window_bounds = array<i64: 2, 1280>}, {transform_indices = @transform_2, window_bounds = array<i64: 2, 1280>}, {pipeline_mode = #tpu.pipeline_mode<synchronous>, transform_indices = @transform_3, window_bounds = array<i64: 128, 256>}, {pipeline_mode = #tpu.pipeline_mode<synchronous>, transform_indices = @transform_4, window_bounds = array<i64: 1, 256>}, {transform_indices = @transform_5, window_bounds = array<i64: 2, 1280, 128>}]} {
    %get3A = arith.constant 0 : index
    %get3A_0 = arith.constant 0 : index
    %get3A_1 = arith.constant 0 : index
    %get3A_2 = vector.load %arg1[%get3A, %get3A_0, %get3A_1] : memref<2x1280x128xf32, #tpu.memory_space<vmem>>, vector<1x1280x128xf32>
    %get3A_3 = vector.shape_cast %get3A_2 : vector<1x1280x128xf32> to vector<1280x128xf32>
    %get3A_4 = arith.constant 1 : index
    %get3A_5 = arith.constant 0 : index
    %get3A_6 = arith.constant 0 : index
    %get3A_7 = vector.load %arg1[%get3A_4, %get3A_5, %get3A_6] : memref<2x1280x128xf32, #tpu.memory_space<vmem>>, vector<1x1280x128xf32>
    %get3A_8 = vector.shape_cast %get3A_7 : vector<1x1280x128xf32> to vector<1280x128xf32>
    %add3A = arith.addf %get3A_3, %get3A_8 : vector<1280x128xf32>
    %get3A_9 = arith.constant 0 : index
    %get3A_10 = arith.constant 0 : index
    %get3A_11 = vector.load %arg4[%get3A_9, %get3A_10] : memref<128x256xf32, #tpu.memory_space<vmem>>, vector<128x256xf32>
    %dot_general3A = arith.constant dense<0.000000e+00> : vector<1280x256xf32>
    %dot_general3A_12 = tpu.matmul %add3A, %get3A_11, %dot_general3A {dimension_numbers = #tpu.dot_dimension_numbers<[1], [0], [0], [1], [0, 0, 1, 1], [], []>, transpose_lhs_hint = false} : vector<1280x128xf32>, vector<128x256xf32>, vector<1280x256xf32> -> vector<1280x256xf32>
    %get3A_13 = arith.constant 0 : index
    %get3A_14 = arith.constant 0 : index
    %get3A_15 = vector.load %arg3[%get3A_13, %get3A_14] : memref<2x1280xf32, #tpu.memory_space<vmem>>, vector<1x1280xf32>
    %get3A_16 = vector.shape_cast %get3A_15 : vector<1x1280xf32> to vector<1280xf32>
    %get3A_17 = arith.constant 1 : index
    %get3A_18 = arith.constant 0 : index
    %get3A_19 = vector.load %arg3[%get3A_17, %get3A_18] : memref<2x1280xf32, #tpu.memory_space<vmem>>, vector<1x1280xf32>
    %get3A_20 = vector.shape_cast %get3A_19 : vector<1x1280xf32> to vector<1280xf32>
    %add3A_21 = arith.addf %get3A_16, %get3A_20 : vector<1280xf32>
    %max3A = arith.constant 1.000000e+00 : f32
    %max3A_22 = vector.broadcast %max3A : f32 to vector<1280xf32>
    %max3A_23 = arith.maximumf %add3A_21, %max3A_22 : vector<1280xf32>
    %rsqrt3A = math.rsqrt %max3A_23 : vector<1280xf32>
    %broadcast_in_dim3A = vector.shape_cast %rsqrt3A : vector<1280xf32> to vector<1280x1xf32>
    %mul3A = vector.broadcast %broadcast_in_dim3A : vector<1280x1xf32> to vector<1280x256xf32>
    %mul3A_24 = arith.mulf %mul3A, %dot_general3A_12 : vector<1280x256xf32>
    %get3A_25 = arith.constant 0 : index
    %get3A_26 = arith.constant 0 : index
    %get3A_27 = vector.load %arg5[%get3A_25, %get3A_26] : memref<1x256xf32, #tpu.memory_space<vmem>>, vector<1x256xf32>
    %add3A_28 = vector.broadcast %get3A_27 : vector<1x256xf32> to vector<1280x256xf32>
    %add3A_29 = arith.addf %mul3A_24, %add3A_28 : vector<1280x256xf32>
    %max3A_30 = arith.constant 0.000000e+00 : f32
    %max3A_31 = vector.broadcast %max3A_30 : f32 to vector<1280x256xf32>
    %max3A_32 = arith.maximumf %add3A_29, %max3A_31 : vector<1280x256xf32>
    %get3A_33 = arith.constant 0 : index
    %get3A_34 = arith.constant 0 : index
    %get3A_35 = vector.load %arg2[%get3A_33, %get3A_34] : memref<2x1280xf32, #tpu.memory_space<vmem>>, vector<1x1280xf32>
    %get3A_36 = vector.shape_cast %get3A_35 : vector<1x1280xf32> to vector<1280xf32>
    %get3A_37 = arith.constant 1 : index
    %get3A_38 = arith.constant 0 : index
    %get3A_39 = vector.load %arg2[%get3A_37, %get3A_38] : memref<2x1280xf32, #tpu.memory_space<vmem>>, vector<1x1280xf32>
    %get3A_40 = vector.shape_cast %get3A_39 : vector<1x1280xf32> to vector<1280xf32>
    %add3A_41 = arith.addf %get3A_36, %get3A_40 : vector<1280xf32>
    %max3A_42 = arith.constant 1.000000e+00 : f32
    %max3A_43 = vector.broadcast %max3A_42 : f32 to vector<1280xf32>
    %max3A_44 = arith.maximumf %add3A_41, %max3A_43 : vector<1280xf32>
    %rsqrt3A_45 = math.rsqrt %max3A_44 : vector<1280xf32>
    %broadcast_in_dim3A_46 = vector.shape_cast %rsqrt3A_45 : vector<1280xf32> to vector<1280x1xf32>
    %mul3A_47 = vector.broadcast %broadcast_in_dim3A_46 : vector<1280x1xf32> to vector<1280x256xf32>
    %mul3A_48 = arith.mulf %max3A_32, %mul3A_47 : vector<1280x256xf32>
    %slice3A = vector.extract_strided_slice %mul3A_48 {offsets = [0, 0], sizes = [1280, 128], strides = [1, 1]} : vector<1280x256xf32> to vector<1280x128xf32>
    %swap3A = arith.constant 0 : index
    %swap3A_49 = arith.constant 0 : index
    %swap3A_50 = arith.constant 0 : index
    %swap3A_51 = vector.load %arg6[%swap3A, %swap3A_49, %swap3A_50] : memref<2x1280x128xf32, #tpu.memory_space<vmem>>, vector<1x1280x128xf32>
    %swap3A_52 = vector.shape_cast %swap3A_51 : vector<1x1280x128xf32> to vector<1280x128xf32>
    %swap3A_53 = vector.shape_cast %slice3A : vector<1280x128xf32> to vector<1x1280x128xf32>
    tpu.vector_store %arg6[%swap3A, %swap3A_49, %swap3A_50], %swap3A_53 {strides = array<i32>} : memref<2x1280x128xf32, #tpu.memory_space<vmem>>, vector<1x1280x128xf32>,
    %slice3A_54 = vector.extract_strided_slice %mul3A_48 {offsets = [0, 128], sizes = [1280, 128], strides = [1, 1]} : vector<1280x256xf32> to vector<1280x128xf32>
    %swap3A_55 = arith.constant 1 : index
    %swap3A_56 = arith.constant 0 : index
    %swap3A_57 = arith.constant 0 : index
    %swap3A_58 = vector.load %arg6[%swap3A_55, %swap3A_56, %swap3A_57] : memref<2x1280x128xf32, #tpu.memory_space<vmem>>, vector<1x1280x128xf32>
    %swap3A_59 = vector.shape_cast %swap3A_58 : vector<1x1280x128xf32> to vector<1280x128xf32>
    %swap3A_60 = vector.shape_cast %slice3A_54 : vector<1280x128xf32> to vector<1x1280x128xf32>
    tpu.vector_store %arg6[%swap3A_55, %swap3A_56, %swap3A_57], %swap3A_60 {strides = array<i32>} : memref<2x1280x128xf32, #tpu.memory_space<vmem>>, vector<1x1280x128xf32>,
    return
  }
  func.func @transform_0(%arg0: i32) -> (i32, i32, i32) {
    %c0_i32 = arith.constant 0 : i32
    %c0_i32_0 = arith.constant 0 : i32
    %c0_i32_1 = arith.constant 0 : i32
    return %c0_i32, %arg0, %c0_i32_0 : i32, i32, i32
  }
  func.func @transform_1(%arg0: i32) -> (i32, i32) {
    %c0_i32 = arith.constant 0 : i32
    %c0_i32_0 = arith.constant 0 : i32
    return %c0_i32, %arg0 : i32, i32
  }
  func.func @transform_2(%arg0: i32) -> (i32, i32) {
    %c0_i32 = arith.constant 0 : i32
    %c0_i32_0 = arith.constant 0 : i32
    return %c0_i32, %arg0 : i32, i32
  }
  func.func @transform_3(%arg0: i32) -> (i32, i32) {
    %c0_i32 = arith.constant 0 : i32
    %c0_i32_0 = arith.constant 0 : i32
    %c0_i32_1 = arith.constant 0 : i32
    return %c0_i32, %c0_i32_0 : i32, i32
  }
  func.func @transform_4(%arg0: i32) -> (i32, i32) {
    %c0_i32 = arith.constant 0 : i32
    %c0_i32_0 = arith.constant 0 : i32
    %c0_i32_1 = arith.constant 0 : i32
    return %c0_i32, %c0_i32_0 : i32, i32
  }
  func.func @transform_5(%arg0: i32) -> (i32, i32, i32) {
    %c0_i32 = arith.constant 0 : i32
    %c0_i32_0 = arith.constant 0 : i32
    %c0_i32_1 = arith.constant 0 : i32
    return %c0_i32, %arg0, %c0_i32_0 : i32, i32, i32
  }
}

module attributes {stable_mosaic.version = 14 : i64} {
  func.func @_tc_head_body(%arg0: i32, %arg1: memref<2x1280x128xf32, #tpu.memory_space<vmem>>, %arg2: memref<2x1280xf32, #tpu.memory_space<vmem>>, %arg3: memref<256x256xf32, #tpu.memory_space<vmem>>, %arg4: memref<1x256xf32, #tpu.memory_space<vmem>>, %arg5: memref<1x1xf32, #tpu.memory_space<vmem>>, %arg6: memref<256x1xf32, #tpu.memory_space<vmem>>, %arg7: memref<1x1xf32, #tpu.memory_space<vmem>>, %arg8: memref<1x1xf32, #tpu.memory_space<vmem>>, %arg9: memref<1x256xf32, #tpu.memory_space<vmem>>) attributes {dimension_semantics = [#tpu.dimension_semantics<arbitrary>], iteration_bounds = array<i64: 8>, scalar_prefetch = 0 : i64, scratch_operands = 1 : i64, tpu.core_type = #tpu.core_type<tc>, window_params = [{transform_indices = @transform_0, window_bounds = array<i64: 2, 1280, 128>}, {transform_indices = @transform_1, window_bounds = array<i64: 2, 1280>}, {pipeline_mode = #tpu.pipeline_mode<synchronous>, transform_indices = @transform_2, window_bounds = array<i64: 256, 256>}, {pipeline_mode = #tpu.pipeline_mode<synchronous>, transform_indices = @transform_3, window_bounds = array<i64: 1, 256>}, {pipeline_mode = #tpu.pipeline_mode<synchronous>, transform_indices = @transform_4, window_bounds = array<i64: 1, 1>}, {pipeline_mode = #tpu.pipeline_mode<synchronous>, transform_indices = @transform_5, window_bounds = array<i64: 256, 1>}, {pipeline_mode = #tpu.pipeline_mode<synchronous>, transform_indices = @transform_6, window_bounds = array<i64: 1, 1>}, {pipeline_mode = #tpu.pipeline_mode<synchronous>, transform_indices = @transform_7, window_bounds = array<i64: 1, 1>}]} {
    %eq3A = arith.constant 0 : i32
    %eq3A_0 = arith.cmpi eq, %arg0, %eq3A : i32
    %convert_element_type3A = arith.extui %eq3A_0 : i1 to i32
    %cond3A = arith.constant 0 : i32
    %cond3A_1 = arith.cmpi ne, %convert_element_type3A, %cond3A : i32
    scf.if %cond3A_1 {
      %broadcast_in_dim3A_62 = arith.constant 0.000000e+00 : f32
      %broadcast_in_dim3A_63 = vector.broadcast %broadcast_in_dim3A_62 : f32 to vector<1x256xf32>
      %swap3A_64 = arith.constant 0 : index
      %swap3A_65 = arith.constant 0 : index
      %swap3A_66 = vector.load %arg9[%swap3A_64, %swap3A_65] : memref<1x256xf32, #tpu.memory_space<vmem>>, vector<1x256xf32>
      tpu.vector_store %arg9[%swap3A_64, %swap3A_65], %broadcast_in_dim3A_63 {strides = array<i32>} : memref<1x256xf32, #tpu.memory_space<vmem>>, vector<1x256xf32>,
    } else {
    }
    %get3A = arith.constant 0 : index
    %get3A_2 = arith.constant 0 : index
    %get3A_3 = arith.constant 0 : index
    %get3A_4 = vector.load %arg1[%get3A, %get3A_2, %get3A_3] : memref<2x1280x128xf32, #tpu.memory_space<vmem>>, vector<1x1280x128xf32>
    %get3A_5 = vector.shape_cast %get3A_4 : vector<1x1280x128xf32> to vector<1280x128xf32>
    %get3A_6 = arith.constant 0 : index
    %get3A_7 = arith.constant 0 : index
    %get3A_8 = vector.load %arg3[%get3A_6, %get3A_7] : memref<256x256xf32, #tpu.memory_space<vmem>>, vector<128x256xf32>
    %dot_general3A = arith.constant dense<0.000000e+00> : vector<1280x256xf32>
    %dot_general3A_9 = tpu.matmul %get3A_5, %get3A_8, %dot_general3A {dimension_numbers = #tpu.dot_dimension_numbers<[1], [0], [0], [1], [0, 0, 1, 1], [], []>, transpose_lhs_hint = false} : vector<1280x128xf32>, vector<128x256xf32>, vector<1280x256xf32> -> vector<1280x256xf32>
    %get3A_10 = arith.constant 1 : index
    %get3A_11 = arith.constant 0 : index
    %get3A_12 = arith.constant 0 : index
    %get3A_13 = vector.load %arg1[%get3A_10, %get3A_11, %get3A_12] : memref<2x1280x128xf32, #tpu.memory_space<vmem>>, vector<1x1280x128xf32>
    %get3A_14 = vector.shape_cast %get3A_13 : vector<1x1280x128xf32> to vector<1280x128xf32>
    %get3A_15 = arith.constant 128 : index
    %get3A_16 = arith.constant 0 : index
    %get3A_17 = vector.load %arg3[%get3A_15, %get3A_16] : memref<256x256xf32, #tpu.memory_space<vmem>>, vector<128x256xf32>
    %dot_general3A_18 = arith.constant dense<0.000000e+00> : vector<1280x256xf32>
    %dot_general3A_19 = tpu.matmul %get3A_14, %get3A_17, %dot_general3A_18 {dimension_numbers = #tpu.dot_dimension_numbers<[1], [0], [0], [1], [0, 0, 1, 1], [], []>, transpose_lhs_hint = false} : vector<1280x128xf32>, vector<128x256xf32>, vector<1280x256xf32> -> vector<1280x256xf32>
    %add3A = arith.addf %dot_general3A_9, %dot_general3A_19 : vector<1280x256xf32>
    %get3A_20 = arith.constant 0 : index
    %get3A_21 = arith.constant 0 : index
    %get3A_22 = vector.load %arg2[%get3A_20, %get3A_21] : memref<2x1280xf32, #tpu.memory_space<vmem>>, vector<1x1280xf32>
    %get3A_23 = vector.shape_cast %get3A_22 : vector<1x1280xf32> to vector<1280xf32>
    %get3A_24 = arith.constant 1 : index
    %get3A_25 = arith.constant 0 : index
    %get3A_26 = vector.load %arg2[%get3A_24, %get3A_25] : memref<2x1280xf32, #tpu.memory_space<vmem>>, vector<1x1280xf32>
    %get3A_27 = vector.shape_cast %get3A_26 : vector<1x1280xf32> to vector<1280xf32>
    %add3A_28 = arith.addf %get3A_23, %get3A_27 : vector<1280xf32>
    %max3A = arith.constant 1.000000e+00 : f32
    %max3A_29 = vector.broadcast %max3A : f32 to vector<1280xf32>
    %max3A_30 = arith.maximumf %add3A_28, %max3A_29 : vector<1280xf32>
    %rsqrt3A = math.rsqrt %max3A_30 : vector<1280xf32>
    %broadcast_in_dim3A = vector.shape_cast %rsqrt3A : vector<1280xf32> to vector<1280x1xf32>
    %mul3A = vector.broadcast %broadcast_in_dim3A : vector<1280x1xf32> to vector<1280x256xf32>
    %mul3A_31 = arith.mulf %mul3A, %add3A : vector<1280x256xf32>
    %get3A_32 = arith.constant 0 : index
    %get3A_33 = arith.constant 0 : index
    %get3A_34 = vector.load %arg4[%get3A_32, %get3A_33] : memref<1x256xf32, #tpu.memory_space<vmem>>, vector<1x256xf32>
    %add3A_35 = vector.broadcast %get3A_34 : vector<1x256xf32> to vector<1280x256xf32>
    %add3A_36 = arith.addf %mul3A_31, %add3A_35 : vector<1280x256xf32>
    %max3A_37 = arith.constant 0.000000e+00 : f32
    %max3A_38 = vector.broadcast %max3A_37 : f32 to vector<1280x256xf32>
    %max3A_39 = arith.maximumf %add3A_36, %max3A_38 : vector<1280x256xf32>
    %iota3A = tpu.iota {dimensions = array<i32: 0>} : vector<1280x1xi32>
    %mul3A_40 = arith.constant 1280 : i32
    %mul3A_41 = arith.muli %arg0, %mul3A_40 : i32
    %add3A_42 = vector.broadcast %mul3A_41 : i32 to vector<1280x1xi32>
    %add3A_43 = arith.addi %iota3A, %add3A_42 : vector<1280x1xi32>
    %lt3A = arith.constant 10000 : i32
    %lt3A_44 = vector.broadcast %lt3A : i32 to vector<1280x1xi32>
    %lt3A_45 = arith.cmpi slt, %add3A_43, %lt3A_44 : vector<1280x1xi32>
    %jit3A = arith.constant 0.000000e+00 : f32
    %broadcast_in_dim3A_46 = vector.shape_cast %lt3A_45 : vector<1280x1xi1> to vector<1280x1xi1>
    %broadcast_in_dim3A_47 = vector.broadcast %broadcast_in_dim3A_46 : vector<1280x1xi1> to vector<1280x256xi1>
    %broadcast_in_dim3A_48 = vector.broadcast %jit3A : f32 to vector<1280x256xf32>
    %select_n3A = arith.select %broadcast_in_dim3A_47, %max3A_39, %broadcast_in_dim3A_48 : vector<1280x256xi1>, vector<1280x256xf32>
    %get3A_49 = arith.constant 0 : index
    %get3A_50 = arith.constant 0 : index
    %get3A_51 = vector.load %arg9[%get3A_49, %get3A_50] : memref<1x256xf32, #tpu.memory_space<vmem>>, vector<1x256xf32>
    %reduce_sum3A = arith.constant dense<0.000000e+00> : vector<256xf32>
    %reduce_sum3A_52 = vector.multi_reduction <add>, %select_n3A, %reduce_sum3A [0] : vector<1280x256xf32> to vector<256xf32>
    %broadcast_in_dim3A_53 = vector.shape_cast %reduce_sum3A_52 : vector<256xf32> to vector<1x256xf32>
    %add3A_54 = arith.addf %get3A_51, %broadcast_in_dim3A_53 : vector<1x256xf32>
    %swap3A = arith.constant 0 : index
    %swap3A_55 = arith.constant 0 : index
    %swap3A_56 = vector.load %arg9[%swap3A, %swap3A_55] : memref<1x256xf32, #tpu.memory_space<vmem>>, vector<1x256xf32>
    tpu.vector_store %arg9[%swap3A, %swap3A_55], %add3A_54 {strides = array<i32>} : memref<1x256xf32, #tpu.memory_space<vmem>>, vector<1x256xf32>,
    %eq3A_57 = arith.constant 7 : i32
    %eq3A_58 = arith.cmpi eq, %arg0, %eq3A_57 : i32
    %convert_element_type3A_59 = arith.extui %eq3A_58 : i1 to i32
    %cond3A_60 = arith.constant 0 : i32
    %cond3A_61 = arith.cmpi ne, %convert_element_type3A_59, %cond3A_60 : i32
    scf.if %cond3A_61 {
      %get3A_62 = arith.constant 0 : index
      %get3A_63 = arith.constant 0 : index
      %get3A_64 = vector.load %arg9[%get3A_62, %get3A_63] : memref<1x256xf32, #tpu.memory_space<vmem>>, vector<1x256xf32>
      %mul3A_65 = arith.constant 9.99999974E-5 : f32
      %mul3A_66 = vector.broadcast %mul3A_65 : f32 to vector<1x256xf32>
      %mul3A_67 = arith.mulf %get3A_64, %mul3A_66 : vector<1x256xf32>
      %ge3A = arith.constant 0.000000e+00 : f32
      %ge3A_68 = vector.broadcast %ge3A : f32 to vector<1x256xf32>
      %ge3A_69 = arith.cmpf oge, %mul3A_67, %ge3A_68 : vector<1x256xf32>
      %get3A_70 = arith.constant 0 : index
      %get3A_71 = arith.constant 0 : index
      %get3A_72 = vector.load %arg5[%get3A_70, %get3A_71] : memref<1x1xf32, #tpu.memory_space<vmem>>, vector<1x1xf32>
      %get3A_73 = vector.extract %get3A_72[0, 0] : f32 from vector<1x1xf32>
      %mul3A_74 = vector.broadcast %get3A_73 : f32 to vector<1x256xf32>
      %mul3A_75 = arith.mulf %mul3A_74, %mul3A_67 : vector<1x256xf32>
      %select_n3A_76 = arith.select %ge3A_69, %mul3A_67, %mul3A_75 : vector<1x256xi1>, vector<1x256xf32>
      %get3A_77 = arith.constant 0 : index
      %get3A_78 = arith.constant 0 : index
      %get3A_79 = vector.load %arg6[%get3A_77, %get3A_78] : memref<256x1xf32, #tpu.memory_space<vmem>>, vector<256x1xf32>
      %dot_general3A_80 = arith.constant dense<0.000000e+00> : vector<1x1xf32>
      %dot_general3A_81 = tpu.matmul %select_n3A_76, %get3A_79, %dot_general3A_80 {dimension_numbers = #tpu.dot_dimension_numbers<[1], [0], [0], [1], [0, 0, 1, 1], [], []>, transpose_lhs_hint = false} : vector<1x256xf32>, vector<256x1xf32>, vector<1x1xf32> -> vector<1x1xf32>
      %get3A_82 = arith.constant 0 : index
      %get3A_83 = arith.constant 0 : index
      %get3A_84 = vector.load %arg7[%get3A_82, %get3A_83] : memref<1x1xf32, #tpu.memory_space<vmem>>, vector<1x1xf32>
      %add3A_85 = arith.addf %dot_general3A_81, %get3A_84 : vector<1x1xf32>
      %neg3A = arith.constant 0.000000e+00 : f32
      %neg3A_86 = vector.broadcast %neg3A : f32 to vector<1x1xf32>
      %neg3A_87 = arith.subf %neg3A_86, %add3A_85 : vector<1x1xf32>
      %exp3A = math.exp %neg3A_87 : vector<1x1xf32>
      %add3A_88 = arith.constant 1.000000e+00 : f32
      %add3A_89 = vector.broadcast %add3A_88 : f32 to vector<1x1xf32>
      %add3A_90 = arith.addf %add3A_89, %exp3A : vector<1x1xf32>
      %div3A = arith.constant 1.000000e+00 : f32
      %div3A_91 = vector.broadcast %div3A : f32 to vector<1x1xf32>
      %div3A_92 = arith.divf %div3A_91, %add3A_90 : vector<1x1xf32>
      %swap3A_93 = arith.constant 0 : index
      %swap3A_94 = arith.constant 0 : index
      %swap3A_95 = vector.load %arg8[%swap3A_93, %swap3A_94] : memref<1x1xf32, #tpu.memory_space<vmem>>, vector<1x1xf32>
      tpu.vector_store %arg8[%swap3A_93, %swap3A_94], %div3A_92 {strides = array<i32>} : memref<1x1xf32, #tpu.memory_space<vmem>>, vector<1x1xf32>,
    } else {
    }
    return
  }
  func.func @transform_0(%arg0: i32) -> (i32, i32, i32) {
    %c0_i32 = arith.constant 0 : i32
    %c0_i32_0 = arith.constant 0 : i32
    %c0_i32_1 = arith.constant 0 : i32
    return %c0_i32, %arg0, %c0_i32_0 : i32, i32, i32
  }
  func.func @transform_1(%arg0: i32) -> (i32, i32) {
    %c0_i32 = arith.constant 0 : i32
    %c0_i32_0 = arith.constant 0 : i32
    return %c0_i32, %arg0 : i32, i32
  }
  func.func @transform_2(%arg0: i32) -> (i32, i32) {
    %c0_i32 = arith.constant 0 : i32
    %c0_i32_0 = arith.constant 0 : i32
    %c0_i32_1 = arith.constant 0 : i32
    return %c0_i32, %c0_i32_0 : i32, i32
  }
  func.func @transform_3(%arg0: i32) -> (i32, i32) {
    %c0_i32 = arith.constant 0 : i32
    %c0_i32_0 = arith.constant 0 : i32
    %c0_i32_1 = arith.constant 0 : i32
    return %c0_i32, %c0_i32_0 : i32, i32
  }
  func.func @transform_4(%arg0: i32) -> (i32, i32) {
    %c0_i32 = arith.constant 0 : i32
    %c0_i32_0 = arith.constant 0 : i32
    %c0_i32_1 = arith.constant 0 : i32
    return %c0_i32, %c0_i32_0 : i32, i32
  }
  func.func @transform_5(%arg0: i32) -> (i32, i32) {
    %c0_i32 = arith.constant 0 : i32
    %c0_i32_0 = arith.constant 0 : i32
    %c0_i32_1 = arith.constant 0 : i32
    return %c0_i32, %c0_i32_0 : i32, i32
  }
  func.func @transform_6(%arg0: i32) -> (i32, i32) {
    %c0_i32 = arith.constant 0 : i32
    %c0_i32_0 = arith.constant 0 : i32
    %c0_i32_1 = arith.constant 0 : i32
    return %c0_i32, %c0_i32_0 : i32, i32
  }
  func.func @transform_7(%arg0: i32) -> (i32, i32) {
    %c0_i32 = arith.constant 0 : i32
    %c0_i32_0 = arith.constant 0 : i32
    %c0_i32_1 = arith.constant 0 : i32
    return %c0_i32, %c0_i32_0 : i32, i32
  }
}

</mosaic_0001>

<sc_bundles>
// kernel: kernel.6.cloned.1.call-start
scs
__scs_entry_jumppad:
0x0: {  	(pc) =	sbr.rel $0x88, $3  }
0x1: {  	(tag) =	ssettag $0x0;
	lr =	simm.s32 $0x1  }
0x2: {  	[smem:$0x3F98] =	sst lr;
	_ =	strace $0xD0000000  }
0x3: {  	_ = 	snop  }
0x4: {  	_ = 	snop  }
0x5: {  	_ = 	snop  }
0x6: {  	_ = 	snop  }
0x7: {  	_ = 	snop  }
__scs_overlays_trampoline_lowered:
0x8: {  	[smem:$0x3FA7] =	sst s0  }
0x9: {  	[smem:$0x3FA8] =	sst s1  }
0xa: {  	[smem:$0x3FA9] =	sst s2  }
0xb: {  	[smem:$0x3FAA] =	sst s3  }
0xc: {  	[smem:$0x3FAB] =	sst s4  }
0xd: {  	[smem:$0x3FAC] =	sst s5  }
0xe: {  	[smem:$0x3FAD] =	sst s6  }
0xf: {  	[smem:$0x3FAE] =	sst s7  }
0x10: {  	[smem:$0x3FAF] =	sst s8  }
0x11: {  	[smem:$0x3FB0] =	sst s9;
	s0 =	simm.s32 @!p0 $0x0  }
0x12: {  	s1 =	sld [smem:$0x3F96];
	s0 =	simm.s32 @p0 $0x1  }
0x13: {  	[smem:$0x3FB1] =	sst s0;
	s0 =	simm.s32 @!p1 $0x0  }
0x14: {  	s2 =	sld [smem:$0x3F95];
	s0 =	simm.s32 @p1 $0x1  }
0x15: {  	[smem:$0x3FB2] =	sst s0;
	s0 =	simm.s32 @!p2 $0x0  }
0x16: {  	s3 =	sld [smem:$0x3FDB];
	s0 =	simm.s32 @p2 $0x1  }
0x17: {  	s4 =	simm.s32 $0x1BF5;
	[smem:$0x3FB4] =	sst s0  }
0x18: {  	s0 =	sld [smem:$0x3F97];
	_ =	swait.ge [sflag:s4], $0x0  }
0x19: {  	s7 =	sld [smem:$0x3F98]  }
0x1a: {  	s8 =	sadd.s32 $0xFFFFE003, lr  }
0x1b: {  	s9 =	sadd.s32 $0xFFFFFEF7, lr;
	s5 =	simm.s32 $0xFFFFFFFF;
	p2 =	slt.u32 s8, $0xFFFFF086  }
0x1c: {  	p1 =	slt.u32 s9, $0xF7A;
	s5 =	simm.s32 @!p2 $0x0  }
0x1d: {  	s5 =	simm.s32 @p1 $0x1;
	p0 =	seq.s32 s7, s2  }
0x1e: {  	s7 =	smul.u32 @!p0 $0xF7A, s2;
	p2 =	seq.s32 @!p0 s5, $0x0  }
0x1f: {  	s9 =	smul.u32 $0xF7A, s1;
	s8 =	simm.s32 @!p0 $0x1BF5;
	p2 =	por !p2, p0  }
0x20: {  	[sflag:s8] =	ssyncset.s32 @!p0 $0xFFFFF086;
	s6 =	sadd.s32 @!p0 s3, s7;
	s7 =	simm.s32 @!p0 $0x108  }
0x21: {  	s3 =	sadd.s32 s3, s9;
	s6 =	sadd.s32 @!p0 $0x88, s6;
	s7 =	simm.s32 @p2 $0x1082  }
0x22: {  	[simem:s7], [sflag:s8] =	dma.local @!p0 [hbm:s6], $0xF7A  }
0x23: {  	s9 =	sor.u32 $0xD0000000, s2;
	s6 =	simm.s32 $0x108;
	_ =	swait.ge @!p0 [sflag:s8], $0x0  }
0x24: {  	s3 =	sadd.s32 $0x88, s3;
	s6 =	simm.s32 @!p1 $0x1082;
	[sflag:s4] =	ssyncset.s32 $0xFFFFF086  }
0x25: {  	[simem:s6], [sflag:s4] =	dma.local [hbm:s3], $0xF7A  }
0x26: {  	[smem:$0x3F98] =	sst s1;
	(tag) =	ssettag s2;
	_ =	strace s9  }
0x27: {  	s1 =	sld [smem:$0x3FA8]  }
0x28: {  	s2 =	sld [smem:$0x3FA9]  }
0x29: {  	s4 =	sld [smem:$0x3FAB]  }
0x2a: {  	p0 =	seq.s32 s5, $0x0;
	s5 =	sld [smem:$0x3FAC]  }
0x2b: {  	s6 =	sld [smem:$0x3FAD]  }
0x2c: {  	s7 =	sld [smem:$0x3FAE]  }
0x2d: {  	s3 =	simm.s32 $0x108;
	s8 =	sld [smem:$0x3FAF]  }
0x2e: {  	s3 =	simm.s32 @!p0 $0x1082;
	s9 =	sld [smem:$0x3FB0]  }
0x2f: {  	lr =	sadd.s32 s0, s3;
	s0 =	sld [smem:$0x3FA7]  }
0x30: {  	s3 =	sld [smem:$0x3FAA]  }
0x31: {  	[smem:$0x3FB3] =	sst s10  }
0x32: {  	s10 =	sld [smem:$0x3FB1];
	_ =	sdelay $0x3  }
0x33: {  	p0 =	seq.s32 s10, $0x1;
	s10 =	sld [smem:$0x3FB3];
	_ =	sdelay $0x3  }
0x34: {  	[smem:$0x3FB3] =	sst s10  }
0x35: {  	s10 =	sld [smem:$0x3FB2];
	_ =	sdelay $0x3  }
0x36: {  	p1 =	seq.s32 s10, $0x1;
	s10 =	sld [smem:$0x3FB3];
	_ =	sdelay $0x3  }
0x37: {  	[smem:$0x3FB3] =	sst s10  }
0x38: {  	s10 =	sld [smem:$0x3FB4]  }
0x39: {  	_ = 	snop;
	(pc) =	sbr.ind lr, $3  }
0x3a: {  	_ = 	snop  }
0x3b: {  	_ = 	snop  }
0x3c: {  	p2 =	seq.s32 s10, $0x1;
	s10 =	sld [smem:$0x3FB3]  }
0x3d: {  	_ =	shalt  }
0x3e: {  	_ =	shalt  }
0x3f: {  	_ =	shalt  }
0x40: {  	_ =	shalt  }
0x41: {  	_ =	shalt  }
0x42: {  	_ =	shalt  }
0x43: {  	_ =	shalt  }
0x44: {  	_ =	shalt  }
0x45: {  	_ =	shalt  }
0x46: {  	_ =	shalt  }
0x47: {  	_ =	shalt  }
0x48: {  	_ =	shalt  }
0x49: {  	_ =	shalt  }
0x4a: {  	_ =	shalt  }
0x4b: {  	_ =	shalt  }
0x4c: {  	_ =	shalt  }
0x4d: {  	_ =	shalt  }
0x4e: {  	_ =	shalt  }
0x4f: {  	_ =	shalt  }
0x50: {  	_ =	shalt  }
0x51: {  	_ =	shalt  }
0x52: {  	_ =	shalt  }
0x53: {  	_ =	shalt  }
0x54: {  	_ =	shalt  }
0x55: {  	_ =	shalt  }
0x56: {  	_ =	shalt  }
0x57: {  	_ =	shalt  }
0x58: {  	_ =	shalt  }
0x59: {  	_ =	shalt  }
0x5a: {  	_ =	shalt  }
0x5b: {  	_ =	shalt  }
0x5c: {  	_ =	shalt  }
0x5d: {  	_ =	shalt  }
0x5e: {  	_ =	shalt  }
0x5f: {  	_ =	shalt  }
0x60: {  	_ =	shalt  }
0x61: {  	_ =	shalt  }
0x62: {  	_ =	shalt  }
0x63: {  	_ =	shalt  }
0x64: {  	_ =	shalt  }
0x65: {  	_ =	shalt  }
0x66: {  	_ =	shalt  }
0x67: {  	_ =	shalt  }
0x68: {  	_ =	shalt  }
0x69: {  	_ =	shalt  }
0x6a: {  	_ =	shalt  }
0x6b: {  	_ =	shalt  }
0x6c: {  	_ =	shalt  }
0x6d: {  	_ =	shalt  }
0x6e: {  	_ =	shalt  }
0x6f: {  	_ =	shalt  }
0x70: {  	_ =	shalt  }
0x71: {  	_ =	shalt  }
0x72: {  	_ =	shalt  }
0x73: {  	_ =	shalt  }
0x74: {  	_ =	shalt  }
0x75: {  	_ =	shalt  }
0x76: {  	_ =	shalt  }
0x77: {  	_ =	shalt  }
0x78: {  	_ =	shalt  }
0x79: {  	_ =	shalt  }
0x7a: {  	_ =	shalt  }
0x7b: {  	_ =	shalt  }
0x7c: {  	_ =	shalt  }
0x7d: {  	_ =	shalt  }
0x7e: {  	_ =	shalt  }
0x7f: {  	_ =	shalt  }
0x80: {  	_ =	shalt  }
0x81: {  	_ =	shalt  }
0x82: {  	_ =	shalt  }
0x83: {  	_ =	shalt  }
0x84: {  	_ =	shalt  }
0x85: {  	_ =	shalt  }
0x86: {  	_ =	shalt  }
0x87: {  	_ =	shalt  }
.Lfunc_end0:
.L_simem_size_0:
called_computation_lowered:
.L_overlay_start_0:
0x88: {  	s2 =	sld [smem:$0x3FD9]  }
0x89: {  	s3 =	sld [smem:$0x3FFE];
	_ =	sdelay $0x1  }
0x8a: {  	s1 =	srdreg.scid  }
0x8b: {  	s0 =	sand.u32 $0x1, s1  }
0x8c: {  	s16 =	sshll.u32 s0, $0xA;
	s2 =	sadd.s32 s3, s2  }
0x8d: {  	s2 =	sadd.s32 s2, s16  }
0x8e: {  	[smem:$0x3FBF] =	sst s2  }
0x8f: {  	_ = 	snop  }
0x90: {  	(tm) =	ssettm $0x1  }
0x91: {  	s17 =	sld [smem:$0x3FFB];
	_ =	sdelay $0x3  }
0x92: {  	_ =	strace s17  }
0x93: {  	s2 =	sld [smem:$0x3FFC];
	_ =	sdelay $0x3  }
0x94: {  	_ =	strace s2  }
0x95: {  	s2 =	sld [smem:$0x3FFD];
	_ =	sdelay $0x3  }
0x96: {  	_ =	strace s2  }
0x97: {  	_ =	strace $0x8FFFFFFF  }
0x98: {  	s18 =	sld [smem:$0x3FDB];
	_ =	sdelay $0x1  }
0x99: {  	s19 =	simm.s32 $_scs_section_size  }
0x9a: {  	s4 =	simm.s32 $_size__tile_overlayer_lowered;
	s5 =	simm.s32 $_tile_overlayer_lowered  }
0x9b: {  	s22 =	simm.s32 $0x1BFF;
	s21 =	sshll.u32 s5, $0x1;
	s2 =	sadd.s32 s19, s18  }
0x9c: {  	s6 =	simm.s32 $0x0;
	s20 =	sshll.u32 s4, $0x1;
	s4 =	sadd.s32 s21, s2  }
0x9d: {  	[timem:s6], [sflag:s22] =	dma.local [hbm:s4], s20  }
0x9e: {  	_ =	swait.ge [sflag:s22], s20  }
0x9f: {  	s3 =	ssub.s32 $0x0, s20;
	[sflag:s22] =	ssyncset.done $0x0  }
0xa0: {  	[sflag:s22] =	ssyncadd.s32 s3;
	_ =	sdelay $0x1  }
0xa1: {  	s23 =	simm.s32 $0x1B8B  }
0xa2: {  	_ =	swait.ge [sflag:s23], $0x1  }
0xa3: {  	[sflag:s23] =	ssyncset.done $0x0  }
0xa4: {  	s25 =	simm.s32 $0x1B8E;
	s24 =	sld [smem:$0x3FFE];
	[sflag:s23] =	ssyncadd.s32 $0xFFFFFFFF  }
0xa5: {  	s26 =	simm.s32 $execute0_lowered;
	[smem:$0x3FD2] =	sst s25  }
0xa6: {  	s4 =	sshll.u32 s26, $0x1;
	_ =	strace $0x80000046;
	[dreg:$0x1] =	wrdreg $0xFFFFFFFF  }
0xa7: {  	s28 =	simm.s32 $_size_execute0_lowered;
	s2 =	sadd.s32 s2, s4;
	[dreg:$0x0] =	wrdreg $0x0  }
0xa8: {  	s4 =	sshll.u32 s28, $0x1;
	[dreg:$0x2] =	wrdreg s2  }
0xa9: {  	[dreg:$0x3] =	wrdreg s4  }
0xaa: {  	[dreg:$0x4] =	wrdreg $0xC0  }
0xab: {  	_ =	task [dreg:s6], $0x5FFFF  }
0xac: {  	[dreg:$0x1] =	wrdreg $0xFFFFFFFF  }
0xad: {  	[dreg:$0x0] =	wrdreg $0x60  }
0xae: {  	[dreg:$0x2] =	wrdreg s24  }
0xaf: {  	[dreg:$0x3] =	wrdreg $0xC9800  }
0xb0: {  	[dreg:$0x4] =	wrdreg $0x9  }
0xb1: {  	_ =	task.clear_ibuf [dreg:s6], $0x5FFFF;
	_ =	strace $0x90000046  }
0xb2: {  	s29 =	simm.s32 $0x9;
	_ =	strace $0x80000048  }
0xb3: {  	_ =	swait.ge [sflag:s29], $0x1  }
0xb4: {  	[sflag:s29] =	ssyncadd.s32 $0xFFFFFFFF  }
0xb5: {  	_ =	strace $0x90000048  }
0xb6: {  	_ =	sfence  }
0xb7: {  	s30 =	sld [smem:$0x0];
	_ =	sdelay $0x2  }
0xb8: {  	s31 =	sshll.u32 s1, $0xD;
	s1 =	sshrl.u32 s1, $0x2  }
0xb9: {  	s3 =	sand.u32 $0x4000, s31;
	s1 =	sadd.s32 s1, s30  }
0xba: {  	s0 =	sor.u32 s3, s0;
	s1 =	sshll.u32 s1, $0x11  }
0xbb: {  	s0 =	sor.u32 s1, s0  }
0xbc: {  	s0 =	sadd.s32 $0x8F2B, s0  }
0xbd: {  	[sflag:s0] =	ssyncadd.remote.s32 $0x1  }
0xbe: {  	_ =	sfence.sel $0xFFFF  }
0xbf: {  	[dreg:$0x0] =	wrdreg $0xFFFFFFFF;
	(pc) =	sbr.abs _section_cstart, $3  }
0xc0: {  	[dreg:$0x1] =	wrdreg $0xFFFFFFFF  }
0xc1: {  	_ =	task.clear_ibuf [dreg:s6], $0x2FFFF;
	_ =	strace $0x9FFFFFFF  }
0xc2: {  	(tm) =	ssettm $0x7FFFFFFF  }
0xc3: {  	_ =	shalt  }
tec
execute0_lowered:
.L_overlay_start_1:
0x0: {  	(tag) =	ssettag $0x1  }
0x1: {  	s0 =	srdreg.scid  }
0x2: {  	s1 =	rddreg [dreg:$0x0];
	s6 =	stileid.u32  }
0x3: {  	s3 =	rddreg [dreg:$0x1];
	s4 =	simm.s32 $0x0;
	s0 =	sand.u32 $0x1, s0  }
0x4: {  	[smem:$0x7FF] =	sst s4;
	s10 =	smul.u32 $0x500, s6;
	s2 =	sshll.u32 s0, $0x4  }
0x5: {  	_ =	strace $0x80000047;
	s5 =	sshll.u32 s0, $0x7;
	s0 =	ssub.s32 $0x2, s0  }
0x6: {  	s2 =	sor.u32 s6, s2;
	s6 =	smul.u32 $0x14000, s6;
	s7 =	sshrl.u32 s0, $0x1  }
0x7: {  	s5 =	sor.u32 s5, s10;
	s2 =	smul.u32 $0x2710, s2;
	s0 =	ssub.s32 s0, s7  }
0x8: {  	s5 =	sshrl.u32 s5, $0x3;
	s11 =	sshrl.u32 s6, $0x2;
	s0 =	smax.u32 s0, $0x1  }
0x9: {  	s2 =	sshrl.u32 s2, $0x3;
	s13 =	sadd.s32 s11, s3;
	[dreg:$0x18] =	wrdreg s0  }
0xa: {  	s2 =	sadd.s32 s2, s1;
	[dreg:$0x4] =	wrdreg s13;
	s14 =	sadd.s32 $0x80, s13  }
0xb: {  	s1 =	sadd.s32 s5, s1;
	s12 =	sadd.s32 $0x2800, s2;
	[dreg:$0x6] =	wrdreg s14  }
0xc: {  	s5 =	sadd.s32 s10, s3;
	s2 =	sadd.s32 $0xC440, s2;
	[dreg:$0x3] =	wrdreg s12  }
0xd: {  	s15 =	sadd.s32 $0x5000, s5;
	[dreg:$0x5] =	wrdreg s2  }
0xe: {  	s16 =	sadd.s32 $0xA000, s5;
	[dreg:$0x7] =	wrdreg s15  }
0xf: {  	s17 =	sadd.s32 $0xF000, s5;
	[dreg:$0x8] =	wrdreg s16  }
0x10: {  	s18 =	sadd.s32 $0x14000, s5;
	[dreg:$0x9] =	wrdreg s17  }
0x11: {  	s19 =	sadd.s32 $0x19000, s5;
	[dreg:$0xa] =	wrdreg s18  }
0x12: {  	s20 =	sadd.s32 $0x1E000, s5;
	[dreg:$0xb] =	wrdreg s19  }
0x13: {  	s21 =	sadd.s32 $0x23000, s5;
	[dreg:$0xc] =	wrdreg s20  }
0x14: {  	s22 =	sadd.s32 $0x28000, s5;
	[dreg:$0xd] =	wrdreg s21  }
0x15: {  	s23 =	sadd.s32 $0x2D000, s5;
	[dreg:$0xe] =	wrdreg s22  }
0x16: {  	s24 =	sadd.s32 $0x32000, s5;
	[dreg:$0xf] =	wrdreg s23  }
0x17: {  	s25 =	sadd.s32 $0x37000, s5;
	[dreg:$0x10] =	wrdreg s24  }
0x18: {  	s26 =	sadd.s32 $0x3C000, s5;
	[dreg:$0x11] =	wrdreg s25  }
0x19: {  	s3 =	sadd.s32 $0x41000, s5;
	[dreg:$0x12] =	wrdreg s26  }
0x1a: {  	s4 =	sadd.s32 $0x46000, s5;
	[dreg:$0x13] =	wrdreg s3  }
0x1b: {  	s6 =	sadd.s32 $0x4B000, s5;
	[dreg:$0x14] =	wrdreg s4  }
0x1c: {  	s7 =	sadd.s32 $0x16200, s1;
	[dreg:$0x15] =	wrdreg s6  }
0x1d: {  	s1 =	sadd.s32 $0x16C00, s1;
	[dreg:$0x16] =	wrdreg s7  }
0x1e: {  	s8 =	sadd.s32 $0x80, s5;
	[dreg:$0x17] =	wrdreg s1  }
0x1f: {  	s9 =	sadd.s32 $0x5080, s5;
	[dreg:$0x19] =	wrdreg s8  }
0x20: {  	s10 =	sadd.s32 $0xA080, s5;
	[dreg:$0x1a] =	wrdreg s9  }
0x21: {  	s11 =	sadd.s32 $0xF080, s5;
	[dreg:$0x1b] =	wrdreg s10  }
0x22: {  	s13 =	sadd.s32 $0x19080, s5;
	[dreg:$0x1c] =	wrdreg s11  }
0x23: {  	s14 =	sadd.s32 $0x1E080, s5;
	[dreg:$0x1e] =	wrdreg s13  }
0x24: {  	s12 =	sadd.s32 $0x14080, s5;
	[dreg:$0x1f] =	wrdreg s14  }
0x25: {  	s15 =	sadd.s32 $0x23080, s5;
	[dreg:$0x1d] =	wrdreg s12  }
0x26: {  	s16 =	sadd.s32 $0x28080, s5;
	[smem:$0x775] =	sst s15  }
0x27: {  	s17 =	sadd.s32 $0x2D080, s5;
	[smem:$0x776] =	sst s16  }
0x28: {  	s18 =	sadd.s32 $0x32080, s5;
	[smem:$0x777] =	sst s17  }
0x29: {  	s19 =	sadd.s32 $0x37080, s5;
	[smem:$0x778] =	sst s18  }
0x2a: {  	s20 =	sadd.s32 $0x3C080, s5;
	[smem:$0x779] =	sst s19  }
0x2b: {  	s21 =	sadd.s32 $0x41080, s5;
	[smem:$0x77A] =	sst s20  }
0x2c: {  	s22 =	sadd.s32 $0x46080, s5;
	[smem:$0x77B] =	sst s21  }
0x2d: {  	s23 =	sadd.s32 $0x4B080, s5;
	[smem:$0x77C] =	sst s22  }
0x2e: {  	s24 =	sadd.s32 $0x100, s5;
	[smem:$0x77D] =	sst s23  }
0x2f: {  	s25 =	sadd.s32 $0x200, s5;
	[smem:$0x77E] =	sst s24  }
0x30: {  	s26 =	sadd.s32 $0x300, s5;
	[smem:$0x77F] =	sst s25  }
0x31: {  	s1 =	sadd.s32 $0x400, s5;
	[smem:$0x780] =	sst s26  }
0x32: {  	s2 =	sadd.s32 $0x5100, s5;
	[smem:$0x781] =	sst s1  }
0x33: {  	s3 =	sadd.s32 $0x5200, s5;
	[smem:$0x782] =	sst s2  }
0x34: {  	s4 =	sadd.s32 $0x5300, s5;
	[smem:$0x783] =	sst s3  }
0x35: {  	s6 =	sadd.s32 $0x5400, s5;
	[smem:$0x784] =	sst s4  }
0x36: {  	s7 =	sadd.s32 $0xA100, s5;
	[smem:$0x785] =	sst s6  }
0x37: {  	s8 =	sadd.s32 $0xA200, s5;
	[smem:$0x786] =	sst s7  }
0x38: {  	s9 =	sadd.s32 $0xA300, s5;
	[smem:$0x787] =	sst s8  }
0x39: {  	s10 =	sadd.s32 $0xA400, s5;
	[smem:$0x788] =	sst s9  }
0x3a: {  	s11 =	sadd.s32 $0xF100, s5;
	[smem:$0x789] =	sst s10  }
0x3b: {  	s13 =	sadd.s32 $0xF300, s5;
	[smem:$0x78A] =	sst s11  }
0x3c: {  	s14 =	sadd.s32 $0xF400, s5;
	[smem:$0x78C] =	sst s13  }
0x3d: {  	s12 =	sadd.s32 $0xF200, s5;
	[smem:$0x78D] =	sst s14  }
0x3e: {  	s15 =	sadd.s32 $0x14100, s5;
	[smem:$0x78B] =	sst s12  }
0x3f: {  	s16 =	sadd.s32 $0x14200, s5;
	[smem:$0x78E] =	sst s15  }
0x40: {  	s17 =	sadd.s32 $0x14300, s5;
	[smem:$0x78F] =	sst s16  }
0x41: {  	s18 =	sadd.s32 $0x14400, s5;
	[smem:$0x790] =	sst s17  }
0x42: {  	s19 =	sadd.s32 $0x19100, s5;
	[smem:$0x791] =	sst s18  }
0x43: {  	s20 =	sadd.s32 $0x19200, s5;
	[smem:$0x792] =	sst s19  }
0x44: {  	s21 =	sadd.s32 $0x19300, s5;
	[smem:$0x793] =	sst s20  }
0x45: {  	s22 =	sadd.s32 $0x19400, s5;
	[smem:$0x794] =	sst s21  }
0x46: {  	s23 =	sadd.s32 $0x1E100, s5;
	[smem:$0x795] =	sst s22  }
0x47: {  	s24 =	sadd.s32 $0x1E200, s5;
	[smem:$0x796] =	sst s23  }
0x48: {  	s25 =	sadd.s32 $0x1E300, s5;
	[smem:$0x797] =	sst s24  }
0x49: {  	s26 =	sadd.s32 $0x1E400, s5;
	[smem:$0x798] =	sst s25  }
0x4a: {  	s1 =	sadd.s32 $0x23100, s5;
	[smem:$0x799] =	sst s26  }
0x4b: {  	s2 =	sadd.s32 $0x23200, s5;
	[smem:$0x79A] =	sst s1  }
0x4c: {  	s3 =	sadd.s32 $0x23300, s5;
	[smem:$0x79B] =	sst s2  }
0x4d: {  	s4 =	sadd.s32 $0x23400, s5;
	[smem:$0x79C] =	sst s3  }
0x4e: {  	s6 =	sadd.s32 $0x28100, s5;
	[smem:$0x79D] =	sst s4  }
0x4f: {  	s7 =	sadd.s32 $0x28200, s5;
	[smem:$0x79E] =	sst s6  }
0x50: {  	s8 =	sadd.s32 $0x28300, s5;
	[smem:$0x79F] =	sst s7  }
0x51: {  	s9 =	sadd.s32 $0x28400, s5;
	[smem:$0x7A0] =	sst s8  }
0x52: {  	s10 =	sadd.s32 $0x2D100, s5;
	[smem:$0x7A1] =	sst s9  }
0x53: {  	s11 =	sadd.s32 $0x2D200, s5;
	[smem:$0x7A2] =	sst s10  }
0x54: {  	s13 =	sadd.s32 $0x2D400, s5;
	[smem:$0x7A3] =	sst s11  }
0x55: {  	s14 =	sadd.s32 $0x32100, s5;
	[smem:$0x7A5] =	sst s13  }
0x56: {  	s12 =	sadd.s32 $0x2D300, s5;
	[smem:$0x7A6] =	sst s14  }
0x57: {  	s15 =	sadd.s32 $0x32200, s5;
	[smem:$0x7A4] =	sst s12  }
0x58: {  	s16 =	sadd.s32 $0x32300, s5;
	[smem:$0x7A7] =	sst s15  }
0x59: {  	s17 =	sadd.s32 $0x32400, s5;
	[smem:$0x7A8] =	sst s16  }
0x5a: {  	s18 =	sadd.s32 $0x37100, s5;
	[smem:$0x7A9] =	sst s17  }
0x5b: {  	s19 =	sadd.s32 $0x37200, s5;
	[smem:$0x7AA] =	sst s18  }
0x5c: {  	s20 =	sadd.s32 $0x37300, s5;
	[smem:$0x7AB] =	sst s19  }
0x5d: {  	s21 =	sadd.s32 $0x37400, s5;
	[smem:$0x7AC] =	sst s20  }
0x5e: {  	s22 =	sadd.s32 $0x3C100, s5;
	[smem:$0x7AD] =	sst s21  }
0x5f: {  	s23 =	sadd.s32 $0x3C200, s5;
	[smem:$0x7AE] =	sst s22  }
0x60: {  	s24 =	sadd.s32 $0x3C300, s5;
	[smem:$0x7AF] =	sst s23  }
0x61: {  	s25 =	sadd.s32 $0x3C400, s5;
	[smem:$0x7B0] =	sst s24  }
0x62: {  	s26 =	sadd.s32 $0x41100, s5;
	[smem:$0x7B1] =	sst s25  }
0x63: {  	s1 =	sadd.s32 $0x41200, s5;
	[smem:$0x7B2] =	sst s26  }
0x64: {  	s2 =	sadd.s32 $0x41300, s5;
	[smem:$0x7B3] =	sst s1  }
0x65: {  	s3 =	sadd.s32 $0x41400, s5;
	[smem:$0x7B4] =	sst s2  }
0x66: {  	s4 =	sadd.s32 $0x46100, s5;
	[smem:$0x7B5] =	sst s3  }
0x67: {  	s6 =	sadd.s32 $0x46200, s5;
	[smem:$0x7B6] =	sst s4  }
0x68: {  	s7 =	sadd.s32 $0x46300, s5;
	[smem:$0x7B7] =	sst s6  }
0x69: {  	s8 =	sadd.s32 $0x46400, s5;
	[smem:$0x7B8] =	sst s7  }
0x6a: {  	s9 =	sadd.s32 $0x4B100, s5;
	[smem:$0x7B9] =	sst s8  }
0x6b: {  	s10 =	sadd.s32 $0x4B200, s5;
	[smem:$0x7BA] =	sst s9  }
0x6c: {  	s11 =	sadd.s32 $0x4B300, s5;
	[smem:$0x7BB] =	sst s10  }
0x6d: {  	s13 =	sadd.s32 $0x180, s5;
	[smem:$0x7BC] =	sst s11  }
0x6e: {  	s14 =	sadd.s32 $0x280, s5;
	[smem:$0x7BE] =	sst s13  }
0x6f: {  	s12 =	sadd.s32 $0x4B400, s5;
	[smem:$0x7BF] =	sst s14  }
0x70: {  	s15 =	sadd.s32 $0x380, s5;
	[smem:$0x7BD] =	sst s12  }
0x71: {  	s16 =	sadd.s32 $0x480, s5;
	[smem:$0x7C0] =	sst s15  }
0x72: {  	s17 =	sadd.s32 $0x5180, s5;
	[smem:$0x7C1] =	sst s16  }
0x73: {  	s18 =	sadd.s32 $0x5280, s5;
	[smem:$0x7C2] =	sst s17  }
0x74: {  	s19 =	sadd.s32 $0x5380, s5;
	[smem:$0x7C3] =	sst s18  }
0x75: {  	s20 =	sadd.s32 $0x5480, s5;
	[smem:$0x7C4] =	sst s19  }
0x76: {  	s21 =	sadd.s32 $0xA180, s5;
	[smem:$0x7C5] =	sst s20  }
0x77: {  	s22 =	sadd.s32 $0xA280, s5;
	[smem:$0x7C6] =	sst s21  }
0x78: {  	s23 =	sadd.s32 $0xA380, s5;
	[smem:$0x7C7] =	sst s22  }
0x79: {  	s24 =	sadd.s32 $0xA480, s5;
	[smem:$0x7C8] =	sst s23  }
0x7a: {  	s25 =	sadd.s32 $0xF180, s5;
	[smem:$0x7C9] =	sst s24  }
0x7b: {  	s26 =	sadd.s32 $0xF280, s5;
	[smem:$0x7CA] =	sst s25  }
0x7c: {  	s1 =	sadd.s32 $0xF380, s5;
	[smem:$0x7CB] =	sst s26  }
0x7d: {  	s2 =	sadd.s32 $0xF480, s5;
	[smem:$0x7CC] =	sst s1  }
0x7e: {  	s3 =	sadd.s32 $0x14180, s5;
	[smem:$0x7CD] =	sst s2  }
0x7f: {  	s4 =	sadd.s32 $0x14280, s5;
	[smem:$0x7CE] =	sst s3  }
0x80: {  	s6 =	sadd.s32 $0x14380, s5;
	[smem:$0x7CF] =	sst s4  }
0x81: {  	s7 =	sadd.s32 $0x14480, s5;
	[smem:$0x7D0] =	sst s6  }
0x82: {  	s8 =	sadd.s32 $0x19180, s5;
	[smem:$0x7D1] =	sst s7  }
0x83: {  	s9 =	sadd.s32 $0x19280, s5;
	[smem:$0x7D2] =	sst s8  }
0x84: {  	s10 =	sadd.s32 $0x19380, s5;
	[smem:$0x7D3] =	sst s9  }
0x85: {  	s11 =	sadd.s32 $0x19480, s5;
	[smem:$0x7D4] =	sst s10  }
0x86: {  	s13 =	sadd.s32 $0x1E280, s5;
	[smem:$0x7D5] =	sst s11  }
0x87: {  	s14 =	sadd.s32 $0x1E380, s5;
	[smem:$0x7D7] =	sst s13  }
0x88: {  	s12 =	sadd.s32 $0x1E180, s5;
	[smem:$0x7D8] =	sst s14  }
0x89: {  	s15 =	sadd.s32 $0x1E480, s5;
	[smem:$0x7D6] =	sst s12  }
0x8a: {  	s16 =	sadd.s32 $0x23180, s5;
	[smem:$0x7D9] =	sst s15  }
0x8b: {  	s17 =	sadd.s32 $0x23280, s5;
	[smem:$0x7DA] =	sst s16  }
0x8c: {  	s18 =	sadd.s32 $0x23380, s5;
	[smem:$0x7DB] =	sst s17  }
0x8d: {  	s19 =	sadd.s32 $0x23480, s5;
	[smem:$0x7DC] =	sst s18  }
0x8e: {  	s20 =	sadd.s32 $0x28180, s5;
	[smem:$0x7DD] =	sst s19  }
0x8f: {  	s21 =	sadd.s32 $0x28280, s5;
	[smem:$0x7DE] =	sst s20  }
0x90: {  	s22 =	sadd.s32 $0x28380, s5;
	[smem:$0x7DF] =	sst s21  }
0x91: {  	s23 =	sadd.s32 $0x28480, s5;
	[smem:$0x7E0] =	sst s22  }
0x92: {  	s24 =	sadd.s32 $0x2D180, s5;
	[smem:$0x7E1] =	sst s23  }
0x93: {  	s25 =	sadd.s32 $0x2D280, s5;
	[smem:$0x7E2] =	sst s24  }
0x94: {  	s26 =	sadd.s32 $0x2D380, s5;
	[smem:$0x7E3] =	sst s25  }
0x95: {  	s1 =	sadd.s32 $0x2D480, s5;
	[smem:$0x7E4] =	sst s26  }
0x96: {  	s2 =	sadd.s32 $0x32180, s5;
	[smem:$0x7E5] =	sst s1  }
0x97: {  	s3 =	sadd.s32 $0x32280, s5;
	[smem:$0x7E6] =	sst s2  }
0x98: {  	s4 =	sadd.s32 $0x32380, s5;
	[smem:$0x7E7] =	sst s3  }
0x99: {  	s6 =	sadd.s32 $0x32480, s5;
	[smem:$0x7E8] =	sst s4  }
0x9a: {  	s7 =	sadd.s32 $0x37180, s5;
	[smem:$0x7E9] =	sst s6  }
0x9b: {  	s8 =	sadd.s32 $0x37280, s5;
	[smem:$0x7EA] =	sst s7  }
0x9c: {  	s9 =	sadd.s32 $0x37380, s5;
	[smem:$0x7EB] =	sst s8  }
0x9d: {  	s10 =	sadd.s32 $0x37480, s5;
	[smem:$0x7EC] =	sst s9  }
0x9e: {  	s11 =	sadd.s32 $0x3C180, s5;
	[smem:$0x7ED] =	sst s10  }
0x9f: {  	s13 =	sadd.s32 $0x3C380, s5;
	[smem:$0x7EE] =	sst s11  }
0xa0: {  	s14 =	sadd.s32 $0x3C480, s5;
	[smem:$0x7F0] =	sst s13  }
0xa1: {  	s12 =	sadd.s32 $0x3C280, s5;
	[smem:$0x7F1] =	sst s14  }
0xa2: {  	s15 =	sadd.s32 $0x41180, s5;
	[smem:$0x7EF] =	sst s12  }
0xa3: {  	s28 =	simm.s32 $0xBE00;
	s16 =	sadd.s32 $0x41280, s5;
	[smem:$0x7F2] =	sst s15  }
0xa4: {  	s29 =	simm.s32 $0xC600;
	s17 =	sadd.s32 $0x41380, s5;
	[smem:$0x7F3] =	sst s16  }
0xa5: {  	s30 =	simm.s32 $0xBA80;
	s18 =	sadd.s32 $0x41480, s5;
	[smem:$0x7F4] =	sst s17  }
0xa6: {  	s31 =	simm.s32 $0xC280;
	s19 =	sadd.s32 $0x46180, s5;
	[smem:$0x7F5] =	sst s18  }
0xa7: {  	s20 =	sadd.s32 $0x46280, s5;
	s21 =	sadd.s32 $0x46380, s5;
	[smem:$0x7F6] =	sst s19  }
0xa8: {  	s22 =	sadd.s32 $0x46480, s5;
	s23 =	sadd.s32 $0x4B180, s5;
	[smem:$0x7F7] =	sst s20  }
0xa9: {  	s24 =	sadd.s32 $0x4B280, s5;
	s25 =	sadd.s32 $0x4B380, s5;
	[smem:$0x7F8] =	sst s21  }
0xaa: {  	s26 =	sadd.s32 $0x4B480, s5;
	s7 =	simm.s32 $0xB900;
	[smem:$0x7F9] =	sst s22  }
0xab: {  	s8 =	simm.s32 $0xBD00;
	s9 =	simm.s32 $0xC100;
	[smem:$0x7FA] =	sst s23  }
0xac: {  	s10 =	simm.s32 $0xC500;
	s11 =	simm.s32 $0xB580;
	[smem:$0x7FB] =	sst s24  }
0xad: {  	s13 =	simm.s32 $0xBD80;
	s14 =	simm.s32 $0xC180;
	[smem:$0x7FC] =	sst s25  }
0xae: {  	s1 =	simm.s32 $0x0;
	[smem:$0x7FD] =	sst s26;
	s21 =	simm.s32 $0x1  }
0xaf: {  	s22 =	simm.s32 $0x4F00;
	s23 =	simm.s32 $0x7700;
	s24 =	simm.s32 $0x80  }
0xb0: {  	s25 =	simm.s32 $0x100;
	s12 =	simm.s32 $0xB980;
	s15 =	simm.s32 $0xC580  }
0xb1: {  	s26 =	simm.s32 $0xB600;
	s16 =	simm.s32 $0xBA00;
	s17 =	simm.s32 $0xC200  }
0xb2: {  	v0 =	vimm.f32 $0.0e+00;
	v1 =	vimm.f32 $1.000000000e+00;
	s18 =	simm.s32 $0xB680;
	s19 =	simm.s32 $0xBE80;
	s20 =	simm.s32 $0xC680  }
.LBB2_1:
0xb3: {  	s0 =	simm.s32 $0x0;
	s2 =	rddreg [dreg:$0x3]  }
0xb4: {  	[tilespmem:s0], [sflag:$0x1] =	stream.linear.gather [hbm4b:s2+s0], $0x2710, $0x38;
	[tilespmem:$0x11980] =	vst v63  }
0xb5: {  	_ =	swait.ge [sflag:s21], $0x2710  }
0xb6: {  	[sflag:s21] =	ssyncset.done $0x0  }
0xb7: {  	s3 =	simm.s32 $0x2780;
	s6 =	rddreg [dreg:$0x5];
	[sflag:s21] =	ssyncadd.s32 $0xFFFFD8F0  }
0xb8: {  	[tilespmem:s3], [sflag:$0x1] =	stream.linear.gather [hbm4b:s6+s0], $0x2710, $0x38;
	[tilespmem:$0x11980] =	vst v63  }
0xb9: {  	_ =	swait.ge [sflag:s21], $0x2710  }
0xba: {  	[sflag:s21] =	ssyncset.done $0x0  }
0xbb: {  	s2 =	simm.s32 $0x140;
	s0 =	simm.s32 $0x0;
	[sflag:s21] =	ssyncadd.s32 $0xFFFFD8F0  }
.LBB2_2:
0xbc: {  	p0 =	sne.s32 s2, $0x9EC0;
	[tilespmem:s0+$0x7740] =	vst v0  }
0xbd: {  	[tilespmem:s0+$0x4F00] =	vst v0  }
0xbe: {  	[tilespmem:s0+$0x7700] =	vst v0  }
0xbf: {  	[tilespmem:s0+$0x4F10] =	vst v0  }
0xc0: {  	[tilespmem:s0+$0x7710] =	vst v0  }
.Ltmp0:
0xc1: {  	[tilespmem:s0+$0x4F20] =	vst v0;
	(pc) =	sbr.rel @p0 .LBB2_2-.Ltmp0, $4  }
0xc2: {  	[tilespmem:s0+$0x7720] =	vst v0  }
0xc3: {  	[tilespmem:s0+$0x4F30] =	vst v0  }
0xc4: {  	[tilespmem:s0+$0x7730] =	vst v0  }
0xc5: {  	[tilespmem:s0+$0x4F40] =	vst v0;
	s0 =	sshra.s32 s2, $0x2;
	s2 =	sadd.s32 $0x140, s2  }
0xc6: {  	[tilespmem:s0+$0x7740] =	vst v0  }
0xc7: {  	[tilespmem:s0+$0x4F00] =	vst v0  }
0xc8: {  	[tilespmem:s0+$0x7700] =	vst v0  }
0xc9: {  	[tilespmem:s0+$0x4F10] =	vst v0  }
0xca: {  	[tilespmem:s0+$0x7710] =	vst v0  }
0xcb: {  	[tilespmem:s0+$0x4F20] =	vst v0  }
0xcc: {  	[tilespmem:s0+$0x7720] =	vst v0  }
0xcd: {  	[tilespmem:s0+$0x4F30] =	vst v0  }
0xce: {  	[tilespmem:s0+$0x7730] =	vst v0  }
0xcf: {  	[tilespmem:s0+$0x4F40] =	vst v0;
	s0 =	simm.s32 $0x0  }
.LBB2_4:
0xd0: {  	s2 =	sshra.s32 s0, $0x2  }
0xd1: {  	v2 =	vld [tilespmem:s2+$0x0];
	_ =	sdelay $0x7  }
0xd2: {  	[tilespmem:v2+s22+$0x0] =	vst.idx.add.f32.msk $0xffff, v1  }
0xd3: {  	v2 =	vld [tilespmem:s2+$0x2780];
	_ =	sdelay $0x7  }
0xd4: {  	[tilespmem:v2+s23+$0x0] =	vst.idx.add.f32.msk $0xffff, v1  }
0xd5: {  	v2 =	vld [tilespmem:s2+$0x10];
	_ =	sdelay $0x7  }
0xd6: {  	[tilespmem:v2+s22+$0x0] =	vst.idx.add.f32.msk $0xffff, v1  }
0xd7: {  	v2 =	vld [tilespmem:s2+$0x2790];
	_ =	sdelay $0x7  }
0xd8: {  	[tilespmem:v2+s23+$0x0] =	vst.idx.add.f32.msk $0xffff, v1  }
0xd9: {  	v2 =	vld [tilespmem:s2+$0x20];
	_ =	sdelay $0x7  }
0xda: {  	[tilespmem:v2+s22+$0x0] =	vst.idx.add.f32.msk $0xffff, v1  }
0xdb: {  	v2 =	vld [tilespmem:s2+$0x27A0];
	_ =	sdelay $0x7  }
0xdc: {  	[tilespmem:v2+s23+$0x0] =	vst.idx.add.f32.msk $0xffff, v1  }
0xdd: {  	v2 =	vld [tilespmem:s2+$0x30];
	_ =	sdelay $0x7  }
0xde: {  	[tilespmem:v2+s22+$0x0] =	vst.idx.add.f32.msk $0xffff, v1  }
0xdf: {  	v2 =	vld [tilespmem:s2+$0x27B0];
	_ =	sdelay $0x7  }
0xe0: {  	[tilespmem:v2+s23+$0x0] =	vst.idx.add.f32.msk $0xffff, v1  }
0xe1: {  	v2 =	vld [tilespmem:s2+$0x40];
	_ =	sdelay $0x7  }
0xe2: {  	[tilespmem:v2+s22+$0x0] =	vst.idx.add.f32.msk $0xffff, v1  }
0xe3: {  	v2 =	vld [tilespmem:s2+$0x27C0];
	_ =	sdelay $0x2  }
0xe4: {  	p0 =	sne.s32 s0, $0x9B00  }
.Ltmp1:
0xe5: {  	_ = 	snop;
	(pc) =	sbr.rel @p0 .LBB2_4-.Ltmp1, $2  }
0xe6: {  	_ =	sdelay $0x2  }
0xe7: {  	s0 =	sadd.s32 $0x140, s0;
	[tilespmem:v2+s23+$0x0] =	vst.idx.add.f32.msk $0xffff, v1  }
0xe8: {  	s0 =	rddreg [dreg:$0x4]  }
0xe9: {  	[spmem:s0] =	stream.strided.scatter [tilespmem:s22], [sflag:$0x1], $0x2800, s25, s24, $0x38;
	[tilespmem:$0x11980] =	vst v63  }
0xea: {  	_ =	swait.ge [sflag:s21], $0x2800  }
0xeb: {  	[sflag:s21] =	ssyncset.done $0x0  }
0xec: {  	s3 =	rddreg [dreg:$0x6];
	[sflag:s21] =	ssyncadd.s32 $0xFFFFD800  }
0xed: {  	[spmem:s3] =	stream.strided.scatter [tilespmem:s23], [sflag:$0x1], $0x2800, s25, s24, $0x38;
	[tilespmem:$0x11980] =	vst v63  }
0xee: {  	_ =	swait.ge [sflag:s21], $0x2800  }
0xef: {  	[sflag:s21] =	ssyncset.done $0x0  }
0xf0: {  	[sflag:s21] =	ssyncadd.s32 $0xFFFFD800  }
0xf1: {  	[bflag:$0x0] =	sbarrier.arrive $0xFFFF  }
0xf2: {  	s4 =	simm.s32 $0x9F00;
	s6 =	sld [smem:$0x77E]  }
0xf3: {  	[tilespmem:s4], [sflag:$0x1] =	stream.linear.gather [spmem:s5], $0x80, $0x38;
	[tilespmem:$0x11980] =	vst v63  }
0xf4: {  	s2 =	simm.s32 $0xA300  }
0xf5: {  	[tilespmem:s2], [sflag:$0x1] =	stream.linear.gather [spmem:s6], $0x80, $0x38;
	[tilespmem:$0x11980] =	vst v63  }
0xf6: {  	s2 =	sld [smem:$0x77F];
	_ =	sdelay $0x1  }
0xf7: {  	s3 =	simm.s32 $0xA700;
	s4 =	sld [smem:$0x780]  }
0xf8: {  	[tilespmem:s3], [sflag:$0x1] =	stream.linear.gather [spmem:s2], $0x80, $0x38;
	[tilespmem:$0x11980] =	vst v63  }
0xf9: {  	s6 =	simm.s32 $0xAB00;
	s2 =	sld [smem:$0x781]  }
0xfa: {  	[tilespmem:s6], [sflag:$0x1] =	stream.linear.gather [spmem:s4], $0x80, $0x38;
	[tilespmem:$0x11980] =	vst v63  }
0xfb: {  	s3 =	simm.s32 $0xAF00  }
0xfc: {  	[tilespmem:s3], [sflag:$0x1] =	stream.linear.gather [spmem:s2], $0x80, $0x38;
	[tilespmem:$0x11980] =	vst v63  }
0xfd: {  	_ =	swait.ge [sflag:s21], $0x280  }
0xfe: {  	[sflag:s21] =	ssyncset.done $0x0;
	s4 =	rddreg [dreg:$0x7]  }
0xff: {  	s6 =	simm.s32 $0x9F80;
	s2 =	sld [smem:$0x782];
	[sflag:s21] =	ssyncadd.s32 $0xFFFFFD80  }
0x100: {  	[tilespmem:s6], [sflag:$0x1] =	stream.linear.gather [spmem:s4], $0x80, $0x38;
	[tilespmem:$0x11980] =	vst v63  }
0x101: {  	s3 =	simm.s32 $0xA380;
	s4 =	sld [smem:$0x783]  }
0x102: {  	[tilespmem:s3], [sflag:$0x1] =	stream.linear.gather [spmem:s2], $0x80, $0x38;
	[tilespmem:$0x11980] =	vst v63  }
0x103: {  	s6 =	simm.s32 $0xA780;
	s2 =	sld [smem:$0x784]  }
0x104: {  	[tilespmem:s6], [sflag:$0x1] =	stream.linear.gather [spmem:s4], $0x80, $0x38;
	[tilespmem:$0x11980] =	vst v63  }
0x105: {  	s3 =	simm.s32 $0xAB80;
	s4 =	sld [smem:$0x785]  }
0x106: {  	[tilespmem:s3], [sflag:$0x1] =	stream.linear.gather [spmem:s2], $0x80, $0x38;
	[tilespmem:$0x11980] =	vst v63  }
0x107: {  	s6 =	simm.s32 $0xAF80  }
0x108: {  	[tilespmem:s6], [sflag:$0x1] =	stream.linear.gather [spmem:s4], $0x80, $0x38;
	[tilespmem:$0x11980] =	vst v63  }
0x109: {  	_ =	swait.ge [sflag:s21], $0x280  }
0x10a: {  	[sflag:s21] =	ssyncset.done $0x0;
	s2 =	rddreg [dreg:$0x8]  }
0x10b: {  	s3 =	simm.s32 $0xA000;
	s4 =	sld [smem:$0x786];
	[sflag:s21] =	ssyncadd.s32 $0xFFFFFD80  }
0x10c: {  	[tilespmem:s3], [sflag:$0x1] =	stream.linear.gather [spmem:s2], $0x80, $0x38;
	[tilespmem:$0x11980] =	vst v63  }
0x10d: {  	s6 =	simm.s32 $0xA400;
	s2 =	sld [smem:$0x787]  }
0x10e: {  	[tilespmem:s6], [sflag:$0x1] =	stream.linear.gather [spmem:s4], $0x80, $0x38;
	[tilespmem:$0x11980] =	vst v63  }
0x10f: {  	s3 =	simm.s32 $0xA800;
	s4 =	sld [smem:$0x788]  }
0x110: {  	[tilespmem:s3], [sflag:$0x1] =	stream.linear.gather [spmem:s2], $0x80, $0x38;
	[tilespmem:$0x11980] =	vst v63  }
0x111: {  	s6 =	simm.s32 $0xAC00;
	s2 =	sld [smem:$0x789]  }
0x112: {  	[tilespmem:s6], [sflag:$0x1] =	stream.linear.gather [spmem:s4], $0x80, $0x38;
	[tilespmem:$0x11980] =	vst v63  }
0x113: {  	s3 =	simm.s32 $0xB000  }
0x114: {  	[tilespmem:s3], [sflag:$0x1] =	stream.linear.gather [spmem:s2], $0x80, $0x38;
	[tilespmem:$0x11980] =	vst v63  }
0x115: {  	_ =	swait.ge [sflag:s21], $0x280  }
0x116: {  	[sflag:s21] =	ssyncset.done $0x0;
	s4 =	rddreg [dreg:$0x9]  }
0x117: {  	s6 =	simm.s32 $0xA080;
	s2 =	sld [smem:$0x78A];
	[sflag:s21] =	ssyncadd.s32 $0xFFFFFD80  }
0x118: {  	[tilespmem:s6], [sflag:$0x1] =	stream.linear.gather [spmem:s4], $0x80, $0x38;
	[tilespmem:$0x11980] =	vst v63  }
0x119: {  	s3 =	simm.s32 $0xA480;
	s4 =	sld [smem:$0x78B]  }
0x11a: {  	[tilespmem:s3], [sflag:$0x1] =	stream.linear.gather [spmem:s2], $0x80, $0x38;
	[tilespmem:$0x11980] =	vst v63  }
0x11b: {  	s6 =	simm.s32 $0xA880;
	s2 =	sld [smem:$0x78C]  }
0x11c: {  	[tilespmem:s6], [sflag:$0x1] =	stream.linear.gather [spmem:s4], $0x80, $0x38;
	[tilespmem:$0x11980] =	vst v63  }
0x11d: {  	s3 =	simm.s32 $0xAC80;
	s4 =	sld [smem:$0x78D]  }
0x11e: {  	[tilespmem:s3], [sflag:$0x1] =	stream.linear.gather [spmem:s2], $0x80, $0x38;
	[tilespmem:$0x11980] =	vst v63  }
0x11f: {  	s6 =	simm.s32 $0xB080  }
0x120: {  	[tilespmem:s6], [sflag:$0x1] =	stream.linear.gather [spmem:s4], $0x80, $0x38;
	[tilespmem:$0x11980] =	vst v63  }
0x121: {  	_ =	swait.ge [sflag:s21], $0x280  }
0x122: {  	[sflag:s21] =	ssyncset.done $0x0;
	s2 =	rddreg [dreg:$0xa]  }
0x123: {  	s3 =	simm.s32 $0xA100;
	s4 =	sld [smem:$0x78E];
	[sflag:s21] =	ssyncadd.s32 $0xFFFFFD80  }
0x124: {  	[tilespmem:s3], [sflag:$0x1] =	stream.linear.gather [spmem:s2], $0x80, $0x38;
	[tilespmem:$0x11980] =	vst v63  }
0x125: {  	s6 =	simm.s32 $0xA500;
	s2 =	sld [smem:$0x78F]  }
0x126: {  	[tilespmem:s6], [sflag:$0x1] =	stream.linear.gather [spmem:s4], $0x80, $0x38;
	[tilespmem:$0x11980] =	vst v63  }
0x127: {  	s3 =	simm.s32 $0xA900;
	s4 =	sld [smem:$0x790]  }
0x128: {  	[tilespmem:s3], [sflag:$0x1] =	stream.linear.gather [spmem:s2], $0x80, $0x38;
	[tilespmem:$0x11980] =	vst v63  }
0x129: {  	s6 =	simm.s32 $0xAD00;
	s2 =	sld [smem:$0x791]  }
0x12a: {  	[tilespmem:s6], [sflag:$0x1] =	stream.linear.gather [spmem:s4], $0x80, $0x38;
	[tilespmem:$0x11980] =	vst v63  }
0x12b: {  	s3 =	simm.s32 $0xB100  }
0x12c: {  	[tilespmem:s3], [sflag:$0x1] =	stream.linear.gather [spmem:s2], $0x80, $0x38;
	[tilespmem:$0x11980] =	vst v63  }
0x12d: {  	_ =	swait.ge [sflag:s21], $0x280  }
0x12e: {  	[sflag:s21] =	ssyncset.done $0x0;
	s4 =	rddreg [dreg:$0xb]  }
0x12f: {  	s6 =	simm.s32 $0xA180;
	s2 =	sld [smem:$0x792];
	[sflag:s21] =	ssyncadd.s32 $0xFFFFFD80  }
0x130: {  	[tilespmem:s6], [sflag:$0x1] =	stream.linear.gather [spmem:s4], $0x80, $0x38;
	[tilespmem:$0x11980] =	vst v63  }
0x131: {  	s3 =	simm.s32 $0xA580;
	s4 =	sld [smem:$0x793]  }
0x132: {  	[tilespmem:s3], [sflag:$0x1] =	stream.linear.gather [spmem:s2], $0x80, $0x38;
	[tilespmem:$0x11980] =	vst v63  }
0x133: {  	s6 =	simm.s32 $0xA980;
	s2 =	sld [smem:$0x794]  }
0x134: {  	[tilespmem:s6], [sflag:$0x1] =	stream.linear.gather [spmem:s4], $0x80, $0x38;
	[tilespmem:$0x11980] =	vst v63  }
0x135: {  	s3 =	simm.s32 $0xAD80;
	s4 =	sld [smem:$0x795]  }
0x136: {  	[tilespmem:s3], [sflag:$0x1] =	stream.linear.gather [spmem:s2], $0x80, $0x38;
	[tilespmem:$0x11980] =	vst v63  }
0x137: {  	s6 =	simm.s32 $0xB180  }
0x138: {  	[tilespmem:s6], [sflag:$0x1] =	stream.linear.gather [spmem:s4], $0x80, $0x38;
	[tilespmem:$0x11980] =	vst v63  }
0x139: {  	_ =	swait.ge [sflag:s21], $0x280  }
0x13a: {  	[sflag:s21] =	ssyncset.done $0x0;
	s2 =	rddreg [dreg:$0xc]  }
0x13b: {  	s3 =	simm.s32 $0xA200;
	s4 =	sld [smem:$0x796];
	[sflag:s21] =	ssyncadd.s32 $0xFFFFFD80  }
0x13c: {  	[tilespmem:s3], [sflag:$0x1] =	stream.linear.gather [spmem:s2], $0x80, $0x38;
	[tilespmem:$0x11980] =	vst v63  }
0x13d: {  	s6 =	simm.s32 $0xA600;
	s2 =	sld [smem:$0x797]  }
0x13e: {  	[tilespmem:s6], [sflag:$0x1] =	stream.linear.gather [spmem:s4], $0x80, $0x38;
	[tilespmem:$0x11980] =	vst v63  }
0x13f: {  	s3 =	simm.s32 $0xAA00;
	s4 =	sld [smem:$0x798]  }
0x140: {  	[tilespmem:s3], [sflag:$0x1] =	stream.linear.gather [spmem:s2], $0x80, $0x38;
	[tilespmem:$0x11980] =	vst v63  }
0x141: {  	s6 =	simm.s32 $0xAE00;
	s2 =	sld [smem:$0x799]  }
0x142: {  	[tilespmem:s6], [sflag:$0x1] =	stream.linear.gather [spmem:s4], $0x80, $0x38;
	[tilespmem:$0x11980] =	vst v63  }
0x143: {  	s3 =	simm.s32 $0xB200  }
0x144: {  	[tilespmem:s3], [sflag:$0x1] =	stream.linear.gather [spmem:s2], $0x80, $0x38;
	[tilespmem:$0x11980] =	vst v63  }
0x145: {  	_ =	swait.ge [sflag:s21], $0x280  }
0x146: {  	[sflag:s21] =	ssyncset.done $0x0;
	s4 =	rddreg [dreg:$0xd]  }
0x147: {  	s6 =	simm.s32 $0xA280;
	s2 =	sld [smem:$0x79A];
	[sflag:s21] =	ssyncadd.s32 $0xFFFFFD80  }
0x148: {  	[tilespmem:s6], [sflag:$0x1] =	stream.linear.gather [spmem:s4], $0x80, $0x38;
	[tilespmem:$0x11980] =	vst v63  }
0x149: {  	s3 =	simm.s32 $0xA680;
	s4 =	sld [smem:$0x79B]  }
0x14a: {  	[tilespmem:s3], [sflag:$0x1] =	stream.linear.gather [spmem:s2], $0x80, $0x38;
	[tilespmem:$0x11980] =	vst v63  }
0x14b: {  	s6 =	simm.s32 $0xAA80;
	s2 =	sld [smem:$0x79C]  }
0x14c: {  	[tilespmem:s6], [sflag:$0x1] =	stream.linear.gather [spmem:s4], $0x80, $0x38;
	[tilespmem:$0x11980] =	vst v63  }
0x14d: {  	s3 =	simm.s32 $0xAE80;
	s4 =	sld [smem:$0x79D]  }
0x14e: {  	[tilespmem:s3], [sflag:$0x1] =	stream.linear.gather [spmem:s2], $0x80, $0x38;
	[tilespmem:$0x11980] =	vst v63  }
0x14f: {  	s6 =	simm.s32 $0xB280  }
0x150: {  	[tilespmem:s6], [sflag:$0x1] =	stream.linear.gather [spmem:s4], $0x80, $0x38;
	[tilespmem:$0x11980] =	vst v63  }
0x151: {  	_ =	swait.ge [sflag:s21], $0x280  }
0x152: {  	[sflag:s21] =	ssyncset.done $0x0;
	s2 =	rddreg [dreg:$0xe]  }
0x153: {  	s3 =	simm.s32 $0xB300;
	s4 =	sld [smem:$0x79E];
	[sflag:s21] =	ssyncadd.s32 $0xFFFFFD80  }
0x154: {  	[tilespmem:s3], [sflag:$0x1] =	stream.linear.gather [spmem:s2], $0x80, $0x38;
	[tilespmem:$0x11980] =	vst v63  }
0x155: {  	s6 =	simm.s32 $0xB700;
	s2 =	sld [smem:$0x79F]  }
0x156: {  	[tilespmem:s6], [sflag:$0x1] =	stream.linear.gather [spmem:s4], $0x80, $0x38;
	[tilespmem:$0x11980] =	vst v63  }
0x157: {  	s3 =	simm.s32 $0xBB00;
	s4 =	sld [smem:$0x7A0]  }
0x158: {  	[tilespmem:s3], [sflag:$0x1] =	stream.linear.gather [spmem:s2], $0x80, $0x38;
	[tilespmem:$0x11980] =	vst v63  }
0x159: {  	s6 =	simm.s32 $0xBF00;
	s2 =	sld [smem:$0x7A1]  }
0x15a: {  	[tilespmem:s6], [sflag:$0x1] =	stream.linear.gather [spmem:s4], $0x80, $0x38;
	[tilespmem:$0x11980] =	vst v63  }
0x15b: {  	s3 =	simm.s32 $0xC300  }
0x15c: {  	[tilespmem:s3], [sflag:$0x1] =	stream.linear.gather [spmem:s2], $0x80, $0x38;
	[tilespmem:$0x11980] =	vst v63  }
0x15d: {  	_ =	swait.ge [sflag:s21], $0x280  }
0x15e: {  	[sflag:s21] =	ssyncset.done $0x0;
	s4 =	rddreg [dreg:$0xf]  }
0x15f: {  	s6 =	simm.s32 $0xB380;
	s2 =	sld [smem:$0x7A2];
	[sflag:s21] =	ssyncadd.s32 $0xFFFFFD80  }
0x160: {  	[tilespmem:s6], [sflag:$0x1] =	stream.linear.gather [spmem:s4], $0x80, $0x38;
	[tilespmem:$0x11980] =	vst v63  }
0x161: {  	s3 =	simm.s32 $0xB780;
	s4 =	sld [smem:$0x7A3]  }
0x162: {  	[tilespmem:s3], [sflag:$0x1] =	stream.linear.gather [spmem:s2], $0x80, $0x38;
	[tilespmem:$0x11980] =	vst v63  }
0x163: {  	s6 =	simm.s32 $0xBB80;
	s2 =	sld [smem:$0x7A4]  }
0x164: {  	[tilespmem:s6], [sflag:$0x1] =	stream.linear.gather [spmem:s4], $0x80, $0x38;
	[tilespmem:$0x11980] =	vst v63  }
0x165: {  	s3 =	simm.s32 $0xBF80;
	s4 =	sld [smem:$0x7A5]  }
0x166: {  	[tilespmem:s3], [sflag:$0x1] =	stream.linear.gather [spmem:s2], $0x80, $0x38;
	[tilespmem:$0x11980] =	vst v63  }
0x167: {  	s6 =	simm.s32 $0xC380  }
0x168: {  	[tilespmem:s6], [sflag:$0x1] =	stream.linear.gather [spmem:s4], $0x80, $0x38;
	[tilespmem:$0x11980] =	vst v63  }
0x169: {  	_ =	swait.ge [sflag:s21], $0x280  }
0x16a: {  	[sflag:s21] =	ssyncset.done $0x0;
	s2 =	rddreg [dreg:$0x10]  }
0x16b: {  	s3 =	simm.s32 $0xB400;
	s4 =	sld [smem:$0x7A6];
	[sflag:s21] =	ssyncadd.s32 $0xFFFFFD80  }
0x16c: {  	[tilespmem:s3], [sflag:$0x1] =	stream.linear.gather [spmem:s2], $0x80, $0x38;
	[tilespmem:$0x11980] =	vst v63  }
0x16d: {  	s6 =	simm.s32 $0xB800;
	s2 =	sld [smem:$0x7A7]  }
0x16e: {  	[tilespmem:s6], [sflag:$0x1] =	stream.linear.gather [spmem:s4], $0x80, $0x38;
	[tilespmem:$0x11980] =	vst v63  }
0x16f: {  	s3 =	simm.s32 $0xBC00;
	s4 =	sld [smem:$0x7A8]  }
0x170: {  	[tilespmem:s3], [sflag:$0x1] =	stream.linear.gather [spmem:s2], $0x80, $0x38;
	[tilespmem:$0x11980] =	vst v63  }
0x171: {  	s6 =	simm.s32 $0xC000;
	s2 =	sld [smem:$0x7A9]  }
0x172: {  	[tilespmem:s6], [sflag:$0x1] =	stream.linear.gather [spmem:s4], $0x80, $0x38;
	[tilespmem:$0x11980] =	vst v63  }
0x173: {  	s3 =	simm.s32 $0xC400  }
0x174: {  	[tilespmem:s3], [sflag:$0x1] =	stream.linear.gather [spmem:s2], $0x80, $0x38;
	[tilespmem:$0x11980] =	vst v63  }
0x175: {  	_ =	swait.ge [sflag:s21], $0x280  }
0x176: {  	[sflag:s21] =	ssyncset.done $0x0;
	s4 =	rddreg [dreg:$0x11]  }
0x177: {  	s6 =	simm.s32 $0xB480;
	s2 =	sld [smem:$0x7AA];
	[sflag:s21] =	ssyncadd.s32 $0xFFFFFD80  }
0x178: {  	[tilespmem:s6], [sflag:$0x1] =	stream.linear.gather [spmem:s4], $0x80, $0x38;
	[tilespmem:$0x11980] =	vst v63  }
0x179: {  	s3 =	simm.s32 $0xB880;
	s4 =	sld [smem:$0x7AB]  }
0x17a: {  	[tilespmem:s3], [sflag:$0x1] =	stream.linear.gather [spmem:s2], $0x80, $0x38;
	[tilespmem:$0x11980] =	vst v63  }
0x17b: {  	s6 =	simm.s32 $0xBC80;
	s2 =	sld [smem:$0x7AC]  }
0x17c: {  	[tilespmem:s6], [sflag:$0x1] =	stream.linear.gather [spmem:s4], $0x80, $0x38;
	[tilespmem:$0x11980] =	vst v63  }
0x17d: {  	s3 =	simm.s32 $0xC080;
	s4 =	sld [smem:$0x7AD]  }
0x17e: {  	[tilespmem:s3], [sflag:$0x1] =	stream.linear.gather [spmem:s2], $0x80, $0x38;
	[tilespmem:$0x11980] =	vst v63  }
0x17f: {  	s6 =	simm.s32 $0xC480  }
0x180: {  	[tilespmem:s6], [sflag:$0x1] =	stream.linear.gather [spmem:s4], $0x80, $0x38;
	[tilespmem:$0x11980] =	vst v63  }
0x181: {  	_ =	swait.ge [sflag:s21], $0x280  }
0x182: {  	[sflag:s21] =	ssyncset.done $0x0;
	s2 =	rddreg [dreg:$0x12]  }
0x183: {  	s3 =	simm.s32 $0xB500;
	s4 =	sld [smem:$0x7AE];
	[sflag:s21] =	ssyncadd.s32 $0xFFFFFD80  }
0x184: {  	[tilespmem:s3], [sflag:$0x1] =	stream.linear.gather [spmem:s2], $0x80, $0x38;
	[tilespmem:$0x11980] =	vst v63  }
0x185: {  	s6 =	sld [smem:$0x7AF]  }
0x186: {  	[tilespmem:s7], [sflag:$0x1] =	stream.linear.gather [spmem:s4], $0x80, $0x38;
	[tilespmem:$0x11980] =	vst v63  }
0x187: {  	s2 =	sld [smem:$0x7B0]  }
0x188: {  	[tilespmem:s8], [sflag:$0x1] =	stream.linear.gather [spmem:s6], $0x80, $0x38;
	[tilespmem:$0x11980] =	vst v63  }
0x189: {  	s3 =	sld [smem:$0x7B1]  }
0x18a: {  	[tilespmem:s9], [sflag:$0x1] =	stream.linear.gather [spmem:s2], $0x80, $0x38;
	[tilespmem:$0x11980] =	vst v63  }
0x18b: {  	_ = 	snop  }
0x18c: {  	[tilespmem:s10], [sflag:$0x1] =	stream.linear.gather [spmem:s3], $0x80, $0x38;
	[tilespmem:$0x11980] =	vst v63  }
0x18d: {  	_ =	swait.ge [sflag:s21], $0x280  }
0x18e: {  	[sflag:s21] =	ssyncset.done $0x0;
	s4 =	rddreg [dreg:$0x13]  }
0x18f: {  	s6 =	sld [smem:$0x7B2];
	[sflag:s21] =	ssyncadd.s32 $0xFFFFFD80  }
0x190: {  	[tilespmem:s11], [sflag:$0x1] =	stream.linear.gather [spmem:s4], $0x80, $0x38;
	[tilespmem:$0x11980] =	vst v63  }
0x191: {  	s2 =	sld [smem:$0x7B3]  }
0x192: {  	[tilespmem:s12], [sflag:$0x1] =	stream.linear.gather [spmem:s6], $0x80, $0x38;
	[tilespmem:$0x11980] =	vst v63  }
0x193: {  	s3 =	sld [smem:$0x7B4]  }
0x194: {  	[tilespmem:s13], [sflag:$0x1] =	stream.linear.gather [spmem:s2], $0x80, $0x38;
	[tilespmem:$0x11980] =	vst v63  }
0x195: {  	s4 =	sld [smem:$0x7B5]  }
0x196: {  	[tilespmem:s14], [sflag:$0x1] =	stream.linear.gather [spmem:s3], $0x80, $0x38;
	[tilespmem:$0x11980] =	vst v63  }
0x197: {  	_ = 	snop  }
0x198: {  	[tilespmem:s15], [sflag:$0x1] =	stream.linear.gather [spmem:s4], $0x80, $0x38;
	[tilespmem:$0x11980] =	vst v63  }
0x199: {  	_ =	swait.ge [sflag:s21], $0x280  }
0x19a: {  	[sflag:s21] =	ssyncset.done $0x0;
	s6 =	rddreg [dreg:$0x14]  }
0x19b: {  	s2 =	sld [smem:$0x7B6];
	[sflag:s21] =	ssyncadd.s32 $0xFFFFFD80  }
0x19c: {  	[tilespmem:s26], [sflag:$0x1] =	stream.linear.gather [spmem:s6], $0x80, $0x38;
	[tilespmem:$0x11980] =	vst v63  }
0x19d: {  	s3 =	sld [smem:$0x7B7]  }
0x19e: {  	[tilespmem:s16], [sflag:$0x1] =	stream.linear.gather [spmem:s2], $0x80, $0x38;
	[tilespmem:$0x11980] =	vst v63  }
0x19f: {  	s4 =	sld [smem:$0x7B8]  }
0x1a0: {  	[tilespmem:s28], [sflag:$0x1] =	stream.linear.gather [spmem:s3], $0x80, $0x38;
	[tilespmem:$0x11980] =	vst v63  }
0x1a1: {  	s6 =	sld [smem:$0x7B9]  }
0x1a2: {  	[tilespmem:s17], [sflag:$0x1] =	stream.linear.gather [spmem:s4], $0x80, $0x38;
	[tilespmem:$0x11980] =	vst v63  }
0x1a3: {  	_ = 	snop  }
0x1a4: {  	[tilespmem:s29], [sflag:$0x1] =	stream.linear.gather [spmem:s6], $0x80, $0x38;
	[tilespmem:$0x11980] =	vst v63  }
0x1a5: {  	_ =	swait.ge [sflag:s21], $0x280  }
0x1a6: {  	[sflag:s21] =	ssyncset.done $0x0;
	s2 =	rddreg [dreg:$0x15]  }
0x1a7: {  	s3 =	sld [smem:$0x7BA];
	[sflag:s21] =	ssyncadd.s32 $0xFFFFFD80  }
0x1a8: {  	[tilespmem:s18], [sflag:$0x1] =	stream.linear.gather [spmem:s2], $0x80, $0x38;
	[tilespmem:$0x11980] =	vst v63  }
0x1a9: {  	s4 =	sld [smem:$0x7BB]  }
0x1aa: {  	[tilespmem:s30], [sflag:$0x1] =	stream.linear.gather [spmem:s3], $0x80, $0x38;
	[tilespmem:$0x11980] =	vst v63  }
0x1ab: {  	s6 =	sld [smem:$0x7BC]  }
0x1ac: {  	[tilespmem:s19], [sflag:$0x1] =	stream.linear.gather [spmem:s4], $0x80, $0x38;
	[tilespmem:$0x11980] =	vst v63  }
0x1ad: {  	s2 =	sld [smem:$0x7BD]  }
0x1ae: {  	[tilespmem:s31], [sflag:$0x1] =	stream.linear.gather [spmem:s6], $0x80, $0x38;
	[tilespmem:$0x11980] =	vst v63  }
0x1af: {  	_ = 	snop  }
0x1b0: {  	[tilespmem:s20], [sflag:$0x1] =	stream.linear.gather [spmem:s2], $0x80, $0x38;
	[tilespmem:$0x11980] =	vst v63  }
0x1b1: {  	s3 =	simm.s32 $0x0;
	_ =	swait.ge [sflag:s21], $0x280  }
0x1b2: {  	s0 =	sand.u32 $0x1C00, s3;
	s4 =	sand.u32 $0x70, s3;
	[sflag:s21] =	ssyncset.done $0x0  }
0x1b3: {  	s0 =	sor.u32 s4, s0;
	[sflag:s21] =	ssyncadd.s32 $0xFFFFFD80  }
0x1b4: {  	v2 =	vld [tilespmem:s0+$0x9F80]  }
0x1b5: {  	v3 =	vld [tilespmem:s0+$0x9F00];
	_ =	sdelay $0x1  }
0x1b6: {  	v4 =	vld [tilespmem:s0+$0xA000];
	_ =	sdelay $0x1  }
0x1b7: {  	v5 =	vld [tilespmem:s0+$0xA080]  }
0x1b8: {  	v2 =	vadd.f32 v2, v3  }
0x1b9: {  	v3 =	vld [tilespmem:s0+$0xA100]  }
0x1ba: {  	v2 =	vadd.f32 v4, v2  }
0x1bb: {  	v56 =	vld [tilespmem:s0+$0xA180]  }
0x1bc: {  	v2 =	vadd.f32 v5, v2  }
0x1bd: {  	v57 =	vld [tilespmem:s0+$0xA200]  }
0x1be: {  	v2 =	vadd.f32 v3, v2  }
0x1bf: {  	v3 =	vld [tilespmem:s0+$0xA280]  }
0x1c0: {  	v2 =	vadd.f32 v56, v2  }
0x1c1: {  	v58 =	vld [tilespmem:s0+$0xB300]  }
0x1c2: {  	v2 =	vadd.f32 v57, v2  }
0x1c3: {  	v59 =	vld [tilespmem:s0+$0xB380]  }
0x1c4: {  	v2 =	vadd.f32 v3, v2  }
0x1c5: {  	v3 =	vld [tilespmem:s0+$0xB400]  }
0x1c6: {  	v2 =	vadd.f32 v58, v2  }
0x1c7: {  	v60 =	vld [tilespmem:s0+$0xB480]  }
0x1c8: {  	v2 =	vadd.f32 v59, v2  }
0x1c9: {  	v61 =	vld [tilespmem:s0+$0xB500]  }
0x1ca: {  	v2 =	vadd.f32 v3, v2  }
0x1cb: {  	v3 =	vld [tilespmem:s0+$0xB580]  }
0x1cc: {  	v2 =	vadd.f32 v60, v2  }
0x1cd: {  	v62 =	vld [tilespmem:s0+$0xB600]  }
0x1ce: {  	v2 =	vadd.f32 v61, v2  }
0x1cf: {  	v63 =	vld [tilespmem:s0+$0xB680]  }
0x1d0: {  	v2 =	vadd.f32 v3, v2;
	_ =	sdelay $0x1  }
0x1d1: {  	v2 =	vadd.f32 v62, v2;
	_ =	sdelay $0x1  }
0x1d2: {  	s6 =	simm.s32 $0x10;
	s2 =	simm.s32 $0x80;
	v2 =	vadd.f32 v63, v2  }
0x1d3: {  	s4 =	simm.s32 $0xC700;
	s3 =	sand.u32 $0x1C00, s2;
	s0 =	sand.u32 $0x70, s6  }
0x1d4: {  	s0 =	sor.u32 s0, s3;
	s3 =	simm.s32 $0x20;
	[tilespmem:s4+$0x0] =	vst v2  }
.LBB2_6:
0x1d5: {  	p0 =	sne.s32 s3, $0x270;
	v2 =	vld [tilespmem:s0+$0x9F80]  }
0x1d6: {  	v3 =	vld [tilespmem:s0+$0x9F00];
	_ =	sdelay $0x1  }
0x1d7: {  	v4 =	vld [tilespmem:s0+$0xA000];
	_ =	sdelay $0x1  }
0x1d8: {  	v5 =	vld [tilespmem:s0+$0xA080]  }
0x1d9: {  	v2 =	vadd.f32 v2, v3  }
0x1da: {  	v3 =	vld [tilespmem:s0+$0xA100]  }
0x1db: {  	v2 =	vadd.f32 v4, v2  }
0x1dc: {  	v4 =	vld [tilespmem:s0+$0xA180]  }
0x1dd: {  	v2 =	vadd.f32 v5, v2  }
0x1de: {  	v5 =	vld [tilespmem:s0+$0xA200]  }
0x1df: {  	v2 =	vadd.f32 v3, v2  }
0x1e0: {  	v3 =	vld [tilespmem:s0+$0xA280]  }
0x1e1: {  	v2 =	vadd.f32 v4, v2  }
0x1e2: {  	v4 =	vld [tilespmem:s0+$0xB300]  }
0x1e3: {  	v2 =	vadd.f32 v5, v2  }
0x1e4: {  	v5 =	vld [tilespmem:s0+$0xB380]  }
0x1e5: {  	v2 =	vadd.f32 v3, v2  }
0x1e6: {  	v3 =	vld [tilespmem:s0+$0xB400]  }
0x1e7: {  	v2 =	vadd.f32 v4, v2  }
0x1e8: {  	v4 =	vld [tilespmem:s0+$0xB480]  }
0x1e9: {  	v2 =	vadd.f32 v5, v2  }
0x1ea: {  	v5 =	vld [tilespmem:s0+$0xB500]  }
0x1eb: {  	v2 =	vadd.f32 v3, v2  }
0x1ec: {  	v3 =	vld [tilespmem:s0+$0xB580]  }
0x1ed: {  	v2 =	vadd.f32 v4, v2  }
0x1ee: {  	v4 =	vld [tilespmem:s0+$0xB600]  }
0x1ef: {  	v2 =	vadd.f32 v5, v2  }
0x1f0: {  	v5 =	vld [tilespmem:s0+$0xB680]  }
0x1f1: {  	v2 =	vadd.f32 v3, v2;
	_ =	sdelay $0x1  }
.Ltmp2:
0x1f2: {  	v2 =	vadd.f32 v4, v2;
	(pc) =	sbr.rel @p0 .LBB2_6-.Ltmp2, $4  }
0x1f3: {  	_ = 	snop  }
0x1f4: {  	s2 =	sadd.s32 $0x80, s2;
	v2 =	vadd.f32 v5, v2  }
0x1f5: {  	s4 =	sadd.s32 $0x10, s4;
	s6 =	sand.u32 $0x1C00, s2;
	s0 =	sand.u32 $0x70, s3  }
0x1f6: {  	s3 =	sadd.s32 $0x10, s3;
	s0 =	sor.u32 s0, s6;
	[tilespmem:s4+$0x0] =	vst v2  }
0x1f7: {  	v2 =	vld [tilespmem:s0+$0x9F80]  }
0x1f8: {  	v3 =	vld [tilespmem:s0+$0x9F00];
	_ =	sdelay $0x1  }
0x1f9: {  	v4 =	vld [tilespmem:s0+$0xA000];
	_ =	sdelay $0x1  }
0x1fa: {  	v5 =	vld [tilespmem:s0+$0xA080]  }
0x1fb: {  	v2 =	vadd.f32 v2, v3  }
0x1fc: {  	v3 =	vld [tilespmem:s0+$0xA100]  }
0x1fd: {  	v2 =	vadd.f32 v4, v2  }
0x1fe: {  	v46 =	vld [tilespmem:s0+$0xA180]  }
0x1ff: {  	v2 =	vadd.f32 v5, v2  }
0x200: {  	v47 =	vld [tilespmem:s0+$0xA200]  }
0x201: {  	v2 =	vadd.f32 v3, v2  }
0x202: {  	v3 =	vld [tilespmem:s0+$0xA280]  }
0x203: {  	v2 =	vadd.f32 v46, v2  }
0x204: {  	v48 =	vld [tilespmem:s0+$0xB300]  }
0x205: {  	v2 =	vadd.f32 v47, v2  }
0x206: {  	v49 =	vld [tilespmem:s0+$0xB380]  }
0x207: {  	v2 =	vadd.f32 v3, v2  }
0x208: {  	v3 =	vld [tilespmem:s0+$0xB400]  }
0x209: {  	v2 =	vadd.f32 v48, v2  }
0x20a: {  	v50 =	vld [tilespmem:s0+$0xB480]  }
0x20b: {  	v2 =	vadd.f32 v49, v2  }
0x20c: {  	v51 =	vld [tilespmem:s0+$0xB500]  }
0x20d: {  	v2 =	vadd.f32 v3, v2  }
0x20e: {  	v3 =	vld [tilespmem:s0+$0xB580]  }
0x20f: {  	v2 =	vadd.f32 v50, v2  }
0x210: {  	v52 =	vld [tilespmem:s0+$0xB600]  }
0x211: {  	v2 =	vadd.f32 v51, v2  }
0x212: {  	v53 =	vld [tilespmem:s0+$0xB680]  }
0x213: {  	v2 =	vadd.f32 v3, v2;
	_ =	sdelay $0x1  }
0x214: {  	v2 =	vadd.f32 v52, v2;
	_ =	sdelay $0x1  }
0x215: {  	v2 =	vadd.f32 v53, v2  }
0x216: {  	s2 =	sadd.s32 $0x10, s4  }
0x217: {  	s4 =	simm.s32 $0xC700;
	s3 =	rddreg [dreg:$0x16];
	[tilespmem:s2+$0x0] =	vst v2  }
0x218: {  	[hbm4b:s3+s24] =	stream.strided.scatter [tilespmem:s4], [sflag:$0x1], $0x280, s25, s24, $0x38;
	[tilespmem:$0x11980] =	vst v63  }
0x219: {  	_ =	swait.ge [sflag:s21], $0x280  }
0x21a: {  	[sflag:s21] =	ssyncset.done $0x0;
	s6 =	rddreg [dreg:$0x19]  }
0x21b: {  	s2 =	simm.s32 $0x9F00;
	s3 =	sld [smem:$0x7BE];
	[sflag:s21] =	ssyncadd.s32 $0xFFFFFD80  }
0x21c: {  	[tilespmem:s2], [sflag:$0x1] =	stream.linear.gather [spmem:s6], $0x80, $0x38;
	[tilespmem:$0x11980] =	vst v63  }
0x21d: {  	s6 =	simm.s32 $0xA300  }
0x21e: {  	[tilespmem:s6], [sflag:$0x1] =	stream.linear.gather [spmem:s3], $0x80, $0x38;
	[tilespmem:$0x11980] =	vst v63  }
0x21f: {  	s3 =	sld [smem:$0x7BF];
	_ =	sdelay $0x1  }
0x220: {  	s6 =	simm.s32 $0xA700  }
0x221: {  	[tilespmem:s6], [sflag:$0x1] =	stream.linear.gather [spmem:s3], $0x80, $0x38;
	[tilespmem:$0x11980] =	vst v63  }
0x222: {  	s3 =	sld [smem:$0x7C0];
	_ =	sdelay $0x1  }
0x223: {  	s6 =	simm.s32 $0xAB00  }
0x224: {  	[tilespmem:s6], [sflag:$0x1] =	stream.linear.gather [spmem:s3], $0x80, $0x38;
	[tilespmem:$0x11980] =	vst v63  }
0x225: {  	s3 =	sld [smem:$0x7C1];
	_ =	sdelay $0x1  }
0x226: {  	s6 =	simm.s32 $0xAF00  }
0x227: {  	[tilespmem:s6], [sflag:$0x1] =	stream.linear.gather [spmem:s3], $0x80, $0x38;
	[tilespmem:$0x11980] =	vst v63  }
0x228: {  	_ =	swait.ge [sflag:s21], $0x280  }
0x229: {  	[sflag:s21] =	ssyncset.done $0x0  }
0x22a: {  	s6 =	simm.s32 $0x9F80;
	s3 =	rddreg [dreg:$0x1a];
	[sflag:s21] =	ssyncadd.s32 $0xFFFFFD80  }
0x22b: {  	[tilespmem:s6], [sflag:$0x1] =	stream.linear.gather [spmem:s3], $0x80, $0x38;
	[tilespmem:$0x11980] =	vst v63  }
0x22c: {  	s3 =	sld [smem:$0x7C2];
	_ =	sdelay $0x1  }
0x22d: {  	s6 =	simm.s32 $0xA380  }
0x22e: {  	[tilespmem:s6], [sflag:$0x1] =	stream.linear.gather [spmem:s3], $0x80, $0x38;
	[tilespmem:$0x11980] =	vst v63  }
0x22f: {  	s3 =	sld [smem:$0x7C3];
	_ =	sdelay $0x1  }
0x230: {  	s6 =	simm.s32 $0xA780  }
0x231: {  	[tilespmem:s6], [sflag:$0x1] =	stream.linear.gather [spmem:s3], $0x80, $0x38;
	[tilespmem:$0x11980] =	vst v63  }
0x232: {  	s3 =	sld [smem:$0x7C4];
	_ =	sdelay $0x1  }
0x233: {  	s6 =	simm.s32 $0xAB80  }
0x234: {  	[tilespmem:s6], [sflag:$0x1] =	stream.linear.gather [spmem:s3], $0x80, $0x38;
	[tilespmem:$0x11980] =	vst v63  }
0x235: {  	s3 =	sld [smem:$0x7C5];
	_ =	sdelay $0x1  }
0x236: {  	s6 =	simm.s32 $0xAF80  }
0x237: {  	[tilespmem:s6], [sflag:$0x1] =	stream.linear.gather [spmem:s3], $0x80, $0x38;
	[tilespmem:$0x11980] =	vst v63  }
0x238: {  	_ =	swait.ge [sflag:s21], $0x280  }
0x239: {  	[sflag:s21] =	ssyncset.done $0x0  }
0x23a: {  	s6 =	simm.s32 $0xA000;
	s3 =	rddreg [dreg:$0x1b];
	[sflag:s21] =	ssyncadd.s32 $0xFFFFFD80  }
0x23b: {  	[tilespmem:s6], [sflag:$0x1] =	stream.linear.gather [spmem:s3], $0x80, $0x38;
	[tilespmem:$0x11980] =	vst v63  }
0x23c: {  	s3 =	sld [smem:$0x7C6];
	_ =	sdelay $0x1  }
0x23d: {  	s6 =	simm.s32 $0xA400  }
0x23e: {  	[tilespmem:s6], [sflag:$0x1] =	stream.linear.gather [spmem:s3], $0x80, $0x38;
	[tilespmem:$0x11980] =	vst v63  }
0x23f: {  	s3 =	sld [smem:$0x7C7];
	_ =	sdelay $0x1  }
0x240: {  	s6 =	simm.s32 $0xA800  }
0x241: {  	[tilespmem:s6], [sflag:$0x1] =	stream.linear.gather [spmem:s3], $0x80, $0x38;
	[tilespmem:$0x11980] =	vst v63  }
0x242: {  	s3 =	sld [smem:$0x7C8];
	_ =	sdelay $0x1  }
0x243: {  	s6 =	simm.s32 $0xAC00  }
0x244: {  	[tilespmem:s6], [sflag:$0x1] =	stream.linear.gather [spmem:s3], $0x80, $0x38;
	[tilespmem:$0x11980] =	vst v63  }
0x245: {  	s3 =	sld [smem:$0x7C9];
	_ =	sdelay $0x1  }
0x246: {  	s6 =	simm.s32 $0xB000  }
0x247: {  	[tilespmem:s6], [sflag:$0x1] =	stream.linear.gather [spmem:s3], $0x80, $0x38;
	[tilespmem:$0x11980] =	vst v63  }
0x248: {  	_ =	swait.ge [sflag:s21], $0x280  }
0x249: {  	[sflag:s21] =	ssyncset.done $0x0  }
0x24a: {  	s6 =	simm.s32 $0xA080;
	s3 =	rddreg [dreg:$0x1c];
	[sflag:s21] =	ssyncadd.s32 $0xFFFFFD80  }
0x24b: {  	[tilespmem:s6], [sflag:$0x1] =	stream.linear.gather [spmem:s3], $0x80, $0x38;
	[tilespmem:$0x11980] =	vst v63  }
0x24c: {  	s3 =	sld [smem:$0x7CA];
	_ =	sdelay $0x1  }
0x24d: {  	s6 =	simm.s32 $0xA480  }
0x24e: {  	[tilespmem:s6], [sflag:$0x1] =	stream.linear.gather [spmem:s3], $0x80, $0x38;
	[tilespmem:$0x11980] =	vst v63  }
0x24f: {  	s3 =	sld [smem:$0x7CB];
	_ =	sdelay $0x1  }
0x250: {  	s6 =	simm.s32 $0xA880  }
0x251: {  	[tilespmem:s6], [sflag:$0x1] =	stream.linear.gather [spmem:s3], $0x80, $0x38;
	[tilespmem:$0x11980] =	vst v63  }
0x252: {  	s3 =	sld [smem:$0x7CC];
	_ =	sdelay $0x1  }
0x253: {  	s6 =	simm.s32 $0xAC80  }
0x254: {  	[tilespmem:s6], [sflag:$0x1] =	stream.linear.gather [spmem:s3], $0x80, $0x38;
	[tilespmem:$0x11980] =	vst v63  }
0x255: {  	s3 =	sld [smem:$0x7CD];
	_ =	sdelay $0x1  }
0x256: {  	s6 =	simm.s32 $0xB080  }
0x257: {  	[tilespmem:s6], [sflag:$0x1] =	stream.linear.gather [spmem:s3], $0x80, $0x38;
	[tilespmem:$0x11980] =	vst v63  }
0x258: {  	_ =	swait.ge [sflag:s21], $0x280  }
0x259: {  	[sflag:s21] =	ssyncset.done $0x0  }
0x25a: {  	s6 =	simm.s32 $0xA100;
	s3 =	rddreg [dreg:$0x1d];
	[sflag:s21] =	ssyncadd.s32 $0xFFFFFD80  }
0x25b: {  	[tilespmem:s6], [sflag:$0x1] =	stream.linear.gather [spmem:s3], $0x80, $0x38;
	[tilespmem:$0x11980] =	vst v63  }
0x25c: {  	s3 =	sld [smem:$0x7CE];
	_ =	sdelay $0x1  }
0x25d: {  	s6 =	simm.s32 $0xA500  }
0x25e: {  	[tilespmem:s6], [sflag:$0x1] =	stream.linear.gather [spmem:s3], $0x80, $0x38;
	[tilespmem:$0x11980] =	vst v63  }
0x25f: {  	s3 =	sld [smem:$0x7CF];
	_ =	sdelay $0x1  }
0x260: {  	s6 =	simm.s32 $0xA900  }
0x261: {  	[tilespmem:s6], [sflag:$0x1] =	stream.linear.gather [spmem:s3], $0x80, $0x38;
	[tilespmem:$0x11980] =	vst v63  }
0x262: {  	s3 =	sld [smem:$0x7D0];
	_ =	sdelay $0x1  }
0x263: {  	s6 =	simm.s32 $0xAD00  }
0x264: {  	[tilespmem:s6], [sflag:$0x1] =	stream.linear.gather [spmem:s3], $0x80, $0x38;
	[tilespmem:$0x11980] =	vst v63  }
0x265: {  	s3 =	sld [smem:$0x7D1];
	_ =	sdelay $0x1  }
0x266: {  	s6 =	simm.s32 $0xB100  }
0x267: {  	[tilespmem:s6], [sflag:$0x1] =	stream.linear.gather [spmem:s3], $0x80, $0x38;
	[tilespmem:$0x11980] =	vst v63  }
0x268: {  	_ =	swait.ge [sflag:s21], $0x280  }
0x269: {  	[sflag:s21] =	ssyncset.done $0x0  }
0x26a: {  	s6 =	simm.s32 $0xA180;
	s3 =	rddreg [dreg:$0x1e];
	[sflag:s21] =	ssyncadd.s32 $0xFFFFFD80  }
0x26b: {  	[tilespmem:s6], [sflag:$0x1] =	stream.linear.gather [spmem:s3], $0x80, $0x38;
	[tilespmem:$0x11980] =	vst v63  }
0x26c: {  	s3 =	sld [smem:$0x7D2];
	_ =	sdelay $0x1  }
0x26d: {  	s6 =	simm.s32 $0xA580  }
0x26e: {  	[tilespmem:s6], [sflag:$0x1] =	stream.linear.gather [spmem:s3], $0x80, $0x38;
	[tilespmem:$0x11980] =	vst v63  }
0x26f: {  	s3 =	sld [smem:$0x7D3];
	_ =	sdelay $0x1  }
0x270: {  	s6 =	simm.s32 $0xA980  }
0x271: {  	[tilespmem:s6], [sflag:$0x1] =	stream.linear.gather [spmem:s3], $0x80, $0x38;
	[tilespmem:$0x11980] =	vst v63  }
0x272: {  	s3 =	sld [smem:$0x7D4];
	_ =	sdelay $0x1  }
0x273: {  	s6 =	simm.s32 $0xAD80  }
0x274: {  	[tilespmem:s6], [sflag:$0x1] =	stream.linear.gather [spmem:s3], $0x80, $0x38;
	[tilespmem:$0x11980] =	vst v63  }
0x275: {  	s3 =	sld [smem:$0x7D5];
	_ =	sdelay $0x1  }
0x276: {  	s6 =	simm.s32 $0xB180  }
0x277: {  	[tilespmem:s6], [sflag:$0x1] =	stream.linear.gather [spmem:s3], $0x80, $0x38;
	[tilespmem:$0x11980] =	vst v63  }
0x278: {  	_ =	swait.ge [sflag:s21], $0x280  }
0x279: {  	[sflag:s21] =	ssyncset.done $0x0  }
0x27a: {  	s6 =	simm.s32 $0xA200;
	s3 =	rddreg [dreg:$0x1f];
	[sflag:s21] =	ssyncadd.s32 $0xFFFFFD80  }
0x27b: {  	[tilespmem:s6], [sflag:$0x1] =	stream.linear.gather [spmem:s3], $0x80, $0x38;
	[tilespmem:$0x11980] =	vst v63  }
0x27c: {  	s3 =	sld [smem:$0x7D6];
	_ =	sdelay $0x1  }
0x27d: {  	s6 =	simm.s32 $0xA600  }
0x27e: {  	[tilespmem:s6], [sflag:$0x1] =	stream.linear.gather [spmem:s3], $0x80, $0x38;
	[tilespmem:$0x11980] =	vst v63  }
0x27f: {  	s3 =	sld [smem:$0x7D7];
	_ =	sdelay $0x1  }
0x280: {  	s6 =	simm.s32 $0xAA00  }
0x281: {  	[tilespmem:s6], [sflag:$0x1] =	stream.linear.gather [spmem:s3], $0x80, $0x38;
	[tilespmem:$0x11980] =	vst v63  }
0x282: {  	s3 =	sld [smem:$0x7D8];
	_ =	sdelay $0x1  }
0x283: {  	s6 =	simm.s32 $0xAE00  }
0x284: {  	[tilespmem:s6], [sflag:$0x1] =	stream.linear.gather [spmem:s3], $0x80, $0x38;
	[tilespmem:$0x11980] =	vst v63  }
0x285: {  	s3 =	sld [smem:$0x7D9];
	_ =	sdelay $0x1  }
0x286: {  	s6 =	simm.s32 $0xB200  }
0x287: {  	[tilespmem:s6], [sflag:$0x1] =	stream.linear.gather [spmem:s3], $0x80, $0x38;
	[tilespmem:$0x11980] =	vst v63  }
0x288: {  	_ =	swait.ge [sflag:s21], $0x280  }
0x289: {  	s3 =	sld [smem:$0x775]  }
0x28a: {  	[sflag:s21] =	ssyncset.done $0x0  }
0x28b: {  	s6 =	simm.s32 $0xA280;
	[sflag:s21] =	ssyncadd.s32 $0xFFFFFD80  }
0x28c: {  	[tilespmem:s6], [sflag:$0x1] =	stream.linear.gather [spmem:s3], $0x80, $0x38;
	[tilespmem:$0x11980] =	vst v63  }
0x28d: {  	s3 =	sld [smem:$0x7DA];
	_ =	sdelay $0x1  }
0x28e: {  	s6 =	simm.s32 $0xA680  }
0x28f: {  	[tilespmem:s6], [sflag:$0x1] =	stream.linear.gather [spmem:s3], $0x80, $0x38;
	[tilespmem:$0x11980] =	vst v63  }
0x290: {  	s3 =	sld [smem:$0x7DB];
	_ =	sdelay $0x1  }
0x291: {  	s6 =	simm.s32 $0xAA80  }
0x292: {  	[tilespmem:s6], [sflag:$0x1] =	stream.linear.gather [spmem:s3], $0x80, $0x38;
	[tilespmem:$0x11980] =	vst v63  }
0x293: {  	s3 =	sld [smem:$0x7DC];
	_ =	sdelay $0x1  }
0x294: {  	s6 =	simm.s32 $0xAE80  }
0x295: {  	[tilespmem:s6], [sflag:$0x1] =	stream.linear.gather [spmem:s3], $0x80, $0x38;
	[tilespmem:$0x11980] =	vst v63  }
0x296: {  	s3 =	sld [smem:$0x7DD];
	_ =	sdelay $0x1  }
0x297: {  	s6 =	simm.s32 $0xB280  }
0x298: {  	[tilespmem:s6], [sflag:$0x1] =	stream.linear.gather [spmem:s3], $0x80, $0x38;
	[tilespmem:$0x11980] =	vst v63  }
0x299: {  	_ =	swait.ge [sflag:s21], $0x280  }
0x29a: {  	s3 =	sld [smem:$0x776]  }
0x29b: {  	[sflag:s21] =	ssyncset.done $0x0  }
0x29c: {  	s6 =	simm.s32 $0xB300;
	[sflag:s21] =	ssyncadd.s32 $0xFFFFFD80  }
0x29d: {  	[tilespmem:s6], [sflag:$0x1] =	stream.linear.gather [spmem:s3], $0x80, $0x38;
	[tilespmem:$0x11980] =	vst v63  }
0x29e: {  	s3 =	sld [smem:$0x7DE];
	_ =	sdelay $0x1  }
0x29f: {  	s6 =	simm.s32 $0xB700  }
0x2a0: {  	[tilespmem:s6], [sflag:$0x1] =	stream.linear.gather [spmem:s3], $0x80, $0x38;
	[tilespmem:$0x11980] =	vst v63  }
0x2a1: {  	s3 =	sld [smem:$0x7DF];
	_ =	sdelay $0x1  }
0x2a2: {  	s6 =	simm.s32 $0xBB00  }
0x2a3: {  	[tilespmem:s6], [sflag:$0x1] =	stream.linear.gather [spmem:s3], $0x80, $0x38;
	[tilespmem:$0x11980] =	vst v63  }
0x2a4: {  	s3 =	sld [smem:$0x7E0];
	_ =	sdelay $0x1  }
0x2a5: {  	s6 =	simm.s32 $0xBF00  }
0x2a6: {  	[tilespmem:s6], [sflag:$0x1] =	stream.linear.gather [spmem:s3], $0x80, $0x38;
	[tilespmem:$0x11980] =	vst v63  }
0x2a7: {  	s3 =	sld [smem:$0x7E1];
	_ =	sdelay $0x1  }
0x2a8: {  	s6 =	simm.s32 $0xC300  }
0x2a9: {  	[tilespmem:s6], [sflag:$0x1] =	stream.linear.gather [spmem:s3], $0x80, $0x38;
	[tilespmem:$0x11980] =	vst v63  }
0x2aa: {  	_ =	swait.ge [sflag:s21], $0x280  }
0x2ab: {  	s3 =	sld [smem:$0x777]  }
0x2ac: {  	[sflag:s21] =	ssyncset.done $0x0  }
0x2ad: {  	s6 =	simm.s32 $0xB380;
	[sflag:s21] =	ssyncadd.s32 $0xFFFFFD80  }
0x2ae: {  	[tilespmem:s6], [sflag:$0x1] =	stream.linear.gather [spmem:s3], $0x80, $0x38;
	[tilespmem:$0x11980] =	vst v63  }
0x2af: {  	s3 =	sld [smem:$0x7E2];
	_ =	sdelay $0x1  }
0x2b0: {  	s6 =	simm.s32 $0xB780  }
0x2b1: {  	[tilespmem:s6], [sflag:$0x1] =	stream.linear.gather [spmem:s3], $0x80, $0x38;
	[tilespmem:$0x11980] =	vst v63  }
0x2b2: {  	s3 =	sld [smem:$0x7E3];
	_ =	sdelay $0x1  }
0x2b3: {  	s6 =	simm.s32 $0xBB80  }
0x2b4: {  	[tilespmem:s6], [sflag:$0x1] =	stream.linear.gather [spmem:s3], $0x80, $0x38;
	[tilespmem:$0x11980] =	vst v63  }
0x2b5: {  	s3 =	sld [smem:$0x7E4];
	_ =	sdelay $0x1  }
0x2b6: {  	s6 =	simm.s32 $0xBF80  }
0x2b7: {  	[tilespmem:s6], [sflag:$0x1] =	stream.linear.gather [spmem:s3], $0x80, $0x38;
	[tilespmem:$0x11980] =	vst v63  }
0x2b8: {  	s3 =	sld [smem:$0x7E5];
	_ =	sdelay $0x1  }
0x2b9: {  	s6 =	simm.s32 $0xC380  }
0x2ba: {  	[tilespmem:s6], [sflag:$0x1] =	stream.linear.gather [spmem:s3], $0x80, $0x38;
	[tilespmem:$0x11980] =	vst v63  }
0x2bb: {  	_ =	swait.ge [sflag:s21], $0x280  }
0x2bc: {  	s3 =	sld [smem:$0x778]  }
0x2bd: {  	[sflag:s21] =	ssyncset.done $0x0  }
0x2be: {  	s6 =	simm.s32 $0xB400;
	[sflag:s21] =	ssyncadd.s32 $0xFFFFFD80  }
0x2bf: {  	[tilespmem:s6], [sflag:$0x1] =	stream.linear.gather [spmem:s3], $0x80, $0x38;
	[tilespmem:$0x11980] =	vst v63  }
0x2c0: {  	s3 =	sld [smem:$0x7E6];
	_ =	sdelay $0x1  }
0x2c1: {  	s6 =	simm.s32 $0xB800  }
0x2c2: {  	[tilespmem:s6], [sflag:$0x1] =	stream.linear.gather [spmem:s3], $0x80, $0x38;
	[tilespmem:$0x11980] =	vst v63  }
0x2c3: {  	s3 =	sld [smem:$0x7E7];
	_ =	sdelay $0x1  }
0x2c4: {  	s6 =	simm.s32 $0xBC00  }
0x2c5: {  	[tilespmem:s6], [sflag:$0x1] =	stream.linear.gather [spmem:s3], $0x80, $0x38;
	[tilespmem:$0x11980] =	vst v63  }
0x2c6: {  	s3 =	sld [smem:$0x7E8];
	_ =	sdelay $0x1  }
0x2c7: {  	s6 =	simm.s32 $0xC000  }
0x2c8: {  	[tilespmem:s6], [sflag:$0x1] =	stream.linear.gather [spmem:s3], $0x80, $0x38;
	[tilespmem:$0x11980] =	vst v63  }
0x2c9: {  	s3 =	sld [smem:$0x7E9];
	_ =	sdelay $0x1  }
0x2ca: {  	s6 =	simm.s32 $0xC400  }
0x2cb: {  	[tilespmem:s6], [sflag:$0x1] =	stream.linear.gather [spmem:s3], $0x80, $0x38;
	[tilespmem:$0x11980] =	vst v63  }
0x2cc: {  	_ =	swait.ge [sflag:s21], $0x280  }
0x2cd: {  	s3 =	sld [smem:$0x779]  }
0x2ce: {  	[sflag:s21] =	ssyncset.done $0x0  }
0x2cf: {  	s6 =	simm.s32 $0xB480;
	[sflag:s21] =	ssyncadd.s32 $0xFFFFFD80  }
0x2d0: {  	[tilespmem:s6], [sflag:$0x1] =	stream.linear.gather [spmem:s3], $0x80, $0x38;
	[tilespmem:$0x11980] =	vst v63  }
0x2d1: {  	s3 =	sld [smem:$0x7EA];
	_ =	sdelay $0x1  }
0x2d2: {  	s6 =	simm.s32 $0xB880  }
0x2d3: {  	[tilespmem:s6], [sflag:$0x1] =	stream.linear.gather [spmem:s3], $0x80, $0x38;
	[tilespmem:$0x11980] =	vst v63  }
0x2d4: {  	s3 =	sld [smem:$0x7EB];
	_ =	sdelay $0x1  }
0x2d5: {  	s6 =	simm.s32 $0xBC80  }
0x2d6: {  	[tilespmem:s6], [sflag:$0x1] =	stream.linear.gather [spmem:s3], $0x80, $0x38;
	[tilespmem:$0x11980] =	vst v63  }
0x2d7: {  	s3 =	sld [smem:$0x7EC];
	_ =	sdelay $0x1  }
0x2d8: {  	s6 =	simm.s32 $0xC080  }
0x2d9: {  	[tilespmem:s6], [sflag:$0x1] =	stream.linear.gather [spmem:s3], $0x80, $0x38;
	[tilespmem:$0x11980] =	vst v63  }
0x2da: {  	s3 =	sld [smem:$0x7ED];
	_ =	sdelay $0x1  }
0x2db: {  	s6 =	simm.s32 $0xC480  }
0x2dc: {  	[tilespmem:s6], [sflag:$0x1] =	stream.linear.gather [spmem:s3], $0x80, $0x38;
	[tilespmem:$0x11980] =	vst v63  }
0x2dd: {  	_ =	swait.ge [sflag:s21], $0x280  }
0x2de: {  	s2 =	sld [smem:$0x77A]  }
0x2df: {  	[sflag:s21] =	ssyncset.done $0x0  }
0x2e0: {  	s3 =	simm.s32 $0xB500;
	s6 =	sld [smem:$0x7EE];
	[sflag:s21] =	ssyncadd.s32 $0xFFFFFD80  }
0x2e1: {  	[tilespmem:s3], [sflag:$0x1] =	stream.linear.gather [spmem:s2], $0x80, $0x38;
	[tilespmem:$0x11980] =	vst v63  }
0x2e2: {  	s2 =	sld [smem:$0x7EF]  }
0x2e3: {  	[tilespmem:s7], [sflag:$0x1] =	stream.linear.gather [spmem:s6], $0x80, $0x38;
	[tilespmem:$0x11980] =	vst v63  }
0x2e4: {  	s3 =	sld [smem:$0x7F0]  }
0x2e5: {  	[tilespmem:s8], [sflag:$0x1] =	stream.linear.gather [spmem:s2], $0x80, $0x38;
	[tilespmem:$0x11980] =	vst v63  }
0x2e6: {  	s6 =	sld [smem:$0x7F1]  }
0x2e7: {  	[tilespmem:s9], [sflag:$0x1] =	stream.linear.gather [spmem:s3], $0x80, $0x38;
	[tilespmem:$0x11980] =	vst v63  }
0x2e8: {  	_ = 	snop  }
0x2e9: {  	[tilespmem:s10], [sflag:$0x1] =	stream.linear.gather [spmem:s6], $0x80, $0x38;
	[tilespmem:$0x11980] =	vst v63  }
0x2ea: {  	_ =	swait.ge [sflag:s21], $0x280  }
0x2eb: {  	s2 =	sld [smem:$0x77B]  }
0x2ec: {  	[sflag:s21] =	ssyncset.done $0x0  }
0x2ed: {  	s3 =	sld [smem:$0x7F2];
	[sflag:s21] =	ssyncadd.s32 $0xFFFFFD80  }
0x2ee: {  	[tilespmem:s11], [sflag:$0x1] =	stream.linear.gather [spmem:s2], $0x80, $0x38;
	[tilespmem:$0x11980] =	vst v63  }
0x2ef: {  	s6 =	sld [smem:$0x7F3]  }
0x2f0: {  	[tilespmem:s12], [sflag:$0x1] =	stream.linear.gather [spmem:s3], $0x80, $0x38;
	[tilespmem:$0x11980] =	vst v63  }
0x2f1: {  	s2 =	sld [smem:$0x7F4]  }
0x2f2: {  	[tilespmem:s13], [sflag:$0x1] =	stream.linear.gather [spmem:s6], $0x80, $0x38;
	[tilespmem:$0x11980] =	vst v63  }
0x2f3: {  	s3 =	sld [smem:$0x7F5]  }
0x2f4: {  	[tilespmem:s14], [sflag:$0x1] =	stream.linear.gather [spmem:s2], $0x80, $0x38;
	[tilespmem:$0x11980] =	vst v63  }
0x2f5: {  	_ = 	snop  }
0x2f6: {  	[tilespmem:s15], [sflag:$0x1] =	stream.linear.gather [spmem:s3], $0x80, $0x38;
	[tilespmem:$0x11980] =	vst v63  }
0x2f7: {  	_ =	swait.ge [sflag:s21], $0x280  }
0x2f8: {  	s6 =	sld [smem:$0x77C]  }
0x2f9: {  	[sflag:s21] =	ssyncset.done $0x0  }
0x2fa: {  	s2 =	sld [smem:$0x7F6];
	[sflag:s21] =	ssyncadd.s32 $0xFFFFFD80  }
0x2fb: {  	[tilespmem:s26], [sflag:$0x1] =	stream.linear.gather [spmem:s6], $0x80, $0x38;
	[tilespmem:$0x11980] =	vst v63  }
0x2fc: {  	s3 =	sld [smem:$0x7F7]  }
0x2fd: {  	[tilespmem:s16], [sflag:$0x1] =	stream.linear.gather [spmem:s2], $0x80, $0x38;
	[tilespmem:$0x11980] =	vst v63  }
0x2fe: {  	s6 =	sld [smem:$0x7F8]  }
0x2ff: {  	[tilespmem:s28], [sflag:$0x1] =	stream.linear.gather [spmem:s3], $0x80, $0x38;
	[tilespmem:$0x11980] =	vst v63  }
0x300: {  	s2 =	sld [smem:$0x7F9]  }
0x301: {  	[tilespmem:s17], [sflag:$0x1] =	stream.linear.gather [spmem:s6], $0x80, $0x38;
	[tilespmem:$0x11980] =	vst v63  }
0x302: {  	_ = 	snop  }
0x303: {  	[tilespmem:s29], [sflag:$0x1] =	stream.linear.gather [spmem:s2], $0x80, $0x38;
	[tilespmem:$0x11980] =	vst v63  }
0x304: {  	_ =	swait.ge [sflag:s21], $0x280  }
0x305: {  	s3 =	sld [smem:$0x77D]  }
0x306: {  	[sflag:s21] =	ssyncset.done $0x0  }
0x307: {  	s6 =	sld [smem:$0x7FA];
	[sflag:s21] =	ssyncadd.s32 $0xFFFFFD80  }
0x308: {  	[tilespmem:s18], [sflag:$0x1] =	stream.linear.gather [spmem:s3], $0x80, $0x38;
	[tilespmem:$0x11980] =	vst v63  }
0x309: {  	s2 =	sld [smem:$0x7FB]  }
0x30a: {  	[tilespmem:s30], [sflag:$0x1] =	stream.linear.gather [spmem:s6], $0x80, $0x38;
	[tilespmem:$0x11980] =	vst v63  }
0x30b: {  	s3 =	sld [smem:$0x7FC]  }
0x30c: {  	[tilespmem:s19], [sflag:$0x1] =	stream.linear.gather [spmem:s2], $0x80, $0x38;
	[tilespmem:$0x11980] =	vst v63  }
0x30d: {  	s6 =	sld [smem:$0x7FD]  }
0x30e: {  	[tilespmem:s31], [sflag:$0x1] =	stream.linear.gather [spmem:s3], $0x80, $0x38;
	[tilespmem:$0x11980] =	vst v63  }
0x30f: {  	_ = 	snop  }
0x310: {  	[tilespmem:s20], [sflag:$0x1] =	stream.linear.gather [spmem:s6], $0x80, $0x38;
	[tilespmem:$0x11980] =	vst v63  }
0x311: {  	s2 =	simm.s32 $0x0;
	_ =	swait.ge [sflag:s21], $0x280  }
0x312: {  	s0 =	sand.u32 $0x1C00, s2;
	s3 =	sand.u32 $0x70, s2;
	[sflag:s21] =	ssyncset.done $0x0  }
0x313: {  	s0 =	sor.u32 s3, s0;
	[sflag:s21] =	ssyncadd.s32 $0xFFFFFD80  }
0x314: {  	v2 =	vld [tilespmem:s0+$0x9F80]  }
0x315: {  	v3 =	vld [tilespmem:s0+$0x9F00];
	_ =	sdelay $0x1  }
0x316: {  	v54 =	vld [tilespmem:s0+$0xA000];
	_ =	sdelay $0x1  }
0x317: {  	v55 =	vld [tilespmem:s0+$0xA080]  }
0x318: {  	v2 =	vadd.f32 v2, v3  }
0x319: {  	v3 =	vld [tilespmem:s0+$0xA100]  }
0x31a: {  	v2 =	vadd.f32 v54, v2  }
0x31b: {  	v56 =	vld [tilespmem:s0+$0xA180]  }
0x31c: {  	v2 =	vadd.f32 v55, v2  }
0x31d: {  	v57 =	vld [tilespmem:s0+$0xA200]  }
0x31e: {  	v2 =	vadd.f32 v3, v2  }
0x31f: {  	v3 =	vld [tilespmem:s0+$0xA280]  }
0x320: {  	v2 =	vadd.f32 v56, v2  }
0x321: {  	v58 =	vld [tilespmem:s0+$0xB300]  }
0x322: {  	v2 =	vadd.f32 v57, v2  }
0x323: {  	v59 =	vld [tilespmem:s0+$0xB380]  }
0x324: {  	v2 =	vadd.f32 v3, v2  }
0x325: {  	v3 =	vld [tilespmem:s0+$0xB400]  }
0x326: {  	v2 =	vadd.f32 v58, v2  }
0x327: {  	v60 =	vld [tilespmem:s0+$0xB480]  }
0x328: {  	v2 =	vadd.f32 v59, v2  }
0x329: {  	v61 =	vld [tilespmem:s0+$0xB500]  }
0x32a: {  	v2 =	vadd.f32 v3, v2  }
0x32b: {  	v3 =	vld [tilespmem:s0+$0xB580]  }
0x32c: {  	v2 =	vadd.f32 v60, v2  }
0x32d: {  	v62 =	vld [tilespmem:s0+$0xB600]  }
0x32e: {  	v2 =	vadd.f32 v61, v2  }
0x32f: {  	v63 =	vld [tilespmem:s0+$0xB680]  }
0x330: {  	v2 =	vadd.f32 v3, v2;
	_ =	sdelay $0x1  }
0x331: {  	v2 =	vadd.f32 v62, v2;
	_ =	sdelay $0x1  }
0x332: {  	s2 =	simm.s32 $0x80;
	s6 =	simm.s32 $0x10;
	v2 =	vadd.f32 v63, v2  }
0x333: {  	s3 =	sand.u32 $0x1C00, s2;
	s0 =	sand.u32 $0x70, s6  }
0x334: {  	s0 =	sor.u32 s0, s3;
	s3 =	simm.s32 $0x20;
	[tilespmem:s4+$0x0] =	vst v2  }
.LBB2_8:
0x335: {  	p0 =	sne.s32 s3, $0x270;
	v2 =	vld [tilespmem:s0+$0x9F80]  }
0x336: {  	v3 =	vld [tilespmem:s0+$0x9F00];
	_ =	sdelay $0x1  }
0x337: {  	v4 =	vld [tilespmem:s0+$0xA000];
	_ =	sdelay $0x1  }
0x338: {  	v5 =	vld [tilespmem:s0+$0xA080]  }
0x339: {  	v2 =	vadd.f32 v2, v3  }
0x33a: {  	v3 =	vld [tilespmem:s0+$0xA100]  }
0x33b: {  	v2 =	vadd.f32 v4, v2  }
0x33c: {  	v4 =	vld [tilespmem:s0+$0xA180]  }
0x33d: {  	v2 =	vadd.f32 v5, v2  }
0x33e: {  	v5 =	vld [tilespmem:s0+$0xA200]  }
0x33f: {  	v2 =	vadd.f32 v3, v2  }
0x340: {  	v3 =	vld [tilespmem:s0+$0xA280]  }
0x341: {  	v2 =	vadd.f32 v4, v2  }
0x342: {  	v4 =	vld [tilespmem:s0+$0xB300]  }
0x343: {  	v2 =	vadd.f32 v5, v2  }
0x344: {  	v5 =	vld [tilespmem:s0+$0xB380]  }
0x345: {  	v2 =	vadd.f32 v3, v2  }
0x346: {  	v3 =	vld [tilespmem:s0+$0xB400]  }
0x347: {  	v2 =	vadd.f32 v4, v2  }
0x348: {  	v4 =	vld [tilespmem:s0+$0xB480]  }
0x349: {  	v2 =	vadd.f32 v5, v2  }
0x34a: {  	v5 =	vld [tilespmem:s0+$0xB500]  }
0x34b: {  	v2 =	vadd.f32 v3, v2  }
0x34c: {  	v3 =	vld [tilespmem:s0+$0xB580]  }
0x34d: {  	v2 =	vadd.f32 v4, v2  }
0x34e: {  	v4 =	vld [tilespmem:s0+$0xB600]  }
0x34f: {  	v2 =	vadd.f32 v5, v2  }
0x350: {  	v5 =	vld [tilespmem:s0+$0xB680]  }
0x351: {  	v2 =	vadd.f32 v3, v2;
	_ =	sdelay $0x1  }
.Ltmp3:
0x352: {  	v2 =	vadd.f32 v4, v2;
	(pc) =	sbr.rel @p0 .LBB2_8-.Ltmp3, $4  }
0x353: {  	_ = 	snop  }
0x354: {  	s2 =	sadd.s32 $0x80, s2;
	v2 =	vadd.f32 v5, v2  }
0x355: {  	s4 =	sadd.s32 $0x10, s4;
	s6 =	sand.u32 $0x1C00, s2;
	s0 =	sand.u32 $0x70, s3  }
0x356: {  	s3 =	sadd.s32 $0x10, s3;
	s0 =	sor.u32 s0, s6;
	[tilespmem:s4+$0x0] =	vst v2  }
0x357: {  	v2 =	vld [tilespmem:s0+$0x9F80]  }
0x358: {  	v3 =	vld [tilespmem:s0+$0x9F00];
	_ =	sdelay $0x1  }
0x359: {  	v4 =	vld [tilespmem:s0+$0xA000];
	_ =	sdelay $0x1  }
0x35a: {  	v5 =	vld [tilespmem:s0+$0xA080]  }
0x35b: {  	v2 =	vadd.f32 v2, v3  }
0x35c: {  	v3 =	vld [tilespmem:s0+$0xA100]  }
0x35d: {  	v2 =	vadd.f32 v4, v2  }
0x35e: {  	v56 =	vld [tilespmem:s0+$0xA180]  }
0x35f: {  	v2 =	vadd.f32 v5, v2  }
0x360: {  	v57 =	vld [tilespmem:s0+$0xA200]  }
0x361: {  	v2 =	vadd.f32 v3, v2  }
0x362: {  	v3 =	vld [tilespmem:s0+$0xA280]  }
0x363: {  	v2 =	vadd.f32 v56, v2  }
0x364: {  	v58 =	vld [tilespmem:s0+$0xB300]  }
0x365: {  	v2 =	vadd.f32 v57, v2  }
0x366: {  	v59 =	vld [tilespmem:s0+$0xB380]  }
0x367: {  	v2 =	vadd.f32 v3, v2  }
0x368: {  	v3 =	vld [tilespmem:s0+$0xB400]  }
0x369: {  	v2 =	vadd.f32 v58, v2  }
0x36a: {  	v60 =	vld [tilespmem:s0+$0xB480]  }
0x36b: {  	v2 =	vadd.f32 v59, v2  }
0x36c: {  	v61 =	vld [tilespmem:s0+$0xB500]  }
0x36d: {  	v2 =	vadd.f32 v3, v2  }
0x36e: {  	v3 =	vld [tilespmem:s0+$0xB580]  }
0x36f: {  	v2 =	vadd.f32 v60, v2  }
0x370: {  	v62 =	vld [tilespmem:s0+$0xB600]  }
0x371: {  	v2 =	vadd.f32 v61, v2  }
0x372: {  	v63 =	vld [tilespmem:s0+$0xB680]  }
0x373: {  	v2 =	vadd.f32 v3, v2;
	_ =	sdelay $0x1  }
0x374: {  	v2 =	vadd.f32 v62, v2;
	_ =	sdelay $0x1  }
0x375: {  	v2 =	vadd.f32 v63, v2  }
0x376: {  	s3 =	sadd.s32 $0x10, s4  }
0x377: {  	s4 =	rddreg [dreg:$0x17];
	s2 =	simm.s32 $0xC700;
	[tilespmem:s3+$0x0] =	vst v2  }
0x378: {  	[hbm4b:s4+s24] =	stream.strided.scatter [tilespmem:s2], [sflag:$0x1], $0x280, s25, s24, $0x38;
	[tilespmem:$0x11980] =	vst v63  }
0x379: {  	_ =	swait.ge [sflag:s21], $0x280  }
0x37a: {  	s1 =	sadd.s32 $0x1, s1;
	s6 =	rddreg [dreg:$0x18]  }
0x37b: {  	p0 =	sne.s32 s1, s6  }
.Ltmp4:
0x37c: {  	_ = 	snop;
	(pc) =	sbr.rel @p0 .LBB2_1-.Ltmp4, $3  }
0x37d: {  	_ =	sdelay $0x1  }
0x37e: {  	[sflag:s21] =	ssyncset.done $0x0  }
0x37f: {  	[sflag:s21] =	ssyncadd.s32 $0xFFFFFD80  }
0x380: {  	_ =	sfence.sel $0x180000  }
0x381: {  	[bflag:$0x0] =	sbarrier.arrive $0xFFFF  }
0x382: {  	_ =	strace $0x90000047  }
0x383: {  	s0 =	stileid.u32;
	[bflag:$0x2] =	sbarrier.arrive $0xFFFF  }
0x384: {  	p0 =	sne.s32 s0, $0x0;
	s0 =	rddreg [dreg:$0x2]  }
0x385: {  	s0 =	sadd.s32 @!p0 $0x100000, s0  }
0x386: {  	[sflag:s0] =	ssyncadd.tile.s32 @!p0 $0x1;
	_ =	shalt  }
.Lfunc_end2:
_tile_overlayer_lowered:
.L_overlay_start_2:
0x387: {  	(tag) =	ssettag $0x2  }
0x388: {  	s0 =	rddreg [dreg:$0x0];
	s2 =	stileid.u32  }
0x389: {  	s1 =	rddreg [dreg:$0x1];
	p0 =	sne.s32 s2, $0x0  }
0x38a: {  	s3 =	rddreg [dreg:$0x2];
	[bflag:$0x3] =	sbarrier.arrive $0xFFFF;
	s2 =	simm.s32 @!p0 $0x1C01  }
0x38b: {  	[timem:s3], [sflag:s2] =	dma.local @!p0 [hbm:s0], s1  }
0x38c: {  	s0 =	simm.s32 @!p0 $0x1  }
0x38d: {  	_ =	swait.ge @!p0 [sflag:s0], s1  }
0x38e: {  	s1 =	ssub.s32 @!p0 $0x0, s1;
	[sflag:s0] =	ssyncset.done @!p0 $0x0  }
0x38f: {  	[sflag:s0] =	ssyncadd.s32 @!p0 s1  }
0x390: {  	[bflag:$0x3] =	sbarrier.arrive $0xFFFF  }
0x391: {  	_ =	shalt  }

// kernel: mp_l1.3.cloned.1.call-start
scs
__scs_entry_jumppad:
0x0: {  	(pc) =	sbr.rel $0x88, $3  }
0x1: {  	(tag) =	ssettag $0x0;
	lr =	simm.s32 $0x1  }
0x2: {  	[smem:$0x3F98] =	sst lr;
	_ =	strace $0xD0000000  }
0x3: {  	_ = 	snop  }
0x4: {  	_ = 	snop  }
0x5: {  	_ = 	snop  }
0x6: {  	_ = 	snop  }
0x7: {  	_ = 	snop  }
__scs_overlays_trampoline_lowered:
0x8: {  	[smem:$0x3FA7] =	sst s0  }
0x9: {  	[smem:$0x3FA8] =	sst s1  }
0xa: {  	[smem:$0x3FA9] =	sst s2  }
0xb: {  	[smem:$0x3FAA] =	sst s3  }
0xc: {  	[smem:$0x3FAB] =	sst s4  }
0xd: {  	[smem:$0x3FAC] =	sst s5  }
0xe: {  	[smem:$0x3FAD] =	sst s6  }
0xf: {  	[smem:$0x3FAE] =	sst s7  }
0x10: {  	[smem:$0x3FAF] =	sst s8  }
0x11: {  	[smem:$0x3FB0] =	sst s9;
	s0 =	simm.s32 @!p0 $0x0  }
0x12: {  	s1 =	sld [smem:$0x3F96];
	s0 =	simm.s32 @p0 $0x1  }
0x13: {  	[smem:$0x3FB1] =	sst s0;
	s0 =	simm.s32 @!p1 $0x0  }
0x14: {  	s2 =	sld [smem:$0x3F95];
	s0 =	simm.s32 @p1 $0x1  }
0x15: {  	[smem:$0x3FB2] =	sst s0;
	s0 =	simm.s32 @!p2 $0x0  }
0x16: {  	s3 =	sld [smem:$0x3FDB];
	s0 =	simm.s32 @p2 $0x1  }
0x17: {  	s4 =	simm.s32 $0x1BF5;
	[smem:$0x3FB4] =	sst s0  }
0x18: {  	s0 =	sld [smem:$0x3F97];
	_ =	swait.ge [sflag:s4], $0x0  }
0x19: {  	s7 =	sld [smem:$0x3F98]  }
0x1a: {  	s8 =	sadd.s32 $0xFFFFE003, lr  }
0x1b: {  	s9 =	sadd.s32 $0xFFFFFEF7, lr;
	s5 =	simm.s32 $0xFFFFFFFF;
	p2 =	slt.u32 s8, $0xFFFFF086  }
0x1c: {  	p1 =	slt.u32 s9, $0xF7A;
	s5 =	simm.s32 @!p2 $0x0  }
0x1d: {  	s5 =	simm.s32 @p1 $0x1;
	p0 =	seq.s32 s7, s2  }
0x1e: {  	s7 =	smul.u32 @!p0 $0xF7A, s2;
	p2 =	seq.s32 @!p0 s5, $0x0  }
0x1f: {  	s9 =	smul.u32 $0xF7A, s1;
	s8 =	simm.s32 @!p0 $0x1BF5;
	p2 =	por !p2, p0  }
0x20: {  	[sflag:s8] =	ssyncset.s32 @!p0 $0xFFFFF086;
	s6 =	sadd.s32 @!p0 s3, s7;
	s7 =	simm.s32 @!p0 $0x108  }
0x21: {  	s3 =	sadd.s32 s3, s9;
	s6 =	sadd.s32 @!p0 $0x88, s6;
	s7 =	simm.s32 @p2 $0x1082  }
0x22: {  	[simem:s7], [sflag:s8] =	dma.local @!p0 [hbm:s6], $0xF7A  }
0x23: {  	s9 =	sor.u32 $0xD0000000, s2;
	s6 =	simm.s32 $0x108;
	_ =	swait.ge @!p0 [sflag:s8], $0x0  }
0x24: {  	s3 =	sadd.s32 $0x88, s3;
	s6 =	simm.s32 @!p1 $0x1082;
	[sflag:s4] =	ssyncset.s32 $0xFFFFF086  }
0x25: {  	[simem:s6], [sflag:s4] =	dma.local [hbm:s3], $0xF7A  }
0x26: {  	[smem:$0x3F98] =	sst s1;
	(tag) =	ssettag s2;
	_ =	strace s9  }
0x27: {  	s1 =	sld [smem:$0x3FA8]  }
0x28: {  	s2 =	sld [smem:$0x3FA9]  }
0x29: {  	s4 =	sld [smem:$0x3FAB]  }
0x2a: {  	p0 =	seq.s32 s5, $0x0;
	s5 =	sld [smem:$0x3FAC]  }
0x2b: {  	s6 =	sld [smem:$0x3FAD]  }
0x2c: {  	s7 =	sld [smem:$0x3FAE]  }
0x2d: {  	s3 =	simm.s32 $0x108;
	s8 =	sld [smem:$0x3FAF]  }
0x2e: {  	s3 =	simm.s32 @!p0 $0x1082;
	s9 =	sld [smem:$0x3FB0]  }
0x2f: {  	lr =	sadd.s32 s0, s3;
	s0 =	sld [smem:$0x3FA7]  }
0x30: {  	s3 =	sld [smem:$0x3FAA]  }
0x31: {  	[smem:$0x3FB3] =	sst s10  }
0x32: {  	s10 =	sld [smem:$0x3FB1];
	_ =	sdelay $0x3  }
0x33: {  	p0 =	seq.s32 s10, $0x1;
	s10 =	sld [smem:$0x3FB3];
	_ =	sdelay $0x3  }
0x34: {  	[smem:$0x3FB3] =	sst s10  }
0x35: {  	s10 =	sld [smem:$0x3FB2];
	_ =	sdelay $0x3  }
0x36: {  	p1 =	seq.s32 s10, $0x1;
	s10 =	sld [smem:$0x3FB3];
	_ =	sdelay $0x3  }
0x37: {  	[smem:$0x3FB3] =	sst s10  }
0x38: {  	s10 =	sld [smem:$0x3FB4]  }
0x39: {  	_ = 	snop;
	(pc) =	sbr.ind lr, $3  }
0x3a: {  	_ = 	snop  }
0x3b: {  	_ = 	snop  }
0x3c: {  	p2 =	seq.s32 s10, $0x1;
	s10 =	sld [smem:$0x3FB3]  }
0x3d: {  	_ =	shalt  }
0x3e: {  	_ =	shalt  }
0x3f: {  	_ =	shalt  }
0x40: {  	_ =	shalt  }
0x41: {  	_ =	shalt  }
0x42: {  	_ =	shalt  }
0x43: {  	_ =	shalt  }
0x44: {  	_ =	shalt  }
0x45: {  	_ =	shalt  }
0x46: {  	_ =	shalt  }
0x47: {  	_ =	shalt  }
0x48: {  	_ =	shalt  }
0x49: {  	_ =	shalt  }
0x4a: {  	_ =	shalt  }
0x4b: {  	_ =	shalt  }
0x4c: {  	_ =	shalt  }
0x4d: {  	_ =	shalt  }
0x4e: {  	_ =	shalt  }
0x4f: {  	_ =	shalt  }
0x50: {  	_ =	shalt  }
0x51: {  	_ =	shalt  }
0x52: {  	_ =	shalt  }
0x53: {  	_ =	shalt  }
0x54: {  	_ =	shalt  }
0x55: {  	_ =	shalt  }
0x56: {  	_ =	shalt  }
0x57: {  	_ =	shalt  }
0x58: {  	_ =	shalt  }
0x59: {  	_ =	shalt  }
0x5a: {  	_ =	shalt  }
0x5b: {  	_ =	shalt  }
0x5c: {  	_ =	shalt  }
0x5d: {  	_ =	shalt  }
0x5e: {  	_ =	shalt  }
0x5f: {  	_ =	shalt  }
0x60: {  	_ =	shalt  }
0x61: {  	_ =	shalt  }
0x62: {  	_ =	shalt  }
0x63: {  	_ =	shalt  }
0x64: {  	_ =	shalt  }
0x65: {  	_ =	shalt  }
0x66: {  	_ =	shalt  }
0x67: {  	_ =	shalt  }
0x68: {  	_ =	shalt  }
0x69: {  	_ =	shalt  }
0x6a: {  	_ =	shalt  }
0x6b: {  	_ =	shalt  }
0x6c: {  	_ =	shalt  }
0x6d: {  	_ =	shalt  }
0x6e: {  	_ =	shalt  }
0x6f: {  	_ =	shalt  }
0x70: {  	_ =	shalt  }
0x71: {  	_ =	shalt  }
0x72: {  	_ =	shalt  }
0x73: {  	_ =	shalt  }
0x74: {  	_ =	shalt  }
0x75: {  	_ =	shalt  }
0x76: {  	_ =	shalt  }
0x77: {  	_ =	shalt  }
0x78: {  	_ =	shalt  }
0x79: {  	_ =	shalt  }
0x7a: {  	_ =	shalt  }
0x7b: {  	_ =	shalt  }
0x7c: {  	_ =	shalt  }
0x7d: {  	_ =	shalt  }
0x7e: {  	_ =	shalt  }
0x7f: {  	_ =	shalt  }
0x80: {  	_ =	shalt  }
0x81: {  	_ =	shalt  }
0x82: {  	_ =	shalt  }
0x83: {  	_ =	shalt  }
0x84: {  	_ =	shalt  }
0x85: {  	_ =	shalt  }
0x86: {  	_ =	shalt  }
0x87: {  	_ =	shalt  }
.Lfunc_end0:
.L_simem_size_0:
called_computation.1_lowered:
.L_overlay_start_0:
0x88: {  	s2 =	sld [smem:$0x3FD9]  }
0x89: {  	s3 =	sld [smem:$0x3FFE];
	_ =	sdelay $0x1  }
0x8a: {  	s1 =	srdreg.scid  }
0x8b: {  	s0 =	sand.u32 $0x1, s1  }
0x8c: {  	s16 =	sshll.u32 s0, $0xA;
	s2 =	sadd.s32 s3, s2  }
0x8d: {  	s2 =	sadd.s32 s2, s16  }
0x8e: {  	[smem:$0x3FBF] =	sst s2  }
0x8f: {  	_ = 	snop  }
0x90: {  	(tm) =	ssettm $0x1  }
0x91: {  	s17 =	sld [smem:$0x3FFB];
	_ =	sdelay $0x3  }
0x92: {  	_ =	strace s17  }
0x93: {  	s2 =	sld [smem:$0x3FFC];
	_ =	sdelay $0x3  }
0x94: {  	_ =	strace s2  }
0x95: {  	s2 =	sld [smem:$0x3FFD];
	_ =	sdelay $0x3  }
0x96: {  	_ =	strace s2  }
0x97: {  	_ =	strace $0x8FFFFFFF  }
0x98: {  	s18 =	sld [smem:$0x3FDB];
	_ =	sdelay $0x1  }
0x99: {  	s19 =	simm.s32 $_scs_section_size  }
0x9a: {  	s4 =	simm.s32 $_size__tile_overlayer_lowered;
	s5 =	simm.s32 $_tile_overlayer_lowered  }
0x9b: {  	s22 =	simm.s32 $0x1BFF;
	s21 =	sshll.u32 s5, $0x1;
	s2 =	sadd.s32 s19, s18  }
0x9c: {  	s6 =	simm.s32 $0x0;
	s20 =	sshll.u32 s4, $0x1;
	s4 =	sadd.s32 s21, s2  }
0x9d: {  	[timem:s6], [sflag:s22] =	dma.local [hbm:s4], s20  }
0x9e: {  	_ =	swait.ge [sflag:s22], s20  }
0x9f: {  	s3 =	ssub.s32 $0x0, s20;
	[sflag:s22] =	ssyncset.done $0x0  }
0xa0: {  	[sflag:s22] =	ssyncadd.s32 s3;
	_ =	sdelay $0x1  }
0xa1: {  	s23 =	simm.s32 $0x1B8B  }
0xa2: {  	_ =	swait.ge [sflag:s23], $0x1  }
0xa3: {  	[sflag:s23] =	ssyncset.done $0x0  }
0xa4: {  	s25 =	simm.s32 $0x1B8E;
	s24 =	sld [smem:$0x3FFE];
	[sflag:s23] =	ssyncadd.s32 $0xFFFFFFFF  }
0xa5: {  	s26 =	simm.s32 $execute0_lowered;
	[smem:$0x3FD2] =	sst s25  }
0xa6: {  	s4 =	sshll.u32 s26, $0x1;
	_ =	strace $0x80000049;
	[dreg:$0x1] =	wrdreg $0xFFFFFFFF  }
0xa7: {  	s28 =	simm.s32 $_size_execute0_lowered;
	s2 =	sadd.s32 s2, s4;
	[dreg:$0x0] =	wrdreg $0x0  }
0xa8: {  	s4 =	sshll.u32 s28, $0x1;
	[dreg:$0x2] =	wrdreg s2  }
0xa9: {  	[dreg:$0x3] =	wrdreg s4  }
0xaa: {  	[dreg:$0x4] =	wrdreg $0xC0  }
0xab: {  	_ =	task [dreg:s6], $0x5FFFF  }
0xac: {  	[dreg:$0x1] =	wrdreg $0xFFFFFFFF  }
0xad: {  	[dreg:$0x0] =	wrdreg $0x60  }
0xae: {  	[dreg:$0x2] =	wrdreg s24  }
0xaf: {  	[dreg:$0x3] =	wrdreg $0xB2200  }
0xb0: {  	[dreg:$0x4] =	wrdreg $0x9  }
0xb1: {  	_ =	task.clear_ibuf [dreg:s6], $0x5FFFF;
	_ =	strace $0x90000049  }
0xb2: {  	s29 =	simm.s32 $0x9;
	_ =	strace $0x8000004B  }
0xb3: {  	_ =	swait.ge [sflag:s29], $0x1  }
0xb4: {  	[sflag:s29] =	ssyncadd.s32 $0xFFFFFFFF  }
0xb5: {  	_ =	strace $0x9000004B  }
0xb6: {  	_ =	sfence  }
0xb7: {  	s30 =	sld [smem:$0x0];
	_ =	sdelay $0x2  }
0xb8: {  	s31 =	sshll.u32 s1, $0xD;
	s1 =	sshrl.u32 s1, $0x2  }
0xb9: {  	s3 =	sand.u32 $0x4000, s31;
	s1 =	sadd.s32 s1, s30  }
0xba: {  	s0 =	sor.u32 s3, s0;
	s1 =	sshll.u32 s1, $0x11  }
0xbb: {  	s0 =	sor.u32 s1, s0  }
0xbc: {  	s0 =	sadd.s32 $0x8F2B, s0  }
0xbd: {  	[sflag:s0] =	ssyncadd.remote.s32 $0x1  }
0xbe: {  	_ =	sfence.sel $0xFFFF  }
0xbf: {  	[dreg:$0x0] =	wrdreg $0xFFFFFFFF;
	(pc) =	sbr.abs _section_cstart, $3  }
0xc0: {  	[dreg:$0x1] =	wrdreg $0xFFFFFFFF  }
0xc1: {  	_ =	task.clear_ibuf [dreg:s6], $0x2FFFF;
	_ =	strace $0x9FFFFFFF  }
0xc2: {  	(tm) =	ssettm $0x7FFFFFFF  }
0xc3: {  	_ =	shalt  }
tec
execute0_lowered:
.L_overlay_start_1:
0x0: {  	(tag) =	ssettag $0x1  }
0x1: {  	s0 =	srdreg.scid;
	s1 =	rddreg [dreg:$0x0]  }
0x2: {  	s9 =	stileid.u32;
	s2 =	rddreg [dreg:$0x1]  }
0x3: {  	s3 =	simm.s32 $0x0;
	s12 =	simm.s32 $0x6;
	s14 =	simm.s32 $0x28  }
0x4: {  	s15 =	simm.s32 $0x4E20;
	s16 =	simm.s32 $0x6220;
	s18 =	simm.s32 $0x7620  }
0x5: {  	s20 =	simm.s32 $0x8A20;
	s22 =	simm.s32 $0x9E20;
	s23 =	simm.s32 $0x1  }
0x6: {  	s28 =	simm.s32 $0x5;
	s29 =	simm.s32 $0x4D58;
	s5 =	smul.u32 $0x2710, s9  }
0x7: {  	s30 =	simm.s32 $0x4D80;
	s0 =	sand.u32 $0x1, s0;
	s6 =	smul.u32 $0x14000, s9  }
0x8: {  	s31 =	simm.s32 $0x4DA8;
	s13 =	simm.s32 $0x0;
	s4 =	smul.u32 $0x27100, s0  }
0x9: {  	[smem:$0x7FF] =	sst s3;
	s24 =	smul.u32 $0x140000, s0;
	s0 =	ssub.s32 $0x2, s0  }
0xa: {  	s9 =	sshll.u32 s9, $0x6;
	_ =	strace $0x8000004A;
	s26 =	sshrl.u32 s0, $0x1  }
0xb: {  	s11 =	sadd.s32 s6, s2;
	s4 =	sadd.s32 s5, s4;
	s25 =	sadd.s32 s6, s24  }
0xc: {  	s5 =	sadd.s32 $0x2800, s1;
	s0 =	ssub.s32 s0, s26;
	s6 =	sor.u32 $0x1C06, s9  }
0xd: {  	s11 =	sshrl.u32 s11, $0x3;
	s24 =	simm.s32 $0x2;
	s26 =	simm.s32 $0x4  }
0xe: {  	s7 =	sshrl.u32 s4, $0x3;
	s4 =	sadd.s32 $0x2B200, s1;
	s10 =	smax.u32 s0, $0x1  }
0xf: {  	s0 =	simm.s32 $0x4DF8;
	s8 =	sadd.s32 s7, s1;
	s7 =	sshrl.u32 s25, $0x3  }
0x10: {  	s25 =	simm.s32 $0x3;
	s1 =	sadd.s32 s7, s1;
	s7 =	sadd.s32 $0x17600, s8  }
0x11: {  	s8 =	sadd.s32 $0x21400, s8;
	s9 =	sadd.s32 $0x53200, s1;
	s1 =	simm.s32 $0x4DD0  }
.LBB2_1:
0x12: {  	[spmem:s11], [sflag:s6] =	dma.local [hbm:s5], $0x2800  }
0x13: {  	_ =	swait.ge [sflag:s12], $0x2800  }
0x14: {  	[sflag:s12] =	ssyncset.done $0x0  }
0x15: {  	[sflag:s12] =	ssyncadd.s32 $0xFFFFD800  }
0x16: {  	[bflag:$0x0] =	sbarrier.arrive $0xFFFF  }
0x17: {  	[tilespmem:s3], [sflag:$0x6] =	stream.linear.gather [hbm4b:s7+s3], $0x2710, $0x38;
	[tilespmem:$0x1F220] =	vst v63  }
0x18: {  	_ =	swait.ge [sflag:s12], $0x2710  }
0x19: {  	[sflag:s12] =	ssyncset.done $0x0  }
0x1a: {  	s17 =	simm.s32 $0x2710;
	[sflag:s12] =	ssyncadd.s32 $0xFFFFD8F0  }
0x1b: {  	[tilespmem:s17], [sflag:$0x6] =	stream.linear.gather [hbm4b:s8+s3], $0x2710, $0x38;
	[tilespmem:$0x1F220] =	vst v63  }
0x1c: {  	_ =	swait.ge [sflag:s12], $0x2710  }
0x1d: {  	[sflag:s12] =	ssyncset.done $0x0  }
0x1e: {  	[sflag:s12] =	ssyncadd.s32 $0xFFFFD8F0  }
0x1f: {  	[tilespmem:s15], [sflag:$0x1] =	stream.indirect.gather [hbm4b:s4+s14], $0x80, s3, s14, $0xb8;
	[tilespmem:$0x1F220] =	vst v63  }
0x20: {  	_ = 	snop  }
0x21: {  	[tilespmem:s16], [sflag:$0x2] =	stream.indirect.gather [hbm4b:s4+s14], $0x80, s14, s14, $0xb8;
	[tilespmem:$0x1F220] =	vst v63  }
0x22: {  	s19 =	simm.s32 $0x50  }
0x23: {  	[tilespmem:s18], [sflag:$0x3] =	stream.indirect.gather [hbm4b:s4+s14], $0x80, s19, s14, $0xb8;
	[tilespmem:$0x1F220] =	vst v63  }
0x24: {  	s21 =	simm.s32 $0x78  }
0x25: {  	[tilespmem:s20], [sflag:$0x4] =	stream.indirect.gather [hbm4b:s4+s14], $0x80, s21, s14, $0xb8;
	[tilespmem:$0x1F220] =	vst v63  }
0x26: {  	s19 =	simm.s32 $0xA0  }
0x27: {  	[tilespmem:s22], [sflag:$0x5] =	stream.indirect.gather [hbm4b:s4+s14], $0x80, s19, s14, $0xb8;
	[tilespmem:$0x1F220] =	vst v63  }
0x28: {  	_ =	swait.ge [sflag:s23], $0x1400  }
0x29: {  	[sflag:s23] =	ssyncset.done $0x0  }
0x2a: {  	s21 =	simm.s32 $0x2710;
	[sflag:s23] =	ssyncadd.s32 $0xFFFFEC00  }
0x2b: {  	[spmem:s2] =	stream.indirect.scatter.add.f32 [tilespmem:s15], [sflag:$0x6], $0x80, s21, s14, $0xb8;
	[tilespmem:$0x1F220] =	vst v63  }
0x2c: {  	_ =	swait.ge [sflag:s12], $0x1400  }
0x2d: {  	[sflag:s12] =	ssyncset.done $0x0  }
0x2e: {  	s19 =	simm.s32 $0xC8;
	[sflag:s12] =	ssyncadd.s32 $0xFFFFEC00  }
0x2f: {  	[tilespmem:s15], [sflag:$0x1] =	stream.indirect.gather [hbm4b:s4+s14], $0x80, s19, s14, $0xb8;
	[tilespmem:$0x1F220] =	vst v63  }
0x30: {  	_ =	swait.ge [sflag:s24], $0x1400  }
0x31: {  	[sflag:s24] =	ssyncset.done $0x0  }
0x32: {  	s21 =	simm.s32 $0x2738;
	[sflag:s24] =	ssyncadd.s32 $0xFFFFEC00  }
0x33: {  	[spmem:s2] =	stream.indirect.scatter.add.f32 [tilespmem:s16], [sflag:$0x6], $0x80, s21, s14, $0xb8;
	[tilespmem:$0x1F220] =	vst v63  }
0x34: {  	_ =	swait.ge [sflag:s12], $0x1400  }
0x35: {  	[sflag:s12] =	ssyncset.done $0x0  }
0x36: {  	s19 =	simm.s32 $0xF0;
	[sflag:s12] =	ssyncadd.s32 $0xFFFFEC00  }
0x37: {  	[tilespmem:s16], [sflag:$0x2] =	stream.indirect.gather [hbm4b:s4+s14], $0x80, s19, s14, $0xb8;
	[tilespmem:$0x1F220] =	vst v63  }
0x38: {  	_ =	swait.ge [sflag:s25], $0x1400  }
0x39: {  	[sflag:s25] =	ssyncset.done $0x0  }
0x3a: {  	s21 =	simm.s32 $0x2760;
	[sflag:s25] =	ssyncadd.s32 $0xFFFFEC00  }
0x3b: {  	[spmem:s2] =	stream.indirect.scatter.add.f32 [tilespmem:s18], [sflag:$0x6], $0x80, s21, s14, $0xb8;
	[tilespmem:$0x1F220] =	vst v63  }
0x3c: {  	_ =	swait.ge [sflag:s12], $0x1400  }
0x3d: {  	[sflag:s12] =	ssyncset.done $0x0  }
0x3e: {  	s19 =	simm.s32 $0x118;
	[sflag:s12] =	ssyncadd.s32 $0xFFFFEC00  }
0x3f: {  	[tilespmem:s18], [sflag:$0x3] =	stream.indirect.gather [hbm4b:s4+s14], $0x80, s19, s14, $0xb8;
	[tilespmem:$0x1F220] =	vst v63  }
0x40: {  	_ =	swait.ge [sflag:s26], $0x1400  }
0x41: {  	[sflag:s26] =	ssyncset.done $0x0  }
0x42: {  	s21 =	simm.s32 $0x2788;
	[sflag:s26] =	ssyncadd.s32 $0xFFFFEC00  }
0x43: {  	[spmem:s2] =	stream.indirect.scatter.add.f32 [tilespmem:s20], [sflag:$0x6], $0x80, s21, s14, $0xb8;
	[tilespmem:$0x1F220] =	vst v63  }
0x44: {  	_ =	swait.ge [sflag:s12], $0x1400  }
0x45: {  	[sflag:s12] =	ssyncset.done $0x0  }
0x46: {  	s19 =	simm.s32 $0x140;
	[sflag:s12] =	ssyncadd.s32 $0xFFFFEC00  }
0x47: {  	[tilespmem:s20], [sflag:$0x4] =	stream.indirect.gather [hbm4b:s4+s14], $0x80, s19, s14, $0xb8;
	[tilespmem:$0x1F220] =	vst v63  }
0x48: {  	_ =	swait.ge [sflag:s28], $0x1400  }
0x49: {  	[sflag:s28] =	ssyncset.done $0x0  }
0x4a: {  	s21 =	simm.s32 $0x27B0;
	[sflag:s28] =	ssyncadd.s32 $0xFFFFEC00  }
0x4b: {  	[spmem:s2] =	stream.indirect.scatter.add.f32 [tilespmem:s22], [sflag:$0x6], $0x80, s21, s14, $0xb8;
	[tilespmem:$0x1F220] =	vst v63  }
0x4c: {  	_ =	swait.ge [sflag:s12], $0x1400  }
0x4d: {  	[sflag:s12] =	ssyncset.done $0x0  }
0x4e: {  	s17 =	simm.s32 $0x320;
	s19 =	simm.s32 $0x168;
	[sflag:s12] =	ssyncadd.s32 $0xFFFFEC00  }
.LBB2_2:
0x4f: {  	[tilespmem:s22], [sflag:$0x5] =	stream.indirect.gather [hbm4b:s4+s14], $0x80, s19, s14, $0xb8;
	[tilespmem:$0x1F220] =	vst v63  }
0x50: {  	s19 =	smov.u32 s17  }
0x51: {  	p0 =	sne.s32 s17, $0x9600;
	s17 =	sadd.s32 $0x320, s17;
	_ =	swait.ge [sflag:s23], $0x1400  }
0x52: {  	s19 =	sshra.s32 s19, $0x2;
	[sflag:s23] =	ssyncset.done $0x0  }
0x53: {  	s21 =	sadd.s32 $0x2710, s19;
	[sflag:s23] =	ssyncadd.s32 $0xFFFFEC00  }
0x54: {  	[spmem:s2] =	stream.indirect.scatter.add.f32 [tilespmem:s15], [sflag:$0x6], $0x80, s21, s14, $0xb8;
	[tilespmem:$0x1F220] =	vst v63  }
0x55: {  	_ =	swait.ge [sflag:s12], $0x1400  }
0x56: {  	[sflag:s12] =	ssyncset.done $0x0  }
0x57: {  	s21 =	sadd.s32 $0xC8, s19;
	[sflag:s12] =	ssyncadd.s32 $0xFFFFEC00  }
0x58: {  	[tilespmem:s15], [sflag:$0x1] =	stream.indirect.gather [hbm4b:s4+s14], $0x80, s21, s14, $0xb8;
	[tilespmem:$0x1F220] =	vst v63  }
0x59: {  	_ =	swait.ge [sflag:s24], $0x1400  }
0x5a: {  	[sflag:s24] =	ssyncset.done $0x0  }
0x5b: {  	s21 =	sadd.s32 $0x2738, s19;
	[sflag:s24] =	ssyncadd.s32 $0xFFFFEC00  }
0x5c: {  	[spmem:s2] =	stream.indirect.scatter.add.f32 [tilespmem:s16], [sflag:$0x6], $0x80, s21, s14, $0xb8;
	[tilespmem:$0x1F220] =	vst v63  }
0x5d: {  	_ =	swait.ge [sflag:s12], $0x1400  }
0x5e: {  	[sflag:s12] =	ssyncset.done $0x0  }
0x5f: {  	s21 =	sadd.s32 $0xF0, s19;
	[sflag:s12] =	ssyncadd.s32 $0xFFFFEC00  }
0x60: {  	[tilespmem:s16], [sflag:$0x2] =	stream.indirect.gather [hbm4b:s4+s14], $0x80, s21, s14, $0xb8;
	[tilespmem:$0x1F220] =	vst v63  }
0x61: {  	_ =	swait.ge [sflag:s25], $0x1400  }
0x62: {  	[sflag:s25] =	ssyncset.done $0x0  }
0x63: {  	s21 =	sadd.s32 $0x2760, s19;
	[sflag:s25] =	ssyncadd.s32 $0xFFFFEC00  }
0x64: {  	[spmem:s2] =	stream.indirect.scatter.add.f32 [tilespmem:s18], [sflag:$0x6], $0x80, s21, s14, $0xb8;
	[tilespmem:$0x1F220] =	vst v63  }
0x65: {  	_ =	swait.ge [sflag:s12], $0x1400  }
0x66: {  	[sflag:s12] =	ssyncset.done $0x0  }
0x67: {  	s21 =	sadd.s32 $0x118, s19;
	[sflag:s12] =	ssyncadd.s32 $0xFFFFEC00  }
0x68: {  	[tilespmem:s18], [sflag:$0x3] =	stream.indirect.gather [hbm4b:s4+s14], $0x80, s21, s14, $0xb8;
	[tilespmem:$0x1F220] =	vst v63  }
0x69: {  	_ =	swait.ge [sflag:s26], $0x1400  }
0x6a: {  	[sflag:s26] =	ssyncset.done $0x0  }
0x6b: {  	s21 =	sadd.s32 $0x2788, s19;
	[sflag:s26] =	ssyncadd.s32 $0xFFFFEC00  }
0x6c: {  	[spmem:s2] =	stream.indirect.scatter.add.f32 [tilespmem:s20], [sflag:$0x6], $0x80, s21, s14, $0xb8;
	[tilespmem:$0x1F220] =	vst v63  }
0x6d: {  	_ =	swait.ge [sflag:s12], $0x1400  }
0x6e: {  	[sflag:s12] =	ssyncset.done $0x0  }
0x6f: {  	s21 =	sadd.s32 $0x140, s19;
	[sflag:s12] =	ssyncadd.s32 $0xFFFFEC00  }
0x70: {  	[tilespmem:s20], [sflag:$0x4] =	stream.indirect.gather [hbm4b:s4+s14], $0x80, s21, s14, $0xb8;
	[tilespmem:$0x1F220] =	vst v63  }
0x71: {  	_ =	swait.ge [sflag:s28], $0x1400  }
0x72: {  	[sflag:s28] =	ssyncset.done $0x0  }
.Ltmp0:
0x73: {  	s21 =	sadd.s32 $0x27B0, s19;
	[sflag:s28] =	ssyncadd.s32 $0xFFFFEC00;
	(pc) =	sbr.rel @p0 .LBB2_2-.Ltmp0, $4  }
0x74: {  	[spmem:s2] =	stream.indirect.scatter.add.f32 [tilespmem:s22], [sflag:$0x6], $0x80, s21, s14, $0xb8;
	[tilespmem:$0x1F220] =	vst v63  }
0x75: {  	_ =	swait.ge [sflag:s12], $0x1400  }
0x76: {  	[sflag:s12] =	ssyncset.done $0x0  }
0x77: {  	s19 =	sadd.s32 $0x168, s19;
	[sflag:s12] =	ssyncadd.s32 $0xFFFFEC00  }
0x78: {  	[tilespmem:s22], [sflag:$0x5] =	stream.indirect.gather [hbm4b:s4+s14], $0x80, s19, s14, $0xb8;
	[tilespmem:$0x1F220] =	vst v63  }
0x79: {  	_ =	swait.ge [sflag:s23], $0x1400  }
0x7a: {  	[sflag:s23] =	ssyncset.done $0x0  }
0x7b: {  	[sflag:s23] =	ssyncadd.s32 $0xFFFFEC00  }
0x7c: {  	[spmem:s2] =	stream.indirect.scatter.add.f32 [tilespmem:s15], [sflag:$0x6], $0x80, s29, s14, $0xb8;
	[tilespmem:$0x1F220] =	vst v63  }
0x7d: {  	_ =	swait.ge [sflag:s12], $0x1400  }
0x7e: {  	[sflag:s12] =	ssyncset.done $0x0  }
0x7f: {  	[sflag:s12] =	ssyncadd.s32 $0xFFFFEC00  }
0x80: {  	_ =	swait.ge [sflag:s24], $0x1400  }
0x81: {  	[sflag:s24] =	ssyncset.done $0x0  }
0x82: {  	[sflag:s24] =	ssyncadd.s32 $0xFFFFEC00  }
0x83: {  	[spmem:s2] =	stream.indirect.scatter.add.f32 [tilespmem:s16], [sflag:$0x6], $0x80, s30, s14, $0xb8;
	[tilespmem:$0x1F220] =	vst v63  }
0x84: {  	_ =	swait.ge [sflag:s12], $0x1400  }
0x85: {  	[sflag:s12] =	ssyncset.done $0x0  }
0x86: {  	[sflag:s12] =	ssyncadd.s32 $0xFFFFEC00  }
0x87: {  	_ =	swait.ge [sflag:s25], $0x1400  }
0x88: {  	[sflag:s25] =	ssyncset.done $0x0  }
0x89: {  	[sflag:s25] =	ssyncadd.s32 $0xFFFFEC00  }
0x8a: {  	[spmem:s2] =	stream.indirect.scatter.add.f32 [tilespmem:s18], [sflag:$0x6], $0x80, s31, s14, $0xb8;
	[tilespmem:$0x1F220] =	vst v63  }
0x8b: {  	_ =	swait.ge [sflag:s12], $0x1400  }
0x8c: {  	[sflag:s12] =	ssyncset.done $0x0  }
0x8d: {  	[sflag:s12] =	ssyncadd.s32 $0xFFFFEC00  }
0x8e: {  	_ =	swait.ge [sflag:s26], $0x1400  }
0x8f: {  	[sflag:s26] =	ssyncset.done $0x0  }
0x90: {  	[sflag:s26] =	ssyncadd.s32 $0xFFFFEC00  }
0x91: {  	[spmem:s2] =	stream.indirect.scatter.add.f32 [tilespmem:s20], [sflag:$0x6], $0x80, s1, s14, $0xb8;
	[tilespmem:$0x1F220] =	vst v63  }
0x92: {  	_ =	swait.ge [sflag:s12], $0x1400  }
0x93: {  	[sflag:s12] =	ssyncset.done $0x0  }
0x94: {  	[sflag:s12] =	ssyncadd.s32 $0xFFFFEC00  }
0x95: {  	_ =	swait.ge [sflag:s28], $0x1400  }
0x96: {  	[sflag:s28] =	ssyncset.done $0x0  }
0x97: {  	[sflag:s28] =	ssyncadd.s32 $0xFFFFEC00  }
0x98: {  	[spmem:s2] =	stream.indirect.scatter.add.f32 [tilespmem:s22], [sflag:$0x6], $0x80, s0, s14, $0xb8;
	[tilespmem:$0x1F220] =	vst v63  }
0x99: {  	_ =	swait.ge [sflag:s12], $0x1400  }
0x9a: {  	s13 =	sadd.s32 $0x1, s13;
	[sflag:s12] =	ssyncset.done $0x0  }
0x9b: {  	p0 =	sne.s32 s13, s10;
	[sflag:s12] =	ssyncadd.s32 $0xFFFFEC00  }
.Ltmp1:
0x9c: {  	[bflag:$0x0] =	sbarrier.arrive $0xFFFF;
	(pc) =	sbr.rel @p0 .LBB2_1-.Ltmp1, $4  }
0x9d: {  	[hbm:s9], [sflag:s6] =	dma.local [spmem:s11], $0x2800  }
0x9e: {  	_ =	swait.ge [sflag:s12], $0x2800  }
0x9f: {  	[sflag:s12] =	ssyncset.done $0x0  }
0xa0: {  	[sflag:s12] =	ssyncadd.s32 $0xFFFFD800  }
0xa1: {  	_ =	sfence.sel $0x180000  }
0xa2: {  	[bflag:$0x0] =	sbarrier.arrive $0xFFFF  }
0xa3: {  	_ =	strace $0x9000004A  }
0xa4: {  	s0 =	stileid.u32;
	[bflag:$0x2] =	sbarrier.arrive $0xFFFF  }
0xa5: {  	p0 =	sne.s32 s0, $0x0;
	s0 =	rddreg [dreg:$0x2]  }
0xa6: {  	s0 =	sadd.s32 @!p0 $0x100000, s0  }
0xa7: {  	[sflag:s0] =	ssyncadd.tile.s32 @!p0 $0x1;
	_ =	shalt  }
.Lfunc_end2:
_tile_overlayer_lowered:
.L_overlay_start_2:
0xa8: {  	(tag) =	ssettag $0x2  }
0xa9: {  	s0 =	rddreg [dreg:$0x0];
	s2 =	stileid.u32  }
0xaa: {  	s1 =	rddreg [dreg:$0x1];
	p0 =	sne.s32 s2, $0x0  }
0xab: {  	s3 =	rddreg [dreg:$0x2];
	[bflag:$0x3] =	sbarrier.arrive $0xFFFF;
	s2 =	simm.s32 @!p0 $0x1C06  }
0xac: {  	[timem:s3], [sflag:s2] =	dma.local @!p0 [hbm:s0], s1  }
0xad: {  	s0 =	simm.s32 @!p0 $0x6  }
0xae: {  	_ =	swait.ge @!p0 [sflag:s0], s1  }
0xaf: {  	s1 =	ssub.s32 @!p0 $0x0, s1;
	[sflag:s0] =	ssyncset.done @!p0 $0x0  }
0xb0: {  	[sflag:s0] =	ssyncadd.s32 @!p0 s1  }
0xb1: {  	[bflag:$0x3] =	sbarrier.arrive $0xFFFF  }
0xb2: {  	_ =	shalt  }

// kernel: mp_l2.3.cloned.1.call-start
scs
__scs_entry_jumppad:
0x0: {  	(pc) =	sbr.rel $0x88, $3  }
0x1: {  	(tag) =	ssettag $0x0;
	lr =	simm.s32 $0x1  }
0x2: {  	[smem:$0x3F98] =	sst lr;
	_ =	strace $0xD0000000  }
0x3: {  	_ = 	snop  }
0x4: {  	_ = 	snop  }
0x5: {  	_ = 	snop  }
0x6: {  	_ = 	snop  }
0x7: {  	_ = 	snop  }
__scs_overlays_trampoline_lowered:
0x8: {  	[smem:$0x3FA7] =	sst s0  }
0x9: {  	[smem:$0x3FA8] =	sst s1  }
0xa: {  	[smem:$0x3FA9] =	sst s2  }
0xb: {  	[smem:$0x3FAA] =	sst s3  }
0xc: {  	[smem:$0x3FAB] =	sst s4  }
0xd: {  	[smem:$0x3FAC] =	sst s5  }
0xe: {  	[smem:$0x3FAD] =	sst s6  }
0xf: {  	[smem:$0x3FAE] =	sst s7  }
0x10: {  	[smem:$0x3FAF] =	sst s8  }
0x11: {  	[smem:$0x3FB0] =	sst s9;
	s0 =	simm.s32 @!p0 $0x0  }
0x12: {  	s1 =	sld [smem:$0x3F96];
	s0 =	simm.s32 @p0 $0x1  }
0x13: {  	[smem:$0x3FB1] =	sst s0;
	s0 =	simm.s32 @!p1 $0x0  }
0x14: {  	s2 =	sld [smem:$0x3F95];
	s0 =	simm.s32 @p1 $0x1  }
0x15: {  	[smem:$0x3FB2] =	sst s0;
	s0 =	simm.s32 @!p2 $0x0  }
0x16: {  	s3 =	sld [smem:$0x3FDB];
	s0 =	simm.s32 @p2 $0x1  }
0x17: {  	s4 =	simm.s32 $0x1BF5;
	[smem:$0x3FB4] =	sst s0  }
0x18: {  	s0 =	sld [smem:$0x3F97];
	_ =	swait.ge [sflag:s4], $0x0  }
0x19: {  	s7 =	sld [smem:$0x3F98]  }
0x1a: {  	s8 =	sadd.s32 $0xFFFFE003, lr  }
0x1b: {  	s9 =	sadd.s32 $0xFFFFFEF7, lr;
	s5 =	simm.s32 $0xFFFFFFFF;
	p2 =	slt.u32 s8, $0xFFFFF086  }
0x1c: {  	p1 =	slt.u32 s9, $0xF7A;
	s5 =	simm.s32 @!p2 $0x0  }
0x1d: {  	s5 =	simm.s32 @p1 $0x1;
	p0 =	seq.s32 s7, s2  }
0x1e: {  	s7 =	smul.u32 @!p0 $0xF7A, s2;
	p2 =	seq.s32 @!p0 s5, $0x0  }
0x1f: {  	s9 =	smul.u32 $0xF7A, s1;
	s8 =	simm.s32 @!p0 $0x1BF5;
	p2 =	por !p2, p0  }
0x20: {  	[sflag:s8] =	ssyncset.s32 @!p0 $0xFFFFF086;
	s6 =	sadd.s32 @!p0 s3, s7;
	s7 =	simm.s32 @!p0 $0x108  }
0x21: {  	s3 =	sadd.s32 s3, s9;
	s6 =	sadd.s32 @!p0 $0x88, s6;
	s7 =	simm.s32 @p2 $0x1082  }
0x22: {  	[simem:s7], [sflag:s8] =	dma.local @!p0 [hbm:s6], $0xF7A  }
0x23: {  	s9 =	sor.u32 $0xD0000000, s2;
	s6 =	simm.s32 $0x108;
	_ =	swait.ge @!p0 [sflag:s8], $0x0  }
0x24: {  	s3 =	sadd.s32 $0x88, s3;
	s6 =	simm.s32 @!p1 $0x1082;
	[sflag:s4] =	ssyncset.s32 $0xFFFFF086  }
0x25: {  	[simem:s6], [sflag:s4] =	dma.local [hbm:s3], $0xF7A  }
0x26: {  	[smem:$0x3F98] =	sst s1;
	(tag) =	ssettag s2;
	_ =	strace s9  }
0x27: {  	s1 =	sld [smem:$0x3FA8]  }
0x28: {  	s2 =	sld [smem:$0x3FA9]  }
0x29: {  	s4 =	sld [smem:$0x3FAB]  }
0x2a: {  	p0 =	seq.s32 s5, $0x0;
	s5 =	sld [smem:$0x3FAC]  }
0x2b: {  	s6 =	sld [smem:$0x3FAD]  }
0x2c: {  	s7 =	sld [smem:$0x3FAE]  }
0x2d: {  	s3 =	simm.s32 $0x108;
	s8 =	sld [smem:$0x3FAF]  }
0x2e: {  	s3 =	simm.s32 @!p0 $0x1082;
	s9 =	sld [smem:$0x3FB0]  }
0x2f: {  	lr =	sadd.s32 s0, s3;
	s0 =	sld [smem:$0x3FA7]  }
0x30: {  	s3 =	sld [smem:$0x3FAA]  }
0x31: {  	[smem:$0x3FB3] =	sst s10  }
0x32: {  	s10 =	sld [smem:$0x3FB1];
	_ =	sdelay $0x3  }
0x33: {  	p0 =	seq.s32 s10, $0x1;
	s10 =	sld [smem:$0x3FB3];
	_ =	sdelay $0x3  }
0x34: {  	[smem:$0x3FB3] =	sst s10  }
0x35: {  	s10 =	sld [smem:$0x3FB2];
	_ =	sdelay $0x3  }
0x36: {  	p1 =	seq.s32 s10, $0x1;
	s10 =	sld [smem:$0x3FB3];
	_ =	sdelay $0x3  }
0x37: {  	[smem:$0x3FB3] =	sst s10  }
0x38: {  	s10 =	sld [smem:$0x3FB4]  }
0x39: {  	_ = 	snop;
	(pc) =	sbr.ind lr, $3  }
0x3a: {  	_ = 	snop  }
0x3b: {  	_ = 	snop  }
0x3c: {  	p2 =	seq.s32 s10, $0x1;
	s10 =	sld [smem:$0x3FB3]  }
0x3d: {  	_ =	shalt  }
0x3e: {  	_ =	shalt  }
0x3f: {  	_ =	shalt  }
0x40: {  	_ =	shalt  }
0x41: {  	_ =	shalt  }
0x42: {  	_ =	shalt  }
0x43: {  	_ =	shalt  }
0x44: {  	_ =	shalt  }
0x45: {  	_ =	shalt  }
0x46: {  	_ =	shalt  }
0x47: {  	_ =	shalt  }
0x48: {  	_ =	shalt  }
0x49: {  	_ =	shalt  }
0x4a: {  	_ =	shalt  }
0x4b: {  	_ =	shalt  }
0x4c: {  	_ =	shalt  }
0x4d: {  	_ =	shalt  }
0x4e: {  	_ =	shalt  }
0x4f: {  	_ =	shalt  }
0x50: {  	_ =	shalt  }
0x51: {  	_ =	shalt  }
0x52: {  	_ =	shalt  }
0x53: {  	_ =	shalt  }
0x54: {  	_ =	shalt  }
0x55: {  	_ =	shalt  }
0x56: {  	_ =	shalt  }
0x57: {  	_ =	shalt  }
0x58: {  	_ =	shalt  }
0x59: {  	_ =	shalt  }
0x5a: {  	_ =	shalt  }
0x5b: {  	_ =	shalt  }
0x5c: {  	_ =	shalt  }
0x5d: {  	_ =	shalt  }
0x5e: {  	_ =	shalt  }
0x5f: {  	_ =	shalt  }
0x60: {  	_ =	shalt  }
0x61: {  	_ =	shalt  }
0x62: {  	_ =	shalt  }
0x63: {  	_ =	shalt  }
0x64: {  	_ =	shalt  }
0x65: {  	_ =	shalt  }
0x66: {  	_ =	shalt  }
0x67: {  	_ =	shalt  }
0x68: {  	_ =	shalt  }
0x69: {  	_ =	shalt  }
0x6a: {  	_ =	shalt  }
0x6b: {  	_ =	shalt  }
0x6c: {  	_ =	shalt  }
0x6d: {  	_ =	shalt  }
0x6e: {  	_ =	shalt  }
0x6f: {  	_ =	shalt  }
0x70: {  	_ =	shalt  }
0x71: {  	_ =	shalt  }
0x72: {  	_ =	shalt  }
0x73: {  	_ =	shalt  }
0x74: {  	_ =	shalt  }
0x75: {  	_ =	shalt  }
0x76: {  	_ =	shalt  }
0x77: {  	_ =	shalt  }
0x78: {  	_ =	shalt  }
0x79: {  	_ =	shalt  }
0x7a: {  	_ =	shalt  }
0x7b: {  	_ =	shalt  }
0x7c: {  	_ =	shalt  }
0x7d: {  	_ =	shalt  }
0x7e: {  	_ =	shalt  }
0x7f: {  	_ =	shalt  }
0x80: {  	_ =	shalt  }
0x81: {  	_ =	shalt  }
0x82: {  	_ =	shalt  }
0x83: {  	_ =	shalt  }
0x84: {  	_ =	shalt  }
0x85: {  	_ =	shalt  }
0x86: {  	_ =	shalt  }
0x87: {  	_ =	shalt  }
.Lfunc_end0:
.L_simem_size_0:
called_computation.2_lowered:
.L_overlay_start_0:
0x88: {  	s2 =	sld [smem:$0x3FD9]  }
0x89: {  	s3 =	sld [smem:$0x3FFE];
	_ =	sdelay $0x1  }
0x8a: {  	s1 =	srdreg.scid  }
0x8b: {  	s0 =	sand.u32 $0x1, s1  }
0x8c: {  	s16 =	sshll.u32 s0, $0xA;
	s2 =	sadd.s32 s3, s2  }
0x8d: {  	s2 =	sadd.s32 s2, s16  }
0x8e: {  	[smem:$0x3FBF] =	sst s2  }
0x8f: {  	_ = 	snop  }
0x90: {  	(tm) =	ssettm $0x1  }
0x91: {  	s17 =	sld [smem:$0x3FFB];
	_ =	sdelay $0x3  }
0x92: {  	_ =	strace s17  }
0x93: {  	s2 =	sld [smem:$0x3FFC];
	_ =	sdelay $0x3  }
0x94: {  	_ =	strace s2  }
0x95: {  	s2 =	sld [smem:$0x3FFD];
	_ =	sdelay $0x3  }
0x96: {  	_ =	strace s2  }
0x97: {  	_ =	strace $0x8FFFFFFF  }
0x98: {  	s18 =	sld [smem:$0x3FDB];
	_ =	sdelay $0x1  }
0x99: {  	s19 =	simm.s32 $_scs_section_size  }
0x9a: {  	s4 =	simm.s32 $_size__tile_overlayer_lowered;
	s5 =	simm.s32 $_tile_overlayer_lowered  }
0x9b: {  	s22 =	simm.s32 $0x1BFF;
	s21 =	sshll.u32 s5, $0x1;
	s2 =	sadd.s32 s19, s18  }
0x9c: {  	s6 =	simm.s32 $0x0;
	s20 =	sshll.u32 s4, $0x1;
	s4 =	sadd.s32 s21, s2  }
0x9d: {  	[timem:s6], [sflag:s22] =	dma.local [hbm:s4], s20  }
0x9e: {  	_ =	swait.ge [sflag:s22], s20  }
0x9f: {  	s3 =	ssub.s32 $0x0, s20;
	[sflag:s22] =	ssyncset.done $0x0  }
0xa0: {  	[sflag:s22] =	ssyncadd.s32 s3;
	_ =	sdelay $0x1  }
0xa1: {  	s23 =	simm.s32 $0x1B8B  }
0xa2: {  	_ =	swait.ge [sflag:s23], $0x1  }
0xa3: {  	[sflag:s23] =	ssyncset.done $0x0  }
0xa4: {  	s25 =	simm.s32 $0x1B8E;
	s24 =	sld [smem:$0x3FFE];
	[sflag:s23] =	ssyncadd.s32 $0xFFFFFFFF  }
0xa5: {  	s26 =	simm.s32 $execute0_lowered;
	[smem:$0x3FD2] =	sst s25  }
0xa6: {  	s4 =	sshll.u32 s26, $0x1;
	_ =	strace $0x8000004C;
	[dreg:$0x1] =	wrdreg $0xFFFFFFFF  }
0xa7: {  	s28 =	simm.s32 $_size_execute0_lowered;
	s2 =	sadd.s32 s2, s4;
	[dreg:$0x0] =	wrdreg $0x0  }
0xa8: {  	s4 =	sshll.u32 s28, $0x1;
	[dreg:$0x2] =	wrdreg s2  }
0xa9: {  	[dreg:$0x3] =	wrdreg s4  }
0xaa: {  	[dreg:$0x4] =	wrdreg $0xC0  }
0xab: {  	_ =	task [dreg:s6], $0x5FFFF  }
0xac: {  	[dreg:$0x1] =	wrdreg $0xFFFFFFFF  }
0xad: {  	[dreg:$0x0] =	wrdreg $0x60  }
0xae: {  	[dreg:$0x2] =	wrdreg s24  }
0xaf: {  	[dreg:$0x3] =	wrdreg $0xB2200  }
0xb0: {  	[dreg:$0x4] =	wrdreg $0x9  }
0xb1: {  	_ =	task.clear_ibuf [dreg:s6], $0x5FFFF;
	_ =	strace $0x9000004C  }
0xb2: {  	s29 =	simm.s32 $0x9;
	_ =	strace $0x8000004E  }
0xb3: {  	_ =	swait.ge [sflag:s29], $0x1  }
0xb4: {  	[sflag:s29] =	ssyncadd.s32 $0xFFFFFFFF  }
0xb5: {  	_ =	strace $0x9000004E  }
0xb6: {  	_ =	sfence  }
0xb7: {  	s30 =	sld [smem:$0x0];
	_ =	sdelay $0x2  }
0xb8: {  	s31 =	sshll.u32 s1, $0xD;
	s1 =	sshrl.u32 s1, $0x2  }
0xb9: {  	s3 =	sand.u32 $0x4000, s31;
	s1 =	sadd.s32 s1, s30  }
0xba: {  	s0 =	sor.u32 s3, s0;
	s1 =	sshll.u32 s1, $0x11  }
0xbb: {  	s0 =	sor.u32 s1, s0  }
0xbc: {  	s0 =	sadd.s32 $0x8F2B, s0  }
0xbd: {  	[sflag:s0] =	ssyncadd.remote.s32 $0x1  }
0xbe: {  	_ =	sfence.sel $0xFFFF  }
0xbf: {  	[dreg:$0x0] =	wrdreg $0xFFFFFFFF;
	(pc) =	sbr.abs _section_cstart, $3  }
0xc0: {  	[dreg:$0x1] =	wrdreg $0xFFFFFFFF  }
0xc1: {  	_ =	task.clear_ibuf [dreg:s6], $0x2FFFF;
	_ =	strace $0x9FFFFFFF  }
0xc2: {  	(tm) =	ssettm $0x7FFFFFFF  }
0xc3: {  	_ =	shalt  }
tec
execute0_lowered:
.L_overlay_start_1:
0x0: {  	(tag) =	ssettag $0x1  }
0x1: {  	s0 =	rddreg [dreg:$0x0]  }
0x2: {  	s2 =	rddreg [dreg:$0x1]  }
0x3: {  	s1 =	srdreg.scid;
	s11 =	stileid.u32  }
0x4: {  	s3 =	simm.s32 $0x0;
	s14 =	simm.s32 $0x6;
	s16 =	simm.s32 $0x28  }
0x5: {  	s17 =	simm.s32 $0x4E20;
	s18 =	simm.s32 $0x6220;
	s19 =	simm.s32 $0x50  }
0x6: {  	s20 =	simm.s32 $0x7620;
	s21 =	simm.s32 $0x78;
	s28 =	simm.s32 $0x3  }
0x7: {  	s29 =	simm.s32 $0x4;
	s30 =	simm.s32 $0x5;
	s31 =	simm.s32 $0x4D58  }
0x8: {  	s1 =	sand.u32 $0x1, s1;
	s5 =	smul.u32 $0x14000, s11;
	[smem:$0x7FF] =	sst s3  }
0x9: {  	s4 =	sadd.s32 $0x5000, s0;
	s7 =	sadd.s32 $0xA3200, s0;
	s10 =	smul.u32 $0x4E20, s11  }
0xa: {  	s8 =	sadd.s32 $0xB6C00, s0;
	s12 =	sadd.s32 $0x2800, s0;
	s6 =	smul.u32 $0x140000, s1  }
0xb: {  	s23 =	sshll.u32 s11, $0x6;
	s9 =	smul.u32 $0x4E200, s1;
	s1 =	ssub.s32 $0x2, s1  }
0xc: {  	_ =	strace $0x8000004D;
	[dreg:$0x3] =	wrdreg s12;
	s22 =	sshrl.u32 s1, $0x1  }
0xd: {  	s6 =	sadd.s32 s5, s6;
	s1 =	ssub.s32 s1, s22;
	s9 =	sadd.s32 s10, s9  }
0xe: {  	s5 =	sadd.s32 s5, s2;
	s22 =	simm.s32 $0x8A20;
	s6 =	sshrl.u32 s6, $0x3  }
0xf: {  	s9 =	sshrl.u32 s9, $0x3;
	s12 =	smax.u32 s1, $0x1;
	s13 =	sshrl.u32 s5, $0x3  }
0x10: {  	s1 =	simm.s32 $0x4DA8;
	s5 =	simm.s32 $0x4DD0;
	s0 =	sadd.s32 s6, s0  }
0x11: {  	s6 =	sor.u32 $0x1C06, s23;
	s24 =	sadd.s32 s7, s9;
	s25 =	sadd.s32 s8, s9  }
0x12: {  	s9 =	sadd.s32 $0x4E2, s9;
	s23 =	simm.s32 $0xA0;
	[dreg:$0x4] =	wrdreg s24  }
0x13: {  	[dreg:$0x5] =	wrdreg s25;
	s7 =	sadd.s32 s7, s9;
	s26 =	sadd.s32 s8, s9  }
0x14: {  	s11 =	sadd.s32 $0xCA600, s0;
	s24 =	simm.s32 $0x9E20;
	s25 =	simm.s32 $0x1  }
0x15: {  	s0 =	simm.s32 $0x4D80;
	s8 =	simm.s32 $0x0;
	[dreg:$0x6] =	wrdreg s7  }
0x16: {  	[dreg:$0x7] =	wrdreg s26;
	s26 =	simm.s32 $0x2;
	s7 =	simm.s32 $0x4DF8  }
.LBB2_1:
0x17: {  	s9 =	rddreg [dreg:$0x3]  }
0x18: {  	[spmem:s13], [sflag:s6] =	dma.local [hbm:s9], $0x2800  }
0x19: {  	_ =	swait.ge [sflag:s14], $0x2800  }
0x1a: {  	[sflag:s14] =	ssyncset.done $0x0  }
0x1b: {  	[sflag:s14] =	ssyncadd.s32 $0xFFFFD800  }
0x1c: {  	[bflag:$0x0] =	sbarrier.arrive $0xFFFF  }
0x1d: {  	s10 =	rddreg [dreg:$0x4]  }
0x1e: {  	[tilespmem:s3], [sflag:$0x6] =	stream.linear.gather [hbm4b:s10+s3], $0x2710, $0x38;
	[tilespmem:$0x1F220] =	vst v63  }
0x1f: {  	_ =	swait.ge [sflag:s14], $0x2710  }
0x20: {  	[sflag:s14] =	ssyncset.done $0x0  }
0x21: {  	s10 =	simm.s32 $0x2710;
	s15 =	rddreg [dreg:$0x5];
	[sflag:s14] =	ssyncadd.s32 $0xFFFFD8F0  }
0x22: {  	[tilespmem:s10], [sflag:$0x6] =	stream.linear.gather [hbm4b:s15+s3], $0x2710, $0x38;
	[tilespmem:$0x1F220] =	vst v63  }
0x23: {  	_ =	swait.ge [sflag:s14], $0x2710  }
0x24: {  	[sflag:s14] =	ssyncset.done $0x0  }
0x25: {  	[sflag:s14] =	ssyncadd.s32 $0xFFFFD8F0  }
0x26: {  	[tilespmem:s17], [sflag:$0x1] =	stream.indirect.gather [hbm4b:s4+s16], $0x80, s3, s16, $0xb8;
	[tilespmem:$0x1F220] =	vst v63  }
0x27: {  	_ = 	snop  }
0x28: {  	[tilespmem:s18], [sflag:$0x2] =	stream.indirect.gather [hbm4b:s4+s16], $0x80, s16, s16, $0xb8;
	[tilespmem:$0x1F220] =	vst v63  }
0x29: {  	_ = 	snop  }
0x2a: {  	[tilespmem:s20], [sflag:$0x3] =	stream.indirect.gather [hbm4b:s4+s16], $0x80, s19, s16, $0xb8;
	[tilespmem:$0x1F220] =	vst v63  }
0x2b: {  	_ = 	snop  }
0x2c: {  	[tilespmem:s22], [sflag:$0x4] =	stream.indirect.gather [hbm4b:s4+s16], $0x80, s21, s16, $0xb8;
	[tilespmem:$0x1F220] =	vst v63  }
0x2d: {  	_ = 	snop  }
0x2e: {  	[tilespmem:s24], [sflag:$0x5] =	stream.indirect.gather [hbm4b:s4+s16], $0x80, s23, s16, $0xb8;
	[tilespmem:$0x1F220] =	vst v63  }
0x2f: {  	_ =	swait.ge [sflag:s25], $0x1400  }
0x30: {  	[sflag:s25] =	ssyncset.done $0x0  }
0x31: {  	s15 =	simm.s32 $0x2710;
	[sflag:s25] =	ssyncadd.s32 $0xFFFFEC00  }
0x32: {  	[spmem:s2] =	stream.indirect.scatter.add.f32 [tilespmem:s17], [sflag:$0x6], $0x80, s15, s16, $0xb8;
	[tilespmem:$0x1F220] =	vst v63  }
0x33: {  	_ =	swait.ge [sflag:s14], $0x1400  }
0x34: {  	[sflag:s14] =	ssyncset.done $0x0  }
0x35: {  	s10 =	simm.s32 $0xC8;
	[sflag:s14] =	ssyncadd.s32 $0xFFFFEC00  }
0x36: {  	[tilespmem:s17], [sflag:$0x1] =	stream.indirect.gather [hbm4b:s4+s16], $0x80, s10, s16, $0xb8;
	[tilespmem:$0x1F220] =	vst v63  }
0x37: {  	_ =	swait.ge [sflag:s26], $0x1400  }
0x38: {  	[sflag:s26] =	ssyncset.done $0x0  }
0x39: {  	s15 =	simm.s32 $0x2738;
	[sflag:s26] =	ssyncadd.s32 $0xFFFFEC00  }
0x3a: {  	[spmem:s2] =	stream.indirect.scatter.add.f32 [tilespmem:s18], [sflag:$0x6], $0x80, s15, s16, $0xb8;
	[tilespmem:$0x1F220] =	vst v63  }
0x3b: {  	_ =	swait.ge [sflag:s14], $0x1400  }
0x3c: {  	[sflag:s14] =	ssyncset.done $0x0  }
0x3d: {  	s10 =	simm.s32 $0xF0;
	[sflag:s14] =	ssyncadd.s32 $0xFFFFEC00  }
0x3e: {  	[tilespmem:s18], [sflag:$0x2] =	stream.indirect.gather [hbm4b:s4+s16], $0x80, s10, s16, $0xb8;
	[tilespmem:$0x1F220] =	vst v63  }
0x3f: {  	_ =	swait.ge [sflag:s28], $0x1400  }
0x40: {  	[sflag:s28] =	ssyncset.done $0x0  }
0x41: {  	s15 =	simm.s32 $0x2760;
	[sflag:s28] =	ssyncadd.s32 $0xFFFFEC00  }
0x42: {  	[spmem:s2] =	stream.indirect.scatter.add.f32 [tilespmem:s20], [sflag:$0x6], $0x80, s15, s16, $0xb8;
	[tilespmem:$0x1F220] =	vst v63  }
0x43: {  	_ =	swait.ge [sflag:s14], $0x1400  }
0x44: {  	[sflag:s14] =	ssyncset.done $0x0  }
0x45: {  	s10 =	simm.s32 $0x118;
	[sflag:s14] =	ssyncadd.s32 $0xFFFFEC00  }
0x46: {  	[tilespmem:s20], [sflag:$0x3] =	stream.indirect.gather [hbm4b:s4+s16], $0x80, s10, s16, $0xb8;
	[tilespmem:$0x1F220] =	vst v63  }
0x47: {  	_ =	swait.ge [sflag:s29], $0x1400  }
0x48: {  	[sflag:s29] =	ssyncset.done $0x0  }
0x49: {  	s15 =	simm.s32 $0x2788;
	[sflag:s29] =	ssyncadd.s32 $0xFFFFEC00  }
0x4a: {  	[spmem:s2] =	stream.indirect.scatter.add.f32 [tilespmem:s22], [sflag:$0x6], $0x80, s15, s16, $0xb8;
	[tilespmem:$0x1F220] =	vst v63  }
0x4b: {  	_ =	swait.ge [sflag:s14], $0x1400  }
0x4c: {  	[sflag:s14] =	ssyncset.done $0x0  }
0x4d: {  	s10 =	simm.s32 $0x140;
	[sflag:s14] =	ssyncadd.s32 $0xFFFFEC00  }
0x4e: {  	[tilespmem:s22], [sflag:$0x4] =	stream.indirect.gather [hbm4b:s4+s16], $0x80, s10, s16, $0xb8;
	[tilespmem:$0x1F220] =	vst v63  }
0x4f: {  	_ =	swait.ge [sflag:s30], $0x1400  }
0x50: {  	[sflag:s30] =	ssyncset.done $0x0  }
0x51: {  	s15 =	simm.s32 $0x27B0;
	[sflag:s30] =	ssyncadd.s32 $0xFFFFEC00  }
0x52: {  	[spmem:s2] =	stream.indirect.scatter.add.f32 [tilespmem:s24], [sflag:$0x6], $0x80, s15, s16, $0xb8;
	[tilespmem:$0x1F220] =	vst v63  }
0x53: {  	_ =	swait.ge [sflag:s14], $0x1400  }
0x54: {  	[sflag:s14] =	ssyncset.done $0x0  }
0x55: {  	s9 =	simm.s32 $0x168;
	s15 =	simm.s32 $0x320;
	[sflag:s14] =	ssyncadd.s32 $0xFFFFEC00  }
.LBB2_2:
0x56: {  	[tilespmem:s24], [sflag:$0x5] =	stream.indirect.gather [hbm4b:s4+s16], $0x80, s9, s16, $0xb8;
	[tilespmem:$0x1F220] =	vst v63  }
0x57: {  	s9 =	smov.u32 s15  }
0x58: {  	p0 =	sne.s32 s15, $0x9600;
	s15 =	sadd.s32 $0x320, s15;
	_ =	swait.ge [sflag:s25], $0x1400  }
0x59: {  	s9 =	sshra.s32 s9, $0x2;
	[sflag:s25] =	ssyncset.done $0x0  }
0x5a: {  	s10 =	sadd.s32 $0x2710, s9;
	[sflag:s25] =	ssyncadd.s32 $0xFFFFEC00  }
0x5b: {  	[spmem:s2] =	stream.indirect.scatter.add.f32 [tilespmem:s17], [sflag:$0x6], $0x80, s10, s16, $0xb8;
	[tilespmem:$0x1F220] =	vst v63  }
0x5c: {  	_ =	swait.ge [sflag:s14], $0x1400  }
0x5d: {  	[sflag:s14] =	ssyncset.done $0x0  }
0x5e: {  	s10 =	sadd.s32 $0xC8, s9;
	[sflag:s14] =	ssyncadd.s32 $0xFFFFEC00  }
0x5f: {  	[tilespmem:s17], [sflag:$0x1] =	stream.indirect.gather [hbm4b:s4+s16], $0x80, s10, s16, $0xb8;
	[tilespmem:$0x1F220] =	vst v63  }
0x60: {  	_ =	swait.ge [sflag:s26], $0x1400  }
0x61: {  	[sflag:s26] =	ssyncset.done $0x0  }
0x62: {  	s10 =	sadd.s32 $0x2738, s9;
	[sflag:s26] =	ssyncadd.s32 $0xFFFFEC00  }
0x63: {  	[spmem:s2] =	stream.indirect.scatter.add.f32 [tilespmem:s18], [sflag:$0x6], $0x80, s10, s16, $0xb8;
	[tilespmem:$0x1F220] =	vst v63  }
0x64: {  	_ =	swait.ge [sflag:s14], $0x1400  }
0x65: {  	[sflag:s14] =	ssyncset.done $0x0  }
0x66: {  	s10 =	sadd.s32 $0xF0, s9;
	[sflag:s14] =	ssyncadd.s32 $0xFFFFEC00  }
0x67: {  	[tilespmem:s18], [sflag:$0x2] =	stream.indirect.gather [hbm4b:s4+s16], $0x80, s10, s16, $0xb8;
	[tilespmem:$0x1F220] =	vst v63  }
0x68: {  	_ =	swait.ge [sflag:s28], $0x1400  }
0x69: {  	[sflag:s28] =	ssyncset.done $0x0  }
0x6a: {  	s10 =	sadd.s32 $0x2760, s9;
	[sflag:s28] =	ssyncadd.s32 $0xFFFFEC00  }
0x6b: {  	[spmem:s2] =	stream.indirect.scatter.add.f32 [tilespmem:s20], [sflag:$0x6], $0x80, s10, s16, $0xb8;
	[tilespmem:$0x1F220] =	vst v63  }
0x6c: {  	_ =	swait.ge [sflag:s14], $0x1400  }
0x6d: {  	[sflag:s14] =	ssyncset.done $0x0  }
0x6e: {  	s10 =	sadd.s32 $0x118, s9;
	[sflag:s14] =	ssyncadd.s32 $0xFFFFEC00  }
0x6f: {  	[tilespmem:s20], [sflag:$0x3] =	stream.indirect.gather [hbm4b:s4+s16], $0x80, s10, s16, $0xb8;
	[tilespmem:$0x1F220] =	vst v63  }
0x70: {  	_ =	swait.ge [sflag:s29], $0x1400  }
0x71: {  	[sflag:s29] =	ssyncset.done $0x0  }
0x72: {  	s10 =	sadd.s32 $0x2788, s9;
	[sflag:s29] =	ssyncadd.s32 $0xFFFFEC00  }
0x73: {  	[spmem:s2] =	stream.indirect.scatter.add.f32 [tilespmem:s22], [sflag:$0x6], $0x80, s10, s16, $0xb8;
	[tilespmem:$0x1F220] =	vst v63  }
0x74: {  	_ =	swait.ge [sflag:s14], $0x1400  }
0x75: {  	[sflag:s14] =	ssyncset.done $0x0  }
0x76: {  	s10 =	sadd.s32 $0x140, s9;
	[sflag:s14] =	ssyncadd.s32 $0xFFFFEC00  }
0x77: {  	[tilespmem:s22], [sflag:$0x4] =	stream.indirect.gather [hbm4b:s4+s16], $0x80, s10, s16, $0xb8;
	[tilespmem:$0x1F220] =	vst v63  }
0x78: {  	_ =	swait.ge [sflag:s30], $0x1400  }
0x79: {  	[sflag:s30] =	ssyncset.done $0x0  }
.Ltmp0:
0x7a: {  	s10 =	sadd.s32 $0x27B0, s9;
	[sflag:s30] =	ssyncadd.s32 $0xFFFFEC00;
	(pc) =	sbr.rel @p0 .LBB2_2-.Ltmp0, $4  }
0x7b: {  	[spmem:s2] =	stream.indirect.scatter.add.f32 [tilespmem:s24], [sflag:$0x6], $0x80, s10, s16, $0xb8;
	[tilespmem:$0x1F220] =	vst v63  }
0x7c: {  	_ =	swait.ge [sflag:s14], $0x1400  }
0x7d: {  	[sflag:s14] =	ssyncset.done $0x0  }
0x7e: {  	s9 =	sadd.s32 $0x168, s9;
	[sflag:s14] =	ssyncadd.s32 $0xFFFFEC00  }
0x7f: {  	[tilespmem:s24], [sflag:$0x5] =	stream.indirect.gather [hbm4b:s4+s16], $0x80, s9, s16, $0xb8;
	[tilespmem:$0x1F220] =	vst v63  }
0x80: {  	_ =	swait.ge [sflag:s25], $0x1400  }
0x81: {  	[sflag:s25] =	ssyncset.done $0x0  }
0x82: {  	[sflag:s25] =	ssyncadd.s32 $0xFFFFEC00  }
0x83: {  	[spmem:s2] =	stream.indirect.scatter.add.f32 [tilespmem:s17], [sflag:$0x6], $0x80, s31, s16, $0xb8;
	[tilespmem:$0x1F220] =	vst v63  }
0x84: {  	_ =	swait.ge [sflag:s14], $0x1400  }
0x85: {  	[sflag:s14] =	ssyncset.done $0x0  }
0x86: {  	[sflag:s14] =	ssyncadd.s32 $0xFFFFEC00  }
0x87: {  	_ =	swait.ge [sflag:s26], $0x1400  }
0x88: {  	[sflag:s26] =	ssyncset.done $0x0  }
0x89: {  	[sflag:s26] =	ssyncadd.s32 $0xFFFFEC00  }
0x8a: {  	[spmem:s2] =	stream.indirect.scatter.add.f32 [tilespmem:s18], [sflag:$0x6], $0x80, s0, s16, $0xb8;
	[tilespmem:$0x1F220] =	vst v63  }
0x8b: {  	_ =	swait.ge [sflag:s14], $0x1400  }
0x8c: {  	[sflag:s14] =	ssyncset.done $0x0  }
0x8d: {  	[sflag:s14] =	ssyncadd.s32 $0xFFFFEC00  }
0x8e: {  	_ =	swait.ge [sflag:s28], $0x1400  }
0x8f: {  	[sflag:s28] =	ssyncset.done $0x0  }
0x90: {  	[sflag:s28] =	ssyncadd.s32 $0xFFFFEC00  }
0x91: {  	[spmem:s2] =	stream.indirect.scatter.add.f32 [tilespmem:s20], [sflag:$0x6], $0x80, s1, s16, $0xb8;
	[tilespmem:$0x1F220] =	vst v63  }
0x92: {  	_ =	swait.ge [sflag:s14], $0x1400  }
0x93: {  	[sflag:s14] =	ssyncset.done $0x0  }
0x94: {  	[sflag:s14] =	ssyncadd.s32 $0xFFFFEC00  }
0x95: {  	_ =	swait.ge [sflag:s29], $0x1400  }
0x96: {  	[sflag:s29] =	ssyncset.done $0x0  }
0x97: {  	[sflag:s29] =	ssyncadd.s32 $0xFFFFEC00  }
0x98: {  	[spmem:s2] =	stream.indirect.scatter.add.f32 [tilespmem:s22], [sflag:$0x6], $0x80, s5, s16, $0xb8;
	[tilespmem:$0x1F220] =	vst v63  }
0x99: {  	_ =	swait.ge [sflag:s14], $0x1400  }
0x9a: {  	[sflag:s14] =	ssyncset.done $0x0  }
0x9b: {  	[sflag:s14] =	ssyncadd.s32 $0xFFFFEC00  }
0x9c: {  	_ =	swait.ge [sflag:s30], $0x1400  }
0x9d: {  	[sflag:s30] =	ssyncset.done $0x0  }
0x9e: {  	[sflag:s30] =	ssyncadd.s32 $0xFFFFEC00  }
0x9f: {  	[spmem:s2] =	stream.indirect.scatter.add.f32 [tilespmem:s24], [sflag:$0x6], $0x80, s7, s16, $0xb8;
	[tilespmem:$0x1F220] =	vst v63  }
0xa0: {  	_ =	swait.ge [sflag:s14], $0x1400  }
0xa1: {  	[sflag:s14] =	ssyncset.done $0x0  }
0xa2: {  	s9 =	simm.s32 $0x0;
	s10 =	rddreg [dreg:$0x6];
	[sflag:s14] =	ssyncadd.s32 $0xFFFFEC00  }
0xa3: {  	[tilespmem:s9], [sflag:$0x6] =	stream.linear.gather [hbm4b:s10+s9], $0x2710, $0x38;
	[tilespmem:$0x1F220] =	vst v63  }
0xa4: {  	_ =	swait.ge [sflag:s14], $0x2710  }
0xa5: {  	[sflag:s14] =	ssyncset.done $0x0  }
0xa6: {  	s15 =	simm.s32 $0x2710;
	s10 =	rddreg [dreg:$0x7];
	[sflag:s14] =	ssyncadd.s32 $0xFFFFD8F0  }
0xa7: {  	[tilespmem:s15], [sflag:$0x6] =	stream.linear.gather [hbm4b:s10+s9], $0x2710, $0x38;
	[tilespmem:$0x1F220] =	vst v63  }
0xa8: {  	_ =	swait.ge [sflag:s14], $0x2710  }
0xa9: {  	[sflag:s14] =	ssyncset.done $0x0  }
0xaa: {  	[sflag:s14] =	ssyncadd.s32 $0xFFFFD8F0  }
0xab: {  	[tilespmem:s17], [sflag:$0x1] =	stream.indirect.gather [hbm4b:s4+s16], $0x80, s9, s16, $0xb8;
	[tilespmem:$0x1F220] =	vst v63  }
0xac: {  	_ = 	snop  }
0xad: {  	[tilespmem:s18], [sflag:$0x2] =	stream.indirect.gather [hbm4b:s4+s16], $0x80, s16, s16, $0xb8;
	[tilespmem:$0x1F220] =	vst v63  }
0xae: {  	_ = 	snop  }
0xaf: {  	[tilespmem:s20], [sflag:$0x3] =	stream.indirect.gather [hbm4b:s4+s16], $0x80, s19, s16, $0xb8;
	[tilespmem:$0x1F220] =	vst v63  }
0xb0: {  	_ = 	snop  }
0xb1: {  	[tilespmem:s22], [sflag:$0x4] =	stream.indirect.gather [hbm4b:s4+s16], $0x80, s21, s16, $0xb8;
	[tilespmem:$0x1F220] =	vst v63  }
0xb2: {  	_ = 	snop  }
0xb3: {  	[tilespmem:s24], [sflag:$0x5] =	stream.indirect.gather [hbm4b:s4+s16], $0x80, s23, s16, $0xb8;
	[tilespmem:$0x1F220] =	vst v63  }
0xb4: {  	_ =	swait.ge [sflag:s25], $0x1400  }
0xb5: {  	[sflag:s25] =	ssyncset.done $0x0  }
0xb6: {  	s15 =	simm.s32 $0x2710;
	[sflag:s25] =	ssyncadd.s32 $0xFFFFEC00  }
0xb7: {  	[spmem:s2] =	stream.indirect.scatter.add.f32 [tilespmem:s17], [sflag:$0x6], $0x80, s15, s16, $0xb8;
	[tilespmem:$0x1F220] =	vst v63  }
0xb8: {  	_ =	swait.ge [sflag:s14], $0x1400  }
0xb9: {  	[sflag:s14] =	ssyncset.done $0x0  }
0xba: {  	s10 =	simm.s32 $0xC8;
	[sflag:s14] =	ssyncadd.s32 $0xFFFFEC00  }
0xbb: {  	[tilespmem:s17], [sflag:$0x1] =	stream.indirect.gather [hbm4b:s4+s16], $0x80, s10, s16, $0xb8;
	[tilespmem:$0x1F220] =	vst v63  }
0xbc: {  	_ =	swait.ge [sflag:s26], $0x1400  }
0xbd: {  	[sflag:s26] =	ssyncset.done $0x0  }
0xbe: {  	s15 =	simm.s32 $0x2738;
	[sflag:s26] =	ssyncadd.s32 $0xFFFFEC00  }
0xbf: {  	[spmem:s2] =	stream.indirect.scatter.add.f32 [tilespmem:s18], [sflag:$0x6], $0x80, s15, s16, $0xb8;
	[tilespmem:$0x1F220] =	vst v63  }
0xc0: {  	_ =	swait.ge [sflag:s14], $0x1400  }
0xc1: {  	[sflag:s14] =	ssyncset.done $0x0  }
0xc2: {  	s10 =	simm.s32 $0xF0;
	[sflag:s14] =	ssyncadd.s32 $0xFFFFEC00  }
0xc3: {  	[tilespmem:s18], [sflag:$0x2] =	stream.indirect.gather [hbm4b:s4+s16], $0x80, s10, s16, $0xb8;
	[tilespmem:$0x1F220] =	vst v63  }
0xc4: {  	_ =	swait.ge [sflag:s28], $0x1400  }
0xc5: {  	[sflag:s28] =	ssyncset.done $0x0  }
0xc6: {  	s15 =	simm.s32 $0x2760;
	[sflag:s28] =	ssyncadd.s32 $0xFFFFEC00  }
0xc7: {  	[spmem:s2] =	stream.indirect.scatter.add.f32 [tilespmem:s20], [sflag:$0x6], $0x80, s15, s16, $0xb8;
	[tilespmem:$0x1F220] =	vst v63  }
0xc8: {  	_ =	swait.ge [sflag:s14], $0x1400  }
0xc9: {  	[sflag:s14] =	ssyncset.done $0x0  }
0xca: {  	s10 =	simm.s32 $0x118;
	[sflag:s14] =	ssyncadd.s32 $0xFFFFEC00  }
0xcb: {  	[tilespmem:s20], [sflag:$0x3] =	stream.indirect.gather [hbm4b:s4+s16], $0x80, s10, s16, $0xb8;
	[tilespmem:$0x1F220] =	vst v63  }
0xcc: {  	_ =	swait.ge [sflag:s29], $0x1400  }
0xcd: {  	[sflag:s29] =	ssyncset.done $0x0  }
0xce: {  	s15 =	simm.s32 $0x2788;
	[sflag:s29] =	ssyncadd.s32 $0xFFFFEC00  }
0xcf: {  	[spmem:s2] =	stream.indirect.scatter.add.f32 [tilespmem:s22], [sflag:$0x6], $0x80, s15, s16, $0xb8;
	[tilespmem:$0x1F220] =	vst v63  }
0xd0: {  	_ =	swait.ge [sflag:s14], $0x1400  }
0xd1: {  	[sflag:s14] =	ssyncset.done $0x0  }
0xd2: {  	s10 =	simm.s32 $0x140;
	[sflag:s14] =	ssyncadd.s32 $0xFFFFEC00  }
0xd3: {  	[tilespmem:s22], [sflag:$0x4] =	stream.indirect.gather [hbm4b:s4+s16], $0x80, s10, s16, $0xb8;
	[tilespmem:$0x1F220] =	vst v63  }
0xd4: {  	_ =	swait.ge [sflag:s30], $0x1400  }
0xd5: {  	[sflag:s30] =	ssyncset.done $0x0  }
0xd6: {  	s15 =	simm.s32 $0x27B0;
	[sflag:s30] =	ssyncadd.s32 $0xFFFFEC00  }
0xd7: {  	[spmem:s2] =	stream.indirect.scatter.add.f32 [tilespmem:s24], [sflag:$0x6], $0x80, s15, s16, $0xb8;
	[tilespmem:$0x1F220] =	vst v63  }
0xd8: {  	_ =	swait.ge [sflag:s14], $0x1400  }
0xd9: {  	[sflag:s14] =	ssyncset.done $0x0  }
0xda: {  	s9 =	simm.s32 $0x168;
	s15 =	simm.s32 $0x320;
	[sflag:s14] =	ssyncadd.s32 $0xFFFFEC00  }
.LBB2_4:
0xdb: {  	[tilespmem:s24], [sflag:$0x5] =	stream.indirect.gather [hbm4b:s4+s16], $0x80, s9, s16, $0xb8;
	[tilespmem:$0x1F220] =	vst v63  }
0xdc: {  	s9 =	smov.u32 s15  }
0xdd: {  	p0 =	sne.s32 s15, $0x9600;
	s15 =	sadd.s32 $0x320, s15;
	_ =	swait.ge [sflag:s25], $0x1400  }
0xde: {  	s9 =	sshra.s32 s9, $0x2;
	[sflag:s25] =	ssyncset.done $0x0  }
0xdf: {  	s10 =	sadd.s32 $0x2710, s9;
	[sflag:s25] =	ssyncadd.s32 $0xFFFFEC00  }
0xe0: {  	[spmem:s2] =	stream.indirect.scatter.add.f32 [tilespmem:s17], [sflag:$0x6], $0x80, s10, s16, $0xb8;
	[tilespmem:$0x1F220] =	vst v63  }
0xe1: {  	_ =	swait.ge [sflag:s14], $0x1400  }
0xe2: {  	[sflag:s14] =	ssyncset.done $0x0  }
0xe3: {  	s10 =	sadd.s32 $0xC8, s9;
	[sflag:s14] =	ssyncadd.s32 $0xFFFFEC00  }
0xe4: {  	[tilespmem:s17], [sflag:$0x1] =	stream.indirect.gather [hbm4b:s4+s16], $0x80, s10, s16, $0xb8;
	[tilespmem:$0x1F220] =	vst v63  }
0xe5: {  	_ =	swait.ge [sflag:s26], $0x1400  }
0xe6: {  	[sflag:s26] =	ssyncset.done $0x0  }
0xe7: {  	s10 =	sadd.s32 $0x2738, s9;
	[sflag:s26] =	ssyncadd.s32 $0xFFFFEC00  }
0xe8: {  	[spmem:s2] =	stream.indirect.scatter.add.f32 [tilespmem:s18], [sflag:$0x6], $0x80, s10, s16, $0xb8;
	[tilespmem:$0x1F220] =	vst v63  }
0xe9: {  	_ =	swait.ge [sflag:s14], $0x1400  }
0xea: {  	[sflag:s14] =	ssyncset.done $0x0  }
0xeb: {  	s10 =	sadd.s32 $0xF0, s9;
	[sflag:s14] =	ssyncadd.s32 $0xFFFFEC00  }
0xec: {  	[tilespmem:s18], [sflag:$0x2] =	stream.indirect.gather [hbm4b:s4+s16], $0x80, s10, s16, $0xb8;
	[tilespmem:$0x1F220] =	vst v63  }
0xed: {  	_ =	swait.ge [sflag:s28], $0x1400  }
0xee: {  	[sflag:s28] =	ssyncset.done $0x0  }
0xef: {  	s10 =	sadd.s32 $0x2760, s9;
	[sflag:s28] =	ssyncadd.s32 $0xFFFFEC00  }
0xf0: {  	[spmem:s2] =	stream.indirect.scatter.add.f32 [tilespmem:s20], [sflag:$0x6], $0x80, s10, s16, $0xb8;
	[tilespmem:$0x1F220] =	vst v63  }
0xf1: {  	_ =	swait.ge [sflag:s14], $0x1400  }
0xf2: {  	[sflag:s14] =	ssyncset.done $0x0  }
0xf3: {  	s10 =	sadd.s32 $0x118, s9;
	[sflag:s14] =	ssyncadd.s32 $0xFFFFEC00  }
0xf4: {  	[tilespmem:s20], [sflag:$0x3] =	stream.indirect.gather [hbm4b:s4+s16], $0x80, s10, s16, $0xb8;
	[tilespmem:$0x1F220] =	vst v63  }
0xf5: {  	_ =	swait.ge [sflag:s29], $0x1400  }
0xf6: {  	[sflag:s29] =	ssyncset.done $0x0  }
0xf7: {  	s10 =	sadd.s32 $0x2788, s9;
	[sflag:s29] =	ssyncadd.s32 $0xFFFFEC00  }
0xf8: {  	[spmem:s2] =	stream.indirect.scatter.add.f32 [tilespmem:s22], [sflag:$0x6], $0x80, s10, s16, $0xb8;
	[tilespmem:$0x1F220] =	vst v63  }
0xf9: {  	_ =	swait.ge [sflag:s14], $0x1400  }
0xfa: {  	[sflag:s14] =	ssyncset.done $0x0  }
0xfb: {  	s10 =	sadd.s32 $0x140, s9;
	[sflag:s14] =	ssyncadd.s32 $0xFFFFEC00  }
0xfc: {  	[tilespmem:s22], [sflag:$0x4] =	stream.indirect.gather [hbm4b:s4+s16], $0x80, s10, s16, $0xb8;
	[tilespmem:$0x1F220] =	vst v63  }
0xfd: {  	_ =	swait.ge [sflag:s30], $0x1400  }
0xfe: {  	[sflag:s30] =	ssyncset.done $0x0  }
.Ltmp1:
0xff: {  	s10 =	sadd.s32 $0x27B0, s9;
	[sflag:s30] =	ssyncadd.s32 $0xFFFFEC00;
	(pc) =	sbr.rel @p0 .LBB2_4-.Ltmp1, $4  }
0x100: {  	[spmem:s2] =	stream.indirect.scatter.add.f32 [tilespmem:s24], [sflag:$0x6], $0x80, s10, s16, $0xb8;
	[tilespmem:$0x1F220] =	vst v63  }
0x101: {  	_ =	swait.ge [sflag:s14], $0x1400  }
0x102: {  	[sflag:s14] =	ssyncset.done $0x0  }
0x103: {  	s9 =	sadd.s32 $0x168, s9;
	[sflag:s14] =	ssyncadd.s32 $0xFFFFEC00  }
0x104: {  	[tilespmem:s24], [sflag:$0x5] =	stream.indirect.gather [hbm4b:s4+s16], $0x80, s9, s16, $0xb8;
	[tilespmem:$0x1F220] =	vst v63  }
0x105: {  	_ =	swait.ge [sflag:s25], $0x1400  }
0x106: {  	[sflag:s25] =	ssyncset.done $0x0  }
0x107: {  	[sflag:s25] =	ssyncadd.s32 $0xFFFFEC00  }
0x108: {  	[spmem:s2] =	stream.indirect.scatter.add.f32 [tilespmem:s17], [sflag:$0x6], $0x80, s31, s16, $0xb8;
	[tilespmem:$0x1F220] =	vst v63  }
0x109: {  	_ =	swait.ge [sflag:s14], $0x1400  }
0x10a: {  	[sflag:s14] =	ssyncset.done $0x0  }
0x10b: {  	[sflag:s14] =	ssyncadd.s32 $0xFFFFEC00  }
0x10c: {  	_ =	swait.ge [sflag:s26], $0x1400  }
0x10d: {  	[sflag:s26] =	ssyncset.done $0x0  }
0x10e: {  	[sflag:s26] =	ssyncadd.s32 $0xFFFFEC00  }
0x10f: {  	[spmem:s2] =	stream.indirect.scatter.add.f32 [tilespmem:s18], [sflag:$0x6], $0x80, s0, s16, $0xb8;
	[tilespmem:$0x1F220] =	vst v63  }
0x110: {  	_ =	swait.ge [sflag:s14], $0x1400  }
0x111: {  	[sflag:s14] =	ssyncset.done $0x0  }
0x112: {  	[sflag:s14] =	ssyncadd.s32 $0xFFFFEC00  }
0x113: {  	_ =	swait.ge [sflag:s28], $0x1400  }
0x114: {  	[sflag:s28] =	ssyncset.done $0x0  }
0x115: {  	[sflag:s28] =	ssyncadd.s32 $0xFFFFEC00  }
0x116: {  	[spmem:s2] =	stream.indirect.scatter.add.f32 [tilespmem:s20], [sflag:$0x6], $0x80, s1, s16, $0xb8;
	[tilespmem:$0x1F220] =	vst v63  }
0x117: {  	_ =	swait.ge [sflag:s14], $0x1400  }
0x118: {  	[sflag:s14] =	ssyncset.done $0x0  }
0x119: {  	[sflag:s14] =	ssyncadd.s32 $0xFFFFEC00  }
0x11a: {  	_ =	swait.ge [sflag:s29], $0x1400  }
0x11b: {  	[sflag:s29] =	ssyncset.done $0x0  }
0x11c: {  	[sflag:s29] =	ssyncadd.s32 $0xFFFFEC00  }
0x11d: {  	[spmem:s2] =	stream.indirect.scatter.add.f32 [tilespmem:s22], [sflag:$0x6], $0x80, s5, s16, $0xb8;
	[tilespmem:$0x1F220] =	vst v63  }
0x11e: {  	_ =	swait.ge [sflag:s14], $0x1400  }
0x11f: {  	[sflag:s14] =	ssyncset.done $0x0  }
0x120: {  	[sflag:s14] =	ssyncadd.s32 $0xFFFFEC00  }
0x121: {  	_ =	swait.ge [sflag:s30], $0x1400  }
0x122: {  	[sflag:s30] =	ssyncset.done $0x0  }
0x123: {  	[sflag:s30] =	ssyncadd.s32 $0xFFFFEC00  }
0x124: {  	[spmem:s2] =	stream.indirect.scatter.add.f32 [tilespmem:s24], [sflag:$0x6], $0x80, s7, s16, $0xb8;
	[tilespmem:$0x1F220] =	vst v63  }
0x125: {  	_ =	swait.ge [sflag:s14], $0x1400  }
0x126: {  	s8 =	sadd.s32 $0x1, s8;
	[sflag:s14] =	ssyncset.done $0x0  }
0x127: {  	p0 =	sne.s32 s8, s12;
	[sflag:s14] =	ssyncadd.s32 $0xFFFFEC00  }
.Ltmp2:
0x128: {  	[bflag:$0x0] =	sbarrier.arrive $0xFFFF;
	(pc) =	sbr.rel @p0 .LBB2_1-.Ltmp2, $4  }
0x129: {  	[hbm:s11], [sflag:s6] =	dma.local [spmem:s13], $0x2800  }
0x12a: {  	_ =	swait.ge [sflag:s14], $0x2800  }
0x12b: {  	[sflag:s14] =	ssyncset.done $0x0  }
0x12c: {  	[sflag:s14] =	ssyncadd.s32 $0xFFFFD800  }
0x12d: {  	_ =	sfence.sel $0x180000  }
0x12e: {  	[bflag:$0x0] =	sbarrier.arrive $0xFFFF  }
0x12f: {  	_ =	strace $0x9000004D  }
0x130: {  	s0 =	stileid.u32;
	[bflag:$0x2] =	sbarrier.arrive $0xFFFF  }
0x131: {  	p0 =	sne.s32 s0, $0x0;
	s0 =	rddreg [dreg:$0x2]  }
0x132: {  	s0 =	sadd.s32 @!p0 $0x100000, s0  }
0x133: {  	[sflag:s0] =	ssyncadd.tile.s32 @!p0 $0x1;
	_ =	shalt  }
.Lfunc_end2:
_tile_overlayer_lowered:
.L_overlay_start_2:
0x134: {  	(tag) =	ssettag $0x2  }
0x135: {  	s0 =	rddreg [dreg:$0x0];
	s2 =	stileid.u32  }
0x136: {  	s1 =	rddreg [dreg:$0x1];
	p0 =	sne.s32 s2, $0x0  }
0x137: {  	s3 =	rddreg [dreg:$0x2];
	[bflag:$0x3] =	sbarrier.arrive $0xFFFF;
	s2 =	simm.s32 @!p0 $0x1C06  }
0x138: {  	[timem:s3], [sflag:s2] =	dma.local @!p0 [hbm:s0], s1  }
0x139: {  	s0 =	simm.s32 @!p0 $0x6  }
0x13a: {  	_ =	swait.ge @!p0 [sflag:s0], s1  }
0x13b: {  	s1 =	ssub.s32 @!p0 $0x0, s1;
	[sflag:s0] =	ssyncset.done @!p0 $0x0  }
0x13c: {  	[sflag:s0] =	ssyncadd.s32 @!p0 s1  }
0x13d: {  	[bflag:$0x3] =	sbarrier.arrive $0xFFFF  }
0x13e: {  	_ =	shalt  }

</sc_bundles>
